<compile_context>
chip_gen: v7x
topology: tpu7x:2x2x1
jax: 0.10.2.dev20260603
libtpu: 0.0.44.dev20260713+nightly
codegen_flags: <defaults>
</compile_context>

<pallas_src>
import functools

import jax
import jax.numpy as jnp
from jax import lax
from jax.experimental import pallas as pl
from jax.experimental.pallas import tpu as pltpu
from jax.experimental.pallas import tpu_sc as plsc

N = 10000
E = 320000
D_IN = 128
D_E = 16
D_OUT = 768
HEADS = 4
DH = D_OUT // HEADS

ROW_BLK = 1000
EDGE_BLK = 8000

NTILES = 32
RANGE = 80
NBUCKET = 125
PASSES = 4
NP = N
EB_CHUNK = 2000
SCANC = 2000
SUBC = 16
QCAP = SCANC + SUBC


def _edge_pass(src4, dst4, le_flat, s_src, s_dst):
    mesh = plsc.VectorSubcoreMesh(core_axis_name="c", subcore_axis_name="s")
    epw = E // NTILES
    nchunks = epw // EB_CHUNK
    nvreg = EB_CHUNK * HEADS // 16
    CL = EB_CHUNK * HEADS

    @functools.partial(
        pl.kernel,
        out_type=[jax.ShapeDtypeStruct((E * HEADS,), jnp.float32),
                  jax.ShapeDtypeStruct((NTILES * NP * HEADS,), jnp.float32)],
        mesh=mesh,
        compiler_params=pltpu.CompilerParams(needs_layout_passes=False),
        scratch_types=[
            pltpu.VMEM((CL,), jnp.int32),
            pltpu.VMEM((CL,), jnp.int32),
            pltpu.VMEM((CL,), jnp.float32),
            pltpu.VMEM((CL,), jnp.float32),
            pltpu.VMEM((CL,), jnp.float32),
            pltpu.VMEM((CL,), jnp.float32),
            pltpu.VMEM((NP * HEADS,), jnp.float32),
            pltpu.SemaphoreType.DMA,
            pltpu.SemaphoreType.DMA,
        ],
    )
    def body(src4_h, dst4_h, le_h, ssrc_h, sdst_h, ex_h, denomp_h,
             isb, idb, lev, gsv, gdv, exv, accv, sem1, sem2):
        wid = lax.axis_index("s") * 2 + lax.axis_index("c")
        zero16 = jnp.zeros((16,), jnp.float32)

        def zbody(i, _):
            accv[pl.ds(i * 16, 16)] = zero16
            return 0
        lax.fori_loop(0, NP * HEADS // 16, zbody, 0)

        base0 = wid * epw * HEADS

        def chunk(ci, _):
            cb = base0 + ci * CL
            pltpu.sync_copy(src4_h.at[pl.ds(cb, CL)], isb)
            pltpu.sync_copy(dst4_h.at[pl.ds(cb, CL)], idb)
            pltpu.sync_copy(le_h.at[pl.ds(cb, CL)], lev)
            cp1 = pltpu.async_copy(ssrc_h.at[isb], gsv, sem1)
            cp2 = pltpu.async_copy(sdst_h.at[idb], gdv, sem2)
            cp1.wait()
            cp2.wait()

            def vb(t, _):
                sl = pl.ds(t * 16, 16)
                logit = gsv[sl] + gdv[sl] + lev[sl]
                logit = jnp.maximum(logit, 0.2 * logit)
                ev = jnp.exp(logit)
                exv[sl] = ev
                plsc.addupdate_scatter(accv, [idb[sl]], ev)
                return 0
            lax.fori_loop(0, nvreg, vb, 0)
            pltpu.sync_copy(exv, ex_h.at[pl.ds(cb, CL)])
            return 0
        lax.fori_loop(0, nchunks, chunk, 0)
        pltpu.sync_copy(accv, denomp_h.at[pl.ds(wid * NP * HEADS, NP * HEADS)])

    return body(src4, dst4, le_flat, s_src, s_dst)


def _accum_pass(dst, src, ex_flat, denomp, h, edge_attr):
    mesh = plsc.VectorSubcoreMesh(core_axis_name="c", subcore_axis_name="s")
    nscan = E // SCANC
    nsvreg = SCANC // 16

    @functools.partial(
        pl.kernel,
        out_type=[jax.ShapeDtypeStruct((N * D_OUT,), jnp.float32),
                  jax.ShapeDtypeStruct((N * HEADS * D_E,), jnp.float32)],
        mesh=mesh,
        compiler_params=pltpu.CompilerParams(needs_layout_passes=False),
        scratch_types=[
            pltpu.VMEM((SCANC,), jnp.int32),
            pltpu.VMEM((SCANC,), jnp.int32),
            pltpu.VMEM((SCANC,), jnp.int32),
            pltpu.VMEM((SCANC,), jnp.int32),
            pltpu.VMEM((QCAP,), jnp.int32),
            pltpu.VMEM((QCAP,), jnp.int32),
            pltpu.VMEM((QCAP,), jnp.int32),
            pltpu.VMEM((336,), jnp.float32),
            pltpu.VMEM((NTILES * 320,), jnp.float32),
            pltpu.VMEM((RANGE * D_OUT,), jnp.float32),
            pltpu.VMEM((RANGE * HEADS * D_E,), jnp.float32),
            pltpu.VMEM((SUBC * 4,), jnp.int32),
            pltpu.VMEM((SUBC * 4,), jnp.int32),
            pltpu.VMEM((SUBC * 4,), jnp.float32),
            pltpu.VMEM((SUBC * 4,), jnp.float32),
            pltpu.VMEM((SUBC * 4,), jnp.float32),
            pltpu.VMEM((SUBC, D_OUT), jnp.float32),
            pltpu.VMEM((16,), jnp.float32),
            pltpu.VMEM((SUBC * D_E,), jnp.int32),
            pltpu.VMEM((16,), jnp.int32),
            pltpu.VMEM((SUBC * D_E,), jnp.float32),
            pltpu.VMEM((16,), jnp.float32),
            pltpu.SemaphoreType.DMA,
            pltpu.SemaphoreType.DMA,
            pltpu.SemaphoreType.DMA,
            pltpu.SemaphoreType.DMA,
            pltpu.SemaphoreType.DMA,
            pltpu.SemaphoreType.DMA,
            pltpu.SemaphoreType.DMA,
            pltpu.SemaphoreType.DMA,
        ],
    )
    def body(dst_h, src_h, ex_h, denomp_h, h_h, ea_h, out1_h, aacc_h,
             dstc0, dstc1, srcc0, srcc1, eidq, dlq, srcq, dloc, dtmp,
             accv, acca, exidx0, exidx1, exvals0, exvals1, albuf,
             hbuf0, hbuf1, eaidx0, eaidx1, eabuf0, eabuf1,
             semd0, semd1, semh0, semh1, semea0, semea1, semex0, semex1):
        wid = lax.axis_index("s") * 2 + lax.axis_index("c")
        iota = lax.iota(jnp.int32, 16)
        lane_r = iota >> 2
        lane_c = iota & 3
        zero16 = jnp.zeros((16,), jnp.float32)
        zero16i = jnp.zeros((16,), jnp.int32)

        dstc = [dstc0, dstc1]
        srcc = [srcc0, srcc1]
        exidx = [exidx0, exidx1]
        exvals = [exvals0, exvals1]
        hbuf = [hbuf0, hbuf1]
        eaidx = [eaidx0, eaidx1]
        eabuf = [eabuf0, eabuf1]
        semd = [semd0, semd1]
        semh = [semh0, semh1]
        semea = [semea0, semea1]
        semex = [semex0, semex1]

        def zq(i, _):
            sl = pl.ds(i * 16, 16)
            eidq[sl] = zero16i
            dlq[sl] = zero16i
            srcq[sl] = zero16i
            return 0
        lax.fori_loop(0, QCAP // 16, zq, 0)

        def issue_chunk(ci, par):
            cb = ci * SCANC
            pltpu.async_copy(dst_h.at[pl.ds(cb, SCANC)], dstc[par], semd[par])
            pltpu.async_copy(src_h.at[pl.ds(cb, SCANC)], srcc[par], semd[par])

        def wait_chunk(par):
            pltpu.make_async_copy(dst_h.at[pl.ds(0, SCANC)],
                                  dstc[par], semd[par]).wait()
            pltpu.make_async_copy(src_h.at[pl.ds(0, SCANC)],
                                  srcc[par], semd[par]).wait()

        def issue_sub(s, par):
            s16v = s * SUBC
            for v in range(SUBC // 4):
                posv = jnp.full((16,), s16v + v * 4, jnp.int32) + lane_r
                eidrep = plsc.load_gather(eidq, [posv])
                exidx[par][pl.ds(v * 16, 16)] = eidrep * 4 + lane_c
            for j2 in range(SUBC):
                eidrep = plsc.load_gather(
                    eidq, [jnp.full((16,), s16v + j2, jnp.int32)])
                eaidx[par][pl.ds(j2 * 16, 16)] = eidrep * D_E + iota
            pltpu.async_copy(h_h.at[srcq.at[pl.ds(s16v, SUBC)]],
                             hbuf[par], semh[par])
            pltpu.async_copy(ea_h.at[eaidx[par]], eabuf[par], semea[par])
            pltpu.async_copy(ex_h.at[exidx[par]], exvals[par], semex[par])

        def wait_sub(par):
            pltpu.make_async_copy(h_h.at[srcq.at[pl.ds(0, SUBC)]],
                                  hbuf[par], semh[par]).wait()
            pltpu.make_async_copy(ea_h.at[eaidx[par]],
                                  eabuf[par], semea[par]).wait()
            pltpu.make_async_copy(ex_h.at[exidx[par]],
                                  exvals[par], semex[par]).wait()

        def compute_sub(s, par, qnf):
            s16v = s * SUBC
            for v in range(SUBC // 4):
                posv = jnp.full((16,), s16v + v * 4, jnp.int32) + lane_r
                dlrep = plsc.load_gather(dlq, [posv])
                dv = plsc.load_gather(dloc, [dlrep * 4 + lane_c])
                al = exvals[par][pl.ds(v * 16, 16)] / (dv + 1e-16)
                al = jnp.where(posv < qnf, al, 0.0)
                albuf[pl.ds(v * 16, 16)] = al

            def je(j, _):
                dlrep = plsc.load_gather(
                    dlq, [jnp.full((16,), s16v + j, jnp.int32)])
                dbase = dlrep * D_OUT + iota
                dbasea = dlrep * (HEADS * D_E) + iota
                eav = eabuf[par][pl.ds(j * 16, 16)]
                for hh in range(HEADS):
                    asp = plsc.load_gather(
                        albuf, [jnp.full((16,), j * 4 + hh, jnp.int32)])
                    for v in range(DH // 16):
                        off = hh * DH + v * 16
                        hv = hbuf[par][j, pl.ds(off, 16)]
                        plsc.addupdate_scatter(accv, [dbase + off], hv * asp)
                    plsc.addupdate_scatter(acca, [dbasea + hh * D_E],
                                           eav * asp)
                return 0
            lax.fori_loop(0, SUBC, je, 0)

        def one_pass(p, _):
            b = p * NTILES + wid

            @pl.when(b < NBUCKET)
            def _():
                lo = b * RANGE

                def zd(i, _):
                    dloc[pl.ds(i * 16, 16)] = zero16
                    return 0
                lax.fori_loop(0, 336 // 16, zd, 0)
                cps = []
                for t2 in range(NTILES):
                    cps.append(pltpu.async_copy(
                        denomp_h.at[pl.ds(t2 * (N * HEADS) + lo * HEADS,
                                          RANGE * HEADS)],
                        dtmp.at[pl.ds(t2 * 320, 320)], semh0))
                for cp in cps:
                    cp.wait()

                def sd(i, _):
                    def sd2(v, _):
                        sl = pl.ds(v * 16, 16)
                        dloc[sl] = dloc[sl] + dtmp[pl.ds(i * 320 + v * 16, 16)]
                        return 0
                    lax.fori_loop(0, 20, sd2, 0)
                    return 0
                lax.fori_loop(0, NTILES, sd, 0)

                def za(i, _):
                    accv[pl.ds(i * 16, 16)] = zero16
                    return 0
                lax.fori_loop(0, RANGE * D_OUT // 16, za, 0)

                def zb(i, _):
                    acca[pl.ds(i * 16, 16)] = zero16
                    return 0
                lax.fori_loop(0, RANGE * HEADS * D_E // 16, zb, 0)

                def process_chunk(ci, par):
                    cb = ci * SCANC

                    def scan(v, qn):
                        sl = pl.ds(v * 16, 16)
                        d = dstc[par][sl]
                        dl = d - lo
                        m = (dl >= 0) & (dl < RANGE)
                        eidv = cb + v * 16 + iota
                        qsl = pl.ds(qn, 16)
                        plsc.store_compressed(eidq.at[qsl], eidv, mask=m)
                        plsc.store_compressed(dlq.at[qsl], dl, mask=m)
                        plsc.store_compressed(srcq.at[qsl], srcc[par][sl],
                                              mask=m)
                        cnt = plsc.all_reduce_population_count(m)[0]
                        return qn + cnt
                    qn = lax.fori_loop(0, nsvreg, scan, 0)

                    tsl = pl.ds(qn, 16)
                    srcq[tsl] = wid * 300 + iota
                    eidq[tsl] = zero16i

                    nsub = (qn + SUBC - 1) // SUBC
                    npair = (nsub + 1) // 2
                    qnf = jnp.full((16,), qn, jnp.int32)

                    def seqsub(s, _):
                        issue_sub(s, 0)
                        wait_sub(0)
                        compute_sub(s, 0, qnf)
                        return 0
                    lax.fori_loop(0, nsub, seqsub, 0)
                    del npair

                issue_chunk(0, 0)

                def chunk2(cp2, _):
                    ci0 = 2 * cp2
                    ci1 = ci0 + 1
                    wait_chunk(0)
                    issue_chunk(ci1, 1)
                    process_chunk(ci0, 0)
                    wait_chunk(1)

                    @pl.when(ci1 + 1 < nscan)
                    def _():
                        issue_chunk(ci1 + 1, 0)
                    process_chunk(ci1, 1)
                    return 0
                lax.fori_loop(0, nscan // 2, chunk2, 0)

                pltpu.sync_copy(accv, out1_h.at[pl.ds(lo * D_OUT,
                                                      RANGE * D_OUT)])
                pltpu.sync_copy(acca, aacc_h.at[pl.ds(lo * HEADS * D_E,
                                                      RANGE * HEADS * D_E)])
            return 0
        lax.fori_loop(0, PASSES, one_pass, 0)

    return body(dst, src, ex_flat, denomp, h, edge_attr)


def _proj_body(x_ref, wcat_ref, h_ref, s_ref):
    xb = x_ref[...]
    wcat = wcat_ref[...]
    h_ref[...] = jnp.dot(xb, wcat[:, :D_OUT], preferred_element_type=jnp.float32)
    s_ref[...] = jnp.dot(xb, wcat[:, D_OUT:], preferred_element_type=jnp.float32)


def _node_proj(x, wcat):
    return pl.pallas_call(
        _proj_body,
        grid=(N // ROW_BLK,),
        in_specs=[
            pl.BlockSpec((ROW_BLK, D_IN), lambda i: (i, 0)),
            pl.BlockSpec((D_IN, D_OUT + 8), lambda i: (0, 0)),
        ],
        out_specs=[
            pl.BlockSpec((ROW_BLK, D_OUT), lambda i: (i, 0)),
            pl.BlockSpec((ROW_BLK, 8), lambda i: (i, 0)),
        ],
        out_shape=[
            jax.ShapeDtypeStruct((N, D_OUT), jnp.float32),
            jax.ShapeDtypeStruct((N, 8), jnp.float32),
        ],
    )(x, wcat)


def _le_body(ea_ref, wae_ref, le_ref):
    le_ref[...] = jnp.dot(ea_ref[...], wae_ref[...],
                          preferred_element_type=jnp.float32)


def _edge_logits(edge_attr, wae):
    return pl.pallas_call(
        _le_body,
        grid=(E // EDGE_BLK,),
        in_specs=[
            pl.BlockSpec((EDGE_BLK, D_E), lambda i: (i, 0)),
            pl.BlockSpec((D_E, HEADS), lambda i: (0, 0)),
        ],
        out_specs=pl.BlockSpec((EDGE_BLK, HEADS), lambda i: (i, 0)),
        out_shape=jax.ShapeDtypeStruct((E, HEADS), jnp.float32),
    )(edge_attr, wae)


def _final_body(out1_ref, a_ref, wbig_ref, o_ref):
    pre = out1_ref[...] + jnp.dot(a_ref[...], wbig_ref[...],
                                  preferred_element_type=jnp.float32)
    o_ref[...] = jnp.where(pre > 0, pre, jnp.exp(jnp.minimum(pre, 0.0)) - 1.0)


def _final(out1, aacc, wbig):
    return pl.pallas_call(
        _final_body,
        grid=(N // ROW_BLK,),
        in_specs=[
            pl.BlockSpec((ROW_BLK, D_OUT), lambda i: (i, 0)),
            pl.BlockSpec((ROW_BLK, HEADS * D_E), lambda i: (i, 0)),
            pl.BlockSpec((HEADS * D_E, D_OUT), lambda i: (0, 0)),
        ],
        out_specs=pl.BlockSpec((ROW_BLK, D_OUT), lambda i: (i, 0)),
        out_shape=jax.ShapeDtypeStruct((N, D_OUT), jnp.float32),
    )(out1, aacc, wbig)


def kernel(x, edge_index, edge_attr, W, We, a_src, a_dst, a_e):
    src, dst = edge_index[0], edge_index[1]

    Wr = W.reshape(D_IN, HEADS, DH)
    wa_src = jnp.einsum('khd,hd->kh', Wr, a_src)
    wa_dst = jnp.einsum('khd,hd->kh', Wr, a_dst)
    wcat = jnp.concatenate([W, wa_src, wa_dst], axis=1)
    Wer = We.reshape(D_E, HEADS, DH)
    wae = jnp.einsum('khd,hd->kh', Wer, a_e)
    wbig = jnp.zeros((HEADS * D_E, D_OUT), dtype=W.dtype)
    for hh in range(HEADS):
        wbig = wbig.at[hh * D_E:(hh + 1) * D_E,
                       hh * DH:(hh + 1) * DH].set(Wer[:, hh, :])

    h, s = _node_proj(x, wcat)
    s_src, s_dst = s[:, :HEADS], s[:, HEADS:]
    le = _edge_logits(edge_attr, wae)

    lane4 = jnp.arange(HEADS, dtype=jnp.int32)
    src4 = (src[:, None] * HEADS + lane4).reshape(E * HEADS)
    dst4 = (dst[:, None] * HEADS + lane4).reshape(E * HEADS)
    ex_flat, denomp = _edge_pass(src4, dst4, le.reshape(E * HEADS),
                                 s_src.reshape(N * HEADS),
                                 s_dst.reshape(N * HEADS))
    out1_flat, aacc_flat = _accum_pass(dst, src, ex_flat, denomp,
                                       h, edge_attr.reshape(E * D_E))

    return _final(out1_flat.reshape(N, D_OUT),
                  aacc_flat.reshape(N, HEADS * D_E), wbig)

# --- scband reference (transcript-rebuilt; emitter-appended) ---
"""Pipeline reference for scband-gnnencoder-35888746725485 (READ-ONLY COPY).

The authoritative reference and input builder live on the scoring server;
editing this copy changes nothing except your own understanding.
"""

import jax, jax.numpy as jnp
import numpy as np

N = 10000
E = 320000
D_IN = 128
D_E = 16
D_OUT = 768
HEADS = 4
DH = D_OUT // HEADS


def setup_inputs(seed: int = 0) -> dict:
    key = jax.random.key(seed)
    ks = jax.random.split(key, 8)
    x = jax.random.normal(ks[0], (N, D_IN), dtype=jnp.float32)
    edge_index = jax.random.randint(ks[1], (2, E), 0, N, dtype=jnp.int32)
    edge_attr = jax.random.normal(ks[2], (E, D_E), dtype=jnp.float32)
    W = jax.random.normal(ks[3], (D_IN, D_OUT), dtype=jnp.float32) * 0.05
    We = jax.random.normal(ks[4], (D_E, D_OUT), dtype=jnp.float32) * 0.05
    a_src = jax.random.normal(ks[5], (HEADS, DH), dtype=jnp.float32) * 0.05
    a_dst = jax.random.normal(ks[6], (HEADS, DH), dtype=jnp.float32) * 0.05
    a_e = jax.random.normal(ks[7], (HEADS, DH), dtype=jnp.float32) * 0.05
    return {"x": x, "edge_index": edge_index, "edge_attr": edge_attr,
            "W": W, "We": We, "a_src": a_src, "a_dst": a_dst, "a_e": a_e}


def reference(x, edge_index, edge_attr, W, We, a_src, a_dst, a_e):
    # GATNet (single multi-head GAT layer with edge features) -> llm_dim embeddings
    src = edge_index[0]
    dst = edge_index[1]
    h = (x @ W).reshape(N, HEADS, DH)                      # node projection
    e = (edge_attr @ We).reshape(E, HEADS, DH)             # edge projection
    h_src = h[src]                                         # gather (E, HEADS, DH)
    h_dst = h[dst]                                         # gather (E, HEADS, DH)
    logits = (jnp.sum(h_src * a_src, axis=-1)
              + jnp.sum(h_dst * a_dst, axis=-1)
              + jnp.sum(e * a_e, axis=-1))                 # (E, HEADS)
    logits = jax.nn.leaky_relu(logits, negative_slope=0.2)
    # segment softmax over incoming edges of each dst node
    m = jax.ops.segment_max(logits, dst, num_segments=N)   # (N, HEADS)
    m = jnp.where(jnp.isfinite(m), m, 0.0)
    ex = jnp.exp(logits - m[dst])
    denom = jax.ops.segment_sum(ex, dst, num_segments=N)   # (N, HEADS)
    alpha = ex / (denom[dst] + 1e-16)                      # (E, HEADS)
    msg = alpha[..., None] * (h_src + e)                   # (E, HEADS, DH)
    out = jax.ops.segment_sum(msg, dst, num_segments=N)    # scatter-add (N, HEADS, DH)
    out = jax.nn.elu(out.reshape(N, D_OUT))
    return out

if __name__ == "__main__":
    import jax
    _d = setup_inputs()
    print(jax.jit(kernel)(*tuple(_d.values())))

</pallas_src>

<mosaic_0001>
#map = affine_map<(d0, d1) -> (0)>
module attributes {stable_mosaic.version = 14 : i64} {
  func.func @body(%arg0: i32, %arg1: i32, %arg2: memref<1280000xi32, #tpu.memory_space<hbm>>, %arg3: memref<1280000xi32, #tpu.memory_space<hbm>>, %arg4: memref<1280000xf32, #tpu.memory_space<hbm>>, %arg5: memref<40000xf32, #tpu.memory_space<hbm>>, %arg6: memref<40000xf32, #tpu.memory_space<hbm>>, %arg7: memref<1280000xf32, #tpu.memory_space<hbm>>, %arg8: memref<1280000xf32, #tpu.memory_space<hbm>>, %arg9: memref<8000xi32, #tpu.memory_space<vmem>>, %arg10: memref<8000xi32, #tpu.memory_space<vmem>>, %arg11: memref<8000xf32, #tpu.memory_space<vmem>>, %arg12: memref<8000xf32, #tpu.memory_space<vmem>>, %arg13: memref<8000xf32, #tpu.memory_space<vmem>>, %arg14: memref<8000xf32, #tpu.memory_space<vmem>>, %arg15: memref<40000xf32, #tpu.memory_space<vmem>>, %arg16: memref<!tpu.dma_semaphore, #tpu.memory_space<semaphore_mem>>, %arg17: memref<!tpu.dma_semaphore, #tpu.memory_space<semaphore_mem>>) attributes {dimension_semantics = [#tpu.dimension_semantics<core_parallel>, #tpu.dimension_semantics<subcore_parallel>], iteration_bounds = array<i64: 2, 16>, scalar_prefetch = 0 : i64, scratch_operands = 9 : i64, tpu.core_type = #tpu.core_type<sc_vector_subcore>, window_params = [{transform_indices = #map}, {transform_indices = #map}, {transform_indices = #map}, {transform_indices = #map}, {transform_indices = #map}, {transform_indices = #map}, {transform_indices = #map}]} {
    %mul3A = arith.constant 2 : i32
    %mul3A_0 = arith.muli %arg1, %mul3A : i32
    %add3A = arith.addi %mul3A_0, %arg0 : i32
    %broadcast_in_dim3A = arith.constant 0.000000e+00 : f32
    %broadcast_in_dim3A_1 = vector.broadcast %broadcast_in_dim3A : f32 to vector<16xf32>
    %scan3A = arith.constant 0 : i32
    %scan3A_2 = arith.constant 0 : i32
    %scan3A_3 = arith.constant 2500 : i32
    %scan3A_4 = arith.addi %scan3A_2, %scan3A_3 : i32
    %scan3A_5 = arith.constant 1 : i32
    %scan3A_6 = scf.for %scan3A_23 = %scan3A_2 to %scan3A_4 step %scan3A_5 iter_args(%scan3A_24 = %scan3A) -> (i32)  : i32 {
      %mul3A_25 = arith.constant 16 : i32
      %mul3A_26 = arith.muli %scan3A_23, %mul3A_25 : i32
      %swap3A = arith.index_cast %mul3A_26 : i32 to index
      %swap3A_27 = tpu.vector_load %arg15[%swap3A] {strides = array<i32>} : memref<40000xf32, #tpu.memory_space<vmem>>, vector<16xf32>,
      tpu.vector_store %arg15[%swap3A], %broadcast_in_dim3A_1 {strides = array<i32>} : memref<40000xf32, #tpu.memory_space<vmem>>, vector<16xf32>,
      %scan3A_28 = arith.constant 0 : i32
      scf.yield %scan3A_28 : i32
    }
    %scan3A_7 = arith.constant 2500 : i32
    %mul3A_8 = arith.constant 10000 : i32
    %mul3A_9 = arith.muli %add3A, %mul3A_8 : i32
    %mul3A_10 = arith.constant 4 : i32
    %mul3A_11 = arith.muli %mul3A_9, %mul3A_10 : i32
    %scan3A_12 = arith.constant 0 : i32
    %scan3A_13 = arith.constant 0 : i32
    %scan3A_14 = arith.constant 5 : i32
    %scan3A_15 = arith.addi %scan3A_13, %scan3A_14 : i32
    %scan3A_16 = arith.constant 1 : i32
    %scan3A_17 = scf.for %scan3A_23 = %scan3A_13 to %scan3A_15 step %scan3A_16 iter_args(%scan3A_24 = %scan3A_12) -> (i32)  : i32 {
      %mul3A_25 = arith.constant 8000 : i32
      %mul3A_26 = arith.muli %scan3A_23, %mul3A_25 : i32
      %add3A_27 = arith.addi %mul3A_11, %mul3A_26 : i32
      "tpu.region"() ({
        %run_scoped3A = tpu.sem_alloc : memref<!tpu.dma_semaphore, #tpu.memory_space<semaphore_mem>>
        %dma_start3A_42 = tpu.memref_slice %arg2[%add3A_27] : memref<1280000xi32, #tpu.memory_space<hbm>> -> memref<8000xi32, #tpu.memory_space<hbm>>
        %dma_start3A_43 = tpu.memref_slice %arg2[%add3A_27] : memref<1280000xi32, #tpu.memory_space<hbm>> -> memref<8000xi32, #tpu.memory_space<hbm>>
        tpu.enqueue_dma source(%dma_start3A_43 : memref<8000xi32, #tpu.memory_space<hbm>>) target(%arg9 : memref<8000xi32, #tpu.memory_space<vmem>>) target_semaphore(%run_scoped3A : memref<!tpu.dma_semaphore, #tpu.memory_space<semaphore_mem>>)
        %dma_wait3A_44 = tpu.memref_slice %arg2[%add3A_27] : memref<1280000xi32, #tpu.memory_space<hbm>> -> memref<8000xi32, #tpu.memory_space<hbm>>
        %dma_wait3A_45 = tpu.memref_slice %arg2[%add3A_27] : memref<1280000xi32, #tpu.memory_space<hbm>> -> memref<8000xi32, #tpu.memory_space<hbm>>
        tpu.wait_dma2 semaphore(%run_scoped3A : memref<!tpu.dma_semaphore, #tpu.memory_space<semaphore_mem>>) src(%dma_wait3A_45 : memref<8000xi32, #tpu.memory_space<hbm>>) dst(%arg9 : memref<8000xi32, #tpu.memory_space<vmem>>)
        tpu.yield
      }) : () -> ()
      "tpu.region"() ({
        %run_scoped3A = tpu.sem_alloc : memref<!tpu.dma_semaphore, #tpu.memory_space<semaphore_mem>>
        %dma_start3A_42 = tpu.memref_slice %arg3[%add3A_27] : memref<1280000xi32, #tpu.memory_space<hbm>> -> memref<8000xi32, #tpu.memory_space<hbm>>
        %dma_start3A_43 = tpu.memref_slice %arg3[%add3A_27] : memref<1280000xi32, #tpu.memory_space<hbm>> -> memref<8000xi32, #tpu.memory_space<hbm>>
        tpu.enqueue_dma source(%dma_start3A_43 : memref<8000xi32, #tpu.memory_space<hbm>>) target(%arg10 : memref<8000xi32, #tpu.memory_space<vmem>>) target_semaphore(%run_scoped3A : memref<!tpu.dma_semaphore, #tpu.memory_space<semaphore_mem>>)
        %dma_wait3A_44 = tpu.memref_slice %arg3[%add3A_27] : memref<1280000xi32, #tpu.memory_space<hbm>> -> memref<8000xi32, #tpu.memory_space<hbm>>
        %dma_wait3A_45 = tpu.memref_slice %arg3[%add3A_27] : memref<1280000xi32, #tpu.memory_space<hbm>> -> memref<8000xi32, #tpu.memory_space<hbm>>
        tpu.wait_dma2 semaphore(%run_scoped3A : memref<!tpu.dma_semaphore, #tpu.memory_space<semaphore_mem>>) src(%dma_wait3A_45 : memref<8000xi32, #tpu.memory_space<hbm>>) dst(%arg10 : memref<8000xi32, #tpu.memory_space<vmem>>)
        tpu.yield
      }) : () -> ()
      "tpu.region"() ({
        %run_scoped3A = tpu.sem_alloc : memref<!tpu.dma_semaphore, #tpu.memory_space<semaphore_mem>>
        %dma_start3A_42 = tpu.memref_slice %arg4[%add3A_27] : memref<1280000xf32, #tpu.memory_space<hbm>> -> memref<8000xf32, #tpu.memory_space<hbm>>
        %dma_start3A_43 = tpu.memref_slice %arg4[%add3A_27] : memref<1280000xf32, #tpu.memory_space<hbm>> -> memref<8000xf32, #tpu.memory_space<hbm>>
        tpu.enqueue_dma source(%dma_start3A_43 : memref<8000xf32, #tpu.memory_space<hbm>>) target(%arg11 : memref<8000xf32, #tpu.memory_space<vmem>>) target_semaphore(%run_scoped3A : memref<!tpu.dma_semaphore, #tpu.memory_space<semaphore_mem>>)
        %dma_wait3A_44 = tpu.memref_slice %arg4[%add3A_27] : memref<1280000xf32, #tpu.memory_space<hbm>> -> memref<8000xf32, #tpu.memory_space<hbm>>
        %dma_wait3A_45 = tpu.memref_slice %arg4[%add3A_27] : memref<1280000xf32, #tpu.memory_space<hbm>> -> memref<8000xf32, #tpu.memory_space<hbm>>
        tpu.wait_dma2 semaphore(%run_scoped3A : memref<!tpu.dma_semaphore, #tpu.memory_space<semaphore_mem>>) src(%dma_wait3A_45 : memref<8000xf32, #tpu.memory_space<hbm>>) dst(%arg11 : memref<8000xf32, #tpu.memory_space<vmem>>)
        tpu.yield
      }) : () -> ()
      %dma_start3A = arith.constant 0 : i32
      %dma_start3A_28 = tpu.memref_slice %arg5[%dma_start3A] : memref<40000xf32, #tpu.memory_space<hbm>> -> memref<40000xf32, #tpu.memory_space<hbm>>
      tpu.enqueue_indirect_dma source(%dma_start3A_28 : memref<40000xf32, #tpu.memory_space<hbm>>) target(%arg12 : memref<8000xf32, #tpu.memory_space<vmem>>) offsets(%arg9 : memref<8000xi32, #tpu.memory_space<vmem>>) semaphore(%arg16 : memref<!tpu.dma_semaphore, #tpu.memory_space<semaphore_mem>>)
      %dma_start3A_29 = arith.constant 0 : i32
      %dma_start3A_30 = tpu.memref_slice %arg6[%dma_start3A_29] : memref<40000xf32, #tpu.memory_space<hbm>> -> memref<40000xf32, #tpu.memory_space<hbm>>
      tpu.enqueue_indirect_dma source(%dma_start3A_30 : memref<40000xf32, #tpu.memory_space<hbm>>) target(%arg13 : memref<8000xf32, #tpu.memory_space<vmem>>) offsets(%arg10 : memref<8000xi32, #tpu.memory_space<vmem>>) semaphore(%arg17 : memref<!tpu.dma_semaphore, #tpu.memory_space<semaphore_mem>>)
      %dma_wait3A = arith.constant 0 : i32
      %dma_wait3A_31 = tpu.memref_slice %arg5[%dma_wait3A] : memref<40000xf32, #tpu.memory_space<hbm>> -> memref<40000xf32, #tpu.memory_space<hbm>>
      tpu.wait_indirect_dma semaphore(%arg16 : memref<!tpu.dma_semaphore, #tpu.memory_space<semaphore_mem>>) src(%dma_wait3A_31 : memref<40000xf32, #tpu.memory_space<hbm>>) dst(%arg12 : memref<8000xf32, #tpu.memory_space<vmem>>)
      %dma_wait3A_32 = arith.constant 0 : i32
      %dma_wait3A_33 = tpu.memref_slice %arg6[%dma_wait3A_32] : memref<40000xf32, #tpu.memory_space<hbm>> -> memref<40000xf32, #tpu.memory_space<hbm>>
      tpu.wait_indirect_dma semaphore(%arg17 : memref<!tpu.dma_semaphore, #tpu.memory_space<semaphore_mem>>) src(%dma_wait3A_33 : memref<40000xf32, #tpu.memory_space<hbm>>) dst(%arg13 : memref<8000xf32, #tpu.memory_space<vmem>>)
      %scan3A_34 = arith.constant 0 : i32
      %scan3A_35 = arith.constant 0 : i32
      %scan3A_36 = arith.constant 500 : i32
      %scan3A_37 = arith.addi %scan3A_35, %scan3A_36 : i32
      %scan3A_38 = arith.constant 1 : i32
      %scan3A_39 = scf.for %scan3A_42 = %scan3A_35 to %scan3A_37 step %scan3A_38 iter_args(%scan3A_43 = %scan3A_34) -> (i32)  : i32 {
        %mul3A_44 = arith.constant 16 : i32
        %mul3A_45 = arith.muli %scan3A_42, %mul3A_44 : i32
        %get3A = arith.index_cast %mul3A_45 : i32 to index
        %get3A_46 = tpu.vector_load %arg12[%get3A] {strides = array<i32>} : memref<8000xf32, #tpu.memory_space<vmem>>, vector<16xf32>,
        %get3A_47 = arith.index_cast %mul3A_45 : i32 to index
        %get3A_48 = tpu.vector_load %arg13[%get3A_47] {strides = array<i32>} : memref<8000xf32, #tpu.memory_space<vmem>>, vector<16xf32>,
        %add3A_49 = arith.addf %get3A_46, %get3A_48 : vector<16xf32>
        %get3A_50 = arith.index_cast %mul3A_45 : i32 to index
        %get3A_51 = tpu.vector_load %arg11[%get3A_50] {strides = array<i32>} : memref<8000xf32, #tpu.memory_space<vmem>>, vector<16xf32>,
        %add3A_52 = arith.addf %add3A_49, %get3A_51 : vector<16xf32>
        %mul3A_53 = arith.constant 2.000000e-01 : f32
        %mul3A_54 = vector.broadcast %mul3A_53 : f32 to vector<16xf32>
        %mul3A_55 = arith.mulf %mul3A_54, %add3A_52 : vector<16xf32>
        %max3A = arith.maximumf %add3A_52, %mul3A_55 : vector<16xf32>
        %exp3A = math.exp %max3A : vector<16xf32>
        %swap3A = arith.index_cast %mul3A_45 : i32 to index
        %swap3A_56 = tpu.vector_load %arg14[%swap3A] {strides = array<i32>} : memref<8000xf32, #tpu.memory_space<vmem>>, vector<16xf32>,
        tpu.vector_store %arg14[%swap3A], %exp3A {strides = array<i32>} : memref<8000xf32, #tpu.memory_space<vmem>>, vector<16xf32>,
        %get3A_57 = arith.index_cast %mul3A_45 : i32 to index
        %get3A_58 = tpu.vector_load %arg10[%get3A_57] {strides = array<i32>} : memref<8000xi32, #tpu.memory_space<vmem>>, vector<16xi32>,
        tpu.vector_store_idx %arg15[%get3A_58], %exp3A {add = true} : memref<40000xf32, #tpu.memory_space<vmem>>[vector<16xi32>], vector<16xf32>,
        %scan3A_59 = arith.constant 0 : i32
        scf.yield %scan3A_59 : i32
      }
      %scan3A_40 = arith.constant 500 : i32
      "tpu.region"() ({
        %run_scoped3A = tpu.sem_alloc : memref<!tpu.dma_semaphore, #tpu.memory_space<semaphore_mem>>
        %dma_start3A_42 = tpu.memref_slice %arg7[%add3A_27] : memref<1280000xf32, #tpu.memory_space<hbm>> -> memref<8000xf32, #tpu.memory_space<hbm>>
        %dma_start3A_43 = tpu.memref_slice %arg7[%add3A_27] : memref<1280000xf32, #tpu.memory_space<hbm>> -> memref<8000xf32, #tpu.memory_space<hbm>>
        tpu.enqueue_dma source(%arg14 : memref<8000xf32, #tpu.memory_space<vmem>>) target(%dma_start3A_43 : memref<8000xf32, #tpu.memory_space<hbm>>) target_semaphore(%run_scoped3A : memref<!tpu.dma_semaphore, #tpu.memory_space<semaphore_mem>>)
        %dma_wait3A_44 = tpu.memref_slice %arg7[%add3A_27] : memref<1280000xf32, #tpu.memory_space<hbm>> -> memref<8000xf32, #tpu.memory_space<hbm>>
        %dma_wait3A_45 = tpu.memref_slice %arg7[%add3A_27] : memref<1280000xf32, #tpu.memory_space<hbm>> -> memref<8000xf32, #tpu.memory_space<hbm>>
        tpu.wait_dma2 semaphore(%run_scoped3A : memref<!tpu.dma_semaphore, #tpu.memory_space<semaphore_mem>>) src(%arg14 : memref<8000xf32, #tpu.memory_space<vmem>>) dst(%dma_wait3A_45 : memref<8000xf32, #tpu.memory_space<hbm>>)
        tpu.yield
      }) : () -> ()
      %scan3A_41 = arith.constant 0 : i32
      scf.yield %scan3A_41 : i32
    }
    %scan3A_18 = arith.constant 5 : i32
    %mul3A_19 = arith.constant 10000 : i32
    %mul3A_20 = arith.muli %add3A, %mul3A_19 : i32
    %mul3A_21 = arith.constant 4 : i32
    %mul3A_22 = arith.muli %mul3A_20, %mul3A_21 : i32
    "tpu.region"() ({
      %run_scoped3A = tpu.sem_alloc : memref<!tpu.dma_semaphore, #tpu.memory_space<semaphore_mem>>
      %dma_start3A = tpu.memref_slice %arg8[%mul3A_22] : memref<1280000xf32, #tpu.memory_space<hbm>> -> memref<40000xf32, #tpu.memory_space<hbm>>
      %dma_start3A_23 = tpu.memref_slice %arg8[%mul3A_22] : memref<1280000xf32, #tpu.memory_space<hbm>> -> memref<40000xf32, #tpu.memory_space<hbm>>
      tpu.enqueue_dma source(%arg15 : memref<40000xf32, #tpu.memory_space<vmem>>) target(%dma_start3A_23 : memref<40000xf32, #tpu.memory_space<hbm>>) target_semaphore(%run_scoped3A : memref<!tpu.dma_semaphore, #tpu.memory_space<semaphore_mem>>)
      %dma_wait3A = tpu.memref_slice %arg8[%mul3A_22] : memref<1280000xf32, #tpu.memory_space<hbm>> -> memref<40000xf32, #tpu.memory_space<hbm>>
      %dma_wait3A_24 = tpu.memref_slice %arg8[%mul3A_22] : memref<1280000xf32, #tpu.memory_space<hbm>> -> memref<40000xf32, #tpu.memory_space<hbm>>
      tpu.wait_dma2 semaphore(%run_scoped3A : memref<!tpu.dma_semaphore, #tpu.memory_space<semaphore_mem>>) src(%arg15 : memref<40000xf32, #tpu.memory_space<vmem>>) dst(%dma_wait3A_24 : memref<40000xf32, #tpu.memory_space<hbm>>)
      tpu.yield
    }) : () -> ()
    return
  }
}

#map = affine_map<(d0, d1) -> (0)>
#map1 = affine_map<(d0, d1) -> (0, 0)>
module attributes {stable_mosaic.version = 14 : i64} {
  func.func @body(%arg0: i32, %arg1: i32, %arg2: memref<320000xi32, #tpu.memory_space<hbm>>, %arg3: memref<320000xi32, #tpu.memory_space<hbm>>, %arg4: memref<1280000xf32, #tpu.memory_space<hbm>>, %arg5: memref<1280000xf32, #tpu.memory_space<hbm>>, %arg6: memref<10000x768xf32, #tpu.memory_space<hbm>>, %arg7: memref<5120000xf32, #tpu.memory_space<hbm>>, %arg8: memref<7680000xf32, #tpu.memory_space<hbm>>, %arg9: memref<640000xf32, #tpu.memory_space<hbm>>, %arg10: memref<2000xi32, #tpu.memory_space<vmem>>, %arg11: memref<2000xi32, #tpu.memory_space<vmem>>, %arg12: memref<2000xi32, #tpu.memory_space<vmem>>, %arg13: memref<2000xi32, #tpu.memory_space<vmem>>, %arg14: memref<2016xi32, #tpu.memory_space<vmem>>, %arg15: memref<2016xi32, #tpu.memory_space<vmem>>, %arg16: memref<2016xi32, #tpu.memory_space<vmem>>, %arg17: memref<336xf32, #tpu.memory_space<vmem>>, %arg18: memref<10240xf32, #tpu.memory_space<vmem>>, %arg19: memref<61440xf32, #tpu.memory_space<vmem>>, %arg20: memref<5120xf32, #tpu.memory_space<vmem>>, %arg21: memref<64xi32, #tpu.memory_space<vmem>>, %arg22: memref<64xi32, #tpu.memory_space<vmem>>, %arg23: memref<64xf32, #tpu.memory_space<vmem>>, %arg24: memref<64xf32, #tpu.memory_space<vmem>>, %arg25: memref<64xf32, #tpu.memory_space<vmem>>, %arg26: memref<16x768xf32, #tpu.memory_space<vmem>>, %arg27: memref<16xf32, #tpu.memory_space<vmem>>, %arg28: memref<256xi32, #tpu.memory_space<vmem>>, %arg29: memref<16xi32, #tpu.memory_space<vmem>>, %arg30: memref<256xf32, #tpu.memory_space<vmem>>, %arg31: memref<16xf32, #tpu.memory_space<vmem>>, %arg32: memref<!tpu.dma_semaphore, #tpu.memory_space<semaphore_mem>>, %arg33: memref<!tpu.dma_semaphore, #tpu.memory_space<semaphore_mem>>, %arg34: memref<!tpu.dma_semaphore, #tpu.memory_space<semaphore_mem>>, %arg35: memref<!tpu.dma_semaphore, #tpu.memory_space<semaphore_mem>>, %arg36: memref<!tpu.dma_semaphore, #tpu.memory_space<semaphore_mem>>, %arg37: memref<!tpu.dma_semaphore, #tpu.memory_space<semaphore_mem>>, %arg38: memref<!tpu.dma_semaphore, #tpu.memory_space<semaphore_mem>>, %arg39: memref<!tpu.dma_semaphore, #tpu.memory_space<semaphore_mem>>) attributes {dimension_semantics = [#tpu.dimension_semantics<core_parallel>, #tpu.dimension_semantics<subcore_parallel>], iteration_bounds = array<i64: 2, 16>, scalar_prefetch = 0 : i64, scratch_operands = 30 : i64, tpu.core_type = #tpu.core_type<sc_vector_subcore>, window_params = [{transform_indices = #map}, {transform_indices = #map}, {transform_indices = #map}, {transform_indices = #map}, {transform_indices = #map1}, {transform_indices = #map}, {transform_indices = #map}, {transform_indices = #map}]} {
    %mul3A = arith.constant 2 : i32
    %mul3A_0 = arith.muli %arg1, %mul3A : i32
    %add3A = arith.addi %mul3A_0, %arg0 : i32
    %iota3A = tpu.iota {dimensions = array<i32: 0>} : vector<16xi32>
    %shift_right_arithmetic3A = arith.constant 2 : i32
    %shift_right_arithmetic3A_1 = vector.broadcast %shift_right_arithmetic3A : i32 to vector<16xi32>
    %shift_right_arithmetic3A_2 = arith.shrsi %iota3A, %shift_right_arithmetic3A_1 : vector<16xi32>
    %and3A = arith.constant 3 : i32
    %and3A_3 = vector.broadcast %and3A : i32 to vector<16xi32>
    %and3A_4 = arith.andi %iota3A, %and3A_3 : vector<16xi32>
    %broadcast_in_dim3A = arith.constant 0.000000e+00 : f32
    %broadcast_in_dim3A_5 = vector.broadcast %broadcast_in_dim3A : f32 to vector<16xf32>
    %broadcast_in_dim3A_6 = arith.constant 0 : i32
    %broadcast_in_dim3A_7 = vector.broadcast %broadcast_in_dim3A_6 : i32 to vector<16xi32>
    %scan3A = arith.constant 0 : i32
    %scan3A_8 = arith.constant 0 : i32
    %scan3A_9 = arith.constant 126 : i32
    %scan3A_10 = arith.addi %scan3A_8, %scan3A_9 : i32
    %scan3A_11 = arith.constant 1 : i32
    %scan3A_12 = scf.for %scan3A_21 = %scan3A_8 to %scan3A_10 step %scan3A_11 iter_args(%scan3A_22 = %scan3A) -> (i32)  : i32 {
      %mul3A_23 = arith.constant 16 : i32
      %mul3A_24 = arith.muli %scan3A_21, %mul3A_23 : i32
      %swap3A = arith.index_cast %mul3A_24 : i32 to index
      %swap3A_25 = tpu.vector_load %arg14[%swap3A] {strides = array<i32>} : memref<2016xi32, #tpu.memory_space<vmem>>, vector<16xi32>,
      tpu.vector_store %arg14[%swap3A], %broadcast_in_dim3A_7 {strides = array<i32>} : memref<2016xi32, #tpu.memory_space<vmem>>, vector<16xi32>,
      %swap3A_26 = arith.index_cast %mul3A_24 : i32 to index
      %swap3A_27 = tpu.vector_load %arg15[%swap3A_26] {strides = array<i32>} : memref<2016xi32, #tpu.memory_space<vmem>>, vector<16xi32>,
      tpu.vector_store %arg15[%swap3A_26], %broadcast_in_dim3A_7 {strides = array<i32>} : memref<2016xi32, #tpu.memory_space<vmem>>, vector<16xi32>,
      %swap3A_28 = arith.index_cast %mul3A_24 : i32 to index
      %swap3A_29 = tpu.vector_load %arg16[%swap3A_28] {strides = array<i32>} : memref<2016xi32, #tpu.memory_space<vmem>>, vector<16xi32>,
      tpu.vector_store %arg16[%swap3A_28], %broadcast_in_dim3A_7 {strides = array<i32>} : memref<2016xi32, #tpu.memory_space<vmem>>, vector<16xi32>,
      %scan3A_30 = arith.constant 0 : i32
      scf.yield %scan3A_30 : i32
    }
    %scan3A_13 = arith.constant 126 : i32
    %scan3A_14 = arith.constant 0 : i32
    %scan3A_15 = arith.constant 0 : i32
    %scan3A_16 = arith.constant 4 : i32
    %scan3A_17 = arith.addi %scan3A_15, %scan3A_16 : i32
    %scan3A_18 = arith.constant 1 : i32
    %scan3A_19 = scf.for %scan3A_21 = %scan3A_15 to %scan3A_17 step %scan3A_18 iter_args(%scan3A_22 = %scan3A_14) -> (i32)  : i32 {
      %mul3A_23 = arith.constant 32 : i32
      %mul3A_24 = arith.muli %scan3A_21, %mul3A_23 : i32
      %add3A_25 = arith.addi %mul3A_24, %add3A : i32
      %lt3A = arith.constant 125 : i32
      %lt3A_26 = arith.cmpi slt, %add3A_25, %lt3A : i32
      %convert_element_type3A = arith.extui %lt3A_26 : i1 to i32
      %cond3A = arith.constant 0 : i32
      %cond3A_27 = arith.cmpi ne, %convert_element_type3A, %cond3A : i32
      scf.if %cond3A_27 {
        %mul3A_29 = arith.constant 80 : i32
        %mul3A_30 = arith.muli %add3A_25, %mul3A_29 : i32
        %scan3A_31 = arith.constant 0 : i32
        %scan3A_32 = arith.constant 0 : i32
        %scan3A_33 = arith.constant 21 : i32
        %scan3A_34 = arith.addi %scan3A_32, %scan3A_33 : i32
        %scan3A_35 = arith.constant 1 : i32
        %scan3A_36 = scf.for %scan3A_590 = %scan3A_32 to %scan3A_34 step %scan3A_35 iter_args(%scan3A_591 = %scan3A_31) -> (i32)  : i32 {
          %mul3A_592 = arith.constant 16 : i32
          %mul3A_593 = arith.muli %scan3A_590, %mul3A_592 : i32
          %swap3A = arith.index_cast %mul3A_593 : i32 to index
          %swap3A_594 = tpu.vector_load %arg17[%swap3A] {strides = array<i32>} : memref<336xf32, #tpu.memory_space<vmem>>, vector<16xf32>,
          tpu.vector_store %arg17[%swap3A], %broadcast_in_dim3A_5 {strides = array<i32>} : memref<336xf32, #tpu.memory_space<vmem>>, vector<16xf32>,
          %scan3A_595 = arith.constant 0 : i32
          scf.yield %scan3A_595 : i32
        }
        %scan3A_37 = arith.constant 21 : i32
        %mul3A_38 = arith.constant 4 : i32
        %mul3A_39 = arith.muli %mul3A_30, %mul3A_38 : i32
        %add3A_40 = arith.constant 0 : i32
        %add3A_41 = arith.addi %add3A_40, %mul3A_39 : i32
        %dma_start3A = arith.constant 0 : i32
        %dma_start3A_42 = tpu.memref_slice %arg18[%dma_start3A] : memref<10240xf32, #tpu.memory_space<vmem>> -> memref<320xf32, #tpu.memory_space<vmem>>
        %dma_start3A_43 = tpu.memref_slice %arg5[%add3A_41] : memref<1280000xf32, #tpu.memory_space<hbm>> -> memref<320xf32, #tpu.memory_space<hbm>>
        %dma_start3A_44 = arith.constant 0 : i32
        %dma_start3A_45 = tpu.memref_slice %arg18[%dma_start3A_44] : memref<10240xf32, #tpu.memory_space<vmem>> -> memref<320xf32, #tpu.memory_space<vmem>>
        %dma_start3A_46 = tpu.memref_slice %arg5[%add3A_41] : memref<1280000xf32, #tpu.memory_space<hbm>> -> memref<320xf32, #tpu.memory_space<hbm>>
        tpu.enqueue_dma source(%dma_start3A_46 : memref<320xf32, #tpu.memory_space<hbm>>) target(%dma_start3A_45 : memref<320xf32, #tpu.memory_space<vmem>>) target_semaphore(%arg34 : memref<!tpu.dma_semaphore, #tpu.memory_space<semaphore_mem>>)
        %mul3A_47 = arith.constant 4 : i32
        %mul3A_48 = arith.muli %mul3A_30, %mul3A_47 : i32
        %add3A_49 = arith.constant 40000 : i32
        %add3A_50 = arith.addi %add3A_49, %mul3A_48 : i32
        %dma_start3A_51 = arith.constant 320 : i32
        %dma_start3A_52 = tpu.memref_slice %arg18[%dma_start3A_51] : memref<10240xf32, #tpu.memory_space<vmem>> -> memref<320xf32, #tpu.memory_space<vmem>>
        %dma_start3A_53 = tpu.memref_slice %arg5[%add3A_50] : memref<1280000xf32, #tpu.memory_space<hbm>> -> memref<320xf32, #tpu.memory_space<hbm>>
        %dma_start3A_54 = arith.constant 320 : i32
        %dma_start3A_55 = tpu.memref_slice %arg18[%dma_start3A_54] : memref<10240xf32, #tpu.memory_space<vmem>> -> memref<320xf32, #tpu.memory_space<vmem>>
        %dma_start3A_56 = tpu.memref_slice %arg5[%add3A_50] : memref<1280000xf32, #tpu.memory_space<hbm>> -> memref<320xf32, #tpu.memory_space<hbm>>
        tpu.enqueue_dma source(%dma_start3A_56 : memref<320xf32, #tpu.memory_space<hbm>>) target(%dma_start3A_55 : memref<320xf32, #tpu.memory_space<vmem>>) target_semaphore(%arg34 : memref<!tpu.dma_semaphore, #tpu.memory_space<semaphore_mem>>)
        %mul3A_57 = arith.constant 4 : i32
        %mul3A_58 = arith.muli %mul3A_30, %mul3A_57 : i32
        %add3A_59 = arith.constant 80000 : i32
        %add3A_60 = arith.addi %add3A_59, %mul3A_58 : i32
        %dma_start3A_61 = arith.constant 640 : i32
        %dma_start3A_62 = tpu.memref_slice %arg18[%dma_start3A_61] : memref<10240xf32, #tpu.memory_space<vmem>> -> memref<320xf32, #tpu.memory_space<vmem>>
        %dma_start3A_63 = tpu.memref_slice %arg5[%add3A_60] : memref<1280000xf32, #tpu.memory_space<hbm>> -> memref<320xf32, #tpu.memory_space<hbm>>
        %dma_start3A_64 = arith.constant 640 : i32
        %dma_start3A_65 = tpu.memref_slice %arg18[%dma_start3A_64] : memref<10240xf32, #tpu.memory_space<vmem>> -> memref<320xf32, #tpu.memory_space<vmem>>
        %dma_start3A_66 = tpu.memref_slice %arg5[%add3A_60] : memref<1280000xf32, #tpu.memory_space<hbm>> -> memref<320xf32, #tpu.memory_space<hbm>>
        tpu.enqueue_dma source(%dma_start3A_66 : memref<320xf32, #tpu.memory_space<hbm>>) target(%dma_start3A_65 : memref<320xf32, #tpu.memory_space<vmem>>) target_semaphore(%arg34 : memref<!tpu.dma_semaphore, #tpu.memory_space<semaphore_mem>>)
        %mul3A_67 = arith.constant 4 : i32
        %mul3A_68 = arith.muli %mul3A_30, %mul3A_67 : i32
        %add3A_69 = arith.constant 120000 : i32
        %add3A_70 = arith.addi %add3A_69, %mul3A_68 : i32
        %dma_start3A_71 = arith.constant 960 : i32
        %dma_start3A_72 = tpu.memref_slice %arg18[%dma_start3A_71] : memref<10240xf32, #tpu.memory_space<vmem>> -> memref<320xf32, #tpu.memory_space<vmem>>
        %dma_start3A_73 = tpu.memref_slice %arg5[%add3A_70] : memref<1280000xf32, #tpu.memory_space<hbm>> -> memref<320xf32, #tpu.memory_space<hbm>>
        %dma_start3A_74 = arith.constant 960 : i32
        %dma_start3A_75 = tpu.memref_slice %arg18[%dma_start3A_74] : memref<10240xf32, #tpu.memory_space<vmem>> -> memref<320xf32, #tpu.memory_space<vmem>>
        %dma_start3A_76 = tpu.memref_slice %arg5[%add3A_70] : memref<1280000xf32, #tpu.memory_space<hbm>> -> memref<320xf32, #tpu.memory_space<hbm>>
        tpu.enqueue_dma source(%dma_start3A_76 : memref<320xf32, #tpu.memory_space<hbm>>) target(%dma_start3A_75 : memref<320xf32, #tpu.memory_space<vmem>>) target_semaphore(%arg34 : memref<!tpu.dma_semaphore, #tpu.memory_space<semaphore_mem>>)
        %mul3A_77 = arith.constant 4 : i32
        %mul3A_78 = arith.muli %mul3A_30, %mul3A_77 : i32
        %add3A_79 = arith.constant 160000 : i32
        %add3A_80 = arith.addi %add3A_79, %mul3A_78 : i32
        %dma_start3A_81 = arith.constant 1280 : i32
        %dma_start3A_82 = tpu.memref_slice %arg18[%dma_start3A_81] : memref<10240xf32, #tpu.memory_space<vmem>> -> memref<320xf32, #tpu.memory_space<vmem>>
        %dma_start3A_83 = tpu.memref_slice %arg5[%add3A_80] : memref<1280000xf32, #tpu.memory_space<hbm>> -> memref<320xf32, #tpu.memory_space<hbm>>
        %dma_start3A_84 = arith.constant 1280 : i32
        %dma_start3A_85 = tpu.memref_slice %arg18[%dma_start3A_84] : memref<10240xf32, #tpu.memory_space<vmem>> -> memref<320xf32, #tpu.memory_space<vmem>>
        %dma_start3A_86 = tpu.memref_slice %arg5[%add3A_80] : memref<1280000xf32, #tpu.memory_space<hbm>> -> memref<320xf32, #tpu.memory_space<hbm>>
        tpu.enqueue_dma source(%dma_start3A_86 : memref<320xf32, #tpu.memory_space<hbm>>) target(%dma_start3A_85 : memref<320xf32, #tpu.memory_space<vmem>>) target_semaphore(%arg34 : memref<!tpu.dma_semaphore, #tpu.memory_space<semaphore_mem>>)
        %mul3A_87 = arith.constant 4 : i32
        %mul3A_88 = arith.muli %mul3A_30, %mul3A_87 : i32
        %add3A_89 = arith.constant 200000 : i32
        %add3A_90 = arith.addi %add3A_89, %mul3A_88 : i32
        %dma_start3A_91 = arith.constant 1600 : i32
        %dma_start3A_92 = tpu.memref_slice %arg18[%dma_start3A_91] : memref<10240xf32, #tpu.memory_space<vmem>> -> memref<320xf32, #tpu.memory_space<vmem>>
        %dma_start3A_93 = tpu.memref_slice %arg5[%add3A_90] : memref<1280000xf32, #tpu.memory_space<hbm>> -> memref<320xf32, #tpu.memory_space<hbm>>
        %dma_start3A_94 = arith.constant 1600 : i32
        %dma_start3A_95 = tpu.memref_slice %arg18[%dma_start3A_94] : memref<10240xf32, #tpu.memory_space<vmem>> -> memref<320xf32, #tpu.memory_space<vmem>>
        %dma_start3A_96 = tpu.memref_slice %arg5[%add3A_90] : memref<1280000xf32, #tpu.memory_space<hbm>> -> memref<320xf32, #tpu.memory_space<hbm>>
        tpu.enqueue_dma source(%dma_start3A_96 : memref<320xf32, #tpu.memory_space<hbm>>) target(%dma_start3A_95 : memref<320xf32, #tpu.memory_space<vmem>>) target_semaphore(%arg34 : memref<!tpu.dma_semaphore, #tpu.memory_space<semaphore_mem>>)
        %mul3A_97 = arith.constant 4 : i32
        %mul3A_98 = arith.muli %mul3A_30, %mul3A_97 : i32
        %add3A_99 = arith.constant 240000 : i32
        %add3A_100 = arith.addi %add3A_99, %mul3A_98 : i32
        %dma_start3A_101 = arith.constant 1920 : i32
        %dma_start3A_102 = tpu.memref_slice %arg18[%dma_start3A_101] : memref<10240xf32, #tpu.memory_space<vmem>> -> memref<320xf32, #tpu.memory_space<vmem>>
        %dma_start3A_103 = tpu.memref_slice %arg5[%add3A_100] : memref<1280000xf32, #tpu.memory_space<hbm>> -> memref<320xf32, #tpu.memory_space<hbm>>
        %dma_start3A_104 = arith.constant 1920 : i32
        %dma_start3A_105 = tpu.memref_slice %arg18[%dma_start3A_104] : memref<10240xf32, #tpu.memory_space<vmem>> -> memref<320xf32, #tpu.memory_space<vmem>>
        %dma_start3A_106 = tpu.memref_slice %arg5[%add3A_100] : memref<1280000xf32, #tpu.memory_space<hbm>> -> memref<320xf32, #tpu.memory_space<hbm>>
        tpu.enqueue_dma source(%dma_start3A_106 : memref<320xf32, #tpu.memory_space<hbm>>) target(%dma_start3A_105 : memref<320xf32, #tpu.memory_space<vmem>>) target_semaphore(%arg34 : memref<!tpu.dma_semaphore, #tpu.memory_space<semaphore_mem>>)
        %mul3A_107 = arith.constant 4 : i32
        %mul3A_108 = arith.muli %mul3A_30, %mul3A_107 : i32
        %add3A_109 = arith.constant 280000 : i32
        %add3A_110 = arith.addi %add3A_109, %mul3A_108 : i32
        %dma_start3A_111 = arith.constant 2240 : i32
        %dma_start3A_112 = tpu.memref_slice %arg18[%dma_start3A_111] : memref<10240xf32, #tpu.memory_space<vmem>> -> memref<320xf32, #tpu.memory_space<vmem>>
        %dma_start3A_113 = tpu.memref_slice %arg5[%add3A_110] : memref<1280000xf32, #tpu.memory_space<hbm>> -> memref<320xf32, #tpu.memory_space<hbm>>
        %dma_start3A_114 = arith.constant 2240 : i32
        %dma_start3A_115 = tpu.memref_slice %arg18[%dma_start3A_114] : memref<10240xf32, #tpu.memory_space<vmem>> -> memref<320xf32, #tpu.memory_space<vmem>>
        %dma_start3A_116 = tpu.memref_slice %arg5[%add3A_110] : memref<1280000xf32, #tpu.memory_space<hbm>> -> memref<320xf32, #tpu.memory_space<hbm>>
        tpu.enqueue_dma source(%dma_start3A_116 : memref<320xf32, #tpu.memory_space<hbm>>) target(%dma_start3A_115 : memref<320xf32, #tpu.memory_space<vmem>>) target_semaphore(%arg34 : memref<!tpu.dma_semaphore, #tpu.memory_space<semaphore_mem>>)
        %mul3A_117 = arith.constant 4 : i32
        %mul3A_118 = arith.muli %mul3A_30, %mul3A_117 : i32
        %add3A_119 = arith.constant 320000 : i32
        %add3A_120 = arith.addi %add3A_119, %mul3A_118 : i32
        %dma_start3A_121 = arith.constant 2560 : i32
        %dma_start3A_122 = tpu.memref_slice %arg18[%dma_start3A_121] : memref<10240xf32, #tpu.memory_space<vmem>> -> memref<320xf32, #tpu.memory_space<vmem>>
        %dma_start3A_123 = tpu.memref_slice %arg5[%add3A_120] : memref<1280000xf32, #tpu.memory_space<hbm>> -> memref<320xf32, #tpu.memory_space<hbm>>
        %dma_start3A_124 = arith.constant 2560 : i32
        %dma_start3A_125 = tpu.memref_slice %arg18[%dma_start3A_124] : memref<10240xf32, #tpu.memory_space<vmem>> -> memref<320xf32, #tpu.memory_space<vmem>>
        %dma_start3A_126 = tpu.memref_slice %arg5[%add3A_120] : memref<1280000xf32, #tpu.memory_space<hbm>> -> memref<320xf32, #tpu.memory_space<hbm>>
        tpu.enqueue_dma source(%dma_start3A_126 : memref<320xf32, #tpu.memory_space<hbm>>) target(%dma_start3A_125 : memref<320xf32, #tpu.memory_space<vmem>>) target_semaphore(%arg34 : memref<!tpu.dma_semaphore, #tpu.memory_space<semaphore_mem>>)
        %mul3A_127 = arith.constant 4 : i32
        %mul3A_128 = arith.muli %mul3A_30, %mul3A_127 : i32
        %add3A_129 = arith.constant 360000 : i32
        %add3A_130 = arith.addi %add3A_129, %mul3A_128 : i32
        %dma_start3A_131 = arith.constant 2880 : i32
        %dma_start3A_132 = tpu.memref_slice %arg18[%dma_start3A_131] : memref<10240xf32, #tpu.memory_space<vmem>> -> memref<320xf32, #tpu.memory_space<vmem>>
        %dma_start3A_133 = tpu.memref_slice %arg5[%add3A_130] : memref<1280000xf32, #tpu.memory_space<hbm>> -> memref<320xf32, #tpu.memory_space<hbm>>
        %dma_start3A_134 = arith.constant 2880 : i32
        %dma_start3A_135 = tpu.memref_slice %arg18[%dma_start3A_134] : memref<10240xf32, #tpu.memory_space<vmem>> -> memref<320xf32, #tpu.memory_space<vmem>>
        %dma_start3A_136 = tpu.memref_slice %arg5[%add3A_130] : memref<1280000xf32, #tpu.memory_space<hbm>> -> memref<320xf32, #tpu.memory_space<hbm>>
        tpu.enqueue_dma source(%dma_start3A_136 : memref<320xf32, #tpu.memory_space<hbm>>) target(%dma_start3A_135 : memref<320xf32, #tpu.memory_space<vmem>>) target_semaphore(%arg34 : memref<!tpu.dma_semaphore, #tpu.memory_space<semaphore_mem>>)
        %mul3A_137 = arith.constant 4 : i32
        %mul3A_138 = arith.muli %mul3A_30, %mul3A_137 : i32
        %add3A_139 = arith.constant 400000 : i32
        %add3A_140 = arith.addi %add3A_139, %mul3A_138 : i32
        %dma_start3A_141 = arith.constant 3200 : i32
        %dma_start3A_142 = tpu.memref_slice %arg18[%dma_start3A_141] : memref<10240xf32, #tpu.memory_space<vmem>> -> memref<320xf32, #tpu.memory_space<vmem>>
        %dma_start3A_143 = tpu.memref_slice %arg5[%add3A_140] : memref<1280000xf32, #tpu.memory_space<hbm>> -> memref<320xf32, #tpu.memory_space<hbm>>
        %dma_start3A_144 = arith.constant 3200 : i32
        %dma_start3A_145 = tpu.memref_slice %arg18[%dma_start3A_144] : memref<10240xf32, #tpu.memory_space<vmem>> -> memref<320xf32, #tpu.memory_space<vmem>>
        %dma_start3A_146 = tpu.memref_slice %arg5[%add3A_140] : memref<1280000xf32, #tpu.memory_space<hbm>> -> memref<320xf32, #tpu.memory_space<hbm>>
        tpu.enqueue_dma source(%dma_start3A_146 : memref<320xf32, #tpu.memory_space<hbm>>) target(%dma_start3A_145 : memref<320xf32, #tpu.memory_space<vmem>>) target_semaphore(%arg34 : memref<!tpu.dma_semaphore, #tpu.memory_space<semaphore_mem>>)
        %mul3A_147 = arith.constant 4 : i32
        %mul3A_148 = arith.muli %mul3A_30, %mul3A_147 : i32
        %add3A_149 = arith.constant 440000 : i32
        %add3A_150 = arith.addi %add3A_149, %mul3A_148 : i32
        %dma_start3A_151 = arith.constant 3520 : i32
        %dma_start3A_152 = tpu.memref_slice %arg18[%dma_start3A_151] : memref<10240xf32, #tpu.memory_space<vmem>> -> memref<320xf32, #tpu.memory_space<vmem>>
        %dma_start3A_153 = tpu.memref_slice %arg5[%add3A_150] : memref<1280000xf32, #tpu.memory_space<hbm>> -> memref<320xf32, #tpu.memory_space<hbm>>
        %dma_start3A_154 = arith.constant 3520 : i32
        %dma_start3A_155 = tpu.memref_slice %arg18[%dma_start3A_154] : memref<10240xf32, #tpu.memory_space<vmem>> -> memref<320xf32, #tpu.memory_space<vmem>>
        %dma_start3A_156 = tpu.memref_slice %arg5[%add3A_150] : memref<1280000xf32, #tpu.memory_space<hbm>> -> memref<320xf32, #tpu.memory_space<hbm>>
        tpu.enqueue_dma source(%dma_start3A_156 : memref<320xf32, #tpu.memory_space<hbm>>) target(%dma_start3A_155 : memref<320xf32, #tpu.memory_space<vmem>>) target_semaphore(%arg34 : memref<!tpu.dma_semaphore, #tpu.memory_space<semaphore_mem>>)
        %mul3A_157 = arith.constant 4 : i32
        %mul3A_158 = arith.muli %mul3A_30, %mul3A_157 : i32
        %add3A_159 = arith.constant 480000 : i32
        %add3A_160 = arith.addi %add3A_159, %mul3A_158 : i32
        %dma_start3A_161 = arith.constant 3840 : i32
        %dma_start3A_162 = tpu.memref_slice %arg18[%dma_start3A_161] : memref<10240xf32, #tpu.memory_space<vmem>> -> memref<320xf32, #tpu.memory_space<vmem>>
        %dma_start3A_163 = tpu.memref_slice %arg5[%add3A_160] : memref<1280000xf32, #tpu.memory_space<hbm>> -> memref<320xf32, #tpu.memory_space<hbm>>
        %dma_start3A_164 = arith.constant 3840 : i32
        %dma_start3A_165 = tpu.memref_slice %arg18[%dma_start3A_164] : memref<10240xf32, #tpu.memory_space<vmem>> -> memref<320xf32, #tpu.memory_space<vmem>>
        %dma_start3A_166 = tpu.memref_slice %arg5[%add3A_160] : memref<1280000xf32, #tpu.memory_space<hbm>> -> memref<320xf32, #tpu.memory_space<hbm>>
        tpu.enqueue_dma source(%dma_start3A_166 : memref<320xf32, #tpu.memory_space<hbm>>) target(%dma_start3A_165 : memref<320xf32, #tpu.memory_space<vmem>>) target_semaphore(%arg34 : memref<!tpu.dma_semaphore, #tpu.memory_space<semaphore_mem>>)
        %mul3A_167 = arith.constant 4 : i32
        %mul3A_168 = arith.muli %mul3A_30, %mul3A_167 : i32
        %add3A_169 = arith.constant 520000 : i32
        %add3A_170 = arith.addi %add3A_169, %mul3A_168 : i32
        %dma_start3A_171 = arith.constant 4160 : i32
        %dma_start3A_172 = tpu.memref_slice %arg18[%dma_start3A_171] : memref<10240xf32, #tpu.memory_space<vmem>> -> memref<320xf32, #tpu.memory_space<vmem>>
        %dma_start3A_173 = tpu.memref_slice %arg5[%add3A_170] : memref<1280000xf32, #tpu.memory_space<hbm>> -> memref<320xf32, #tpu.memory_space<hbm>>
        %dma_start3A_174 = arith.constant 4160 : i32
        %dma_start3A_175 = tpu.memref_slice %arg18[%dma_start3A_174] : memref<10240xf32, #tpu.memory_space<vmem>> -> memref<320xf32, #tpu.memory_space<vmem>>
        %dma_start3A_176 = tpu.memref_slice %arg5[%add3A_170] : memref<1280000xf32, #tpu.memory_space<hbm>> -> memref<320xf32, #tpu.memory_space<hbm>>
        tpu.enqueue_dma source(%dma_start3A_176 : memref<320xf32, #tpu.memory_space<hbm>>) target(%dma_start3A_175 : memref<320xf32, #tpu.memory_space<vmem>>) target_semaphore(%arg34 : memref<!tpu.dma_semaphore, #tpu.memory_space<semaphore_mem>>)
        %mul3A_177 = arith.constant 4 : i32
        %mul3A_178 = arith.muli %mul3A_30, %mul3A_177 : i32
        %add3A_179 = arith.constant 560000 : i32
        %add3A_180 = arith.addi %add3A_179, %mul3A_178 : i32
        %dma_start3A_181 = arith.constant 4480 : i32
        %dma_start3A_182 = tpu.memref_slice %arg18[%dma_start3A_181] : memref<10240xf32, #tpu.memory_space<vmem>> -> memref<320xf32, #tpu.memory_space<vmem>>
        %dma_start3A_183 = tpu.memref_slice %arg5[%add3A_180] : memref<1280000xf32, #tpu.memory_space<hbm>> -> memref<320xf32, #tpu.memory_space<hbm>>
        %dma_start3A_184 = arith.constant 4480 : i32
        %dma_start3A_185 = tpu.memref_slice %arg18[%dma_start3A_184] : memref<10240xf32, #tpu.memory_space<vmem>> -> memref<320xf32, #tpu.memory_space<vmem>>
        %dma_start3A_186 = tpu.memref_slice %arg5[%add3A_180] : memref<1280000xf32, #tpu.memory_space<hbm>> -> memref<320xf32, #tpu.memory_space<hbm>>
        tpu.enqueue_dma source(%dma_start3A_186 : memref<320xf32, #tpu.memory_space<hbm>>) target(%dma_start3A_185 : memref<320xf32, #tpu.memory_space<vmem>>) target_semaphore(%arg34 : memref<!tpu.dma_semaphore, #tpu.memory_space<semaphore_mem>>)
        %mul3A_187 = arith.constant 4 : i32
        %mul3A_188 = arith.muli %mul3A_30, %mul3A_187 : i32
        %add3A_189 = arith.constant 600000 : i32
        %add3A_190 = arith.addi %add3A_189, %mul3A_188 : i32
        %dma_start3A_191 = arith.constant 4800 : i32
        %dma_start3A_192 = tpu.memref_slice %arg18[%dma_start3A_191] : memref<10240xf32, #tpu.memory_space<vmem>> -> memref<320xf32, #tpu.memory_space<vmem>>
        %dma_start3A_193 = tpu.memref_slice %arg5[%add3A_190] : memref<1280000xf32, #tpu.memory_space<hbm>> -> memref<320xf32, #tpu.memory_space<hbm>>
        %dma_start3A_194 = arith.constant 4800 : i32
        %dma_start3A_195 = tpu.memref_slice %arg18[%dma_start3A_194] : memref<10240xf32, #tpu.memory_space<vmem>> -> memref<320xf32, #tpu.memory_space<vmem>>
        %dma_start3A_196 = tpu.memref_slice %arg5[%add3A_190] : memref<1280000xf32, #tpu.memory_space<hbm>> -> memref<320xf32, #tpu.memory_space<hbm>>
        tpu.enqueue_dma source(%dma_start3A_196 : memref<320xf32, #tpu.memory_space<hbm>>) target(%dma_start3A_195 : memref<320xf32, #tpu.memory_space<vmem>>) target_semaphore(%arg34 : memref<!tpu.dma_semaphore, #tpu.memory_space<semaphore_mem>>)
        %mul3A_197 = arith.constant 4 : i32
        %mul3A_198 = arith.muli %mul3A_30, %mul3A_197 : i32
        %add3A_199 = arith.constant 640000 : i32
        %add3A_200 = arith.addi %add3A_199, %mul3A_198 : i32
        %dma_start3A_201 = arith.constant 5120 : i32
        %dma_start3A_202 = tpu.memref_slice %arg18[%dma_start3A_201] : memref<10240xf32, #tpu.memory_space<vmem>> -> memref<320xf32, #tpu.memory_space<vmem>>
        %dma_start3A_203 = tpu.memref_slice %arg5[%add3A_200] : memref<1280000xf32, #tpu.memory_space<hbm>> -> memref<320xf32, #tpu.memory_space<hbm>>
        %dma_start3A_204 = arith.constant 5120 : i32
        %dma_start3A_205 = tpu.memref_slice %arg18[%dma_start3A_204] : memref<10240xf32, #tpu.memory_space<vmem>> -> memref<320xf32, #tpu.memory_space<vmem>>
        %dma_start3A_206 = tpu.memref_slice %arg5[%add3A_200] : memref<1280000xf32, #tpu.memory_space<hbm>> -> memref<320xf32, #tpu.memory_space<hbm>>
        tpu.enqueue_dma source(%dma_start3A_206 : memref<320xf32, #tpu.memory_space<hbm>>) target(%dma_start3A_205 : memref<320xf32, #tpu.memory_space<vmem>>) target_semaphore(%arg34 : memref<!tpu.dma_semaphore, #tpu.memory_space<semaphore_mem>>)
        %mul3A_207 = arith.constant 4 : i32
        %mul3A_208 = arith.muli %mul3A_30, %mul3A_207 : i32
        %add3A_209 = arith.constant 680000 : i32
        %add3A_210 = arith.addi %add3A_209, %mul3A_208 : i32
        %dma_start3A_211 = arith.constant 5440 : i32
        %dma_start3A_212 = tpu.memref_slice %arg18[%dma_start3A_211] : memref<10240xf32, #tpu.memory_space<vmem>> -> memref<320xf32, #tpu.memory_space<vmem>>
        %dma_start3A_213 = tpu.memref_slice %arg5[%add3A_210] : memref<1280000xf32, #tpu.memory_space<hbm>> -> memref<320xf32, #tpu.memory_space<hbm>>
        %dma_start3A_214 = arith.constant 5440 : i32
        %dma_start3A_215 = tpu.memref_slice %arg18[%dma_start3A_214] : memref<10240xf32, #tpu.memory_space<vmem>> -> memref<320xf32, #tpu.memory_space<vmem>>
        %dma_start3A_216 = tpu.memref_slice %arg5[%add3A_210] : memref<1280000xf32, #tpu.memory_space<hbm>> -> memref<320xf32, #tpu.memory_space<hbm>>
        tpu.enqueue_dma source(%dma_start3A_216 : memref<320xf32, #tpu.memory_space<hbm>>) target(%dma_start3A_215 : memref<320xf32, #tpu.memory_space<vmem>>) target_semaphore(%arg34 : memref<!tpu.dma_semaphore, #tpu.memory_space<semaphore_mem>>)
        %mul3A_217 = arith.constant 4 : i32
        %mul3A_218 = arith.muli %mul3A_30, %mul3A_217 : i32
        %add3A_219 = arith.constant 720000 : i32
        %add3A_220 = arith.addi %add3A_219, %mul3A_218 : i32
        %dma_start3A_221 = arith.constant 5760 : i32
        %dma_start3A_222 = tpu.memref_slice %arg18[%dma_start3A_221] : memref<10240xf32, #tpu.memory_space<vmem>> -> memref<320xf32, #tpu.memory_space<vmem>>
        %dma_start3A_223 = tpu.memref_slice %arg5[%add3A_220] : memref<1280000xf32, #tpu.memory_space<hbm>> -> memref<320xf32, #tpu.memory_space<hbm>>
        %dma_start3A_224 = arith.constant 5760 : i32
        %dma_start3A_225 = tpu.memref_slice %arg18[%dma_start3A_224] : memref<10240xf32, #tpu.memory_space<vmem>> -> memref<320xf32, #tpu.memory_space<vmem>>
        %dma_start3A_226 = tpu.memref_slice %arg5[%add3A_220] : memref<1280000xf32, #tpu.memory_space<hbm>> -> memref<320xf32, #tpu.memory_space<hbm>>
        tpu.enqueue_dma source(%dma_start3A_226 : memref<320xf32, #tpu.memory_space<hbm>>) target(%dma_start3A_225 : memref<320xf32, #tpu.memory_space<vmem>>) target_semaphore(%arg34 : memref<!tpu.dma_semaphore, #tpu.memory_space<semaphore_mem>>)
        %mul3A_227 = arith.constant 4 : i32
        %mul3A_228 = arith.muli %mul3A_30, %mul3A_227 : i32
        %add3A_229 = arith.constant 760000 : i32
        %add3A_230 = arith.addi %add3A_229, %mul3A_228 : i32
        %dma_start3A_231 = arith.constant 6080 : i32
        %dma_start3A_232 = tpu.memref_slice %arg18[%dma_start3A_231] : memref<10240xf32, #tpu.memory_space<vmem>> -> memref<320xf32, #tpu.memory_space<vmem>>
        %dma_start3A_233 = tpu.memref_slice %arg5[%add3A_230] : memref<1280000xf32, #tpu.memory_space<hbm>> -> memref<320xf32, #tpu.memory_space<hbm>>
        %dma_start3A_234 = arith.constant 6080 : i32
        %dma_start3A_235 = tpu.memref_slice %arg18[%dma_start3A_234] : memref<10240xf32, #tpu.memory_space<vmem>> -> memref<320xf32, #tpu.memory_space<vmem>>
        %dma_start3A_236 = tpu.memref_slice %arg5[%add3A_230] : memref<1280000xf32, #tpu.memory_space<hbm>> -> memref<320xf32, #tpu.memory_space<hbm>>
        tpu.enqueue_dma source(%dma_start3A_236 : memref<320xf32, #tpu.memory_space<hbm>>) target(%dma_start3A_235 : memref<320xf32, #tpu.memory_space<vmem>>) target_semaphore(%arg34 : memref<!tpu.dma_semaphore, #tpu.memory_space<semaphore_mem>>)
        %mul3A_237 = arith.constant 4 : i32
        %mul3A_238 = arith.muli %mul3A_30, %mul3A_237 : i32
        %add3A_239 = arith.constant 800000 : i32
        %add3A_240 = arith.addi %add3A_239, %mul3A_238 : i32
        %dma_start3A_241 = arith.constant 6400 : i32
        %dma_start3A_242 = tpu.memref_slice %arg18[%dma_start3A_241] : memref<10240xf32, #tpu.memory_space<vmem>> -> memref<320xf32, #tpu.memory_space<vmem>>
        %dma_start3A_243 = tpu.memref_slice %arg5[%add3A_240] : memref<1280000xf32, #tpu.memory_space<hbm>> -> memref<320xf32, #tpu.memory_space<hbm>>
        %dma_start3A_244 = arith.constant 6400 : i32
        %dma_start3A_245 = tpu.memref_slice %arg18[%dma_start3A_244] : memref<10240xf32, #tpu.memory_space<vmem>> -> memref<320xf32, #tpu.memory_space<vmem>>
        %dma_start3A_246 = tpu.memref_slice %arg5[%add3A_240] : memref<1280000xf32, #tpu.memory_space<hbm>> -> memref<320xf32, #tpu.memory_space<hbm>>
        tpu.enqueue_dma source(%dma_start3A_246 : memref<320xf32, #tpu.memory_space<hbm>>) target(%dma_start3A_245 : memref<320xf32, #tpu.memory_space<vmem>>) target_semaphore(%arg34 : memref<!tpu.dma_semaphore, #tpu.memory_space<semaphore_mem>>)
        %mul3A_247 = arith.constant 4 : i32
        %mul3A_248 = arith.muli %mul3A_30, %mul3A_247 : i32
        %add3A_249 = arith.constant 840000 : i32
        %add3A_250 = arith.addi %add3A_249, %mul3A_248 : i32
        %dma_start3A_251 = arith.constant 6720 : i32
        %dma_start3A_252 = tpu.memref_slice %arg18[%dma_start3A_251] : memref<10240xf32, #tpu.memory_space<vmem>> -> memref<320xf32, #tpu.memory_space<vmem>>
        %dma_start3A_253 = tpu.memref_slice %arg5[%add3A_250] : memref<1280000xf32, #tpu.memory_space<hbm>> -> memref<320xf32, #tpu.memory_space<hbm>>
        %dma_start3A_254 = arith.constant 6720 : i32
        %dma_start3A_255 = tpu.memref_slice %arg18[%dma_start3A_254] : memref<10240xf32, #tpu.memory_space<vmem>> -> memref<320xf32, #tpu.memory_space<vmem>>
        %dma_start3A_256 = tpu.memref_slice %arg5[%add3A_250] : memref<1280000xf32, #tpu.memory_space<hbm>> -> memref<320xf32, #tpu.memory_space<hbm>>
        tpu.enqueue_dma source(%dma_start3A_256 : memref<320xf32, #tpu.memory_space<hbm>>) target(%dma_start3A_255 : memref<320xf32, #tpu.memory_space<vmem>>) target_semaphore(%arg34 : memref<!tpu.dma_semaphore, #tpu.memory_space<semaphore_mem>>)
        %mul3A_257 = arith.constant 4 : i32
        %mul3A_258 = arith.muli %mul3A_30, %mul3A_257 : i32
        %add3A_259 = arith.constant 880000 : i32
        %add3A_260 = arith.addi %add3A_259, %mul3A_258 : i32
        %dma_start3A_261 = arith.constant 7040 : i32
        %dma_start3A_262 = tpu.memref_slice %arg18[%dma_start3A_261] : memref<10240xf32, #tpu.memory_space<vmem>> -> memref<320xf32, #tpu.memory_space<vmem>>
        %dma_start3A_263 = tpu.memref_slice %arg5[%add3A_260] : memref<1280000xf32, #tpu.memory_space<hbm>> -> memref<320xf32, #tpu.memory_space<hbm>>
        %dma_start3A_264 = arith.constant 7040 : i32
        %dma_start3A_265 = tpu.memref_slice %arg18[%dma_start3A_264] : memref<10240xf32, #tpu.memory_space<vmem>> -> memref<320xf32, #tpu.memory_space<vmem>>
        %dma_start3A_266 = tpu.memref_slice %arg5[%add3A_260] : memref<1280000xf32, #tpu.memory_space<hbm>> -> memref<320xf32, #tpu.memory_space<hbm>>
        tpu.enqueue_dma source(%dma_start3A_266 : memref<320xf32, #tpu.memory_space<hbm>>) target(%dma_start3A_265 : memref<320xf32, #tpu.memory_space<vmem>>) target_semaphore(%arg34 : memref<!tpu.dma_semaphore, #tpu.memory_space<semaphore_mem>>)
        %mul3A_267 = arith.constant 4 : i32
        %mul3A_268 = arith.muli %mul3A_30, %mul3A_267 : i32
        %add3A_269 = arith.constant 920000 : i32
        %add3A_270 = arith.addi %add3A_269, %mul3A_268 : i32
        %dma_start3A_271 = arith.constant 7360 : i32
        %dma_start3A_272 = tpu.memref_slice %arg18[%dma_start3A_271] : memref<10240xf32, #tpu.memory_space<vmem>> -> memref<320xf32, #tpu.memory_space<vmem>>
        %dma_start3A_273 = tpu.memref_slice %arg5[%add3A_270] : memref<1280000xf32, #tpu.memory_space<hbm>> -> memref<320xf32, #tpu.memory_space<hbm>>
        %dma_start3A_274 = arith.constant 7360 : i32
        %dma_start3A_275 = tpu.memref_slice %arg18[%dma_start3A_274] : memref<10240xf32, #tpu.memory_space<vmem>> -> memref<320xf32, #tpu.memory_space<vmem>>
        %dma_start3A_276 = tpu.memref_slice %arg5[%add3A_270] : memref<1280000xf32, #tpu.memory_space<hbm>> -> memref<320xf32, #tpu.memory_space<hbm>>
        tpu.enqueue_dma source(%dma_start3A_276 : memref<320xf32, #tpu.memory_space<hbm>>) target(%dma_start3A_275 : memref<320xf32, #tpu.memory_space<vmem>>) target_semaphore(%arg34 : memref<!tpu.dma_semaphore, #tpu.memory_space<semaphore_mem>>)
        %mul3A_277 = arith.constant 4 : i32
        %mul3A_278 = arith.muli %mul3A_30, %mul3A_277 : i32
        %add3A_279 = arith.constant 960000 : i32
        %add3A_280 = arith.addi %add3A_279, %mul3A_278 : i32
        %dma_start3A_281 = arith.constant 7680 : i32
        %dma_start3A_282 = tpu.memref_slice %arg18[%dma_start3A_281] : memref<10240xf32, #tpu.memory_space<vmem>> -> memref<320xf32, #tpu.memory_space<vmem>>
        %dma_start3A_283 = tpu.memref_slice %arg5[%add3A_280] : memref<1280000xf32, #tpu.memory_space<hbm>> -> memref<320xf32, #tpu.memory_space<hbm>>
        %dma_start3A_284 = arith.constant 7680 : i32
        %dma_start3A_285 = tpu.memref_slice %arg18[%dma_start3A_284] : memref<10240xf32, #tpu.memory_space<vmem>> -> memref<320xf32, #tpu.memory_space<vmem>>
        %dma_start3A_286 = tpu.memref_slice %arg5[%add3A_280] : memref<1280000xf32, #tpu.memory_space<hbm>> -> memref<320xf32, #tpu.memory_space<hbm>>
        tpu.enqueue_dma source(%dma_start3A_286 : memref<320xf32, #tpu.memory_space<hbm>>) target(%dma_start3A_285 : memref<320xf32, #tpu.memory_space<vmem>>) target_semaphore(%arg34 : memref<!tpu.dma_semaphore, #tpu.memory_space<semaphore_mem>>)
        %mul3A_287 = arith.constant 4 : i32
        %mul3A_288 = arith.muli %mul3A_30, %mul3A_287 : i32
        %add3A_289 = arith.constant 1000000 : i32
        %add3A_290 = arith.addi %add3A_289, %mul3A_288 : i32
        %dma_start3A_291 = arith.constant 8000 : i32
        %dma_start3A_292 = tpu.memref_slice %arg18[%dma_start3A_291] : memref<10240xf32, #tpu.memory_space<vmem>> -> memref<320xf32, #tpu.memory_space<vmem>>
        %dma_start3A_293 = tpu.memref_slice %arg5[%add3A_290] : memref<1280000xf32, #tpu.memory_space<hbm>> -> memref<320xf32, #tpu.memory_space<hbm>>
        %dma_start3A_294 = arith.constant 8000 : i32
        %dma_start3A_295 = tpu.memref_slice %arg18[%dma_start3A_294] : memref<10240xf32, #tpu.memory_space<vmem>> -> memref<320xf32, #tpu.memory_space<vmem>>
        %dma_start3A_296 = tpu.memref_slice %arg5[%add3A_290] : memref<1280000xf32, #tpu.memory_space<hbm>> -> memref<320xf32, #tpu.memory_space<hbm>>
        tpu.enqueue_dma source(%dma_start3A_296 : memref<320xf32, #tpu.memory_space<hbm>>) target(%dma_start3A_295 : memref<320xf32, #tpu.memory_space<vmem>>) target_semaphore(%arg34 : memref<!tpu.dma_semaphore, #tpu.memory_space<semaphore_mem>>)
        %mul3A_297 = arith.constant 4 : i32
        %mul3A_298 = arith.muli %mul3A_30, %mul3A_297 : i32
        %add3A_299 = arith.constant 1040000 : i32
        %add3A_300 = arith.addi %add3A_299, %mul3A_298 : i32
        %dma_start3A_301 = arith.constant 8320 : i32
        %dma_start3A_302 = tpu.memref_slice %arg18[%dma_start3A_301] : memref<10240xf32, #tpu.memory_space<vmem>> -> memref<320xf32, #tpu.memory_space<vmem>>
        %dma_start3A_303 = tpu.memref_slice %arg5[%add3A_300] : memref<1280000xf32, #tpu.memory_space<hbm>> -> memref<320xf32, #tpu.memory_space<hbm>>
        %dma_start3A_304 = arith.constant 8320 : i32
        %dma_start3A_305 = tpu.memref_slice %arg18[%dma_start3A_304] : memref<10240xf32, #tpu.memory_space<vmem>> -> memref<320xf32, #tpu.memory_space<vmem>>
        %dma_start3A_306 = tpu.memref_slice %arg5[%add3A_300] : memref<1280000xf32, #tpu.memory_space<hbm>> -> memref<320xf32, #tpu.memory_space<hbm>>
        tpu.enqueue_dma source(%dma_start3A_306 : memref<320xf32, #tpu.memory_space<hbm>>) target(%dma_start3A_305 : memref<320xf32, #tpu.memory_space<vmem>>) target_semaphore(%arg34 : memref<!tpu.dma_semaphore, #tpu.memory_space<semaphore_mem>>)
        %mul3A_307 = arith.constant 4 : i32
        %mul3A_308 = arith.muli %mul3A_30, %mul3A_307 : i32
        %add3A_309 = arith.constant 1080000 : i32
        %add3A_310 = arith.addi %add3A_309, %mul3A_308 : i32
        %dma_start3A_311 = arith.constant 8640 : i32
        %dma_start3A_312 = tpu.memref_slice %arg18[%dma_start3A_311] : memref<10240xf32, #tpu.memory_space<vmem>> -> memref<320xf32, #tpu.memory_space<vmem>>
        %dma_start3A_313 = tpu.memref_slice %arg5[%add3A_310] : memref<1280000xf32, #tpu.memory_space<hbm>> -> memref<320xf32, #tpu.memory_space<hbm>>
        %dma_start3A_314 = arith.constant 8640 : i32
        %dma_start3A_315 = tpu.memref_slice %arg18[%dma_start3A_314] : memref<10240xf32, #tpu.memory_space<vmem>> -> memref<320xf32, #tpu.memory_space<vmem>>
        %dma_start3A_316 = tpu.memref_slice %arg5[%add3A_310] : memref<1280000xf32, #tpu.memory_space<hbm>> -> memref<320xf32, #tpu.memory_space<hbm>>
        tpu.enqueue_dma source(%dma_start3A_316 : memref<320xf32, #tpu.memory_space<hbm>>) target(%dma_start3A_315 : memref<320xf32, #tpu.memory_space<vmem>>) target_semaphore(%arg34 : memref<!tpu.dma_semaphore, #tpu.memory_space<semaphore_mem>>)
        %mul3A_317 = arith.constant 4 : i32
        %mul3A_318 = arith.muli %mul3A_30, %mul3A_317 : i32
        %add3A_319 = arith.constant 1120000 : i32
        %add3A_320 = arith.addi %add3A_319, %mul3A_318 : i32
        %dma_start3A_321 = arith.constant 8960 : i32
        %dma_start3A_322 = tpu.memref_slice %arg18[%dma_start3A_321] : memref<10240xf32, #tpu.memory_space<vmem>> -> memref<320xf32, #tpu.memory_space<vmem>>
        %dma_start3A_323 = tpu.memref_slice %arg5[%add3A_320] : memref<1280000xf32, #tpu.memory_space<hbm>> -> memref<320xf32, #tpu.memory_space<hbm>>
        %dma_start3A_324 = arith.constant 8960 : i32
        %dma_start3A_325 = tpu.memref_slice %arg18[%dma_start3A_324] : memref<10240xf32, #tpu.memory_space<vmem>> -> memref<320xf32, #tpu.memory_space<vmem>>
        %dma_start3A_326 = tpu.memref_slice %arg5[%add3A_320] : memref<1280000xf32, #tpu.memory_space<hbm>> -> memref<320xf32, #tpu.memory_space<hbm>>
        tpu.enqueue_dma source(%dma_start3A_326 : memref<320xf32, #tpu.memory_space<hbm>>) target(%dma_start3A_325 : memref<320xf32, #tpu.memory_space<vmem>>) target_semaphore(%arg34 : memref<!tpu.dma_semaphore, #tpu.memory_space<semaphore_mem>>)
        %mul3A_327 = arith.constant 4 : i32
        %mul3A_328 = arith.muli %mul3A_30, %mul3A_327 : i32
        %add3A_329 = arith.constant 1160000 : i32
        %add3A_330 = arith.addi %add3A_329, %mul3A_328 : i32
        %dma_start3A_331 = arith.constant 9280 : i32
        %dma_start3A_332 = tpu.memref_slice %arg18[%dma_start3A_331] : memref<10240xf32, #tpu.memory_space<vmem>> -> memref<320xf32, #tpu.memory_space<vmem>>
        %dma_start3A_333 = tpu.memref_slice %arg5[%add3A_330] : memref<1280000xf32, #tpu.memory_space<hbm>> -> memref<320xf32, #tpu.memory_space<hbm>>
        %dma_start3A_334 = arith.constant 9280 : i32
        %dma_start3A_335 = tpu.memref_slice %arg18[%dma_start3A_334] : memref<10240xf32, #tpu.memory_space<vmem>> -> memref<320xf32, #tpu.memory_space<vmem>>
        %dma_start3A_336 = tpu.memref_slice %arg5[%add3A_330] : memref<1280000xf32, #tpu.memory_space<hbm>> -> memref<320xf32, #tpu.memory_space<hbm>>
        tpu.enqueue_dma source(%dma_start3A_336 : memref<320xf32, #tpu.memory_space<hbm>>) target(%dma_start3A_335 : memref<320xf32, #tpu.memory_space<vmem>>) target_semaphore(%arg34 : memref<!tpu.dma_semaphore, #tpu.memory_space<semaphore_mem>>)
        %mul3A_337 = arith.constant 4 : i32
        %mul3A_338 = arith.muli %mul3A_30, %mul3A_337 : i32
        %add3A_339 = arith.constant 1200000 : i32
        %add3A_340 = arith.addi %add3A_339, %mul3A_338 : i32
        %dma_start3A_341 = arith.constant 9600 : i32
        %dma_start3A_342 = tpu.memref_slice %arg18[%dma_start3A_341] : memref<10240xf32, #tpu.memory_space<vmem>> -> memref<320xf32, #tpu.memory_space<vmem>>
        %dma_start3A_343 = tpu.memref_slice %arg5[%add3A_340] : memref<1280000xf32, #tpu.memory_space<hbm>> -> memref<320xf32, #tpu.memory_space<hbm>>
        %dma_start3A_344 = arith.constant 9600 : i32
        %dma_start3A_345 = tpu.memref_slice %arg18[%dma_start3A_344] : memref<10240xf32, #tpu.memory_space<vmem>> -> memref<320xf32, #tpu.memory_space<vmem>>
        %dma_start3A_346 = tpu.memref_slice %arg5[%add3A_340] : memref<1280000xf32, #tpu.memory_space<hbm>> -> memref<320xf32, #tpu.memory_space<hbm>>
        tpu.enqueue_dma source(%dma_start3A_346 : memref<320xf32, #tpu.memory_space<hbm>>) target(%dma_start3A_345 : memref<320xf32, #tpu.memory_space<vmem>>) target_semaphore(%arg34 : memref<!tpu.dma_semaphore, #tpu.memory_space<semaphore_mem>>)
        %mul3A_347 = arith.constant 4 : i32
        %mul3A_348 = arith.muli %mul3A_30, %mul3A_347 : i32
        %add3A_349 = arith.constant 1240000 : i32
        %add3A_350 = arith.addi %add3A_349, %mul3A_348 : i32
        %dma_start3A_351 = arith.constant 9920 : i32
        %dma_start3A_352 = tpu.memref_slice %arg18[%dma_start3A_351] : memref<10240xf32, #tpu.memory_space<vmem>> -> memref<320xf32, #tpu.memory_space<vmem>>
        %dma_start3A_353 = tpu.memref_slice %arg5[%add3A_350] : memref<1280000xf32, #tpu.memory_space<hbm>> -> memref<320xf32, #tpu.memory_space<hbm>>
        %dma_start3A_354 = arith.constant 9920 : i32
        %dma_start3A_355 = tpu.memref_slice %arg18[%dma_start3A_354] : memref<10240xf32, #tpu.memory_space<vmem>> -> memref<320xf32, #tpu.memory_space<vmem>>
        %dma_start3A_356 = tpu.memref_slice %arg5[%add3A_350] : memref<1280000xf32, #tpu.memory_space<hbm>> -> memref<320xf32, #tpu.memory_space<hbm>>
        tpu.enqueue_dma source(%dma_start3A_356 : memref<320xf32, #tpu.memory_space<hbm>>) target(%dma_start3A_355 : memref<320xf32, #tpu.memory_space<vmem>>) target_semaphore(%arg34 : memref<!tpu.dma_semaphore, #tpu.memory_space<semaphore_mem>>)
        %dma_wait3A = arith.constant 0 : i32
        %dma_wait3A_357 = tpu.memref_slice %arg18[%dma_wait3A] : memref<10240xf32, #tpu.memory_space<vmem>> -> memref<320xf32, #tpu.memory_space<vmem>>
        %dma_wait3A_358 = tpu.memref_slice %arg5[%add3A_41] : memref<1280000xf32, #tpu.memory_space<hbm>> -> memref<320xf32, #tpu.memory_space<hbm>>
        %dma_wait3A_359 = arith.constant 0 : i32
        %dma_wait3A_360 = tpu.memref_slice %arg18[%dma_wait3A_359] : memref<10240xf32, #tpu.memory_space<vmem>> -> memref<320xf32, #tpu.memory_space<vmem>>
        %dma_wait3A_361 = tpu.memref_slice %arg5[%add3A_41] : memref<1280000xf32, #tpu.memory_space<hbm>> -> memref<320xf32, #tpu.memory_space<hbm>>
        tpu.wait_dma2 semaphore(%arg34 : memref<!tpu.dma_semaphore, #tpu.memory_space<semaphore_mem>>) src(%dma_wait3A_361 : memref<320xf32, #tpu.memory_space<hbm>>) dst(%dma_wait3A_360 : memref<320xf32, #tpu.memory_space<vmem>>)
        %dma_wait3A_362 = arith.constant 320 : i32
        %dma_wait3A_363 = tpu.memref_slice %arg18[%dma_wait3A_362] : memref<10240xf32, #tpu.memory_space<vmem>> -> memref<320xf32, #tpu.memory_space<vmem>>
        %dma_wait3A_364 = tpu.memref_slice %arg5[%add3A_50] : memref<1280000xf32, #tpu.memory_space<hbm>> -> memref<320xf32, #tpu.memory_space<hbm>>
        %dma_wait3A_365 = arith.constant 320 : i32
        %dma_wait3A_366 = tpu.memref_slice %arg18[%dma_wait3A_365] : memref<10240xf32, #tpu.memory_space<vmem>> -> memref<320xf32, #tpu.memory_space<vmem>>
        %dma_wait3A_367 = tpu.memref_slice %arg5[%add3A_50] : memref<1280000xf32, #tpu.memory_space<hbm>> -> memref<320xf32, #tpu.memory_space<hbm>>
        tpu.wait_dma2 semaphore(%arg34 : memref<!tpu.dma_semaphore, #tpu.memory_space<semaphore_mem>>) src(%dma_wait3A_367 : memref<320xf32, #tpu.memory_space<hbm>>) dst(%dma_wait3A_366 : memref<320xf32, #tpu.memory_space<vmem>>)
        %dma_wait3A_368 = arith.constant 640 : i32
        %dma_wait3A_369 = tpu.memref_slice %arg18[%dma_wait3A_368] : memref<10240xf32, #tpu.memory_space<vmem>> -> memref<320xf32, #tpu.memory_space<vmem>>
        %dma_wait3A_370 = tpu.memref_slice %arg5[%add3A_60] : memref<1280000xf32, #tpu.memory_space<hbm>> -> memref<320xf32, #tpu.memory_space<hbm>>
        %dma_wait3A_371 = arith.constant 640 : i32
        %dma_wait3A_372 = tpu.memref_slice %arg18[%dma_wait3A_371] : memref<10240xf32, #tpu.memory_space<vmem>> -> memref<320xf32, #tpu.memory_space<vmem>>
        %dma_wait3A_373 = tpu.memref_slice %arg5[%add3A_60] : memref<1280000xf32, #tpu.memory_space<hbm>> -> memref<320xf32, #tpu.memory_space<hbm>>
        tpu.wait_dma2 semaphore(%arg34 : memref<!tpu.dma_semaphore, #tpu.memory_space<semaphore_mem>>) src(%dma_wait3A_373 : memref<320xf32, #tpu.memory_space<hbm>>) dst(%dma_wait3A_372 : memref<320xf32, #tpu.memory_space<vmem>>)
        %dma_wait3A_374 = arith.constant 960 : i32
        %dma_wait3A_375 = tpu.memref_slice %arg18[%dma_wait3A_374] : memref<10240xf32, #tpu.memory_space<vmem>> -> memref<320xf32, #tpu.memory_space<vmem>>
        %dma_wait3A_376 = tpu.memref_slice %arg5[%add3A_70] : memref<1280000xf32, #tpu.memory_space<hbm>> -> memref<320xf32, #tpu.memory_space<hbm>>
        %dma_wait3A_377 = arith.constant 960 : i32
        %dma_wait3A_378 = tpu.memref_slice %arg18[%dma_wait3A_377] : memref<10240xf32, #tpu.memory_space<vmem>> -> memref<320xf32, #tpu.memory_space<vmem>>
        %dma_wait3A_379 = tpu.memref_slice %arg5[%add3A_70] : memref<1280000xf32, #tpu.memory_space<hbm>> -> memref<320xf32, #tpu.memory_space<hbm>>
        tpu.wait_dma2 semaphore(%arg34 : memref<!tpu.dma_semaphore, #tpu.memory_space<semaphore_mem>>) src(%dma_wait3A_379 : memref<320xf32, #tpu.memory_space<hbm>>) dst(%dma_wait3A_378 : memref<320xf32, #tpu.memory_space<vmem>>)
        %dma_wait3A_380 = arith.constant 1280 : i32
        %dma_wait3A_381 = tpu.memref_slice %arg18[%dma_wait3A_380] : memref<10240xf32, #tpu.memory_space<vmem>> -> memref<320xf32, #tpu.memory_space<vmem>>
        %dma_wait3A_382 = tpu.memref_slice %arg5[%add3A_80] : memref<1280000xf32, #tpu.memory_space<hbm>> -> memref<320xf32, #tpu.memory_space<hbm>>
        %dma_wait3A_383 = arith.constant 1280 : i32
        %dma_wait3A_384 = tpu.memref_slice %arg18[%dma_wait3A_383] : memref<10240xf32, #tpu.memory_space<vmem>> -> memref<320xf32, #tpu.memory_space<vmem>>
        %dma_wait3A_385 = tpu.memref_slice %arg5[%add3A_80] : memref<1280000xf32, #tpu.memory_space<hbm>> -> memref<320xf32, #tpu.memory_space<hbm>>
        tpu.wait_dma2 semaphore(%arg34 : memref<!tpu.dma_semaphore, #tpu.memory_space<semaphore_mem>>) src(%dma_wait3A_385 : memref<320xf32, #tpu.memory_space<hbm>>) dst(%dma_wait3A_384 : memref<320xf32, #tpu.memory_space<vmem>>)
        %dma_wait3A_386 = arith.constant 1600 : i32
        %dma_wait3A_387 = tpu.memref_slice %arg18[%dma_wait3A_386] : memref<10240xf32, #tpu.memory_space<vmem>> -> memref<320xf32, #tpu.memory_space<vmem>>
        %dma_wait3A_388 = tpu.memref_slice %arg5[%add3A_90] : memref<1280000xf32, #tpu.memory_space<hbm>> -> memref<320xf32, #tpu.memory_space<hbm>>
        %dma_wait3A_389 = arith.constant 1600 : i32
        %dma_wait3A_390 = tpu.memref_slice %arg18[%dma_wait3A_389] : memref<10240xf32, #tpu.memory_space<vmem>> -> memref<320xf32, #tpu.memory_space<vmem>>
        %dma_wait3A_391 = tpu.memref_slice %arg5[%add3A_90] : memref<1280000xf32, #tpu.memory_space<hbm>> -> memref<320xf32, #tpu.memory_space<hbm>>
        tpu.wait_dma2 semaphore(%arg34 : memref<!tpu.dma_semaphore, #tpu.memory_space<semaphore_mem>>) src(%dma_wait3A_391 : memref<320xf32, #tpu.memory_space<hbm>>) dst(%dma_wait3A_390 : memref<320xf32, #tpu.memory_space<vmem>>)
        %dma_wait3A_392 = arith.constant 1920 : i32
        %dma_wait3A_393 = tpu.memref_slice %arg18[%dma_wait3A_392] : memref<10240xf32, #tpu.memory_space<vmem>> -> memref<320xf32, #tpu.memory_space<vmem>>
        %dma_wait3A_394 = tpu.memref_slice %arg5[%add3A_100] : memref<1280000xf32, #tpu.memory_space<hbm>> -> memref<320xf32, #tpu.memory_space<hbm>>
        %dma_wait3A_395 = arith.constant 1920 : i32
        %dma_wait3A_396 = tpu.memref_slice %arg18[%dma_wait3A_395] : memref<10240xf32, #tpu.memory_space<vmem>> -> memref<320xf32, #tpu.memory_space<vmem>>
        %dma_wait3A_397 = tpu.memref_slice %arg5[%add3A_100] : memref<1280000xf32, #tpu.memory_space<hbm>> -> memref<320xf32, #tpu.memory_space<hbm>>
        tpu.wait_dma2 semaphore(%arg34 : memref<!tpu.dma_semaphore, #tpu.memory_space<semaphore_mem>>) src(%dma_wait3A_397 : memref<320xf32, #tpu.memory_space<hbm>>) dst(%dma_wait3A_396 : memref<320xf32, #tpu.memory_space<vmem>>)
        %dma_wait3A_398 = arith.constant 2240 : i32
        %dma_wait3A_399 = tpu.memref_slice %arg18[%dma_wait3A_398] : memref<10240xf32, #tpu.memory_space<vmem>> -> memref<320xf32, #tpu.memory_space<vmem>>
        %dma_wait3A_400 = tpu.memref_slice %arg5[%add3A_110] : memref<1280000xf32, #tpu.memory_space<hbm>> -> memref<320xf32, #tpu.memory_space<hbm>>
        %dma_wait3A_401 = arith.constant 2240 : i32
        %dma_wait3A_402 = tpu.memref_slice %arg18[%dma_wait3A_401] : memref<10240xf32, #tpu.memory_space<vmem>> -> memref<320xf32, #tpu.memory_space<vmem>>
        %dma_wait3A_403 = tpu.memref_slice %arg5[%add3A_110] : memref<1280000xf32, #tpu.memory_space<hbm>> -> memref<320xf32, #tpu.memory_space<hbm>>
        tpu.wait_dma2 semaphore(%arg34 : memref<!tpu.dma_semaphore, #tpu.memory_space<semaphore_mem>>) src(%dma_wait3A_403 : memref<320xf32, #tpu.memory_space<hbm>>) dst(%dma_wait3A_402 : memref<320xf32, #tpu.memory_space<vmem>>)
        %dma_wait3A_404 = arith.constant 2560 : i32
        %dma_wait3A_405 = tpu.memref_slice %arg18[%dma_wait3A_404] : memref<10240xf32, #tpu.memory_space<vmem>> -> memref<320xf32, #tpu.memory_space<vmem>>
        %dma_wait3A_406 = tpu.memref_slice %arg5[%add3A_120] : memref<1280000xf32, #tpu.memory_space<hbm>> -> memref<320xf32, #tpu.memory_space<hbm>>
        %dma_wait3A_407 = arith.constant 2560 : i32
        %dma_wait3A_408 = tpu.memref_slice %arg18[%dma_wait3A_407] : memref<10240xf32, #tpu.memory_space<vmem>> -> memref<320xf32, #tpu.memory_space<vmem>>
        %dma_wait3A_409 = tpu.memref_slice %arg5[%add3A_120] : memref<1280000xf32, #tpu.memory_space<hbm>> -> memref<320xf32, #tpu.memory_space<hbm>>
        tpu.wait_dma2 semaphore(%arg34 : memref<!tpu.dma_semaphore, #tpu.memory_space<semaphore_mem>>) src(%dma_wait3A_409 : memref<320xf32, #tpu.memory_space<hbm>>) dst(%dma_wait3A_408 : memref<320xf32, #tpu.memory_space<vmem>>)
        %dma_wait3A_410 = arith.constant 2880 : i32
        %dma_wait3A_411 = tpu.memref_slice %arg18[%dma_wait3A_410] : memref<10240xf32, #tpu.memory_space<vmem>> -> memref<320xf32, #tpu.memory_space<vmem>>
        %dma_wait3A_412 = tpu.memref_slice %arg5[%add3A_130] : memref<1280000xf32, #tpu.memory_space<hbm>> -> memref<320xf32, #tpu.memory_space<hbm>>
        %dma_wait3A_413 = arith.constant 2880 : i32
        %dma_wait3A_414 = tpu.memref_slice %arg18[%dma_wait3A_413] : memref<10240xf32, #tpu.memory_space<vmem>> -> memref<320xf32, #tpu.memory_space<vmem>>
        %dma_wait3A_415 = tpu.memref_slice %arg5[%add3A_130] : memref<1280000xf32, #tpu.memory_space<hbm>> -> memref<320xf32, #tpu.memory_space<hbm>>
        tpu.wait_dma2 semaphore(%arg34 : memref<!tpu.dma_semaphore, #tpu.memory_space<semaphore_mem>>) src(%dma_wait3A_415 : memref<320xf32, #tpu.memory_space<hbm>>) dst(%dma_wait3A_414 : memref<320xf32, #tpu.memory_space<vmem>>)
        %dma_wait3A_416 = arith.constant 3200 : i32
        %dma_wait3A_417 = tpu.memref_slice %arg18[%dma_wait3A_416] : memref<10240xf32, #tpu.memory_space<vmem>> -> memref<320xf32, #tpu.memory_space<vmem>>
        %dma_wait3A_418 = tpu.memref_slice %arg5[%add3A_140] : memref<1280000xf32, #tpu.memory_space<hbm>> -> memref<320xf32, #tpu.memory_space<hbm>>
        %dma_wait3A_419 = arith.constant 3200 : i32
        %dma_wait3A_420 = tpu.memref_slice %arg18[%dma_wait3A_419] : memref<10240xf32, #tpu.memory_space<vmem>> -> memref<320xf32, #tpu.memory_space<vmem>>
        %dma_wait3A_421 = tpu.memref_slice %arg5[%add3A_140] : memref<1280000xf32, #tpu.memory_space<hbm>> -> memref<320xf32, #tpu.memory_space<hbm>>
        tpu.wait_dma2 semaphore(%arg34 : memref<!tpu.dma_semaphore, #tpu.memory_space<semaphore_mem>>) src(%dma_wait3A_421 : memref<320xf32, #tpu.memory_space<hbm>>) dst(%dma_wait3A_420 : memref<320xf32, #tpu.memory_space<vmem>>)
        %dma_wait3A_422 = arith.constant 3520 : i32
        %dma_wait3A_423 = tpu.memref_slice %arg18[%dma_wait3A_422] : memref<10240xf32, #tpu.memory_space<vmem>> -> memref<320xf32, #tpu.memory_space<vmem>>
        %dma_wait3A_424 = tpu.memref_slice %arg5[%add3A_150] : memref<1280000xf32, #tpu.memory_space<hbm>> -> memref<320xf32, #tpu.memory_space<hbm>>
        %dma_wait3A_425 = arith.constant 3520 : i32
        %dma_wait3A_426 = tpu.memref_slice %arg18[%dma_wait3A_425] : memref<10240xf32, #tpu.memory_space<vmem>> -> memref<320xf32, #tpu.memory_space<vmem>>
        %dma_wait3A_427 = tpu.memref_slice %arg5[%add3A_150] : memref<1280000xf32, #tpu.memory_space<hbm>> -> memref<320xf32, #tpu.memory_space<hbm>>
        tpu.wait_dma2 semaphore(%arg34 : memref<!tpu.dma_semaphore, #tpu.memory_space<semaphore_mem>>) src(%dma_wait3A_427 : memref<320xf32, #tpu.memory_space<hbm>>) dst(%dma_wait3A_426 : memref<320xf32, #tpu.memory_space<vmem>>)
        %dma_wait3A_428 = arith.constant 3840 : i32
        %dma_wait3A_429 = tpu.memref_slice %arg18[%dma_wait3A_428] : memref<10240xf32, #tpu.memory_space<vmem>> -> memref<320xf32, #tpu.memory_space<vmem>>
        %dma_wait3A_430 = tpu.memref_slice %arg5[%add3A_160] : memref<1280000xf32, #tpu.memory_space<hbm>> -> memref<320xf32, #tpu.memory_space<hbm>>
        %dma_wait3A_431 = arith.constant 3840 : i32
        %dma_wait3A_432 = tpu.memref_slice %arg18[%dma_wait3A_431] : memref<10240xf32, #tpu.memory_space<vmem>> -> memref<320xf32, #tpu.memory_space<vmem>>
        %dma_wait3A_433 = tpu.memref_slice %arg5[%add3A_160] : memref<1280000xf32, #tpu.memory_space<hbm>> -> memref<320xf32, #tpu.memory_space<hbm>>
        tpu.wait_dma2 semaphore(%arg34 : memref<!tpu.dma_semaphore, #tpu.memory_space<semaphore_mem>>) src(%dma_wait3A_433 : memref<320xf32, #tpu.memory_space<hbm>>) dst(%dma_wait3A_432 : memref<320xf32, #tpu.memory_space<vmem>>)
        %dma_wait3A_434 = arith.constant 4160 : i32
        %dma_wait3A_435 = tpu.memref_slice %arg18[%dma_wait3A_434] : memref<10240xf32, #tpu.memory_space<vmem>> -> memref<320xf32, #tpu.memory_space<vmem>>
        %dma_wait3A_436 = tpu.memref_slice %arg5[%add3A_170] : memref<1280000xf32, #tpu.memory_space<hbm>> -> memref<320xf32, #tpu.memory_space<hbm>>
        %dma_wait3A_437 = arith.constant 4160 : i32
        %dma_wait3A_438 = tpu.memref_slice %arg18[%dma_wait3A_437] : memref<10240xf32, #tpu.memory_space<vmem>> -> memref<320xf32, #tpu.memory_space<vmem>>
        %dma_wait3A_439 = tpu.memref_slice %arg5[%add3A_170] : memref<1280000xf32, #tpu.memory_space<hbm>> -> memref<320xf32, #tpu.memory_space<hbm>>
        tpu.wait_dma2 semaphore(%arg34 : memref<!tpu.dma_semaphore, #tpu.memory_space<semaphore_mem>>) src(%dma_wait3A_439 : memref<320xf32, #tpu.memory_space<hbm>>) dst(%dma_wait3A_438 : memref<320xf32, #tpu.memory_space<vmem>>)
        %dma_wait3A_440 = arith.constant 4480 : i32
        %dma_wait3A_441 = tpu.memref_slice %arg18[%dma_wait3A_440] : memref<10240xf32, #tpu.memory_space<vmem>> -> memref<320xf32, #tpu.memory_space<vmem>>
        %dma_wait3A_442 = tpu.memref_slice %arg5[%add3A_180] : memref<1280000xf32, #tpu.memory_space<hbm>> -> memref<320xf32, #tpu.memory_space<hbm>>
        %dma_wait3A_443 = arith.constant 4480 : i32
        %dma_wait3A_444 = tpu.memref_slice %arg18[%dma_wait3A_443] : memref<10240xf32, #tpu.memory_space<vmem>> -> memref<320xf32, #tpu.memory_space<vmem>>
        %dma_wait3A_445 = tpu.memref_slice %arg5[%add3A_180] : memref<1280000xf32, #tpu.memory_space<hbm>> -> memref<320xf32, #tpu.memory_space<hbm>>
        tpu.wait_dma2 semaphore(%arg34 : memref<!tpu.dma_semaphore, #tpu.memory_space<semaphore_mem>>) src(%dma_wait3A_445 : memref<320xf32, #tpu.memory_space<hbm>>) dst(%dma_wait3A_444 : memref<320xf32, #tpu.memory_space<vmem>>)
        %dma_wait3A_446 = arith.constant 4800 : i32
        %dma_wait3A_447 = tpu.memref_slice %arg18[%dma_wait3A_446] : memref<10240xf32, #tpu.memory_space<vmem>> -> memref<320xf32, #tpu.memory_space<vmem>>
        %dma_wait3A_448 = tpu.memref_slice %arg5[%add3A_190] : memref<1280000xf32, #tpu.memory_space<hbm>> -> memref<320xf32, #tpu.memory_space<hbm>>
        %dma_wait3A_449 = arith.constant 4800 : i32
        %dma_wait3A_450 = tpu.memref_slice %arg18[%dma_wait3A_449] : memref<10240xf32, #tpu.memory_space<vmem>> -> memref<320xf32, #tpu.memory_space<vmem>>
        %dma_wait3A_451 = tpu.memref_slice %arg5[%add3A_190] : memref<1280000xf32, #tpu.memory_space<hbm>> -> memref<320xf32, #tpu.memory_space<hbm>>
        tpu.wait_dma2 semaphore(%arg34 : memref<!tpu.dma_semaphore, #tpu.memory_space<semaphore_mem>>) src(%dma_wait3A_451 : memref<320xf32, #tpu.memory_space<hbm>>) dst(%dma_wait3A_450 : memref<320xf32, #tpu.memory_space<vmem>>)
        %dma_wait3A_452 = arith.constant 5120 : i32
        %dma_wait3A_453 = tpu.memref_slice %arg18[%dma_wait3A_452] : memref<10240xf32, #tpu.memory_space<vmem>> -> memref<320xf32, #tpu.memory_space<vmem>>
        %dma_wait3A_454 = tpu.memref_slice %arg5[%add3A_200] : memref<1280000xf32, #tpu.memory_space<hbm>> -> memref<320xf32, #tpu.memory_space<hbm>>
        %dma_wait3A_455 = arith.constant 5120 : i32
        %dma_wait3A_456 = tpu.memref_slice %arg18[%dma_wait3A_455] : memref<10240xf32, #tpu.memory_space<vmem>> -> memref<320xf32, #tpu.memory_space<vmem>>
        %dma_wait3A_457 = tpu.memref_slice %arg5[%add3A_200] : memref<1280000xf32, #tpu.memory_space<hbm>> -> memref<320xf32, #tpu.memory_space<hbm>>
        tpu.wait_dma2 semaphore(%arg34 : memref<!tpu.dma_semaphore, #tpu.memory_space<semaphore_mem>>) src(%dma_wait3A_457 : memref<320xf32, #tpu.memory_space<hbm>>) dst(%dma_wait3A_456 : memref<320xf32, #tpu.memory_space<vmem>>)
        %dma_wait3A_458 = arith.constant 5440 : i32
        %dma_wait3A_459 = tpu.memref_slice %arg18[%dma_wait3A_458] : memref<10240xf32, #tpu.memory_space<vmem>> -> memref<320xf32, #tpu.memory_space<vmem>>
        %dma_wait3A_460 = tpu.memref_slice %arg5[%add3A_210] : memref<1280000xf32, #tpu.memory_space<hbm>> -> memref<320xf32, #tpu.memory_space<hbm>>
        %dma_wait3A_461 = arith.constant 5440 : i32
        %dma_wait3A_462 = tpu.memref_slice %arg18[%dma_wait3A_461] : memref<10240xf32, #tpu.memory_space<vmem>> -> memref<320xf32, #tpu.memory_space<vmem>>
        %dma_wait3A_463 = tpu.memref_slice %arg5[%add3A_210] : memref<1280000xf32, #tpu.memory_space<hbm>> -> memref<320xf32, #tpu.memory_space<hbm>>
        tpu.wait_dma2 semaphore(%arg34 : memref<!tpu.dma_semaphore, #tpu.memory_space<semaphore_mem>>) src(%dma_wait3A_463 : memref<320xf32, #tpu.memory_space<hbm>>) dst(%dma_wait3A_462 : memref<320xf32, #tpu.memory_space<vmem>>)
        %dma_wait3A_464 = arith.constant 5760 : i32
        %dma_wait3A_465 = tpu.memref_slice %arg18[%dma_wait3A_464] : memref<10240xf32, #tpu.memory_space<vmem>> -> memref<320xf32, #tpu.memory_space<vmem>>
        %dma_wait3A_466 = tpu.memref_slice %arg5[%add3A_220] : memref<1280000xf32, #tpu.memory_space<hbm>> -> memref<320xf32, #tpu.memory_space<hbm>>
        %dma_wait3A_467 = arith.constant 5760 : i32
        %dma_wait3A_468 = tpu.memref_slice %arg18[%dma_wait3A_467] : memref<10240xf32, #tpu.memory_space<vmem>> -> memref<320xf32, #tpu.memory_space<vmem>>
        %dma_wait3A_469 = tpu.memref_slice %arg5[%add3A_220] : memref<1280000xf32, #tpu.memory_space<hbm>> -> memref<320xf32, #tpu.memory_space<hbm>>
        tpu.wait_dma2 semaphore(%arg34 : memref<!tpu.dma_semaphore, #tpu.memory_space<semaphore_mem>>) src(%dma_wait3A_469 : memref<320xf32, #tpu.memory_space<hbm>>) dst(%dma_wait3A_468 : memref<320xf32, #tpu.memory_space<vmem>>)
        %dma_wait3A_470 = arith.constant 6080 : i32
        %dma_wait3A_471 = tpu.memref_slice %arg18[%dma_wait3A_470] : memref<10240xf32, #tpu.memory_space<vmem>> -> memref<320xf32, #tpu.memory_space<vmem>>
        %dma_wait3A_472 = tpu.memref_slice %arg5[%add3A_230] : memref<1280000xf32, #tpu.memory_space<hbm>> -> memref<320xf32, #tpu.memory_space<hbm>>
        %dma_wait3A_473 = arith.constant 6080 : i32
        %dma_wait3A_474 = tpu.memref_slice %arg18[%dma_wait3A_473] : memref<10240xf32, #tpu.memory_space<vmem>> -> memref<320xf32, #tpu.memory_space<vmem>>
        %dma_wait3A_475 = tpu.memref_slice %arg5[%add3A_230] : memref<1280000xf32, #tpu.memory_space<hbm>> -> memref<320xf32, #tpu.memory_space<hbm>>
        tpu.wait_dma2 semaphore(%arg34 : memref<!tpu.dma_semaphore, #tpu.memory_space<semaphore_mem>>) src(%dma_wait3A_475 : memref<320xf32, #tpu.memory_space<hbm>>) dst(%dma_wait3A_474 : memref<320xf32, #tpu.memory_space<vmem>>)
        %dma_wait3A_476 = arith.constant 6400 : i32
        %dma_wait3A_477 = tpu.memref_slice %arg18[%dma_wait3A_476] : memref<10240xf32, #tpu.memory_space<vmem>> -> memref<320xf32, #tpu.memory_space<vmem>>
        %dma_wait3A_478 = tpu.memref_slice %arg5[%add3A_240] : memref<1280000xf32, #tpu.memory_space<hbm>> -> memref<320xf32, #tpu.memory_space<hbm>>
        %dma_wait3A_479 = arith.constant 6400 : i32
        %dma_wait3A_480 = tpu.memref_slice %arg18[%dma_wait3A_479] : memref<10240xf32, #tpu.memory_space<vmem>> -> memref<320xf32, #tpu.memory_space<vmem>>
        %dma_wait3A_481 = tpu.memref_slice %arg5[%add3A_240] : memref<1280000xf32, #tpu.memory_space<hbm>> -> memref<320xf32, #tpu.memory_space<hbm>>
        tpu.wait_dma2 semaphore(%arg34 : memref<!tpu.dma_semaphore, #tpu.memory_space<semaphore_mem>>) src(%dma_wait3A_481 : memref<320xf32, #tpu.memory_space<hbm>>) dst(%dma_wait3A_480 : memref<320xf32, #tpu.memory_space<vmem>>)
        %dma_wait3A_482 = arith.constant 6720 : i32
        %dma_wait3A_483 = tpu.memref_slice %arg18[%dma_wait3A_482] : memref<10240xf32, #tpu.memory_space<vmem>> -> memref<320xf32, #tpu.memory_space<vmem>>
        %dma_wait3A_484 = tpu.memref_slice %arg5[%add3A_250] : memref<1280000xf32, #tpu.memory_space<hbm>> -> memref<320xf32, #tpu.memory_space<hbm>>
        %dma_wait3A_485 = arith.constant 6720 : i32
        %dma_wait3A_486 = tpu.memref_slice %arg18[%dma_wait3A_485] : memref<10240xf32, #tpu.memory_space<vmem>> -> memref<320xf32, #tpu.memory_space<vmem>>
        %dma_wait3A_487 = tpu.memref_slice %arg5[%add3A_250] : memref<1280000xf32, #tpu.memory_space<hbm>> -> memref<320xf32, #tpu.memory_space<hbm>>
        tpu.wait_dma2 semaphore(%arg34 : memref<!tpu.dma_semaphore, #tpu.memory_space<semaphore_mem>>) src(%dma_wait3A_487 : memref<320xf32, #tpu.memory_space<hbm>>) dst(%dma_wait3A_486 : memref<320xf32, #tpu.memory_space<vmem>>)
        %dma_wait3A_488 = arith.constant 7040 : i32
        %dma_wait3A_489 = tpu.memref_slice %arg18[%dma_wait3A_488] : memref<10240xf32, #tpu.memory_space<vmem>> -> memref<320xf32, #tpu.memory_space<vmem>>
        %dma_wait3A_490 = tpu.memref_slice %arg5[%add3A_260] : memref<1280000xf32, #tpu.memory_space<hbm>> -> memref<320xf32, #tpu.memory_space<hbm>>
        %dma_wait3A_491 = arith.constant 7040 : i32
        %dma_wait3A_492 = tpu.memref_slice %arg18[%dma_wait3A_491] : memref<10240xf32, #tpu.memory_space<vmem>> -> memref<320xf32, #tpu.memory_space<vmem>>
        %dma_wait3A_493 = tpu.memref_slice %arg5[%add3A_260] : memref<1280000xf32, #tpu.memory_space<hbm>> -> memref<320xf32, #tpu.memory_space<hbm>>
        tpu.wait_dma2 semaphore(%arg34 : memref<!tpu.dma_semaphore, #tpu.memory_space<semaphore_mem>>) src(%dma_wait3A_493 : memref<320xf32, #tpu.memory_space<hbm>>) dst(%dma_wait3A_492 : memref<320xf32, #tpu.memory_space<vmem>>)
        %dma_wait3A_494 = arith.constant 7360 : i32
        %dma_wait3A_495 = tpu.memref_slice %arg18[%dma_wait3A_494] : memref<10240xf32, #tpu.memory_space<vmem>> -> memref<320xf32, #tpu.memory_space<vmem>>
        %dma_wait3A_496 = tpu.memref_slice %arg5[%add3A_270] : memref<1280000xf32, #tpu.memory_space<hbm>> -> memref<320xf32, #tpu.memory_space<hbm>>
        %dma_wait3A_497 = arith.constant 7360 : i32
        %dma_wait3A_498 = tpu.memref_slice %arg18[%dma_wait3A_497] : memref<10240xf32, #tpu.memory_space<vmem>> -> memref<320xf32, #tpu.memory_space<vmem>>
        %dma_wait3A_499 = tpu.memref_slice %arg5[%add3A_270] : memref<1280000xf32, #tpu.memory_space<hbm>> -> memref<320xf32, #tpu.memory_space<hbm>>
        tpu.wait_dma2 semaphore(%arg34 : memref<!tpu.dma_semaphore, #tpu.memory_space<semaphore_mem>>) src(%dma_wait3A_499 : memref<320xf32, #tpu.memory_space<hbm>>) dst(%dma_wait3A_498 : memref<320xf32, #tpu.memory_space<vmem>>)
        %dma_wait3A_500 = arith.constant 7680 : i32
        %dma_wait3A_501 = tpu.memref_slice %arg18[%dma_wait3A_500] : memref<10240xf32, #tpu.memory_space<vmem>> -> memref<320xf32, #tpu.memory_space<vmem>>
        %dma_wait3A_502 = tpu.memref_slice %arg5[%add3A_280] : memref<1280000xf32, #tpu.memory_space<hbm>> -> memref<320xf32, #tpu.memory_space<hbm>>
        %dma_wait3A_503 = arith.constant 7680 : i32
        %dma_wait3A_504 = tpu.memref_slice %arg18[%dma_wait3A_503] : memref<10240xf32, #tpu.memory_space<vmem>> -> memref<320xf32, #tpu.memory_space<vmem>>
        %dma_wait3A_505 = tpu.memref_slice %arg5[%add3A_280] : memref<1280000xf32, #tpu.memory_space<hbm>> -> memref<320xf32, #tpu.memory_space<hbm>>
        tpu.wait_dma2 semaphore(%arg34 : memref<!tpu.dma_semaphore, #tpu.memory_space<semaphore_mem>>) src(%dma_wait3A_505 : memref<320xf32, #tpu.memory_space<hbm>>) dst(%dma_wait3A_504 : memref<320xf32, #tpu.memory_space<vmem>>)
        %dma_wait3A_506 = arith.constant 8000 : i32
        %dma_wait3A_507 = tpu.memref_slice %arg18[%dma_wait3A_506] : memref<10240xf32, #tpu.memory_space<vmem>> -> memref<320xf32, #tpu.memory_space<vmem>>
        %dma_wait3A_508 = tpu.memref_slice %arg5[%add3A_290] : memref<1280000xf32, #tpu.memory_space<hbm>> -> memref<320xf32, #tpu.memory_space<hbm>>
        %dma_wait3A_509 = arith.constant 8000 : i32
        %dma_wait3A_510 = tpu.memref_slice %arg18[%dma_wait3A_509] : memref<10240xf32, #tpu.memory_space<vmem>> -> memref<320xf32, #tpu.memory_space<vmem>>
        %dma_wait3A_511 = tpu.memref_slice %arg5[%add3A_290] : memref<1280000xf32, #tpu.memory_space<hbm>> -> memref<320xf32, #tpu.memory_space<hbm>>
        tpu.wait_dma2 semaphore(%arg34 : memref<!tpu.dma_semaphore, #tpu.memory_space<semaphore_mem>>) src(%dma_wait3A_511 : memref<320xf32, #tpu.memory_space<hbm>>) dst(%dma_wait3A_510 : memref<320xf32, #tpu.memory_space<vmem>>)
        %dma_wait3A_512 = arith.constant 8320 : i32
        %dma_wait3A_513 = tpu.memref_slice %arg18[%dma_wait3A_512] : memref<10240xf32, #tpu.memory_space<vmem>> -> memref<320xf32, #tpu.memory_space<vmem>>
        %dma_wait3A_514 = tpu.memref_slice %arg5[%add3A_300] : memref<1280000xf32, #tpu.memory_space<hbm>> -> memref<320xf32, #tpu.memory_space<hbm>>
        %dma_wait3A_515 = arith.constant 8320 : i32
        %dma_wait3A_516 = tpu.memref_slice %arg18[%dma_wait3A_515] : memref<10240xf32, #tpu.memory_space<vmem>> -> memref<320xf32, #tpu.memory_space<vmem>>
        %dma_wait3A_517 = tpu.memref_slice %arg5[%add3A_300] : memref<1280000xf32, #tpu.memory_space<hbm>> -> memref<320xf32, #tpu.memory_space<hbm>>
        tpu.wait_dma2 semaphore(%arg34 : memref<!tpu.dma_semaphore, #tpu.memory_space<semaphore_mem>>) src(%dma_wait3A_517 : memref<320xf32, #tpu.memory_space<hbm>>) dst(%dma_wait3A_516 : memref<320xf32, #tpu.memory_space<vmem>>)
        %dma_wait3A_518 = arith.constant 8640 : i32
        %dma_wait3A_519 = tpu.memref_slice %arg18[%dma_wait3A_518] : memref<10240xf32, #tpu.memory_space<vmem>> -> memref<320xf32, #tpu.memory_space<vmem>>
        %dma_wait3A_520 = tpu.memref_slice %arg5[%add3A_310] : memref<1280000xf32, #tpu.memory_space<hbm>> -> memref<320xf32, #tpu.memory_space<hbm>>
        %dma_wait3A_521 = arith.constant 8640 : i32
        %dma_wait3A_522 = tpu.memref_slice %arg18[%dma_wait3A_521] : memref<10240xf32, #tpu.memory_space<vmem>> -> memref<320xf32, #tpu.memory_space<vmem>>
        %dma_wait3A_523 = tpu.memref_slice %arg5[%add3A_310] : memref<1280000xf32, #tpu.memory_space<hbm>> -> memref<320xf32, #tpu.memory_space<hbm>>
        tpu.wait_dma2 semaphore(%arg34 : memref<!tpu.dma_semaphore, #tpu.memory_space<semaphore_mem>>) src(%dma_wait3A_523 : memref<320xf32, #tpu.memory_space<hbm>>) dst(%dma_wait3A_522 : memref<320xf32, #tpu.memory_space<vmem>>)
        %dma_wait3A_524 = arith.constant 8960 : i32
        %dma_wait3A_525 = tpu.memref_slice %arg18[%dma_wait3A_524] : memref<10240xf32, #tpu.memory_space<vmem>> -> memref<320xf32, #tpu.memory_space<vmem>>
        %dma_wait3A_526 = tpu.memref_slice %arg5[%add3A_320] : memref<1280000xf32, #tpu.memory_space<hbm>> -> memref<320xf32, #tpu.memory_space<hbm>>
        %dma_wait3A_527 = arith.constant 8960 : i32
        %dma_wait3A_528 = tpu.memref_slice %arg18[%dma_wait3A_527] : memref<10240xf32, #tpu.memory_space<vmem>> -> memref<320xf32, #tpu.memory_space<vmem>>
        %dma_wait3A_529 = tpu.memref_slice %arg5[%add3A_320] : memref<1280000xf32, #tpu.memory_space<hbm>> -> memref<320xf32, #tpu.memory_space<hbm>>
        tpu.wait_dma2 semaphore(%arg34 : memref<!tpu.dma_semaphore, #tpu.memory_space<semaphore_mem>>) src(%dma_wait3A_529 : memref<320xf32, #tpu.memory_space<hbm>>) dst(%dma_wait3A_528 : memref<320xf32, #tpu.memory_space<vmem>>)
        %dma_wait3A_530 = arith.constant 9280 : i32
        %dma_wait3A_531 = tpu.memref_slice %arg18[%dma_wait3A_530] : memref<10240xf32, #tpu.memory_space<vmem>> -> memref<320xf32, #tpu.memory_space<vmem>>
        %dma_wait3A_532 = tpu.memref_slice %arg5[%add3A_330] : memref<1280000xf32, #tpu.memory_space<hbm>> -> memref<320xf32, #tpu.memory_space<hbm>>
        %dma_wait3A_533 = arith.constant 9280 : i32
        %dma_wait3A_534 = tpu.memref_slice %arg18[%dma_wait3A_533] : memref<10240xf32, #tpu.memory_space<vmem>> -> memref<320xf32, #tpu.memory_space<vmem>>
        %dma_wait3A_535 = tpu.memref_slice %arg5[%add3A_330] : memref<1280000xf32, #tpu.memory_space<hbm>> -> memref<320xf32, #tpu.memory_space<hbm>>
        tpu.wait_dma2 semaphore(%arg34 : memref<!tpu.dma_semaphore, #tpu.memory_space<semaphore_mem>>) src(%dma_wait3A_535 : memref<320xf32, #tpu.memory_space<hbm>>) dst(%dma_wait3A_534 : memref<320xf32, #tpu.memory_space<vmem>>)
        %dma_wait3A_536 = arith.constant 9600 : i32
        %dma_wait3A_537 = tpu.memref_slice %arg18[%dma_wait3A_536] : memref<10240xf32, #tpu.memory_space<vmem>> -> memref<320xf32, #tpu.memory_space<vmem>>
        %dma_wait3A_538 = tpu.memref_slice %arg5[%add3A_340] : memref<1280000xf32, #tpu.memory_space<hbm>> -> memref<320xf32, #tpu.memory_space<hbm>>
        %dma_wait3A_539 = arith.constant 9600 : i32
        %dma_wait3A_540 = tpu.memref_slice %arg18[%dma_wait3A_539] : memref<10240xf32, #tpu.memory_space<vmem>> -> memref<320xf32, #tpu.memory_space<vmem>>
        %dma_wait3A_541 = tpu.memref_slice %arg5[%add3A_340] : memref<1280000xf32, #tpu.memory_space<hbm>> -> memref<320xf32, #tpu.memory_space<hbm>>
        tpu.wait_dma2 semaphore(%arg34 : memref<!tpu.dma_semaphore, #tpu.memory_space<semaphore_mem>>) src(%dma_wait3A_541 : memref<320xf32, #tpu.memory_space<hbm>>) dst(%dma_wait3A_540 : memref<320xf32, #tpu.memory_space<vmem>>)
        %dma_wait3A_542 = arith.constant 9920 : i32
        %dma_wait3A_543 = tpu.memref_slice %arg18[%dma_wait3A_542] : memref<10240xf32, #tpu.memory_space<vmem>> -> memref<320xf32, #tpu.memory_space<vmem>>
        %dma_wait3A_544 = tpu.memref_slice %arg5[%add3A_350] : memref<1280000xf32, #tpu.memory_space<hbm>> -> memref<320xf32, #tpu.memory_space<hbm>>
        %dma_wait3A_545 = arith.constant 9920 : i32
        %dma_wait3A_546 = tpu.memref_slice %arg18[%dma_wait3A_545] : memref<10240xf32, #tpu.memory_space<vmem>> -> memref<320xf32, #tpu.memory_space<vmem>>
        %dma_wait3A_547 = tpu.memref_slice %arg5[%add3A_350] : memref<1280000xf32, #tpu.memory_space<hbm>> -> memref<320xf32, #tpu.memory_space<hbm>>
        tpu.wait_dma2 semaphore(%arg34 : memref<!tpu.dma_semaphore, #tpu.memory_space<semaphore_mem>>) src(%dma_wait3A_547 : memref<320xf32, #tpu.memory_space<hbm>>) dst(%dma_wait3A_546 : memref<320xf32, #tpu.memory_space<vmem>>)
        %scan3A_548 = arith.constant 0 : i32
        %scan3A_549 = arith.constant 0 : i32
        %scan3A_550 = arith.constant 32 : i32
        %scan3A_551 = arith.addi %scan3A_549, %scan3A_550 : i32
        %scan3A_552 = arith.constant 1 : i32
        %scan3A_553 = scf.for %scan3A_590 = %scan3A_549 to %scan3A_551 step %scan3A_552 iter_args(%scan3A_591 = %scan3A_548) -> (i32)  : i32 {
          %scan3A_592 = arith.constant 0 : i32
          %scan3A_593 = arith.constant 0 : i32
          %scan3A_594 = arith.constant 20 : i32
          %scan3A_595 = arith.addi %scan3A_593, %scan3A_594 : i32
          %scan3A_596 = arith.constant 1 : i32
          %scan3A_597 = scf.for %scan3A_600 = %scan3A_593 to %scan3A_595 step %scan3A_596 iter_args(%scan3A_601 = %scan3A_592) -> (i32)  : i32 {
            %mul3A_602 = arith.constant 16 : i32
            %mul3A_603 = arith.muli %scan3A_600, %mul3A_602 : i32
            %get3A = arith.index_cast %mul3A_603 : i32 to index
            %get3A_604 = tpu.vector_load %arg17[%get3A] {strides = array<i32>} : memref<336xf32, #tpu.memory_space<vmem>>, vector<16xf32>,
            %mul3A_605 = arith.constant 320 : i32
            %mul3A_606 = arith.muli %scan3A_590, %mul3A_605 : i32
            %mul3A_607 = arith.constant 16 : i32
            %mul3A_608 = arith.muli %scan3A_600, %mul3A_607 : i32
            %add3A_609 = arith.addi %mul3A_606, %mul3A_608 : i32
            %get3A_610 = arith.index_cast %add3A_609 : i32 to index
            %get3A_611 = tpu.vector_load %arg18[%get3A_610] {strides = array<i32>} : memref<10240xf32, #tpu.memory_space<vmem>>, vector<16xf32>,
            %add3A_612 = arith.addf %get3A_604, %get3A_611 : vector<16xf32>
            %swap3A = arith.index_cast %mul3A_603 : i32 to index
            %swap3A_613 = tpu.vector_load %arg17[%swap3A] {strides = array<i32>} : memref<336xf32, #tpu.memory_space<vmem>>, vector<16xf32>,
            tpu.vector_store %arg17[%swap3A], %add3A_612 {strides = array<i32>} : memref<336xf32, #tpu.memory_space<vmem>>, vector<16xf32>,
            %scan3A_614 = arith.constant 0 : i32
            scf.yield %scan3A_614 : i32
          }
          %scan3A_598 = arith.constant 20 : i32
          %scan3A_599 = arith.constant 0 : i32
          scf.yield %scan3A_599 : i32
        }
        %scan3A_554 = arith.constant 32 : i32
        %scan3A_555 = arith.constant 0 : i32
        %scan3A_556 = arith.constant 0 : i32
        %scan3A_557 = arith.constant 3840 : i32
        %scan3A_558 = arith.addi %scan3A_556, %scan3A_557 : i32
        %scan3A_559 = arith.constant 1 : i32
        %scan3A_560 = scf.for %scan3A_590 = %scan3A_556 to %scan3A_558 step %scan3A_559 iter_args(%scan3A_591 = %scan3A_555) -> (i32)  : i32 {
          %mul3A_592 = arith.constant 16 : i32
          %mul3A_593 = arith.muli %scan3A_590, %mul3A_592 : i32
          %swap3A = arith.index_cast %mul3A_593 : i32 to index
          %swap3A_594 = tpu.vector_load %arg19[%swap3A] {strides = array<i32>} : memref<61440xf32, #tpu.memory_space<vmem>>, vector<16xf32>,
          tpu.vector_store %arg19[%swap3A], %broadcast_in_dim3A_5 {strides = array<i32>} : memref<61440xf32, #tpu.memory_space<vmem>>, vector<16xf32>,
          %scan3A_595 = arith.constant 0 : i32
          scf.yield %scan3A_595 : i32
        }
        %scan3A_561 = arith.constant 3840 : i32
        %scan3A_562 = arith.constant 0 : i32
        %scan3A_563 = arith.constant 0 : i32
        %scan3A_564 = arith.constant 320 : i32
        %scan3A_565 = arith.addi %scan3A_563, %scan3A_564 : i32
        %scan3A_566 = arith.constant 1 : i32
        %scan3A_567 = scf.for %scan3A_590 = %scan3A_563 to %scan3A_565 step %scan3A_566 iter_args(%scan3A_591 = %scan3A_562) -> (i32)  : i32 {
          %mul3A_592 = arith.constant 16 : i32
          %mul3A_593 = arith.muli %scan3A_590, %mul3A_592 : i32
          %swap3A = arith.index_cast %mul3A_593 : i32 to index
          %swap3A_594 = tpu.vector_load %arg20[%swap3A] {strides = array<i32>} : memref<5120xf32, #tpu.memory_space<vmem>>, vector<16xf32>,
          tpu.vector_store %arg20[%swap3A], %broadcast_in_dim3A_5 {strides = array<i32>} : memref<5120xf32, #tpu.memory_space<vmem>>, vector<16xf32>,
          %scan3A_595 = arith.constant 0 : i32
          scf.yield %scan3A_595 : i32
        }
        %scan3A_568 = arith.constant 320 : i32
        %dma_start3A_569 = arith.constant 0 : i32
        %dma_start3A_570 = tpu.memref_slice %arg2[%dma_start3A_569] : memref<320000xi32, #tpu.memory_space<hbm>> -> memref<2000xi32, #tpu.memory_space<hbm>>
        %dma_start3A_571 = arith.constant 0 : i32
        %dma_start3A_572 = tpu.memref_slice %arg2[%dma_start3A_571] : memref<320000xi32, #tpu.memory_space<hbm>> -> memref<2000xi32, #tpu.memory_space<hbm>>
        tpu.enqueue_dma source(%dma_start3A_572 : memref<2000xi32, #tpu.memory_space<hbm>>) target(%arg10 : memref<2000xi32, #tpu.memory_space<vmem>>) target_semaphore(%arg32 : memref<!tpu.dma_semaphore, #tpu.memory_space<semaphore_mem>>)
        %dma_start3A_573 = arith.constant 0 : i32
        %dma_start3A_574 = tpu.memref_slice %arg3[%dma_start3A_573] : memref<320000xi32, #tpu.memory_space<hbm>> -> memref<2000xi32, #tpu.memory_space<hbm>>
        %dma_start3A_575 = arith.constant 0 : i32
        %dma_start3A_576 = tpu.memref_slice %arg3[%dma_start3A_575] : memref<320000xi32, #tpu.memory_space<hbm>> -> memref<2000xi32, #tpu.memory_space<hbm>>
        tpu.enqueue_dma source(%dma_start3A_576 : memref<2000xi32, #tpu.memory_space<hbm>>) target(%arg12 : memref<2000xi32, #tpu.memory_space<vmem>>) target_semaphore(%arg32 : memref<!tpu.dma_semaphore, #tpu.memory_space<semaphore_mem>>)
        %scan3A_577 = arith.constant 0 : i32
        %scan3A_578 = arith.constant 0 : i32
        %scan3A_579 = arith.constant 80 : i32
        %scan3A_580 = arith.addi %scan3A_578, %scan3A_579 : i32
        %scan3A_581 = arith.constant 1 : i32
        %scan3A_582 = scf.for %scan3A_590 = %scan3A_578 to %scan3A_580 step %scan3A_581 iter_args(%scan3A_591 = %scan3A_577) -> (i32)  : i32 {
          %mul3A_592 = arith.constant 2 : i32
          %mul3A_593 = arith.muli %mul3A_592, %scan3A_590 : i32
          %add3A_594 = arith.constant 1 : i32
          %add3A_595 = arith.addi %mul3A_593, %add3A_594 : i32
          %dma_wait3A_596 = arith.constant 0 : i32
          %dma_wait3A_597 = tpu.memref_slice %arg2[%dma_wait3A_596] : memref<320000xi32, #tpu.memory_space<hbm>> -> memref<2000xi32, #tpu.memory_space<hbm>>
          %dma_wait3A_598 = arith.constant 0 : i32
          %dma_wait3A_599 = tpu.memref_slice %arg2[%dma_wait3A_598] : memref<320000xi32, #tpu.memory_space<hbm>> -> memref<2000xi32, #tpu.memory_space<hbm>>
          tpu.wait_dma2 semaphore(%arg32 : memref<!tpu.dma_semaphore, #tpu.memory_space<semaphore_mem>>) src(%dma_wait3A_599 : memref<2000xi32, #tpu.memory_space<hbm>>) dst(%arg10 : memref<2000xi32, #tpu.memory_space<vmem>>)
          %dma_wait3A_600 = arith.constant 0 : i32
          %dma_wait3A_601 = tpu.memref_slice %arg3[%dma_wait3A_600] : memref<320000xi32, #tpu.memory_space<hbm>> -> memref<2000xi32, #tpu.memory_space<hbm>>
          %dma_wait3A_602 = arith.constant 0 : i32
          %dma_wait3A_603 = tpu.memref_slice %arg3[%dma_wait3A_602] : memref<320000xi32, #tpu.memory_space<hbm>> -> memref<2000xi32, #tpu.memory_space<hbm>>
          tpu.wait_dma2 semaphore(%arg32 : memref<!tpu.dma_semaphore, #tpu.memory_space<semaphore_mem>>) src(%dma_wait3A_603 : memref<2000xi32, #tpu.memory_space<hbm>>) dst(%arg12 : memref<2000xi32, #tpu.memory_space<vmem>>)
          %mul3A_604 = arith.constant 2000 : i32
          %mul3A_605 = arith.muli %add3A_595, %mul3A_604 : i32
          %dma_start3A_606 = tpu.memref_slice %arg2[%mul3A_605] : memref<320000xi32, #tpu.memory_space<hbm>> -> memref<2000xi32, #tpu.memory_space<hbm>>
          %dma_start3A_607 = tpu.memref_slice %arg2[%mul3A_605] : memref<320000xi32, #tpu.memory_space<hbm>> -> memref<2000xi32, #tpu.memory_space<hbm>>
          tpu.enqueue_dma source(%dma_start3A_607 : memref<2000xi32, #tpu.memory_space<hbm>>) target(%arg11 : memref<2000xi32, #tpu.memory_space<vmem>>) target_semaphore(%arg33 : memref<!tpu.dma_semaphore, #tpu.memory_space<semaphore_mem>>)
          %dma_start3A_608 = tpu.memref_slice %arg3[%mul3A_605] : memref<320000xi32, #tpu.memory_space<hbm>> -> memref<2000xi32, #tpu.memory_space<hbm>>
          %dma_start3A_609 = tpu.memref_slice %arg3[%mul3A_605] : memref<320000xi32, #tpu.memory_space<hbm>> -> memref<2000xi32, #tpu.memory_space<hbm>>
          tpu.enqueue_dma source(%dma_start3A_609 : memref<2000xi32, #tpu.memory_space<hbm>>) target(%arg13 : memref<2000xi32, #tpu.memory_space<vmem>>) target_semaphore(%arg33 : memref<!tpu.dma_semaphore, #tpu.memory_space<semaphore_mem>>)
          %mul3A_610 = arith.constant 2000 : i32
          %mul3A_611 = arith.muli %mul3A_593, %mul3A_610 : i32
          %scan3A_612 = arith.constant 0 : i32
          %scan3A_613 = arith.constant 0 : i32
          %scan3A_614 = arith.constant 125 : i32
          %scan3A_615 = arith.addi %scan3A_613, %scan3A_614 : i32
          %scan3A_616 = arith.constant 1 : i32
          %scan3A_617 = scf.for %scan3A_785 = %scan3A_613 to %scan3A_615 step %scan3A_616 iter_args(%scan3A_786 = %scan3A_612) -> (i32)  : i32 {
            %mul3A_787 = arith.constant 16 : i32
            %mul3A_788 = arith.muli %scan3A_785, %mul3A_787 : i32
            %get3A = arith.index_cast %mul3A_788 : i32 to index
            %get3A_789 = tpu.vector_load %arg10[%get3A] {strides = array<i32>} : memref<2000xi32, #tpu.memory_space<vmem>>, vector<16xi32>,
            %sub3A_790 = vector.broadcast %mul3A_30 : i32 to vector<16xi32>
            %sub3A_791 = arith.subi %get3A_789, %sub3A_790 : vector<16xi32>
            %ge3A = arith.constant 0 : i32
            %ge3A_792 = vector.broadcast %ge3A : i32 to vector<16xi32>
            %ge3A_793 = arith.cmpi sge, %sub3A_791, %ge3A_792 : vector<16xi32>
            %lt3A_794 = arith.constant 80 : i32
            %lt3A_795 = vector.broadcast %lt3A_794 : i32 to vector<16xi32>
            %lt3A_796 = arith.cmpi slt, %sub3A_791, %lt3A_795 : vector<16xi32>
            %and3A_797 = arith.andi %ge3A_793, %lt3A_796 : vector<16xi1>
            %mul3A_798 = arith.constant 16 : i32
            %mul3A_799 = arith.muli %scan3A_785, %mul3A_798 : i32
            %add3A_800 = arith.addi %mul3A_611, %mul3A_799 : i32
            %add3A_801 = vector.broadcast %add3A_800 : i32 to vector<16xi32>
            %add3A_802 = arith.addi %add3A_801, %iota3A : vector<16xi32>
            %swap3A_803 = arith.index_cast %scan3A_786 : i32 to index
            %swap3A_804 = tpu.vector_load %arg14[%swap3A_803] masked %and3A_797 {strides = array<i32>} : memref<2016xi32, #tpu.memory_space<vmem>>, vector<16xi32>, vector<16xi1>
            tpu.vector_store %arg14[%swap3A_803], %add3A_802 masked %and3A_797 {strides = array<i32>} : memref<2016xi32, #tpu.memory_space<vmem>>, vector<16xi32>, vector<16xi1>
            %swap3A_805 = arith.index_cast %scan3A_786 : i32 to index
            %swap3A_806 = tpu.vector_load %arg15[%swap3A_805] masked %and3A_797 {strides = array<i32>} : memref<2016xi32, #tpu.memory_space<vmem>>, vector<16xi32>, vector<16xi1>
            tpu.vector_store %arg15[%swap3A_805], %sub3A_791 masked %and3A_797 {strides = array<i32>} : memref<2016xi32, #tpu.memory_space<vmem>>, vector<16xi32>, vector<16xi1>
            %get3A_807 = arith.index_cast %mul3A_788 : i32 to index
            %get3A_808 = tpu.vector_load %arg12[%get3A_807] {strides = array<i32>} : memref<2000xi32, #tpu.memory_space<vmem>>, vector<16xi32>,
            %swap3A_809 = arith.index_cast %scan3A_786 : i32 to index
            %swap3A_810 = tpu.vector_load %arg16[%swap3A_809] masked %and3A_797 {strides = array<i32>} : memref<2016xi32, #tpu.memory_space<vmem>>, vector<16xi32>, vector<16xi1>
            tpu.vector_store %arg16[%swap3A_809], %get3A_808 masked %and3A_797 {strides = array<i32>} : memref<2016xi32, #tpu.memory_space<vmem>>, vector<16xi32>, vector<16xi1>
            %all_reduce_population_count3A = tpu.all_reduce %and3A_797 {dim = 0 : i64, kind = #tpu.reduction_kind<sum>} : vector<16xi1> -> vector<16xi32>
            %slice3A = vector.extract_strided_slice %all_reduce_population_count3A {offsets = [0], sizes = [1], strides = [1]} : vector<16xi32> to vector<1xi32>
            %squeeze3A = vector.extract %slice3A[0] : i32 from vector<1xi32>
            %add3A_811 = arith.addi %scan3A_786, %squeeze3A : i32
            scf.yield %add3A_811 : i32
          }
          %scan3A_618 = arith.constant 125 : i32
          %mul3A_619 = arith.constant 300 : i32
          %mul3A_620 = arith.muli %add3A, %mul3A_619 : i32
          %add3A_621 = vector.broadcast %mul3A_620 : i32 to vector<16xi32>
          %add3A_622 = arith.addi %add3A_621, %iota3A : vector<16xi32>
          %swap3A = arith.index_cast %scan3A_617 : i32 to index
          %swap3A_623 = tpu.vector_load %arg16[%swap3A] {strides = array<i32>} : memref<2016xi32, #tpu.memory_space<vmem>>, vector<16xi32>,
          tpu.vector_store %arg16[%swap3A], %add3A_622 {strides = array<i32>} : memref<2016xi32, #tpu.memory_space<vmem>>, vector<16xi32>,
          %swap3A_624 = arith.index_cast %scan3A_617 : i32 to index
          %swap3A_625 = tpu.vector_load %arg14[%swap3A_624] {strides = array<i32>} : memref<2016xi32, #tpu.memory_space<vmem>>, vector<16xi32>,
          tpu.vector_store %arg14[%swap3A_624], %broadcast_in_dim3A_7 {strides = array<i32>} : memref<2016xi32, #tpu.memory_space<vmem>>, vector<16xi32>,
          %add3A_626 = arith.constant 16 : i32
          %add3A_627 = arith.addi %scan3A_617, %add3A_626 : i32
          %sub3A = arith.constant 1 : i32
          %sub3A_628 = arith.subi %add3A_627, %sub3A : i32
          %jit3A = arith.constant 16 : i32
          %div3A = arith.divsi %sub3A_628, %jit3A : i32
          %sign3A = arith.constant 0 : i32
          %sign3A_629 = arith.cmpi sgt, %sub3A_628, %sign3A : i32
          %sign3A_630 = arith.extui %sign3A_629 : i1 to i32
          %sign3A_631 = arith.constant 0 : i32
          %sign3A_632 = arith.cmpi slt, %sub3A_628, %sign3A_631 : i32
          %sign3A_633 = arith.extui %sign3A_632 : i1 to i32
          %sign3A_634 = arith.subi %sign3A_630, %sign3A_633 : i32
          %sign3A_635 = arith.constant 0 : i32
          %sign3A_636 = arith.cmpi sgt, %jit3A, %sign3A_635 : i32
          %sign3A_637 = arith.extui %sign3A_636 : i1 to i32
          %sign3A_638 = arith.constant 0 : i32
          %sign3A_639 = arith.cmpi slt, %jit3A, %sign3A_638 : i32
          %sign3A_640 = arith.extui %sign3A_639 : i1 to i32
          %sign3A_641 = arith.subi %sign3A_637, %sign3A_640 : i32
          %ne3A = arith.cmpi ne, %sign3A_634, %sign3A_641 : i32
          %rem3A = arith.remsi %sub3A_628, %jit3A : i32
          %ne3A_642 = arith.constant 0 : i32
          %ne3A_643 = arith.cmpi ne, %rem3A, %ne3A_642 : i32
          %and3A_644 = arith.andi %ne3A, %ne3A_643 : i1
          %sub3A_645 = arith.constant 1 : i32
          %sub3A_646 = arith.subi %div3A, %sub3A_645 : i32
          %select_n3A = arith.select %and3A_644, %sub3A_646, %div3A : i32
          %add3A_647 = arith.constant 1 : i32
          %add3A_648 = arith.addi %select_n3A, %add3A_647 : i32
          %jit3A_649 = arith.constant 2 : i32
          %div3A_650 = arith.divsi %add3A_648, %jit3A_649 : i32
          %sign3A_651 = arith.constant 0 : i32
          %sign3A_652 = arith.cmpi sgt, %add3A_648, %sign3A_651 : i32
          %sign3A_653 = arith.extui %sign3A_652 : i1 to i32
          %sign3A_654 = arith.constant 0 : i32
          %sign3A_655 = arith.cmpi slt, %add3A_648, %sign3A_654 : i32
          %sign3A_656 = arith.extui %sign3A_655 : i1 to i32
          %sign3A_657 = arith.subi %sign3A_653, %sign3A_656 : i32
          %sign3A_658 = arith.constant 0 : i32
          %sign3A_659 = arith.cmpi sgt, %jit3A_649, %sign3A_658 : i32
          %sign3A_660 = arith.extui %sign3A_659 : i1 to i32
          %sign3A_661 = arith.constant 0 : i32
          %sign3A_662 = arith.cmpi slt, %jit3A_649, %sign3A_661 : i32
          %sign3A_663 = arith.extui %sign3A_662 : i1 to i32
          %sign3A_664 = arith.subi %sign3A_660, %sign3A_663 : i32
          %ne3A_665 = arith.cmpi ne, %sign3A_657, %sign3A_664 : i32
          %rem3A_666 = arith.remsi %add3A_648, %jit3A_649 : i32
          %ne3A_667 = arith.constant 0 : i32
          %ne3A_668 = arith.cmpi ne, %rem3A_666, %ne3A_667 : i32
          %and3A_669 = arith.andi %ne3A_665, %ne3A_668 : i1
          %sub3A_670 = arith.constant 1 : i32
          %sub3A_671 = arith.subi %div3A_650, %sub3A_670 : i32
          %select_n3A_672 = arith.select %and3A_669, %sub3A_671, %div3A_650 : i32
          %broadcast_in_dim3A_673 = vector.broadcast %scan3A_617 : i32 to vector<16xi32>
          %while3A = arith.constant 0 : i32
          %while3A_674 = arith.constant 0 : i32
          %while3A_675 = arith.subi %select_n3A, %while3A : i32
          %while3A_676 = arith.addi %while3A, %while3A_675 : i32
          %while3A_677 = arith.constant 1 : i32
          %while3A_678 = arith.divsi %while3A_675, %while3A_677 : i32
          %while3A_679 = arith.muli %while3A_678, %while3A_677 : i32
          %while3A_680 = arith.addi %while3A, %while3A_679 : i32
          %while3A_681 = arith.constant 1 : i32
          %while3A_682 = scf.for %while3A_785 = %while3A to %while3A_680 step %while3A_681 iter_args(%while3A_786 = %while3A_674) -> (i32)  : i32 {
            %mul3A_787 = arith.constant 16 : i32
            %mul3A_788 = arith.muli %while3A_785, %mul3A_787 : i32
            %add3A_789 = arith.constant 0 : i32
            %add3A_790 = arith.addi %mul3A_788, %add3A_789 : i32
            %broadcast_in_dim3A_791 = vector.broadcast %add3A_790 : i32 to vector<16xi32>
            %add3A_792 = arith.addi %broadcast_in_dim3A_791, %shift_right_arithmetic3A_2 : vector<16xi32>
            %gather3A = tpu.vector_load_idx %arg14[%add3A_792] : memref<2016xi32, #tpu.memory_space<vmem>>[vector<16xi32>], vector<16xi32>,
            %mul3A_793 = arith.constant 4 : i32
            %mul3A_794 = vector.broadcast %mul3A_793 : i32 to vector<16xi32>
            %mul3A_795 = arith.muli %gather3A, %mul3A_794 : vector<16xi32>
            %add3A_796 = arith.addi %mul3A_795, %and3A_4 : vector<16xi32>
            %swap3A_797 = arith.constant 0 : index
            %swap3A_798 = tpu.vector_load %arg21[%swap3A_797] {strides = array<i32>} : memref<64xi32, #tpu.memory_space<vmem>>, vector<16xi32>,
            tpu.vector_store %arg21[%swap3A_797], %add3A_796 {strides = array<i32>} : memref<64xi32, #tpu.memory_space<vmem>>, vector<16xi32>,
            %add3A_799 = arith.constant 4 : i32
            %add3A_800 = arith.addi %mul3A_788, %add3A_799 : i32
            %broadcast_in_dim3A_801 = vector.broadcast %add3A_800 : i32 to vector<16xi32>
            %add3A_802 = arith.addi %broadcast_in_dim3A_801, %shift_right_arithmetic3A_2 : vector<16xi32>
            %gather3A_803 = tpu.vector_load_idx %arg14[%add3A_802] : memref<2016xi32, #tpu.memory_space<vmem>>[vector<16xi32>], vector<16xi32>,
            %mul3A_804 = arith.constant 4 : i32
            %mul3A_805 = vector.broadcast %mul3A_804 : i32 to vector<16xi32>
            %mul3A_806 = arith.muli %gather3A_803, %mul3A_805 : vector<16xi32>
            %add3A_807 = arith.addi %mul3A_806, %and3A_4 : vector<16xi32>
            %swap3A_808 = arith.constant 16 : index
            %swap3A_809 = tpu.vector_load %arg21[%swap3A_808] {strides = array<i32>} : memref<64xi32, #tpu.memory_space<vmem>>, vector<16xi32>,
            tpu.vector_store %arg21[%swap3A_808], %add3A_807 {strides = array<i32>} : memref<64xi32, #tpu.memory_space<vmem>>, vector<16xi32>,
            %add3A_810 = arith.constant 8 : i32
            %add3A_811 = arith.addi %mul3A_788, %add3A_810 : i32
            %broadcast_in_dim3A_812 = vector.broadcast %add3A_811 : i32 to vector<16xi32>
            %add3A_813 = arith.addi %broadcast_in_dim3A_812, %shift_right_arithmetic3A_2 : vector<16xi32>
            %gather3A_814 = tpu.vector_load_idx %arg14[%add3A_813] : memref<2016xi32, #tpu.memory_space<vmem>>[vector<16xi32>], vector<16xi32>,
            %mul3A_815 = arith.constant 4 : i32
            %mul3A_816 = vector.broadcast %mul3A_815 : i32 to vector<16xi32>
            %mul3A_817 = arith.muli %gather3A_814, %mul3A_816 : vector<16xi32>
            %add3A_818 = arith.addi %mul3A_817, %and3A_4 : vector<16xi32>
            %swap3A_819 = arith.constant 32 : index
            %swap3A_820 = tpu.vector_load %arg21[%swap3A_819] {strides = array<i32>} : memref<64xi32, #tpu.memory_space<vmem>>, vector<16xi32>,
            tpu.vector_store %arg21[%swap3A_819], %add3A_818 {strides = array<i32>} : memref<64xi32, #tpu.memory_space<vmem>>, vector<16xi32>,
            %add3A_821 = arith.constant 12 : i32
            %add3A_822 = arith.addi %mul3A_788, %add3A_821 : i32
            %broadcast_in_dim3A_823 = vector.broadcast %add3A_822 : i32 to vector<16xi32>
            %add3A_824 = arith.addi %broadcast_in_dim3A_823, %shift_right_arithmetic3A_2 : vector<16xi32>
            %gather3A_825 = tpu.vector_load_idx %arg14[%add3A_824] : memref<2016xi32, #tpu.memory_space<vmem>>[vector<16xi32>], vector<16xi32>,
            %mul3A_826 = arith.constant 4 : i32
            %mul3A_827 = vector.broadcast %mul3A_826 : i32 to vector<16xi32>
            %mul3A_828 = arith.muli %gather3A_825, %mul3A_827 : vector<16xi32>
            %add3A_829 = arith.addi %mul3A_828, %and3A_4 : vector<16xi32>
            %swap3A_830 = arith.constant 48 : index
            %swap3A_831 = tpu.vector_load %arg21[%swap3A_830] {strides = array<i32>} : memref<64xi32, #tpu.memory_space<vmem>>, vector<16xi32>,
            tpu.vector_store %arg21[%swap3A_830], %add3A_829 {strides = array<i32>} : memref<64xi32, #tpu.memory_space<vmem>>, vector<16xi32>,
            %add3A_832 = arith.constant 0 : i32
            %add3A_833 = arith.addi %mul3A_788, %add3A_832 : i32
            %broadcast_in_dim3A_834 = vector.broadcast %add3A_833 : i32 to vector<16xi32>
            %gather3A_835 = tpu.vector_load_idx %arg14[%broadcast_in_dim3A_834] : memref<2016xi32, #tpu.memory_space<vmem>>[vector<16xi32>], vector<16xi32>,
            %mul3A_836 = arith.constant 16 : i32
            %mul3A_837 = vector.broadcast %mul3A_836 : i32 to vector<16xi32>
            %mul3A_838 = arith.muli %gather3A_835, %mul3A_837 : vector<16xi32>
            %add3A_839 = arith.addi %mul3A_838, %iota3A : vector<16xi32>
            %swap3A_840 = arith.constant 0 : index
            %swap3A_841 = tpu.vector_load %arg28[%swap3A_840] {strides = array<i32>} : memref<256xi32, #tpu.memory_space<vmem>>, vector<16xi32>,
            tpu.vector_store %arg28[%swap3A_840], %add3A_839 {strides = array<i32>} : memref<256xi32, #tpu.memory_space<vmem>>, vector<16xi32>,
            %add3A_842 = arith.constant 1 : i32
            %add3A_843 = arith.addi %mul3A_788, %add3A_842 : i32
            %broadcast_in_dim3A_844 = vector.broadcast %add3A_843 : i32 to vector<16xi32>
            %gather3A_845 = tpu.vector_load_idx %arg14[%broadcast_in_dim3A_844] : memref<2016xi32, #tpu.memory_space<vmem>>[vector<16xi32>], vector<16xi32>,
            %mul3A_846 = arith.constant 16 : i32
            %mul3A_847 = vector.broadcast %mul3A_846 : i32 to vector<16xi32>
            %mul3A_848 = arith.muli %gather3A_845, %mul3A_847 : vector<16xi32>
            %add3A_849 = arith.addi %mul3A_848, %iota3A : vector<16xi32>
            %swap3A_850 = arith.constant 16 : index
            %swap3A_851 = tpu.vector_load %arg28[%swap3A_850] {strides = array<i32>} : memref<256xi32, #tpu.memory_space<vmem>>, vector<16xi32>,
            tpu.vector_store %arg28[%swap3A_850], %add3A_849 {strides = array<i32>} : memref<256xi32, #tpu.memory_space<vmem>>, vector<16xi32>,
            %add3A_852 = arith.constant 2 : i32
            %add3A_853 = arith.addi %mul3A_788, %add3A_852 : i32
            %broadcast_in_dim3A_854 = vector.broadcast %add3A_853 : i32 to vector<16xi32>
            %gather3A_855 = tpu.vector_load_idx %arg14[%broadcast_in_dim3A_854] : memref<2016xi32, #tpu.memory_space<vmem>>[vector<16xi32>], vector<16xi32>,
            %mul3A_856 = arith.constant 16 : i32
            %mul3A_857 = vector.broadcast %mul3A_856 : i32 to vector<16xi32>
            %mul3A_858 = arith.muli %gather3A_855, %mul3A_857 : vector<16xi32>
            %add3A_859 = arith.addi %mul3A_858, %iota3A : vector<16xi32>
            %swap3A_860 = arith.constant 32 : index
            %swap3A_861 = tpu.vector_load %arg28[%swap3A_860] {strides = array<i32>} : memref<256xi32, #tpu.memory_space<vmem>>, vector<16xi32>,
            tpu.vector_store %arg28[%swap3A_860], %add3A_859 {strides = array<i32>} : memref<256xi32, #tpu.memory_space<vmem>>, vector<16xi32>,
            %add3A_862 = arith.constant 3 : i32
            %add3A_863 = arith.addi %mul3A_788, %add3A_862 : i32
            %broadcast_in_dim3A_864 = vector.broadcast %add3A_863 : i32 to vector<16xi32>
            %gather3A_865 = tpu.vector_load_idx %arg14[%broadcast_in_dim3A_864] : memref<2016xi32, #tpu.memory_space<vmem>>[vector<16xi32>], vector<16xi32>,
            %mul3A_866 = arith.constant 16 : i32
            %mul3A_867 = vector.broadcast %mul3A_866 : i32 to vector<16xi32>
            %mul3A_868 = arith.muli %gather3A_865, %mul3A_867 : vector<16xi32>
            %add3A_869 = arith.addi %mul3A_868, %iota3A : vector<16xi32>
            %swap3A_870 = arith.constant 48 : index
            %swap3A_871 = tpu.vector_load %arg28[%swap3A_870] {strides = array<i32>} : memref<256xi32, #tpu.memory_space<vmem>>, vector<16xi32>,
            tpu.vector_store %arg28[%swap3A_870], %add3A_869 {strides = array<i32>} : memref<256xi32, #tpu.memory_space<vmem>>, vector<16xi32>,
            %add3A_872 = arith.constant 4 : i32
            %add3A_873 = arith.addi %mul3A_788, %add3A_872 : i32
            %broadcast_in_dim3A_874 = vector.broadcast %add3A_873 : i32 to vector<16xi32>
            %gather3A_875 = tpu.vector_load_idx %arg14[%broadcast_in_dim3A_874] : memref<2016xi32, #tpu.memory_space<vmem>>[vector<16xi32>], vector<16xi32>,
            %mul3A_876 = arith.constant 16 : i32
            %mul3A_877 = vector.broadcast %mul3A_876 : i32 to vector<16xi32>
            %mul3A_878 = arith.muli %gather3A_875, %mul3A_877 : vector<16xi32>
            %add3A_879 = arith.addi %mul3A_878, %iota3A : vector<16xi32>
            %swap3A_880 = arith.constant 64 : index
            %swap3A_881 = tpu.vector_load %arg28[%swap3A_880] {strides = array<i32>} : memref<256xi32, #tpu.memory_space<vmem>>, vector<16xi32>,
            tpu.vector_store %arg28[%swap3A_880], %add3A_879 {strides = array<i32>} : memref<256xi32, #tpu.memory_space<vmem>>, vector<16xi32>,
            %add3A_882 = arith.constant 5 : i32
            %add3A_883 = arith.addi %mul3A_788, %add3A_882 : i32
            %broadcast_in_dim3A_884 = vector.broadcast %add3A_883 : i32 to vector<16xi32>
            %gather3A_885 = tpu.vector_load_idx %arg14[%broadcast_in_dim3A_884] : memref<2016xi32, #tpu.memory_space<vmem>>[vector<16xi32>], vector<16xi32>,
            %mul3A_886 = arith.constant 16 : i32
            %mul3A_887 = vector.broadcast %mul3A_886 : i32 to vector<16xi32>
            %mul3A_888 = arith.muli %gather3A_885, %mul3A_887 : vector<16xi32>
            %add3A_889 = arith.addi %mul3A_888, %iota3A : vector<16xi32>
            %swap3A_890 = arith.constant 80 : index
            %swap3A_891 = tpu.vector_load %arg28[%swap3A_890] {strides = array<i32>} : memref<256xi32, #tpu.memory_space<vmem>>, vector<16xi32>,
            tpu.vector_store %arg28[%swap3A_890], %add3A_889 {strides = array<i32>} : memref<256xi32, #tpu.memory_space<vmem>>, vector<16xi32>,
            %add3A_892 = arith.constant 6 : i32
            %add3A_893 = arith.addi %mul3A_788, %add3A_892 : i32
            %broadcast_in_dim3A_894 = vector.broadcast %add3A_893 : i32 to vector<16xi32>
            %gather3A_895 = tpu.vector_load_idx %arg14[%broadcast_in_dim3A_894] : memref<2016xi32, #tpu.memory_space<vmem>>[vector<16xi32>], vector<16xi32>,
            %mul3A_896 = arith.constant 16 : i32
            %mul3A_897 = vector.broadcast %mul3A_896 : i32 to vector<16xi32>
            %mul3A_898 = arith.muli %gather3A_895, %mul3A_897 : vector<16xi32>
            %add3A_899 = arith.addi %mul3A_898, %iota3A : vector<16xi32>
            %swap3A_900 = arith.constant 96 : index
            %swap3A_901 = tpu.vector_load %arg28[%swap3A_900] {strides = array<i32>} : memref<256xi32, #tpu.memory_space<vmem>>, vector<16xi32>,
            tpu.vector_store %arg28[%swap3A_900], %add3A_899 {strides = array<i32>} : memref<256xi32, #tpu.memory_space<vmem>>, vector<16xi32>,
            %add3A_902 = arith.constant 7 : i32
            %add3A_903 = arith.addi %mul3A_788, %add3A_902 : i32
            %broadcast_in_dim3A_904 = vector.broadcast %add3A_903 : i32 to vector<16xi32>
            %gather3A_905 = tpu.vector_load_idx %arg14[%broadcast_in_dim3A_904] : memref<2016xi32, #tpu.memory_space<vmem>>[vector<16xi32>], vector<16xi32>,
            %mul3A_906 = arith.constant 16 : i32
            %mul3A_907 = vector.broadcast %mul3A_906 : i32 to vector<16xi32>
            %mul3A_908 = arith.muli %gather3A_905, %mul3A_907 : vector<16xi32>
            %add3A_909 = arith.addi %mul3A_908, %iota3A : vector<16xi32>
            %swap3A_910 = arith.constant 112 : index
            %swap3A_911 = tpu.vector_load %arg28[%swap3A_910] {strides = array<i32>} : memref<256xi32, #tpu.memory_space<vmem>>, vector<16xi32>,
            tpu.vector_store %arg28[%swap3A_910], %add3A_909 {strides = array<i32>} : memref<256xi32, #tpu.memory_space<vmem>>, vector<16xi32>,
            %add3A_912 = arith.constant 8 : i32
            %add3A_913 = arith.addi %mul3A_788, %add3A_912 : i32
            %broadcast_in_dim3A_914 = vector.broadcast %add3A_913 : i32 to vector<16xi32>
            %gather3A_915 = tpu.vector_load_idx %arg14[%broadcast_in_dim3A_914] : memref<2016xi32, #tpu.memory_space<vmem>>[vector<16xi32>], vector<16xi32>,
            %mul3A_916 = arith.constant 16 : i32
            %mul3A_917 = vector.broadcast %mul3A_916 : i32 to vector<16xi32>
            %mul3A_918 = arith.muli %gather3A_915, %mul3A_917 : vector<16xi32>
            %add3A_919 = arith.addi %mul3A_918, %iota3A : vector<16xi32>
            %swap3A_920 = arith.constant 128 : index
            %swap3A_921 = tpu.vector_load %arg28[%swap3A_920] {strides = array<i32>} : memref<256xi32, #tpu.memory_space<vmem>>, vector<16xi32>,
            tpu.vector_store %arg28[%swap3A_920], %add3A_919 {strides = array<i32>} : memref<256xi32, #tpu.memory_space<vmem>>, vector<16xi32>,
            %add3A_922 = arith.constant 9 : i32
            %add3A_923 = arith.addi %mul3A_788, %add3A_922 : i32
            %broadcast_in_dim3A_924 = vector.broadcast %add3A_923 : i32 to vector<16xi32>
            %gather3A_925 = tpu.vector_load_idx %arg14[%broadcast_in_dim3A_924] : memref<2016xi32, #tpu.memory_space<vmem>>[vector<16xi32>], vector<16xi32>,
            %mul3A_926 = arith.constant 16 : i32
            %mul3A_927 = vector.broadcast %mul3A_926 : i32 to vector<16xi32>
            %mul3A_928 = arith.muli %gather3A_925, %mul3A_927 : vector<16xi32>
            %add3A_929 = arith.addi %mul3A_928, %iota3A : vector<16xi32>
            %swap3A_930 = arith.constant 144 : index
            %swap3A_931 = tpu.vector_load %arg28[%swap3A_930] {strides = array<i32>} : memref<256xi32, #tpu.memory_space<vmem>>, vector<16xi32>,
            tpu.vector_store %arg28[%swap3A_930], %add3A_929 {strides = array<i32>} : memref<256xi32, #tpu.memory_space<vmem>>, vector<16xi32>,
            %add3A_932 = arith.constant 10 : i32
            %add3A_933 = arith.addi %mul3A_788, %add3A_932 : i32
            %broadcast_in_dim3A_934 = vector.broadcast %add3A_933 : i32 to vector<16xi32>
            %gather3A_935 = tpu.vector_load_idx %arg14[%broadcast_in_dim3A_934] : memref<2016xi32, #tpu.memory_space<vmem>>[vector<16xi32>], vector<16xi32>,
            %mul3A_936 = arith.constant 16 : i32
            %mul3A_937 = vector.broadcast %mul3A_936 : i32 to vector<16xi32>
            %mul3A_938 = arith.muli %gather3A_935, %mul3A_937 : vector<16xi32>
            %add3A_939 = arith.addi %mul3A_938, %iota3A : vector<16xi32>
            %swap3A_940 = arith.constant 160 : index
            %swap3A_941 = tpu.vector_load %arg28[%swap3A_940] {strides = array<i32>} : memref<256xi32, #tpu.memory_space<vmem>>, vector<16xi32>,
            tpu.vector_store %arg28[%swap3A_940], %add3A_939 {strides = array<i32>} : memref<256xi32, #tpu.memory_space<vmem>>, vector<16xi32>,
            %add3A_942 = arith.constant 11 : i32
            %add3A_943 = arith.addi %mul3A_788, %add3A_942 : i32
            %broadcast_in_dim3A_944 = vector.broadcast %add3A_943 : i32 to vector<16xi32>
            %gather3A_945 = tpu.vector_load_idx %arg14[%broadcast_in_dim3A_944] : memref<2016xi32, #tpu.memory_space<vmem>>[vector<16xi32>], vector<16xi32>,
            %mul3A_946 = arith.constant 16 : i32
            %mul3A_947 = vector.broadcast %mul3A_946 : i32 to vector<16xi32>
            %mul3A_948 = arith.muli %gather3A_945, %mul3A_947 : vector<16xi32>
            %add3A_949 = arith.addi %mul3A_948, %iota3A : vector<16xi32>
            %swap3A_950 = arith.constant 176 : index
            %swap3A_951 = tpu.vector_load %arg28[%swap3A_950] {strides = array<i32>} : memref<256xi32, #tpu.memory_space<vmem>>, vector<16xi32>,
            tpu.vector_store %arg28[%swap3A_950], %add3A_949 {strides = array<i32>} : memref<256xi32, #tpu.memory_space<vmem>>, vector<16xi32>,
            %add3A_952 = arith.constant 12 : i32
            %add3A_953 = arith.addi %mul3A_788, %add3A_952 : i32
            %broadcast_in_dim3A_954 = vector.broadcast %add3A_953 : i32 to vector<16xi32>
            %gather3A_955 = tpu.vector_load_idx %arg14[%broadcast_in_dim3A_954] : memref<2016xi32, #tpu.memory_space<vmem>>[vector<16xi32>], vector<16xi32>,
            %mul3A_956 = arith.constant 16 : i32
            %mul3A_957 = vector.broadcast %mul3A_956 : i32 to vector<16xi32>
            %mul3A_958 = arith.muli %gather3A_955, %mul3A_957 : vector<16xi32>
            %add3A_959 = arith.addi %mul3A_958, %iota3A : vector<16xi32>
            %swap3A_960 = arith.constant 192 : index
            %swap3A_961 = tpu.vector_load %arg28[%swap3A_960] {strides = array<i32>} : memref<256xi32, #tpu.memory_space<vmem>>, vector<16xi32>,
            tpu.vector_store %arg28[%swap3A_960], %add3A_959 {strides = array<i32>} : memref<256xi32, #tpu.memory_space<vmem>>, vector<16xi32>,
            %add3A_962 = arith.constant 13 : i32
            %add3A_963 = arith.addi %mul3A_788, %add3A_962 : i32
            %broadcast_in_dim3A_964 = vector.broadcast %add3A_963 : i32 to vector<16xi32>
            %gather3A_965 = tpu.vector_load_idx %arg14[%broadcast_in_dim3A_964] : memref<2016xi32, #tpu.memory_space<vmem>>[vector<16xi32>], vector<16xi32>,
            %mul3A_966 = arith.constant 16 : i32
            %mul3A_967 = vector.broadcast %mul3A_966 : i32 to vector<16xi32>
            %mul3A_968 = arith.muli %gather3A_965, %mul3A_967 : vector<16xi32>
            %add3A_969 = arith.addi %mul3A_968, %iota3A : vector<16xi32>
            %swap3A_970 = arith.constant 208 : index
            %swap3A_971 = tpu.vector_load %arg28[%swap3A_970] {strides = array<i32>} : memref<256xi32, #tpu.memory_space<vmem>>, vector<16xi32>,
            tpu.vector_store %arg28[%swap3A_970], %add3A_969 {strides = array<i32>} : memref<256xi32, #tpu.memory_space<vmem>>, vector<16xi32>,
            %add3A_972 = arith.constant 14 : i32
            %add3A_973 = arith.addi %mul3A_788, %add3A_972 : i32
            %broadcast_in_dim3A_974 = vector.broadcast %add3A_973 : i32 to vector<16xi32>
            %gather3A_975 = tpu.vector_load_idx %arg14[%broadcast_in_dim3A_974] : memref<2016xi32, #tpu.memory_space<vmem>>[vector<16xi32>], vector<16xi32>,
            %mul3A_976 = arith.constant 16 : i32
            %mul3A_977 = vector.broadcast %mul3A_976 : i32 to vector<16xi32>
            %mul3A_978 = arith.muli %gather3A_975, %mul3A_977 : vector<16xi32>
            %add3A_979 = arith.addi %mul3A_978, %iota3A : vector<16xi32>
            %swap3A_980 = arith.constant 224 : index
            %swap3A_981 = tpu.vector_load %arg28[%swap3A_980] {strides = array<i32>} : memref<256xi32, #tpu.memory_space<vmem>>, vector<16xi32>,
            tpu.vector_store %arg28[%swap3A_980], %add3A_979 {strides = array<i32>} : memref<256xi32, #tpu.memory_space<vmem>>, vector<16xi32>,
            %add3A_982 = arith.constant 15 : i32
            %add3A_983 = arith.addi %mul3A_788, %add3A_982 : i32
            %broadcast_in_dim3A_984 = vector.broadcast %add3A_983 : i32 to vector<16xi32>
            %gather3A_985 = tpu.vector_load_idx %arg14[%broadcast_in_dim3A_984] : memref<2016xi32, #tpu.memory_space<vmem>>[vector<16xi32>], vector<16xi32>,
            %mul3A_986 = arith.constant 16 : i32
            %mul3A_987 = vector.broadcast %mul3A_986 : i32 to vector<16xi32>
            %mul3A_988 = arith.muli %gather3A_985, %mul3A_987 : vector<16xi32>
            %add3A_989 = arith.addi %mul3A_988, %iota3A : vector<16xi32>
            %swap3A_990 = arith.constant 240 : index
            %swap3A_991 = tpu.vector_load %arg28[%swap3A_990] {strides = array<i32>} : memref<256xi32, #tpu.memory_space<vmem>>, vector<16xi32>,
            tpu.vector_store %arg28[%swap3A_990], %add3A_989 {strides = array<i32>} : memref<256xi32, #tpu.memory_space<vmem>>, vector<16xi32>,
            %dma_start3A_992 = tpu.memref_slice %arg16[%mul3A_788] : memref<2016xi32, #tpu.memory_space<vmem>> -> memref<16xi32, #tpu.memory_space<vmem>>
            %dma_start3A_993 = arith.constant 0 : i32
            %dma_start3A_994 = arith.constant 0 : i32
            %dma_start3A_995 = tpu.memref_slice %arg6[%dma_start3A_993, %dma_start3A_994] : memref<10000x768xf32, #tpu.memory_space<hbm>> -> memref<10000x768xf32, #tpu.memory_space<hbm>>
            tpu.enqueue_indirect_dma source(%dma_start3A_995 : memref<10000x768xf32, #tpu.memory_space<hbm>>) target(%arg26 : memref<16x768xf32, #tpu.memory_space<vmem>>) offsets(%dma_start3A_992 : memref<16xi32, #tpu.memory_space<vmem>>) semaphore(%arg34 : memref<!tpu.dma_semaphore, #tpu.memory_space<semaphore_mem>>)
            %dma_start3A_996 = arith.constant 0 : i32
            %dma_start3A_997 = tpu.memref_slice %arg7[%dma_start3A_996] : memref<5120000xf32, #tpu.memory_space<hbm>> -> memref<5120000xf32, #tpu.memory_space<hbm>>
            tpu.enqueue_indirect_dma source(%dma_start3A_997 : memref<5120000xf32, #tpu.memory_space<hbm>>) target(%arg30 : memref<256xf32, #tpu.memory_space<vmem>>) offsets(%arg28 : memref<256xi32, #tpu.memory_space<vmem>>) semaphore(%arg36 : memref<!tpu.dma_semaphore, #tpu.memory_space<semaphore_mem>>)
            %dma_start3A_998 = arith.constant 0 : i32
            %dma_start3A_999 = tpu.memref_slice %arg4[%dma_start3A_998] : memref<1280000xf32, #tpu.memory_space<hbm>> -> memref<1280000xf32, #tpu.memory_space<hbm>>
            tpu.enqueue_indirect_dma source(%dma_start3A_999 : memref<1280000xf32, #tpu.memory_space<hbm>>) target(%arg23 : memref<64xf32, #tpu.memory_space<vmem>>) offsets(%arg21 : memref<64xi32, #tpu.memory_space<vmem>>) semaphore(%arg38 : memref<!tpu.dma_semaphore, #tpu.memory_space<semaphore_mem>>)
            %dma_wait3A_1000 = arith.constant 0 : i32
            %dma_wait3A_1001 = tpu.memref_slice %arg16[%dma_wait3A_1000] : memref<2016xi32, #tpu.memory_space<vmem>> -> memref<16xi32, #tpu.memory_space<vmem>>
            %dma_wait3A_1002 = arith.constant 0 : i32
            %dma_wait3A_1003 = arith.constant 0 : i32
            %dma_wait3A_1004 = tpu.memref_slice %arg6[%dma_wait3A_1002, %dma_wait3A_1003] : memref<10000x768xf32, #tpu.memory_space<hbm>> -> memref<10000x768xf32, #tpu.memory_space<hbm>>
            tpu.wait_indirect_dma semaphore(%arg34 : memref<!tpu.dma_semaphore, #tpu.memory_space<semaphore_mem>>) src(%dma_wait3A_1004 : memref<10000x768xf32, #tpu.memory_space<hbm>>) dst(%arg26 : memref<16x768xf32, #tpu.memory_space<vmem>>)
            %dma_wait3A_1005 = arith.constant 0 : i32
            %dma_wait3A_1006 = tpu.memref_slice %arg7[%dma_wait3A_1005] : memref<5120000xf32, #tpu.memory_space<hbm>> -> memref<5120000xf32, #tpu.memory_space<hbm>>
            tpu.wait_indirect_dma semaphore(%arg36 : memref<!tpu.dma_semaphore, #tpu.memory_space<semaphore_mem>>) src(%dma_wait3A_1006 : memref<5120000xf32, #tpu.memory_space<hbm>>) dst(%arg30 : memref<256xf32, #tpu.memory_space<vmem>>)
            %dma_wait3A_1007 = arith.constant 0 : i32
            %dma_wait3A_1008 = tpu.memref_slice %arg4[%dma_wait3A_1007] : memref<1280000xf32, #tpu.memory_space<hbm>> -> memref<1280000xf32, #tpu.memory_space<hbm>>
            tpu.wait_indirect_dma semaphore(%arg38 : memref<!tpu.dma_semaphore, #tpu.memory_space<semaphore_mem>>) src(%dma_wait3A_1008 : memref<1280000xf32, #tpu.memory_space<hbm>>) dst(%arg23 : memref<64xf32, #tpu.memory_space<vmem>>)
            %mul3A_1009 = arith.constant 16 : i32
            %mul3A_1010 = arith.muli %while3A_785, %mul3A_1009 : i32
            %add3A_1011 = arith.constant 0 : i32
            %add3A_1012 = arith.addi %mul3A_1010, %add3A_1011 : i32
            %broadcast_in_dim3A_1013 = vector.broadcast %add3A_1012 : i32 to vector<16xi32>
            %add3A_1014 = arith.addi %broadcast_in_dim3A_1013, %shift_right_arithmetic3A_2 : vector<16xi32>
            %gather3A_1015 = tpu.vector_load_idx %arg15[%add3A_1014] : memref<2016xi32, #tpu.memory_space<vmem>>[vector<16xi32>], vector<16xi32>,
            %mul3A_1016 = arith.constant 4 : i32
            %mul3A_1017 = vector.broadcast %mul3A_1016 : i32 to vector<16xi32>
            %mul3A_1018 = arith.muli %gather3A_1015, %mul3A_1017 : vector<16xi32>
            %add3A_1019 = arith.addi %mul3A_1018, %and3A_4 : vector<16xi32>
            %gather3A_1020 = tpu.vector_load_idx %arg17[%add3A_1019] : memref<336xf32, #tpu.memory_space<vmem>>[vector<16xi32>], vector<16xf32>,
            %get3A = arith.constant 0 : index
            %get3A_1021 = tpu.vector_load %arg23[%get3A] {strides = array<i32>} : memref<64xf32, #tpu.memory_space<vmem>>, vector<16xf32>,
            %add3A_1022 = arith.constant 1.000000e-16 : f32
            %add3A_1023 = vector.broadcast %add3A_1022 : f32 to vector<16xf32>
            %add3A_1024 = arith.addf %gather3A_1020, %add3A_1023 : vector<16xf32>
            %div3A_1025 = arith.divf %get3A_1021, %add3A_1024 : vector<16xf32>
            %lt3A_1026 = arith.cmpi slt, %add3A_1014, %broadcast_in_dim3A_673 : vector<16xi32>
            %jit3A_1027 = arith.constant 0.000000e+00 : f32
            %broadcast_in_dim3A_1028 = vector.broadcast %jit3A_1027 : f32 to vector<16xf32>
            %select_n3A_1029 = arith.select %lt3A_1026, %div3A_1025, %broadcast_in_dim3A_1028 : vector<16xi1>, vector<16xf32>
            %swap3A_1030 = arith.constant 0 : index
            %swap3A_1031 = tpu.vector_load %arg25[%swap3A_1030] {strides = array<i32>} : memref<64xf32, #tpu.memory_space<vmem>>, vector<16xf32>,
            tpu.vector_store %arg25[%swap3A_1030], %select_n3A_1029 {strides = array<i32>} : memref<64xf32, #tpu.memory_space<vmem>>, vector<16xf32>,
            %add3A_1032 = arith.constant 4 : i32
            %add3A_1033 = arith.addi %mul3A_1010, %add3A_1032 : i32
            %broadcast_in_dim3A_1034 = vector.broadcast %add3A_1033 : i32 to vector<16xi32>
            %add3A_1035 = arith.addi %broadcast_in_dim3A_1034, %shift_right_arithmetic3A_2 : vector<16xi32>
            %gather3A_1036 = tpu.vector_load_idx %arg15[%add3A_1035] : memref<2016xi32, #tpu.memory_space<vmem>>[vector<16xi32>], vector<16xi32>,
            %mul3A_1037 = arith.constant 4 : i32
            %mul3A_1038 = vector.broadcast %mul3A_1037 : i32 to vector<16xi32>
            %mul3A_1039 = arith.muli %gather3A_1036, %mul3A_1038 : vector<16xi32>
            %add3A_1040 = arith.addi %mul3A_1039, %and3A_4 : vector<16xi32>
            %gather3A_1041 = tpu.vector_load_idx %arg17[%add3A_1040] : memref<336xf32, #tpu.memory_space<vmem>>[vector<16xi32>], vector<16xf32>,
            %get3A_1042 = arith.constant 16 : index
            %get3A_1043 = tpu.vector_load %arg23[%get3A_1042] {strides = array<i32>} : memref<64xf32, #tpu.memory_space<vmem>>, vector<16xf32>,
            %add3A_1044 = arith.constant 1.000000e-16 : f32
            %add3A_1045 = vector.broadcast %add3A_1044 : f32 to vector<16xf32>
            %add3A_1046 = arith.addf %gather3A_1041, %add3A_1045 : vector<16xf32>
            %div3A_1047 = arith.divf %get3A_1043, %add3A_1046 : vector<16xf32>
            %lt3A_1048 = arith.cmpi slt, %add3A_1035, %broadcast_in_dim3A_673 : vector<16xi32>
            %jit3A_1049 = arith.constant 0.000000e+00 : f32
            %broadcast_in_dim3A_1050 = vector.broadcast %jit3A_1049 : f32 to vector<16xf32>
            %select_n3A_1051 = arith.select %lt3A_1048, %div3A_1047, %broadcast_in_dim3A_1050 : vector<16xi1>, vector<16xf32>
            %swap3A_1052 = arith.constant 16 : index
            %swap3A_1053 = tpu.vector_load %arg25[%swap3A_1052] {strides = array<i32>} : memref<64xf32, #tpu.memory_space<vmem>>, vector<16xf32>,
            tpu.vector_store %arg25[%swap3A_1052], %select_n3A_1051 {strides = array<i32>} : memref<64xf32, #tpu.memory_space<vmem>>, vector<16xf32>,
            %add3A_1054 = arith.constant 8 : i32
            %add3A_1055 = arith.addi %mul3A_1010, %add3A_1054 : i32
            %broadcast_in_dim3A_1056 = vector.broadcast %add3A_1055 : i32 to vector<16xi32>
            %add3A_1057 = arith.addi %broadcast_in_dim3A_1056, %shift_right_arithmetic3A_2 : vector<16xi32>
            %gather3A_1058 = tpu.vector_load_idx %arg15[%add3A_1057] : memref<2016xi32, #tpu.memory_space<vmem>>[vector<16xi32>], vector<16xi32>,
            %mul3A_1059 = arith.constant 4 : i32
            %mul3A_1060 = vector.broadcast %mul3A_1059 : i32 to vector<16xi32>
            %mul3A_1061 = arith.muli %gather3A_1058, %mul3A_1060 : vector<16xi32>
            %add3A_1062 = arith.addi %mul3A_1061, %and3A_4 : vector<16xi32>
            %gather3A_1063 = tpu.vector_load_idx %arg17[%add3A_1062] : memref<336xf32, #tpu.memory_space<vmem>>[vector<16xi32>], vector<16xf32>,
            %get3A_1064 = arith.constant 32 : index
            %get3A_1065 = tpu.vector_load %arg23[%get3A_1064] {strides = array<i32>} : memref<64xf32, #tpu.memory_space<vmem>>, vector<16xf32>,
            %add3A_1066 = arith.constant 1.000000e-16 : f32
            %add3A_1067 = vector.broadcast %add3A_1066 : f32 to vector<16xf32>
            %add3A_1068 = arith.addf %gather3A_1063, %add3A_1067 : vector<16xf32>
            %div3A_1069 = arith.divf %get3A_1065, %add3A_1068 : vector<16xf32>
            %lt3A_1070 = arith.cmpi slt, %add3A_1057, %broadcast_in_dim3A_673 : vector<16xi32>
            %jit3A_1071 = arith.constant 0.000000e+00 : f32
            %broadcast_in_dim3A_1072 = vector.broadcast %jit3A_1071 : f32 to vector<16xf32>
            %select_n3A_1073 = arith.select %lt3A_1070, %div3A_1069, %broadcast_in_dim3A_1072 : vector<16xi1>, vector<16xf32>
            %swap3A_1074 = arith.constant 32 : index
            %swap3A_1075 = tpu.vector_load %arg25[%swap3A_1074] {strides = array<i32>} : memref<64xf32, #tpu.memory_space<vmem>>, vector<16xf32>,
            tpu.vector_store %arg25[%swap3A_1074], %select_n3A_1073 {strides = array<i32>} : memref<64xf32, #tpu.memory_space<vmem>>, vector<16xf32>,
            %add3A_1076 = arith.constant 12 : i32
            %add3A_1077 = arith.addi %mul3A_1010, %add3A_1076 : i32
            %broadcast_in_dim3A_1078 = vector.broadcast %add3A_1077 : i32 to vector<16xi32>
            %add3A_1079 = arith.addi %broadcast_in_dim3A_1078, %shift_right_arithmetic3A_2 : vector<16xi32>
            %gather3A_1080 = tpu.vector_load_idx %arg15[%add3A_1079] : memref<2016xi32, #tpu.memory_space<vmem>>[vector<16xi32>], vector<16xi32>,
            %mul3A_1081 = arith.constant 4 : i32
            %mul3A_1082 = vector.broadcast %mul3A_1081 : i32 to vector<16xi32>
            %mul3A_1083 = arith.muli %gather3A_1080, %mul3A_1082 : vector<16xi32>
            %add3A_1084 = arith.addi %mul3A_1083, %and3A_4 : vector<16xi32>
            %gather3A_1085 = tpu.vector_load_idx %arg17[%add3A_1084] : memref<336xf32, #tpu.memory_space<vmem>>[vector<16xi32>], vector<16xf32>,
            %get3A_1086 = arith.constant 48 : index
            %get3A_1087 = tpu.vector_load %arg23[%get3A_1086] {strides = array<i32>} : memref<64xf32, #tpu.memory_space<vmem>>, vector<16xf32>,
            %add3A_1088 = arith.constant 1.000000e-16 : f32
            %add3A_1089 = vector.broadcast %add3A_1088 : f32 to vector<16xf32>
            %add3A_1090 = arith.addf %gather3A_1085, %add3A_1089 : vector<16xf32>
            %div3A_1091 = arith.divf %get3A_1087, %add3A_1090 : vector<16xf32>
            %lt3A_1092 = arith.cmpi slt, %add3A_1079, %broadcast_in_dim3A_673 : vector<16xi32>
            %jit3A_1093 = arith.constant 0.000000e+00 : f32
            %broadcast_in_dim3A_1094 = vector.broadcast %jit3A_1093 : f32 to vector<16xf32>
            %select_n3A_1095 = arith.select %lt3A_1092, %div3A_1091, %broadcast_in_dim3A_1094 : vector<16xi1>, vector<16xf32>
            %swap3A_1096 = arith.constant 48 : index
            %swap3A_1097 = tpu.vector_load %arg25[%swap3A_1096] {strides = array<i32>} : memref<64xf32, #tpu.memory_space<vmem>>, vector<16xf32>,
            tpu.vector_store %arg25[%swap3A_1096], %select_n3A_1095 {strides = array<i32>} : memref<64xf32, #tpu.memory_space<vmem>>, vector<16xf32>,
            %scan3A_1098 = arith.constant 0 : i32
            %scan3A_1099 = arith.constant 0 : i32
            %scan3A_1100 = arith.constant 16 : i32
            %scan3A_1101 = arith.addi %scan3A_1099, %scan3A_1100 : i32
            %scan3A_1102 = arith.constant 1 : i32
            %scan3A_1103 = scf.for %scan3A_1106 = %scan3A_1099 to %scan3A_1101 step %scan3A_1102 iter_args(%scan3A_1107 = %scan3A_1098) -> (i32)  : i32 {
              %add3A_1108 = arith.addi %mul3A_1010, %scan3A_1106 : i32
              %broadcast_in_dim3A_1109 = vector.broadcast %add3A_1108 : i32 to vector<16xi32>
              %gather3A_1110 = tpu.vector_load_idx %arg15[%broadcast_in_dim3A_1109] : memref<2016xi32, #tpu.memory_space<vmem>>[vector<16xi32>], vector<16xi32>,
              %mul3A_1111 = arith.constant 768 : i32
              %mul3A_1112 = vector.broadcast %mul3A_1111 : i32 to vector<16xi32>
              %mul3A_1113 = arith.muli %gather3A_1110, %mul3A_1112 : vector<16xi32>
              %add3A_1114 = arith.addi %mul3A_1113, %iota3A : vector<16xi32>
              %mul3A_1115 = arith.constant 64 : i32
              %mul3A_1116 = vector.broadcast %mul3A_1115 : i32 to vector<16xi32>
              %mul3A_1117 = arith.muli %gather3A_1110, %mul3A_1116 : vector<16xi32>
              %add3A_1118 = arith.addi %mul3A_1117, %iota3A : vector<16xi32>
              %mul3A_1119 = arith.constant 16 : i32
              %mul3A_1120 = arith.muli %scan3A_1106, %mul3A_1119 : i32
              %get3A_1121 = arith.index_cast %mul3A_1120 : i32 to index
              %get3A_1122 = tpu.vector_load %arg30[%get3A_1121] {strides = array<i32>} : memref<256xf32, #tpu.memory_space<vmem>>, vector<16xf32>,
              %mul3A_1123 = arith.constant 4 : i32
              %mul3A_1124 = arith.muli %scan3A_1106, %mul3A_1123 : i32
              %add3A_1125 = arith.constant 0 : i32
              %add3A_1126 = arith.addi %mul3A_1124, %add3A_1125 : i32
              %broadcast_in_dim3A_1127 = vector.broadcast %add3A_1126 : i32 to vector<16xi32>
              %gather3A_1128 = tpu.vector_load_idx %arg25[%broadcast_in_dim3A_1127] : memref<64xf32, #tpu.memory_space<vmem>>[vector<16xi32>], vector<16xf32>,
              %get3A_1129 = arith.index_cast %scan3A_1106 : i32 to index
              %get3A_1130 = arith.constant 0 : index
              %get3A_1131 = tpu.vector_load %arg26[%get3A_1129, %get3A_1130] {strides = array<i32>} : memref<16x768xf32, #tpu.memory_space<vmem>>, vector<16xf32>,
              %add3A_1132 = arith.constant 0 : i32
              %add3A_1133 = vector.broadcast %add3A_1132 : i32 to vector<16xi32>
              %add3A_1134 = arith.addi %add3A_1114, %add3A_1133 : vector<16xi32>
              %mul3A_1135 = arith.mulf %get3A_1131, %gather3A_1128 : vector<16xf32>
              tpu.vector_store_idx %arg19[%add3A_1134], %mul3A_1135 {add = true} : memref<61440xf32, #tpu.memory_space<vmem>>[vector<16xi32>], vector<16xf32>,
              %get3A_1136 = arith.index_cast %scan3A_1106 : i32 to index
              %get3A_1137 = arith.constant 16 : index
              %get3A_1138 = tpu.vector_load %arg26[%get3A_1136, %get3A_1137] {strides = array<i32>} : memref<16x768xf32, #tpu.memory_space<vmem>>, vector<16xf32>,
              %add3A_1139 = arith.constant 16 : i32
              %add3A_1140 = vector.broadcast %add3A_1139 : i32 to vector<16xi32>
              %add3A_1141 = arith.addi %add3A_1114, %add3A_1140 : vector<16xi32>
              %mul3A_1142 = arith.mulf %get3A_1138, %gather3A_1128 : vector<16xf32>
              tpu.vector_store_idx %arg19[%add3A_1141], %mul3A_1142 {add = true} : memref<61440xf32, #tpu.memory_space<vmem>>[vector<16xi32>], vector<16xf32>,
              %get3A_1143 = arith.index_cast %scan3A_1106 : i32 to index
              %get3A_1144 = arith.constant 32 : index
              %get3A_1145 = tpu.vector_load %arg26[%get3A_1143, %get3A_1144] {strides = array<i32>} : memref<16x768xf32, #tpu.memory_space<vmem>>, vector<16xf32>,
              %add3A_1146 = arith.constant 32 : i32
              %add3A_1147 = vector.broadcast %add3A_1146 : i32 to vector<16xi32>
              %add3A_1148 = arith.addi %add3A_1114, %add3A_1147 : vector<16xi32>
              %mul3A_1149 = arith.mulf %get3A_1145, %gather3A_1128 : vector<16xf32>
              tpu.vector_store_idx %arg19[%add3A_1148], %mul3A_1149 {add = true} : memref<61440xf32, #tpu.memory_space<vmem>>[vector<16xi32>], vector<16xf32>,
              %get3A_1150 = arith.index_cast %scan3A_1106 : i32 to index
              %get3A_1151 = arith.constant 48 : index
              %get3A_1152 = tpu.vector_load %arg26[%get3A_1150, %get3A_1151] {strides = array<i32>} : memref<16x768xf32, #tpu.memory_space<vmem>>, vector<16xf32>,
              %add3A_1153 = arith.constant 48 : i32
              %add3A_1154 = vector.broadcast %add3A_1153 : i32 to vector<16xi32>
              %add3A_1155 = arith.addi %add3A_1114, %add3A_1154 : vector<16xi32>
              %mul3A_1156 = arith.mulf %get3A_1152, %gather3A_1128 : vector<16xf32>
              tpu.vector_store_idx %arg19[%add3A_1155], %mul3A_1156 {add = true} : memref<61440xf32, #tpu.memory_space<vmem>>[vector<16xi32>], vector<16xf32>,
              %get3A_1157 = arith.index_cast %scan3A_1106 : i32 to index
              %get3A_1158 = arith.constant 64 : index
              %get3A_1159 = tpu.vector_load %arg26[%get3A_1157, %get3A_1158] {strides = array<i32>} : memref<16x768xf32, #tpu.memory_space<vmem>>, vector<16xf32>,
              %add3A_1160 = arith.constant 64 : i32
              %add3A_1161 = vector.broadcast %add3A_1160 : i32 to vector<16xi32>
              %add3A_1162 = arith.addi %add3A_1114, %add3A_1161 : vector<16xi32>
              %mul3A_1163 = arith.mulf %get3A_1159, %gather3A_1128 : vector<16xf32>
              tpu.vector_store_idx %arg19[%add3A_1162], %mul3A_1163 {add = true} : memref<61440xf32, #tpu.memory_space<vmem>>[vector<16xi32>], vector<16xf32>,
              %get3A_1164 = arith.index_cast %scan3A_1106 : i32 to index
              %get3A_1165 = arith.constant 80 : index
              %get3A_1166 = tpu.vector_load %arg26[%get3A_1164, %get3A_1165] {strides = array<i32>} : memref<16x768xf32, #tpu.memory_space<vmem>>, vector<16xf32>,
              %add3A_1167 = arith.constant 80 : i32
              %add3A_1168 = vector.broadcast %add3A_1167 : i32 to vector<16xi32>
              %add3A_1169 = arith.addi %add3A_1114, %add3A_1168 : vector<16xi32>
              %mul3A_1170 = arith.mulf %get3A_1166, %gather3A_1128 : vector<16xf32>
              tpu.vector_store_idx %arg19[%add3A_1169], %mul3A_1170 {add = true} : memref<61440xf32, #tpu.memory_space<vmem>>[vector<16xi32>], vector<16xf32>,
              %get3A_1171 = arith.index_cast %scan3A_1106 : i32 to index
              %get3A_1172 = arith.constant 96 : index
              %get3A_1173 = tpu.vector_load %arg26[%get3A_1171, %get3A_1172] {strides = array<i32>} : memref<16x768xf32, #tpu.memory_space<vmem>>, vector<16xf32>,
              %add3A_1174 = arith.constant 96 : i32
              %add3A_1175 = vector.broadcast %add3A_1174 : i32 to vector<16xi32>
              %add3A_1176 = arith.addi %add3A_1114, %add3A_1175 : vector<16xi32>
              %mul3A_1177 = arith.mulf %get3A_1173, %gather3A_1128 : vector<16xf32>
              tpu.vector_store_idx %arg19[%add3A_1176], %mul3A_1177 {add = true} : memref<61440xf32, #tpu.memory_space<vmem>>[vector<16xi32>], vector<16xf32>,
              %get3A_1178 = arith.index_cast %scan3A_1106 : i32 to index
              %get3A_1179 = arith.constant 112 : index
              %get3A_1180 = tpu.vector_load %arg26[%get3A_1178, %get3A_1179] {strides = array<i32>} : memref<16x768xf32, #tpu.memory_space<vmem>>, vector<16xf32>,
              %add3A_1181 = arith.constant 112 : i32
              %add3A_1182 = vector.broadcast %add3A_1181 : i32 to vector<16xi32>
              %add3A_1183 = arith.addi %add3A_1114, %add3A_1182 : vector<16xi32>
              %mul3A_1184 = arith.mulf %get3A_1180, %gather3A_1128 : vector<16xf32>
              tpu.vector_store_idx %arg19[%add3A_1183], %mul3A_1184 {add = true} : memref<61440xf32, #tpu.memory_space<vmem>>[vector<16xi32>], vector<16xf32>,
              %get3A_1185 = arith.index_cast %scan3A_1106 : i32 to index
              %get3A_1186 = arith.constant 128 : index
              %get3A_1187 = tpu.vector_load %arg26[%get3A_1185, %get3A_1186] {strides = array<i32>} : memref<16x768xf32, #tpu.memory_space<vmem>>, vector<16xf32>,
              %add3A_1188 = arith.constant 128 : i32
              %add3A_1189 = vector.broadcast %add3A_1188 : i32 to vector<16xi32>
              %add3A_1190 = arith.addi %add3A_1114, %add3A_1189 : vector<16xi32>
              %mul3A_1191 = arith.mulf %get3A_1187, %gather3A_1128 : vector<16xf32>
              tpu.vector_store_idx %arg19[%add3A_1190], %mul3A_1191 {add = true} : memref<61440xf32, #tpu.memory_space<vmem>>[vector<16xi32>], vector<16xf32>,
              %get3A_1192 = arith.index_cast %scan3A_1106 : i32 to index
              %get3A_1193 = arith.constant 144 : index
              %get3A_1194 = tpu.vector_load %arg26[%get3A_1192, %get3A_1193] {strides = array<i32>} : memref<16x768xf32, #tpu.memory_space<vmem>>, vector<16xf32>,
              %add3A_1195 = arith.constant 144 : i32
              %add3A_1196 = vector.broadcast %add3A_1195 : i32 to vector<16xi32>
              %add3A_1197 = arith.addi %add3A_1114, %add3A_1196 : vector<16xi32>
              %mul3A_1198 = arith.mulf %get3A_1194, %gather3A_1128 : vector<16xf32>
              tpu.vector_store_idx %arg19[%add3A_1197], %mul3A_1198 {add = true} : memref<61440xf32, #tpu.memory_space<vmem>>[vector<16xi32>], vector<16xf32>,
              %get3A_1199 = arith.index_cast %scan3A_1106 : i32 to index
              %get3A_1200 = arith.constant 160 : index
              %get3A_1201 = tpu.vector_load %arg26[%get3A_1199, %get3A_1200] {strides = array<i32>} : memref<16x768xf32, #tpu.memory_space<vmem>>, vector<16xf32>,
              %add3A_1202 = arith.constant 160 : i32
              %add3A_1203 = vector.broadcast %add3A_1202 : i32 to vector<16xi32>
              %add3A_1204 = arith.addi %add3A_1114, %add3A_1203 : vector<16xi32>
              %mul3A_1205 = arith.mulf %get3A_1201, %gather3A_1128 : vector<16xf32>
              tpu.vector_store_idx %arg19[%add3A_1204], %mul3A_1205 {add = true} : memref<61440xf32, #tpu.memory_space<vmem>>[vector<16xi32>], vector<16xf32>,
              %get3A_1206 = arith.index_cast %scan3A_1106 : i32 to index
              %get3A_1207 = arith.constant 176 : index
              %get3A_1208 = tpu.vector_load %arg26[%get3A_1206, %get3A_1207] {strides = array<i32>} : memref<16x768xf32, #tpu.memory_space<vmem>>, vector<16xf32>,
              %add3A_1209 = arith.constant 176 : i32
              %add3A_1210 = vector.broadcast %add3A_1209 : i32 to vector<16xi32>
              %add3A_1211 = arith.addi %add3A_1114, %add3A_1210 : vector<16xi32>
              %mul3A_1212 = arith.mulf %get3A_1208, %gather3A_1128 : vector<16xf32>
              tpu.vector_store_idx %arg19[%add3A_1211], %mul3A_1212 {add = true} : memref<61440xf32, #tpu.memory_space<vmem>>[vector<16xi32>], vector<16xf32>,
              %add3A_1213 = arith.constant 0 : i32
              %add3A_1214 = vector.broadcast %add3A_1213 : i32 to vector<16xi32>
              %add3A_1215 = arith.addi %add3A_1118, %add3A_1214 : vector<16xi32>
              %mul3A_1216 = arith.mulf %get3A_1122, %gather3A_1128 : vector<16xf32>
              tpu.vector_store_idx %arg20[%add3A_1215], %mul3A_1216 {add = true} : memref<5120xf32, #tpu.memory_space<vmem>>[vector<16xi32>], vector<16xf32>,
              %mul3A_1217 = arith.constant 4 : i32
              %mul3A_1218 = arith.muli %scan3A_1106, %mul3A_1217 : i32
              %add3A_1219 = arith.constant 1 : i32
              %add3A_1220 = arith.addi %mul3A_1218, %add3A_1219 : i32
              %broadcast_in_dim3A_1221 = vector.broadcast %add3A_1220 : i32 to vector<16xi32>
              %gather3A_1222 = tpu.vector_load_idx %arg25[%broadcast_in_dim3A_1221] : memref<64xf32, #tpu.memory_space<vmem>>[vector<16xi32>], vector<16xf32>,
              %get3A_1223 = arith.index_cast %scan3A_1106 : i32 to index
              %get3A_1224 = arith.constant 192 : index
              %get3A_1225 = tpu.vector_load %arg26[%get3A_1223, %get3A_1224] {strides = array<i32>} : memref<16x768xf32, #tpu.memory_space<vmem>>, vector<16xf32>,
              %add3A_1226 = arith.constant 192 : i32
              %add3A_1227 = vector.broadcast %add3A_1226 : i32 to vector<16xi32>
              %add3A_1228 = arith.addi %add3A_1114, %add3A_1227 : vector<16xi32>
              %mul3A_1229 = arith.mulf %get3A_1225, %gather3A_1222 : vector<16xf32>
              tpu.vector_store_idx %arg19[%add3A_1228], %mul3A_1229 {add = true} : memref<61440xf32, #tpu.memory_space<vmem>>[vector<16xi32>], vector<16xf32>,
              %get3A_1230 = arith.index_cast %scan3A_1106 : i32 to index
              %get3A_1231 = arith.constant 208 : index
              %get3A_1232 = tpu.vector_load %arg26[%get3A_1230, %get3A_1231] {strides = array<i32>} : memref<16x768xf32, #tpu.memory_space<vmem>>, vector<16xf32>,
              %add3A_1233 = arith.constant 208 : i32
              %add3A_1234 = vector.broadcast %add3A_1233 : i32 to vector<16xi32>
              %add3A_1235 = arith.addi %add3A_1114, %add3A_1234 : vector<16xi32>
              %mul3A_1236 = arith.mulf %get3A_1232, %gather3A_1222 : vector<16xf32>
              tpu.vector_store_idx %arg19[%add3A_1235], %mul3A_1236 {add = true} : memref<61440xf32, #tpu.memory_space<vmem>>[vector<16xi32>], vector<16xf32>,
              %get3A_1237 = arith.index_cast %scan3A_1106 : i32 to index
              %get3A_1238 = arith.constant 224 : index
              %get3A_1239 = tpu.vector_load %arg26[%get3A_1237, %get3A_1238] {strides = array<i32>} : memref<16x768xf32, #tpu.memory_space<vmem>>, vector<16xf32>,
              %add3A_1240 = arith.constant 224 : i32
              %add3A_1241 = vector.broadcast %add3A_1240 : i32 to vector<16xi32>
              %add3A_1242 = arith.addi %add3A_1114, %add3A_1241 : vector<16xi32>
              %mul3A_1243 = arith.mulf %get3A_1239, %gather3A_1222 : vector<16xf32>
              tpu.vector_store_idx %arg19[%add3A_1242], %mul3A_1243 {add = true} : memref<61440xf32, #tpu.memory_space<vmem>>[vector<16xi32>], vector<16xf32>,
              %get3A_1244 = arith.index_cast %scan3A_1106 : i32 to index
              %get3A_1245 = arith.constant 240 : index
              %get3A_1246 = tpu.vector_load %arg26[%get3A_1244, %get3A_1245] {strides = array<i32>} : memref<16x768xf32, #tpu.memory_space<vmem>>, vector<16xf32>,
              %add3A_1247 = arith.constant 240 : i32
              %add3A_1248 = vector.broadcast %add3A_1247 : i32 to vector<16xi32>
              %add3A_1249 = arith.addi %add3A_1114, %add3A_1248 : vector<16xi32>
              %mul3A_1250 = arith.mulf %get3A_1246, %gather3A_1222 : vector<16xf32>
              tpu.vector_store_idx %arg19[%add3A_1249], %mul3A_1250 {add = true} : memref<61440xf32, #tpu.memory_space<vmem>>[vector<16xi32>], vector<16xf32>,
              %get3A_1251 = arith.index_cast %scan3A_1106 : i32 to index
              %get3A_1252 = arith.constant 256 : index
              %get3A_1253 = tpu.vector_load %arg26[%get3A_1251, %get3A_1252] {strides = array<i32>} : memref<16x768xf32, #tpu.memory_space<vmem>>, vector<16xf32>,
              %add3A_1254 = arith.constant 256 : i32
              %add3A_1255 = vector.broadcast %add3A_1254 : i32 to vector<16xi32>
              %add3A_1256 = arith.addi %add3A_1114, %add3A_1255 : vector<16xi32>
              %mul3A_1257 = arith.mulf %get3A_1253, %gather3A_1222 : vector<16xf32>
              tpu.vector_store_idx %arg19[%add3A_1256], %mul3A_1257 {add = true} : memref<61440xf32, #tpu.memory_space<vmem>>[vector<16xi32>], vector<16xf32>,
              %get3A_1258 = arith.index_cast %scan3A_1106 : i32 to index
              %get3A_1259 = arith.constant 272 : index
              %get3A_1260 = tpu.vector_load %arg26[%get3A_1258, %get3A_1259] {strides = array<i32>} : memref<16x768xf32, #tpu.memory_space<vmem>>, vector<16xf32>,
              %add3A_1261 = arith.constant 272 : i32
              %add3A_1262 = vector.broadcast %add3A_1261 : i32 to vector<16xi32>
              %add3A_1263 = arith.addi %add3A_1114, %add3A_1262 : vector<16xi32>
              %mul3A_1264 = arith.mulf %get3A_1260, %gather3A_1222 : vector<16xf32>
              tpu.vector_store_idx %arg19[%add3A_1263], %mul3A_1264 {add = true} : memref<61440xf32, #tpu.memory_space<vmem>>[vector<16xi32>], vector<16xf32>,
              %get3A_1265 = arith.index_cast %scan3A_1106 : i32 to index
              %get3A_1266 = arith.constant 288 : index
              %get3A_1267 = tpu.vector_load %arg26[%get3A_1265, %get3A_1266] {strides = array<i32>} : memref<16x768xf32, #tpu.memory_space<vmem>>, vector<16xf32>,
              %add3A_1268 = arith.constant 288 : i32
              %add3A_1269 = vector.broadcast %add3A_1268 : i32 to vector<16xi32>
              %add3A_1270 = arith.addi %add3A_1114, %add3A_1269 : vector<16xi32>
              %mul3A_1271 = arith.mulf %get3A_1267, %gather3A_1222 : vector<16xf32>
              tpu.vector_store_idx %arg19[%add3A_1270], %mul3A_1271 {add = true} : memref<61440xf32, #tpu.memory_space<vmem>>[vector<16xi32>], vector<16xf32>,
              %get3A_1272 = arith.index_cast %scan3A_1106 : i32 to index
              %get3A_1273 = arith.constant 304 : index
              %get3A_1274 = tpu.vector_load %arg26[%get3A_1272, %get3A_1273] {strides = array<i32>} : memref<16x768xf32, #tpu.memory_space<vmem>>, vector<16xf32>,
              %add3A_1275 = arith.constant 304 : i32
              %add3A_1276 = vector.broadcast %add3A_1275 : i32 to vector<16xi32>
              %add3A_1277 = arith.addi %add3A_1114, %add3A_1276 : vector<16xi32>
              %mul3A_1278 = arith.mulf %get3A_1274, %gather3A_1222 : vector<16xf32>
              tpu.vector_store_idx %arg19[%add3A_1277], %mul3A_1278 {add = true} : memref<61440xf32, #tpu.memory_space<vmem>>[vector<16xi32>], vector<16xf32>,
              %get3A_1279 = arith.index_cast %scan3A_1106 : i32 to index
              %get3A_1280 = arith.constant 320 : index
              %get3A_1281 = tpu.vector_load %arg26[%get3A_1279, %get3A_1280] {strides = array<i32>} : memref<16x768xf32, #tpu.memory_space<vmem>>, vector<16xf32>,
              %add3A_1282 = arith.constant 320 : i32
              %add3A_1283 = vector.broadcast %add3A_1282 : i32 to vector<16xi32>
              %add3A_1284 = arith.addi %add3A_1114, %add3A_1283 : vector<16xi32>
              %mul3A_1285 = arith.mulf %get3A_1281, %gather3A_1222 : vector<16xf32>
              tpu.vector_store_idx %arg19[%add3A_1284], %mul3A_1285 {add = true} : memref<61440xf32, #tpu.memory_space<vmem>>[vector<16xi32>], vector<16xf32>,
              %get3A_1286 = arith.index_cast %scan3A_1106 : i32 to index
              %get3A_1287 = arith.constant 336 : index
              %get3A_1288 = tpu.vector_load %arg26[%get3A_1286, %get3A_1287] {strides = array<i32>} : memref<16x768xf32, #tpu.memory_space<vmem>>, vector<16xf32>,
              %add3A_1289 = arith.constant 336 : i32
              %add3A_1290 = vector.broadcast %add3A_1289 : i32 to vector<16xi32>
              %add3A_1291 = arith.addi %add3A_1114, %add3A_1290 : vector<16xi32>
              %mul3A_1292 = arith.mulf %get3A_1288, %gather3A_1222 : vector<16xf32>
              tpu.vector_store_idx %arg19[%add3A_1291], %mul3A_1292 {add = true} : memref<61440xf32, #tpu.memory_space<vmem>>[vector<16xi32>], vector<16xf32>,
              %get3A_1293 = arith.index_cast %scan3A_1106 : i32 to index
              %get3A_1294 = arith.constant 352 : index
              %get3A_1295 = tpu.vector_load %arg26[%get3A_1293, %get3A_1294] {strides = array<i32>} : memref<16x768xf32, #tpu.memory_space<vmem>>, vector<16xf32>,
              %add3A_1296 = arith.constant 352 : i32
              %add3A_1297 = vector.broadcast %add3A_1296 : i32 to vector<16xi32>
              %add3A_1298 = arith.addi %add3A_1114, %add3A_1297 : vector<16xi32>
              %mul3A_1299 = arith.mulf %get3A_1295, %gather3A_1222 : vector<16xf32>
              tpu.vector_store_idx %arg19[%add3A_1298], %mul3A_1299 {add = true} : memref<61440xf32, #tpu.memory_space<vmem>>[vector<16xi32>], vector<16xf32>,
              %get3A_1300 = arith.index_cast %scan3A_1106 : i32 to index
              %get3A_1301 = arith.constant 368 : index
              %get3A_1302 = tpu.vector_load %arg26[%get3A_1300, %get3A_1301] {strides = array<i32>} : memref<16x768xf32, #tpu.memory_space<vmem>>, vector<16xf32>,
              %add3A_1303 = arith.constant 368 : i32
              %add3A_1304 = vector.broadcast %add3A_1303 : i32 to vector<16xi32>
              %add3A_1305 = arith.addi %add3A_1114, %add3A_1304 : vector<16xi32>
              %mul3A_1306 = arith.mulf %get3A_1302, %gather3A_1222 : vector<16xf32>
              tpu.vector_store_idx %arg19[%add3A_1305], %mul3A_1306 {add = true} : memref<61440xf32, #tpu.memory_space<vmem>>[vector<16xi32>], vector<16xf32>,
              %add3A_1307 = arith.constant 16 : i32
              %add3A_1308 = vector.broadcast %add3A_1307 : i32 to vector<16xi32>
              %add3A_1309 = arith.addi %add3A_1118, %add3A_1308 : vector<16xi32>
              %mul3A_1310 = arith.mulf %get3A_1122, %gather3A_1222 : vector<16xf32>
              tpu.vector_store_idx %arg20[%add3A_1309], %mul3A_1310 {add = true} : memref<5120xf32, #tpu.memory_space<vmem>>[vector<16xi32>], vector<16xf32>,
              %mul3A_1311 = arith.constant 4 : i32
              %mul3A_1312 = arith.muli %scan3A_1106, %mul3A_1311 : i32
              %add3A_1313 = arith.constant 2 : i32
              %add3A_1314 = arith.addi %mul3A_1312, %add3A_1313 : i32
              %broadcast_in_dim3A_1315 = vector.broadcast %add3A_1314 : i32 to vector<16xi32>
              %gather3A_1316 = tpu.vector_load_idx %arg25[%broadcast_in_dim3A_1315] : memref<64xf32, #tpu.memory_space<vmem>>[vector<16xi32>], vector<16xf32>,
              %get3A_1317 = arith.index_cast %scan3A_1106 : i32 to index
              %get3A_1318 = arith.constant 384 : index
              %get3A_1319 = tpu.vector_load %arg26[%get3A_1317, %get3A_1318] {strides = array<i32>} : memref<16x768xf32, #tpu.memory_space<vmem>>, vector<16xf32>,
              %add3A_1320 = arith.constant 384 : i32
              %add3A_1321 = vector.broadcast %add3A_1320 : i32 to vector<16xi32>
              %add3A_1322 = arith.addi %add3A_1114, %add3A_1321 : vector<16xi32>
              %mul3A_1323 = arith.mulf %get3A_1319, %gather3A_1316 : vector<16xf32>
              tpu.vector_store_idx %arg19[%add3A_1322], %mul3A_1323 {add = true} : memref<61440xf32, #tpu.memory_space<vmem>>[vector<16xi32>], vector<16xf32>,
              %get3A_1324 = arith.index_cast %scan3A_1106 : i32 to index
              %get3A_1325 = arith.constant 400 : index
              %get3A_1326 = tpu.vector_load %arg26[%get3A_1324, %get3A_1325] {strides = array<i32>} : memref<16x768xf32, #tpu.memory_space<vmem>>, vector<16xf32>,
              %add3A_1327 = arith.constant 400 : i32
              %add3A_1328 = vector.broadcast %add3A_1327 : i32 to vector<16xi32>
              %add3A_1329 = arith.addi %add3A_1114, %add3A_1328 : vector<16xi32>
              %mul3A_1330 = arith.mulf %get3A_1326, %gather3A_1316 : vector<16xf32>
              tpu.vector_store_idx %arg19[%add3A_1329], %mul3A_1330 {add = true} : memref<61440xf32, #tpu.memory_space<vmem>>[vector<16xi32>], vector<16xf32>,
              %get3A_1331 = arith.index_cast %scan3A_1106 : i32 to index
              %get3A_1332 = arith.constant 416 : index
              %get3A_1333 = tpu.vector_load %arg26[%get3A_1331, %get3A_1332] {strides = array<i32>} : memref<16x768xf32, #tpu.memory_space<vmem>>, vector<16xf32>,
              %add3A_1334 = arith.constant 416 : i32
              %add3A_1335 = vector.broadcast %add3A_1334 : i32 to vector<16xi32>
              %add3A_1336 = arith.addi %add3A_1114, %add3A_1335 : vector<16xi32>
              %mul3A_1337 = arith.mulf %get3A_1333, %gather3A_1316 : vector<16xf32>
              tpu.vector_store_idx %arg19[%add3A_1336], %mul3A_1337 {add = true} : memref<61440xf32, #tpu.memory_space<vmem>>[vector<16xi32>], vector<16xf32>,
              %get3A_1338 = arith.index_cast %scan3A_1106 : i32 to index
              %get3A_1339 = arith.constant 432 : index
              %get3A_1340 = tpu.vector_load %arg26[%get3A_1338, %get3A_1339] {strides = array<i32>} : memref<16x768xf32, #tpu.memory_space<vmem>>, vector<16xf32>,
              %add3A_1341 = arith.constant 432 : i32
              %add3A_1342 = vector.broadcast %add3A_1341 : i32 to vector<16xi32>
              %add3A_1343 = arith.addi %add3A_1114, %add3A_1342 : vector<16xi32>
              %mul3A_1344 = arith.mulf %get3A_1340, %gather3A_1316 : vector<16xf32>
              tpu.vector_store_idx %arg19[%add3A_1343], %mul3A_1344 {add = true} : memref<61440xf32, #tpu.memory_space<vmem>>[vector<16xi32>], vector<16xf32>,
              %get3A_1345 = arith.index_cast %scan3A_1106 : i32 to index
              %get3A_1346 = arith.constant 448 : index
              %get3A_1347 = tpu.vector_load %arg26[%get3A_1345, %get3A_1346] {strides = array<i32>} : memref<16x768xf32, #tpu.memory_space<vmem>>, vector<16xf32>,
              %add3A_1348 = arith.constant 448 : i32
              %add3A_1349 = vector.broadcast %add3A_1348 : i32 to vector<16xi32>
              %add3A_1350 = arith.addi %add3A_1114, %add3A_1349 : vector<16xi32>
              %mul3A_1351 = arith.mulf %get3A_1347, %gather3A_1316 : vector<16xf32>
              tpu.vector_store_idx %arg19[%add3A_1350], %mul3A_1351 {add = true} : memref<61440xf32, #tpu.memory_space<vmem>>[vector<16xi32>], vector<16xf32>,
              %get3A_1352 = arith.index_cast %scan3A_1106 : i32 to index
              %get3A_1353 = arith.constant 464 : index
              %get3A_1354 = tpu.vector_load %arg26[%get3A_1352, %get3A_1353] {strides = array<i32>} : memref<16x768xf32, #tpu.memory_space<vmem>>, vector<16xf32>,
              %add3A_1355 = arith.constant 464 : i32
              %add3A_1356 = vector.broadcast %add3A_1355 : i32 to vector<16xi32>
              %add3A_1357 = arith.addi %add3A_1114, %add3A_1356 : vector<16xi32>
              %mul3A_1358 = arith.mulf %get3A_1354, %gather3A_1316 : vector<16xf32>
              tpu.vector_store_idx %arg19[%add3A_1357], %mul3A_1358 {add = true} : memref<61440xf32, #tpu.memory_space<vmem>>[vector<16xi32>], vector<16xf32>,
              %get3A_1359 = arith.index_cast %scan3A_1106 : i32 to index
              %get3A_1360 = arith.constant 480 : index
              %get3A_1361 = tpu.vector_load %arg26[%get3A_1359, %get3A_1360] {strides = array<i32>} : memref<16x768xf32, #tpu.memory_space<vmem>>, vector<16xf32>,
              %add3A_1362 = arith.constant 480 : i32
              %add3A_1363 = vector.broadcast %add3A_1362 : i32 to vector<16xi32>
              %add3A_1364 = arith.addi %add3A_1114, %add3A_1363 : vector<16xi32>
              %mul3A_1365 = arith.mulf %get3A_1361, %gather3A_1316 : vector<16xf32>
              tpu.vector_store_idx %arg19[%add3A_1364], %mul3A_1365 {add = true} : memref<61440xf32, #tpu.memory_space<vmem>>[vector<16xi32>], vector<16xf32>,
              %get3A_1366 = arith.index_cast %scan3A_1106 : i32 to index
              %get3A_1367 = arith.constant 496 : index
              %get3A_1368 = tpu.vector_load %arg26[%get3A_1366, %get3A_1367] {strides = array<i32>} : memref<16x768xf32, #tpu.memory_space<vmem>>, vector<16xf32>,
              %add3A_1369 = arith.constant 496 : i32
              %add3A_1370 = vector.broadcast %add3A_1369 : i32 to vector<16xi32>
              %add3A_1371 = arith.addi %add3A_1114, %add3A_1370 : vector<16xi32>
              %mul3A_1372 = arith.mulf %get3A_1368, %gather3A_1316 : vector<16xf32>
              tpu.vector_store_idx %arg19[%add3A_1371], %mul3A_1372 {add = true} : memref<61440xf32, #tpu.memory_space<vmem>>[vector<16xi32>], vector<16xf32>,
              %get3A_1373 = arith.index_cast %scan3A_1106 : i32 to index
              %get3A_1374 = arith.constant 512 : index
              %get3A_1375 = tpu.vector_load %arg26[%get3A_1373, %get3A_1374] {strides = array<i32>} : memref<16x768xf32, #tpu.memory_space<vmem>>, vector<16xf32>,
              %add3A_1376 = arith.constant 512 : i32
              %add3A_1377 = vector.broadcast %add3A_1376 : i32 to vector<16xi32>
              %add3A_1378 = arith.addi %add3A_1114, %add3A_1377 : vector<16xi32>
              %mul3A_1379 = arith.mulf %get3A_1375, %gather3A_1316 : vector<16xf32>
              tpu.vector_store_idx %arg19[%add3A_1378], %mul3A_1379 {add = true} : memref<61440xf32, #tpu.memory_space<vmem>>[vector<16xi32>], vector<16xf32>,
              %get3A_1380 = arith.index_cast %scan3A_1106 : i32 to index
              %get3A_1381 = arith.constant 528 : index
              %get3A_1382 = tpu.vector_load %arg26[%get3A_1380, %get3A_1381] {strides = array<i32>} : memref<16x768xf32, #tpu.memory_space<vmem>>, vector<16xf32>,
              %add3A_1383 = arith.constant 528 : i32
              %add3A_1384 = vector.broadcast %add3A_1383 : i32 to vector<16xi32>
              %add3A_1385 = arith.addi %add3A_1114, %add3A_1384 : vector<16xi32>
              %mul3A_1386 = arith.mulf %get3A_1382, %gather3A_1316 : vector<16xf32>
              tpu.vector_store_idx %arg19[%add3A_1385], %mul3A_1386 {add = true} : memref<61440xf32, #tpu.memory_space<vmem>>[vector<16xi32>], vector<16xf32>,
              %get3A_1387 = arith.index_cast %scan3A_1106 : i32 to index
              %get3A_1388 = arith.constant 544 : index
              %get3A_1389 = tpu.vector_load %arg26[%get3A_1387, %get3A_1388] {strides = array<i32>} : memref<16x768xf32, #tpu.memory_space<vmem>>, vector<16xf32>,
              %add3A_1390 = arith.constant 544 : i32
              %add3A_1391 = vector.broadcast %add3A_1390 : i32 to vector<16xi32>
              %add3A_1392 = arith.addi %add3A_1114, %add3A_1391 : vector<16xi32>
              %mul3A_1393 = arith.mulf %get3A_1389, %gather3A_1316 : vector<16xf32>
              tpu.vector_store_idx %arg19[%add3A_1392], %mul3A_1393 {add = true} : memref<61440xf32, #tpu.memory_space<vmem>>[vector<16xi32>], vector<16xf32>,
              %get3A_1394 = arith.index_cast %scan3A_1106 : i32 to index
              %get3A_1395 = arith.constant 560 : index
              %get3A_1396 = tpu.vector_load %arg26[%get3A_1394, %get3A_1395] {strides = array<i32>} : memref<16x768xf32, #tpu.memory_space<vmem>>, vector<16xf32>,
              %add3A_1397 = arith.constant 560 : i32
              %add3A_1398 = vector.broadcast %add3A_1397 : i32 to vector<16xi32>
              %add3A_1399 = arith.addi %add3A_1114, %add3A_1398 : vector<16xi32>
              %mul3A_1400 = arith.mulf %get3A_1396, %gather3A_1316 : vector<16xf32>
              tpu.vector_store_idx %arg19[%add3A_1399], %mul3A_1400 {add = true} : memref<61440xf32, #tpu.memory_space<vmem>>[vector<16xi32>], vector<16xf32>,
              %add3A_1401 = arith.constant 32 : i32
              %add3A_1402 = vector.broadcast %add3A_1401 : i32 to vector<16xi32>
              %add3A_1403 = arith.addi %add3A_1118, %add3A_1402 : vector<16xi32>
              %mul3A_1404 = arith.mulf %get3A_1122, %gather3A_1316 : vector<16xf32>
              tpu.vector_store_idx %arg20[%add3A_1403], %mul3A_1404 {add = true} : memref<5120xf32, #tpu.memory_space<vmem>>[vector<16xi32>], vector<16xf32>,
              %mul3A_1405 = arith.constant 4 : i32
              %mul3A_1406 = arith.muli %scan3A_1106, %mul3A_1405 : i32
              %add3A_1407 = arith.constant 3 : i32
              %add3A_1408 = arith.addi %mul3A_1406, %add3A_1407 : i32
              %broadcast_in_dim3A_1409 = vector.broadcast %add3A_1408 : i32 to vector<16xi32>
              %gather3A_1410 = tpu.vector_load_idx %arg25[%broadcast_in_dim3A_1409] : memref<64xf32, #tpu.memory_space<vmem>>[vector<16xi32>], vector<16xf32>,
              %get3A_1411 = arith.index_cast %scan3A_1106 : i32 to index
              %get3A_1412 = arith.constant 576 : index
              %get3A_1413 = tpu.vector_load %arg26[%get3A_1411, %get3A_1412] {strides = array<i32>} : memref<16x768xf32, #tpu.memory_space<vmem>>, vector<16xf32>,
              %add3A_1414 = arith.constant 576 : i32
              %add3A_1415 = vector.broadcast %add3A_1414 : i32 to vector<16xi32>
              %add3A_1416 = arith.addi %add3A_1114, %add3A_1415 : vector<16xi32>
              %mul3A_1417 = arith.mulf %get3A_1413, %gather3A_1410 : vector<16xf32>
              tpu.vector_store_idx %arg19[%add3A_1416], %mul3A_1417 {add = true} : memref<61440xf32, #tpu.memory_space<vmem>>[vector<16xi32>], vector<16xf32>,
              %get3A_1418 = arith.index_cast %scan3A_1106 : i32 to index
              %get3A_1419 = arith.constant 592 : index
              %get3A_1420 = tpu.vector_load %arg26[%get3A_1418, %get3A_1419] {strides = array<i32>} : memref<16x768xf32, #tpu.memory_space<vmem>>, vector<16xf32>,
              %add3A_1421 = arith.constant 592 : i32
              %add3A_1422 = vector.broadcast %add3A_1421 : i32 to vector<16xi32>
              %add3A_1423 = arith.addi %add3A_1114, %add3A_1422 : vector<16xi32>
              %mul3A_1424 = arith.mulf %get3A_1420, %gather3A_1410 : vector<16xf32>
              tpu.vector_store_idx %arg19[%add3A_1423], %mul3A_1424 {add = true} : memref<61440xf32, #tpu.memory_space<vmem>>[vector<16xi32>], vector<16xf32>,
              %get3A_1425 = arith.index_cast %scan3A_1106 : i32 to index
              %get3A_1426 = arith.constant 608 : index
              %get3A_1427 = tpu.vector_load %arg26[%get3A_1425, %get3A_1426] {strides = array<i32>} : memref<16x768xf32, #tpu.memory_space<vmem>>, vector<16xf32>,
              %add3A_1428 = arith.constant 608 : i32
              %add3A_1429 = vector.broadcast %add3A_1428 : i32 to vector<16xi32>
              %add3A_1430 = arith.addi %add3A_1114, %add3A_1429 : vector<16xi32>
              %mul3A_1431 = arith.mulf %get3A_1427, %gather3A_1410 : vector<16xf32>
              tpu.vector_store_idx %arg19[%add3A_1430], %mul3A_1431 {add = true} : memref<61440xf32, #tpu.memory_space<vmem>>[vector<16xi32>], vector<16xf32>,
              %get3A_1432 = arith.index_cast %scan3A_1106 : i32 to index
              %get3A_1433 = arith.constant 624 : index
              %get3A_1434 = tpu.vector_load %arg26[%get3A_1432, %get3A_1433] {strides = array<i32>} : memref<16x768xf32, #tpu.memory_space<vmem>>, vector<16xf32>,
              %add3A_1435 = arith.constant 624 : i32
              %add3A_1436 = vector.broadcast %add3A_1435 : i32 to vector<16xi32>
              %add3A_1437 = arith.addi %add3A_1114, %add3A_1436 : vector<16xi32>
              %mul3A_1438 = arith.mulf %get3A_1434, %gather3A_1410 : vector<16xf32>
              tpu.vector_store_idx %arg19[%add3A_1437], %mul3A_1438 {add = true} : memref<61440xf32, #tpu.memory_space<vmem>>[vector<16xi32>], vector<16xf32>,
              %get3A_1439 = arith.index_cast %scan3A_1106 : i32 to index
              %get3A_1440 = arith.constant 640 : index
              %get3A_1441 = tpu.vector_load %arg26[%get3A_1439, %get3A_1440] {strides = array<i32>} : memref<16x768xf32, #tpu.memory_space<vmem>>, vector<16xf32>,
              %add3A_1442 = arith.constant 640 : i32
              %add3A_1443 = vector.broadcast %add3A_1442 : i32 to vector<16xi32>
              %add3A_1444 = arith.addi %add3A_1114, %add3A_1443 : vector<16xi32>
              %mul3A_1445 = arith.mulf %get3A_1441, %gather3A_1410 : vector<16xf32>
              tpu.vector_store_idx %arg19[%add3A_1444], %mul3A_1445 {add = true} : memref<61440xf32, #tpu.memory_space<vmem>>[vector<16xi32>], vector<16xf32>,
              %get3A_1446 = arith.index_cast %scan3A_1106 : i32 to index
              %get3A_1447 = arith.constant 656 : index
              %get3A_1448 = tpu.vector_load %arg26[%get3A_1446, %get3A_1447] {strides = array<i32>} : memref<16x768xf32, #tpu.memory_space<vmem>>, vector<16xf32>,
              %add3A_1449 = arith.constant 656 : i32
              %add3A_1450 = vector.broadcast %add3A_1449 : i32 to vector<16xi32>
              %add3A_1451 = arith.addi %add3A_1114, %add3A_1450 : vector<16xi32>
              %mul3A_1452 = arith.mulf %get3A_1448, %gather3A_1410 : vector<16xf32>
              tpu.vector_store_idx %arg19[%add3A_1451], %mul3A_1452 {add = true} : memref<61440xf32, #tpu.memory_space<vmem>>[vector<16xi32>], vector<16xf32>,
              %get3A_1453 = arith.index_cast %scan3A_1106 : i32 to index
              %get3A_1454 = arith.constant 672 : index
              %get3A_1455 = tpu.vector_load %arg26[%get3A_1453, %get3A_1454] {strides = array<i32>} : memref<16x768xf32, #tpu.memory_space<vmem>>, vector<16xf32>,
              %add3A_1456 = arith.constant 672 : i32
              %add3A_1457 = vector.broadcast %add3A_1456 : i32 to vector<16xi32>
              %add3A_1458 = arith.addi %add3A_1114, %add3A_1457 : vector<16xi32>
              %mul3A_1459 = arith.mulf %get3A_1455, %gather3A_1410 : vector<16xf32>
              tpu.vector_store_idx %arg19[%add3A_1458], %mul3A_1459 {add = true} : memref<61440xf32, #tpu.memory_space<vmem>>[vector<16xi32>], vector<16xf32>,
              %get3A_1460 = arith.index_cast %scan3A_1106 : i32 to index
              %get3A_1461 = arith.constant 688 : index
              %get3A_1462 = tpu.vector_load %arg26[%get3A_1460, %get3A_1461] {strides = array<i32>} : memref<16x768xf32, #tpu.memory_space<vmem>>, vector<16xf32>,
              %add3A_1463 = arith.constant 688 : i32
              %add3A_1464 = vector.broadcast %add3A_1463 : i32 to vector<16xi32>
              %add3A_1465 = arith.addi %add3A_1114, %add3A_1464 : vector<16xi32>
              %mul3A_1466 = arith.mulf %get3A_1462, %gather3A_1410 : vector<16xf32>
              tpu.vector_store_idx %arg19[%add3A_1465], %mul3A_1466 {add = true} : memref<61440xf32, #tpu.memory_space<vmem>>[vector<16xi32>], vector<16xf32>,
              %get3A_1467 = arith.index_cast %scan3A_1106 : i32 to index
              %get3A_1468 = arith.constant 704 : index
              %get3A_1469 = tpu.vector_load %arg26[%get3A_1467, %get3A_1468] {strides = array<i32>} : memref<16x768xf32, #tpu.memory_space<vmem>>, vector<16xf32>,
              %add3A_1470 = arith.constant 704 : i32
              %add3A_1471 = vector.broadcast %add3A_1470 : i32 to vector<16xi32>
              %add3A_1472 = arith.addi %add3A_1114, %add3A_1471 : vector<16xi32>
              %mul3A_1473 = arith.mulf %get3A_1469, %gather3A_1410 : vector<16xf32>
              tpu.vector_store_idx %arg19[%add3A_1472], %mul3A_1473 {add = true} : memref<61440xf32, #tpu.memory_space<vmem>>[vector<16xi32>], vector<16xf32>,
              %get3A_1474 = arith.index_cast %scan3A_1106 : i32 to index
              %get3A_1475 = arith.constant 720 : index
              %get3A_1476 = tpu.vector_load %arg26[%get3A_1474, %get3A_1475] {strides = array<i32>} : memref<16x768xf32, #tpu.memory_space<vmem>>, vector<16xf32>,
              %add3A_1477 = arith.constant 720 : i32
              %add3A_1478 = vector.broadcast %add3A_1477 : i32 to vector<16xi32>
              %add3A_1479 = arith.addi %add3A_1114, %add3A_1478 : vector<16xi32>
              %mul3A_1480 = arith.mulf %get3A_1476, %gather3A_1410 : vector<16xf32>
              tpu.vector_store_idx %arg19[%add3A_1479], %mul3A_1480 {add = true} : memref<61440xf32, #tpu.memory_space<vmem>>[vector<16xi32>], vector<16xf32>,
              %get3A_1481 = arith.index_cast %scan3A_1106 : i32 to index
              %get3A_1482 = arith.constant 736 : index
              %get3A_1483 = tpu.vector_load %arg26[%get3A_1481, %get3A_1482] {strides = array<i32>} : memref<16x768xf32, #tpu.memory_space<vmem>>, vector<16xf32>,
              %add3A_1484 = arith.constant 736 : i32
              %add3A_1485 = vector.broadcast %add3A_1484 : i32 to vector<16xi32>
              %add3A_1486 = arith.addi %add3A_1114, %add3A_1485 : vector<16xi32>
              %mul3A_1487 = arith.mulf %get3A_1483, %gather3A_1410 : vector<16xf32>
              tpu.vector_store_idx %arg19[%add3A_1486], %mul3A_1487 {add = true} : memref<61440xf32, #tpu.memory_space<vmem>>[vector<16xi32>], vector<16xf32>,
              %get3A_1488 = arith.index_cast %scan3A_1106 : i32 to index
              %get3A_1489 = arith.constant 752 : index
              %get3A_1490 = tpu.vector_load %arg26[%get3A_1488, %get3A_1489] {strides = array<i32>} : memref<16x768xf32, #tpu.memory_space<vmem>>, vector<16xf32>,
              %add3A_1491 = arith.constant 752 : i32
              %add3A_1492 = vector.broadcast %add3A_1491 : i32 to vector<16xi32>
              %add3A_1493 = arith.addi %add3A_1114, %add3A_1492 : vector<16xi32>
              %mul3A_1494 = arith.mulf %get3A_1490, %gather3A_1410 : vector<16xf32>
              tpu.vector_store_idx %arg19[%add3A_1493], %mul3A_1494 {add = true} : memref<61440xf32, #tpu.memory_space<vmem>>[vector<16xi32>], vector<16xf32>,
              %add3A_1495 = arith.constant 48 : i32
              %add3A_1496 = vector.broadcast %add3A_1495 : i32 to vector<16xi32>
              %add3A_1497 = arith.addi %add3A_1118, %add3A_1496 : vector<16xi32>
              %mul3A_1498 = arith.mulf %get3A_1122, %gather3A_1410 : vector<16xf32>
              tpu.vector_store_idx %arg20[%add3A_1497], %mul3A_1498 {add = true} : memref<5120xf32, #tpu.memory_space<vmem>>[vector<16xi32>], vector<16xf32>,
              %scan3A_1499 = arith.constant 0 : i32
              scf.yield %scan3A_1499 : i32
            }
            %scan3A_1104 = arith.constant 16 : i32
            %while3A_1105 = arith.constant 0 : i32
            scf.yield %while3A_1105 : i32
          }
          %while3A_683 = arith.constant 1 : i32
          %while3A_684 = scf.for %while3A_785 = %while3A_680 to %while3A_676 step %while3A_683 iter_args(%while3A_786 = %while3A_682) -> (i32)  : i32 {
            %mul3A_787 = arith.constant 16 : i32
            %mul3A_788 = arith.muli %while3A_785, %mul3A_787 : i32
            %add3A_789 = arith.constant 0 : i32
            %add3A_790 = arith.addi %mul3A_788, %add3A_789 : i32
            %broadcast_in_dim3A_791 = vector.broadcast %add3A_790 : i32 to vector<16xi32>
            %add3A_792 = arith.addi %broadcast_in_dim3A_791, %shift_right_arithmetic3A_2 : vector<16xi32>
            %gather3A = tpu.vector_load_idx %arg14[%add3A_792] : memref<2016xi32, #tpu.memory_space<vmem>>[vector<16xi32>], vector<16xi32>,
            %mul3A_793 = arith.constant 4 : i32
            %mul3A_794 = vector.broadcast %mul3A_793 : i32 to vector<16xi32>
            %mul3A_795 = arith.muli %gather3A, %mul3A_794 : vector<16xi32>
            %add3A_796 = arith.addi %mul3A_795, %and3A_4 : vector<16xi32>
            %swap3A_797 = arith.constant 0 : index
            %swap3A_798 = tpu.vector_load %arg21[%swap3A_797] {strides = array<i32>} : memref<64xi32, #tpu.memory_space<vmem>>, vector<16xi32>,
            tpu.vector_store %arg21[%swap3A_797], %add3A_796 {strides = array<i32>} : memref<64xi32, #tpu.memory_space<vmem>>, vector<16xi32>,
            %add3A_799 = arith.constant 4 : i32
            %add3A_800 = arith.addi %mul3A_788, %add3A_799 : i32
            %broadcast_in_dim3A_801 = vector.broadcast %add3A_800 : i32 to vector<16xi32>
            %add3A_802 = arith.addi %broadcast_in_dim3A_801, %shift_right_arithmetic3A_2 : vector<16xi32>
            %gather3A_803 = tpu.vector_load_idx %arg14[%add3A_802] : memref<2016xi32, #tpu.memory_space<vmem>>[vector<16xi32>], vector<16xi32>,
            %mul3A_804 = arith.constant 4 : i32
            %mul3A_805 = vector.broadcast %mul3A_804 : i32 to vector<16xi32>
            %mul3A_806 = arith.muli %gather3A_803, %mul3A_805 : vector<16xi32>
            %add3A_807 = arith.addi %mul3A_806, %and3A_4 : vector<16xi32>
            %swap3A_808 = arith.constant 16 : index
            %swap3A_809 = tpu.vector_load %arg21[%swap3A_808] {strides = array<i32>} : memref<64xi32, #tpu.memory_space<vmem>>, vector<16xi32>,
            tpu.vector_store %arg21[%swap3A_808], %add3A_807 {strides = array<i32>} : memref<64xi32, #tpu.memory_space<vmem>>, vector<16xi32>,
            %add3A_810 = arith.constant 8 : i32
            %add3A_811 = arith.addi %mul3A_788, %add3A_810 : i32
            %broadcast_in_dim3A_812 = vector.broadcast %add3A_811 : i32 to vector<16xi32>
            %add3A_813 = arith.addi %broadcast_in_dim3A_812, %shift_right_arithmetic3A_2 : vector<16xi32>
            %gather3A_814 = tpu.vector_load_idx %arg14[%add3A_813] : memref<2016xi32, #tpu.memory_space<vmem>>[vector<16xi32>], vector<16xi32>,
            %mul3A_815 = arith.constant 4 : i32
            %mul3A_816 = vector.broadcast %mul3A_815 : i32 to vector<16xi32>
            %mul3A_817 = arith.muli %gather3A_814, %mul3A_816 : vector<16xi32>
            %add3A_818 = arith.addi %mul3A_817, %and3A_4 : vector<16xi32>
            %swap3A_819 = arith.constant 32 : index
            %swap3A_820 = tpu.vector_load %arg21[%swap3A_819] {strides = array<i32>} : memref<64xi32, #tpu.memory_space<vmem>>, vector<16xi32>,
            tpu.vector_store %arg21[%swap3A_819], %add3A_818 {strides = array<i32>} : memref<64xi32, #tpu.memory_space<vmem>>, vector<16xi32>,
            %add3A_821 = arith.constant 12 : i32
            %add3A_822 = arith.addi %mul3A_788, %add3A_821 : i32
            %broadcast_in_dim3A_823 = vector.broadcast %add3A_822 : i32 to vector<16xi32>
            %add3A_824 = arith.addi %broadcast_in_dim3A_823, %shift_right_arithmetic3A_2 : vector<16xi32>
            %gather3A_825 = tpu.vector_load_idx %arg14[%add3A_824] : memref<2016xi32, #tpu.memory_space<vmem>>[vector<16xi32>], vector<16xi32>,
            %mul3A_826 = arith.constant 4 : i32
            %mul3A_827 = vector.broadcast %mul3A_826 : i32 to vector<16xi32>
            %mul3A_828 = arith.muli %gather3A_825, %mul3A_827 : vector<16xi32>
            %add3A_829 = arith.addi %mul3A_828, %and3A_4 : vector<16xi32>
            %swap3A_830 = arith.constant 48 : index
            %swap3A_831 = tpu.vector_load %arg21[%swap3A_830] {strides = array<i32>} : memref<64xi32, #tpu.memory_space<vmem>>, vector<16xi32>,
            tpu.vector_store %arg21[%swap3A_830], %add3A_829 {strides = array<i32>} : memref<64xi32, #tpu.memory_space<vmem>>, vector<16xi32>,
            %add3A_832 = arith.constant 0 : i32
            %add3A_833 = arith.addi %mul3A_788, %add3A_832 : i32
            %broadcast_in_dim3A_834 = vector.broadcast %add3A_833 : i32 to vector<16xi32>
            %gather3A_835 = tpu.vector_load_idx %arg14[%broadcast_in_dim3A_834] : memref<2016xi32, #tpu.memory_space<vmem>>[vector<16xi32>], vector<16xi32>,
            %mul3A_836 = arith.constant 16 : i32
            %mul3A_837 = vector.broadcast %mul3A_836 : i32 to vector<16xi32>
            %mul3A_838 = arith.muli %gather3A_835, %mul3A_837 : vector<16xi32>
            %add3A_839 = arith.addi %mul3A_838, %iota3A : vector<16xi32>
            %swap3A_840 = arith.constant 0 : index
            %swap3A_841 = tpu.vector_load %arg28[%swap3A_840] {strides = array<i32>} : memref<256xi32, #tpu.memory_space<vmem>>, vector<16xi32>,
            tpu.vector_store %arg28[%swap3A_840], %add3A_839 {strides = array<i32>} : memref<256xi32, #tpu.memory_space<vmem>>, vector<16xi32>,
            %add3A_842 = arith.constant 1 : i32
            %add3A_843 = arith.addi %mul3A_788, %add3A_842 : i32
            %broadcast_in_dim3A_844 = vector.broadcast %add3A_843 : i32 to vector<16xi32>
            %gather3A_845 = tpu.vector_load_idx %arg14[%broadcast_in_dim3A_844] : memref<2016xi32, #tpu.memory_space<vmem>>[vector<16xi32>], vector<16xi32>,
            %mul3A_846 = arith.constant 16 : i32
            %mul3A_847 = vector.broadcast %mul3A_846 : i32 to vector<16xi32>
            %mul3A_848 = arith.muli %gather3A_845, %mul3A_847 : vector<16xi32>
            %add3A_849 = arith.addi %mul3A_848, %iota3A : vector<16xi32>
            %swap3A_850 = arith.constant 16 : index
            %swap3A_851 = tpu.vector_load %arg28[%swap3A_850] {strides = array<i32>} : memref<256xi32, #tpu.memory_space<vmem>>, vector<16xi32>,
            tpu.vector_store %arg28[%swap3A_850], %add3A_849 {strides = array<i32>} : memref<256xi32, #tpu.memory_space<vmem>>, vector<16xi32>,
            %add3A_852 = arith.constant 2 : i32
            %add3A_853 = arith.addi %mul3A_788, %add3A_852 : i32
            %broadcast_in_dim3A_854 = vector.broadcast %add3A_853 : i32 to vector<16xi32>
            %gather3A_855 = tpu.vector_load_idx %arg14[%broadcast_in_dim3A_854] : memref<2016xi32, #tpu.memory_space<vmem>>[vector<16xi32>], vector<16xi32>,
            %mul3A_856 = arith.constant 16 : i32
            %mul3A_857 = vector.broadcast %mul3A_856 : i32 to vector<16xi32>
            %mul3A_858 = arith.muli %gather3A_855, %mul3A_857 : vector<16xi32>
            %add3A_859 = arith.addi %mul3A_858, %iota3A : vector<16xi32>
            %swap3A_860 = arith.constant 32 : index
            %swap3A_861 = tpu.vector_load %arg28[%swap3A_860] {strides = array<i32>} : memref<256xi32, #tpu.memory_space<vmem>>, vector<16xi32>,
            tpu.vector_store %arg28[%swap3A_860], %add3A_859 {strides = array<i32>} : memref<256xi32, #tpu.memory_space<vmem>>, vector<16xi32>,
            %add3A_862 = arith.constant 3 : i32
            %add3A_863 = arith.addi %mul3A_788, %add3A_862 : i32
            %broadcast_in_dim3A_864 = vector.broadcast %add3A_863 : i32 to vector<16xi32>
            %gather3A_865 = tpu.vector_load_idx %arg14[%broadcast_in_dim3A_864] : memref<2016xi32, #tpu.memory_space<vmem>>[vector<16xi32>], vector<16xi32>,
            %mul3A_866 = arith.constant 16 : i32
            %mul3A_867 = vector.broadcast %mul3A_866 : i32 to vector<16xi32>
            %mul3A_868 = arith.muli %gather3A_865, %mul3A_867 : vector<16xi32>
            %add3A_869 = arith.addi %mul3A_868, %iota3A : vector<16xi32>
            %swap3A_870 = arith.constant 48 : index
            %swap3A_871 = tpu.vector_load %arg28[%swap3A_870] {strides = array<i32>} : memref<256xi32, #tpu.memory_space<vmem>>, vector<16xi32>,
            tpu.vector_store %arg28[%swap3A_870], %add3A_869 {strides = array<i32>} : memref<256xi32, #tpu.memory_space<vmem>>, vector<16xi32>,
            %add3A_872 = arith.constant 4 : i32
            %add3A_873 = arith.addi %mul3A_788, %add3A_872 : i32
            %broadcast_in_dim3A_874 = vector.broadcast %add3A_873 : i32 to vector<16xi32>
            %gather3A_875 = tpu.vector_load_idx %arg14[%broadcast_in_dim3A_874] : memref<2016xi32, #tpu.memory_space<vmem>>[vector<16xi32>], vector<16xi32>,
            %mul3A_876 = arith.constant 16 : i32
            %mul3A_877 = vector.broadcast %mul3A_876 : i32 to vector<16xi32>
            %mul3A_878 = arith.muli %gather3A_875, %mul3A_877 : vector<16xi32>
            %add3A_879 = arith.addi %mul3A_878, %iota3A : vector<16xi32>
            %swap3A_880 = arith.constant 64 : index
            %swap3A_881 = tpu.vector_load %arg28[%swap3A_880] {strides = array<i32>} : memref<256xi32, #tpu.memory_space<vmem>>, vector<16xi32>,
            tpu.vector_store %arg28[%swap3A_880], %add3A_879 {strides = array<i32>} : memref<256xi32, #tpu.memory_space<vmem>>, vector<16xi32>,
            %add3A_882 = arith.constant 5 : i32
            %add3A_883 = arith.addi %mul3A_788, %add3A_882 : i32
            %broadcast_in_dim3A_884 = vector.broadcast %add3A_883 : i32 to vector<16xi32>
            %gather3A_885 = tpu.vector_load_idx %arg14[%broadcast_in_dim3A_884] : memref<2016xi32, #tpu.memory_space<vmem>>[vector<16xi32>], vector<16xi32>,
            %mul3A_886 = arith.constant 16 : i32
            %mul3A_887 = vector.broadcast %mul3A_886 : i32 to vector<16xi32>
            %mul3A_888 = arith.muli %gather3A_885, %mul3A_887 : vector<16xi32>
            %add3A_889 = arith.addi %mul3A_888, %iota3A : vector<16xi32>
            %swap3A_890 = arith.constant 80 : index
            %swap3A_891 = tpu.vector_load %arg28[%swap3A_890] {strides = array<i32>} : memref<256xi32, #tpu.memory_space<vmem>>, vector<16xi32>,
            tpu.vector_store %arg28[%swap3A_890], %add3A_889 {strides = array<i32>} : memref<256xi32, #tpu.memory_space<vmem>>, vector<16xi32>,
            %add3A_892 = arith.constant 6 : i32
            %add3A_893 = arith.addi %mul3A_788, %add3A_892 : i32
            %broadcast_in_dim3A_894 = vector.broadcast %add3A_893 : i32 to vector<16xi32>
            %gather3A_895 = tpu.vector_load_idx %arg14[%broadcast_in_dim3A_894] : memref<2016xi32, #tpu.memory_space<vmem>>[vector<16xi32>], vector<16xi32>,
            %mul3A_896 = arith.constant 16 : i32
            %mul3A_897 = vector.broadcast %mul3A_896 : i32 to vector<16xi32>
            %mul3A_898 = arith.muli %gather3A_895, %mul3A_897 : vector<16xi32>
            %add3A_899 = arith.addi %mul3A_898, %iota3A : vector<16xi32>
            %swap3A_900 = arith.constant 96 : index
            %swap3A_901 = tpu.vector_load %arg28[%swap3A_900] {strides = array<i32>} : memref<256xi32, #tpu.memory_space<vmem>>, vector<16xi32>,
            tpu.vector_store %arg28[%swap3A_900], %add3A_899 {strides = array<i32>} : memref<256xi32, #tpu.memory_space<vmem>>, vector<16xi32>,
            %add3A_902 = arith.constant 7 : i32
            %add3A_903 = arith.addi %mul3A_788, %add3A_902 : i32
            %broadcast_in_dim3A_904 = vector.broadcast %add3A_903 : i32 to vector<16xi32>
            %gather3A_905 = tpu.vector_load_idx %arg14[%broadcast_in_dim3A_904] : memref<2016xi32, #tpu.memory_space<vmem>>[vector<16xi32>], vector<16xi32>,
            %mul3A_906 = arith.constant 16 : i32
            %mul3A_907 = vector.broadcast %mul3A_906 : i32 to vector<16xi32>
            %mul3A_908 = arith.muli %gather3A_905, %mul3A_907 : vector<16xi32>
            %add3A_909 = arith.addi %mul3A_908, %iota3A : vector<16xi32>
            %swap3A_910 = arith.constant 112 : index
            %swap3A_911 = tpu.vector_load %arg28[%swap3A_910] {strides = array<i32>} : memref<256xi32, #tpu.memory_space<vmem>>, vector<16xi32>,
            tpu.vector_store %arg28[%swap3A_910], %add3A_909 {strides = array<i32>} : memref<256xi32, #tpu.memory_space<vmem>>, vector<16xi32>,
            %add3A_912 = arith.constant 8 : i32
            %add3A_913 = arith.addi %mul3A_788, %add3A_912 : i32
            %broadcast_in_dim3A_914 = vector.broadcast %add3A_913 : i32 to vector<16xi32>
            %gather3A_915 = tpu.vector_load_idx %arg14[%broadcast_in_dim3A_914] : memref<2016xi32, #tpu.memory_space<vmem>>[vector<16xi32>], vector<16xi32>,
            %mul3A_916 = arith.constant 16 : i32
            %mul3A_917 = vector.broadcast %mul3A_916 : i32 to vector<16xi32>
            %mul3A_918 = arith.muli %gather3A_915, %mul3A_917 : vector<16xi32>
            %add3A_919 = arith.addi %mul3A_918, %iota3A : vector<16xi32>
            %swap3A_920 = arith.constant 128 : index
            %swap3A_921 = tpu.vector_load %arg28[%swap3A_920] {strides = array<i32>} : memref<256xi32, #tpu.memory_space<vmem>>, vector<16xi32>,
            tpu.vector_store %arg28[%swap3A_920], %add3A_919 {strides = array<i32>} : memref<256xi32, #tpu.memory_space<vmem>>, vector<16xi32>,
            %add3A_922 = arith.constant 9 : i32
            %add3A_923 = arith.addi %mul3A_788, %add3A_922 : i32
            %broadcast_in_dim3A_924 = vector.broadcast %add3A_923 : i32 to vector<16xi32>
            %gather3A_925 = tpu.vector_load_idx %arg14[%broadcast_in_dim3A_924] : memref<2016xi32, #tpu.memory_space<vmem>>[vector<16xi32>], vector<16xi32>,
            %mul3A_926 = arith.constant 16 : i32
            %mul3A_927 = vector.broadcast %mul3A_926 : i32 to vector<16xi32>
            %mul3A_928 = arith.muli %gather3A_925, %mul3A_927 : vector<16xi32>
            %add3A_929 = arith.addi %mul3A_928, %iota3A : vector<16xi32>
            %swap3A_930 = arith.constant 144 : index
            %swap3A_931 = tpu.vector_load %arg28[%swap3A_930] {strides = array<i32>} : memref<256xi32, #tpu.memory_space<vmem>>, vector<16xi32>,
            tpu.vector_store %arg28[%swap3A_930], %add3A_929 {strides = array<i32>} : memref<256xi32, #tpu.memory_space<vmem>>, vector<16xi32>,
            %add3A_932 = arith.constant 10 : i32
            %add3A_933 = arith.addi %mul3A_788, %add3A_932 : i32
            %broadcast_in_dim3A_934 = vector.broadcast %add3A_933 : i32 to vector<16xi32>
            %gather3A_935 = tpu.vector_load_idx %arg14[%broadcast_in_dim3A_934] : memref<2016xi32, #tpu.memory_space<vmem>>[vector<16xi32>], vector<16xi32>,
            %mul3A_936 = arith.constant 16 : i32
            %mul3A_937 = vector.broadcast %mul3A_936 : i32 to vector<16xi32>
            %mul3A_938 = arith.muli %gather3A_935, %mul3A_937 : vector<16xi32>
            %add3A_939 = arith.addi %mul3A_938, %iota3A : vector<16xi32>
            %swap3A_940 = arith.constant 160 : index
            %swap3A_941 = tpu.vector_load %arg28[%swap3A_940] {strides = array<i32>} : memref<256xi32, #tpu.memory_space<vmem>>, vector<16xi32>,
            tpu.vector_store %arg28[%swap3A_940], %add3A_939 {strides = array<i32>} : memref<256xi32, #tpu.memory_space<vmem>>, vector<16xi32>,
            %add3A_942 = arith.constant 11 : i32
            %add3A_943 = arith.addi %mul3A_788, %add3A_942 : i32
            %broadcast_in_dim3A_944 = vector.broadcast %add3A_943 : i32 to vector<16xi32>
            %gather3A_945 = tpu.vector_load_idx %arg14[%broadcast_in_dim3A_944] : memref<2016xi32, #tpu.memory_space<vmem>>[vector<16xi32>], vector<16xi32>,
            %mul3A_946 = arith.constant 16 : i32
            %mul3A_947 = vector.broadcast %mul3A_946 : i32 to vector<16xi32>
            %mul3A_948 = arith.muli %gather3A_945, %mul3A_947 : vector<16xi32>
            %add3A_949 = arith.addi %mul3A_948, %iota3A : vector<16xi32>
            %swap3A_950 = arith.constant 176 : index
            %swap3A_951 = tpu.vector_load %arg28[%swap3A_950] {strides = array<i32>} : memref<256xi32, #tpu.memory_space<vmem>>, vector<16xi32>,
            tpu.vector_store %arg28[%swap3A_950], %add3A_949 {strides = array<i32>} : memref<256xi32, #tpu.memory_space<vmem>>, vector<16xi32>,
            %add3A_952 = arith.constant 12 : i32
            %add3A_953 = arith.addi %mul3A_788, %add3A_952 : i32
            %broadcast_in_dim3A_954 = vector.broadcast %add3A_953 : i32 to vector<16xi32>
            %gather3A_955 = tpu.vector_load_idx %arg14[%broadcast_in_dim3A_954] : memref<2016xi32, #tpu.memory_space<vmem>>[vector<16xi32>], vector<16xi32>,
            %mul3A_956 = arith.constant 16 : i32
            %mul3A_957 = vector.broadcast %mul3A_956 : i32 to vector<16xi32>
            %mul3A_958 = arith.muli %gather3A_955, %mul3A_957 : vector<16xi32>
            %add3A_959 = arith.addi %mul3A_958, %iota3A : vector<16xi32>
            %swap3A_960 = arith.constant 192 : index
            %swap3A_961 = tpu.vector_load %arg28[%swap3A_960] {strides = array<i32>} : memref<256xi32, #tpu.memory_space<vmem>>, vector<16xi32>,
            tpu.vector_store %arg28[%swap3A_960], %add3A_959 {strides = array<i32>} : memref<256xi32, #tpu.memory_space<vmem>>, vector<16xi32>,
            %add3A_962 = arith.constant 13 : i32
            %add3A_963 = arith.addi %mul3A_788, %add3A_962 : i32
            %broadcast_in_dim3A_964 = vector.broadcast %add3A_963 : i32 to vector<16xi32>
            %gather3A_965 = tpu.vector_load_idx %arg14[%broadcast_in_dim3A_964] : memref<2016xi32, #tpu.memory_space<vmem>>[vector<16xi32>], vector<16xi32>,
            %mul3A_966 = arith.constant 16 : i32
            %mul3A_967 = vector.broadcast %mul3A_966 : i32 to vector<16xi32>
            %mul3A_968 = arith.muli %gather3A_965, %mul3A_967 : vector<16xi32>
            %add3A_969 = arith.addi %mul3A_968, %iota3A : vector<16xi32>
            %swap3A_970 = arith.constant 208 : index
            %swap3A_971 = tpu.vector_load %arg28[%swap3A_970] {strides = array<i32>} : memref<256xi32, #tpu.memory_space<vmem>>, vector<16xi32>,
            tpu.vector_store %arg28[%swap3A_970], %add3A_969 {strides = array<i32>} : memref<256xi32, #tpu.memory_space<vmem>>, vector<16xi32>,
            %add3A_972 = arith.constant 14 : i32
            %add3A_973 = arith.addi %mul3A_788, %add3A_972 : i32
            %broadcast_in_dim3A_974 = vector.broadcast %add3A_973 : i32 to vector<16xi32>
            %gather3A_975 = tpu.vector_load_idx %arg14[%broadcast_in_dim3A_974] : memref<2016xi32, #tpu.memory_space<vmem>>[vector<16xi32>], vector<16xi32>,
            %mul3A_976 = arith.constant 16 : i32
            %mul3A_977 = vector.broadcast %mul3A_976 : i32 to vector<16xi32>
            %mul3A_978 = arith.muli %gather3A_975, %mul3A_977 : vector<16xi32>
            %add3A_979 = arith.addi %mul3A_978, %iota3A : vector<16xi32>
            %swap3A_980 = arith.constant 224 : index
            %swap3A_981 = tpu.vector_load %arg28[%swap3A_980] {strides = array<i32>} : memref<256xi32, #tpu.memory_space<vmem>>, vector<16xi32>,
            tpu.vector_store %arg28[%swap3A_980], %add3A_979 {strides = array<i32>} : memref<256xi32, #tpu.memory_space<vmem>>, vector<16xi32>,
            %add3A_982 = arith.constant 15 : i32
            %add3A_983 = arith.addi %mul3A_788, %add3A_982 : i32
            %broadcast_in_dim3A_984 = vector.broadcast %add3A_983 : i32 to vector<16xi32>
            %gather3A_985 = tpu.vector_load_idx %arg14[%broadcast_in_dim3A_984] : memref<2016xi32, #tpu.memory_space<vmem>>[vector<16xi32>], vector<16xi32>,
            %mul3A_986 = arith.constant 16 : i32
            %mul3A_987 = vector.broadcast %mul3A_986 : i32 to vector<16xi32>
            %mul3A_988 = arith.muli %gather3A_985, %mul3A_987 : vector<16xi32>
            %add3A_989 = arith.addi %mul3A_988, %iota3A : vector<16xi32>
            %swap3A_990 = arith.constant 240 : index
            %swap3A_991 = tpu.vector_load %arg28[%swap3A_990] {strides = array<i32>} : memref<256xi32, #tpu.memory_space<vmem>>, vector<16xi32>,
            tpu.vector_store %arg28[%swap3A_990], %add3A_989 {strides = array<i32>} : memref<256xi32, #tpu.memory_space<vmem>>, vector<16xi32>,
            %dma_start3A_992 = tpu.memref_slice %arg16[%mul3A_788] : memref<2016xi32, #tpu.memory_space<vmem>> -> memref<16xi32, #tpu.memory_space<vmem>>
            %dma_start3A_993 = arith.constant 0 : i32
            %dma_start3A_994 = arith.constant 0 : i32
            %dma_start3A_995 = tpu.memref_slice %arg6[%dma_start3A_993, %dma_start3A_994] : memref<10000x768xf32, #tpu.memory_space<hbm>> -> memref<10000x768xf32, #tpu.memory_space<hbm>>
            tpu.enqueue_indirect_dma source(%dma_start3A_995 : memref<10000x768xf32, #tpu.memory_space<hbm>>) target(%arg26 : memref<16x768xf32, #tpu.memory_space<vmem>>) offsets(%dma_start3A_992 : memref<16xi32, #tpu.memory_space<vmem>>) semaphore(%arg34 : memref<!tpu.dma_semaphore, #tpu.memory_space<semaphore_mem>>)
            %dma_start3A_996 = arith.constant 0 : i32
            %dma_start3A_997 = tpu.memref_slice %arg7[%dma_start3A_996] : memref<5120000xf32, #tpu.memory_space<hbm>> -> memref<5120000xf32, #tpu.memory_space<hbm>>
            tpu.enqueue_indirect_dma source(%dma_start3A_997 : memref<5120000xf32, #tpu.memory_space<hbm>>) target(%arg30 : memref<256xf32, #tpu.memory_space<vmem>>) offsets(%arg28 : memref<256xi32, #tpu.memory_space<vmem>>) semaphore(%arg36 : memref<!tpu.dma_semaphore, #tpu.memory_space<semaphore_mem>>)
            %dma_start3A_998 = arith.constant 0 : i32
            %dma_start3A_999 = tpu.memref_slice %arg4[%dma_start3A_998] : memref<1280000xf32, #tpu.memory_space<hbm>> -> memref<1280000xf32, #tpu.memory_space<hbm>>
            tpu.enqueue_indirect_dma source(%dma_start3A_999 : memref<1280000xf32, #tpu.memory_space<hbm>>) target(%arg23 : memref<64xf32, #tpu.memory_space<vmem>>) offsets(%arg21 : memref<64xi32, #tpu.memory_space<vmem>>) semaphore(%arg38 : memref<!tpu.dma_semaphore, #tpu.memory_space<semaphore_mem>>)
            %dma_wait3A_1000 = arith.constant 0 : i32
            %dma_wait3A_1001 = tpu.memref_slice %arg16[%dma_wait3A_1000] : memref<2016xi32, #tpu.memory_space<vmem>> -> memref<16xi32, #tpu.memory_space<vmem>>
            %dma_wait3A_1002 = arith.constant 0 : i32
            %dma_wait3A_1003 = arith.constant 0 : i32
            %dma_wait3A_1004 = tpu.memref_slice %arg6[%dma_wait3A_1002, %dma_wait3A_1003] : memref<10000x768xf32, #tpu.memory_space<hbm>> -> memref<10000x768xf32, #tpu.memory_space<hbm>>
            tpu.wait_indirect_dma semaphore(%arg34 : memref<!tpu.dma_semaphore, #tpu.memory_space<semaphore_mem>>) src(%dma_wait3A_1004 : memref<10000x768xf32, #tpu.memory_space<hbm>>) dst(%arg26 : memref<16x768xf32, #tpu.memory_space<vmem>>)
            %dma_wait3A_1005 = arith.constant 0 : i32
            %dma_wait3A_1006 = tpu.memref_slice %arg7[%dma_wait3A_1005] : memref<5120000xf32, #tpu.memory_space<hbm>> -> memref<5120000xf32, #tpu.memory_space<hbm>>
            tpu.wait_indirect_dma semaphore(%arg36 : memref<!tpu.dma_semaphore, #tpu.memory_space<semaphore_mem>>) src(%dma_wait3A_1006 : memref<5120000xf32, #tpu.memory_space<hbm>>) dst(%arg30 : memref<256xf32, #tpu.memory_space<vmem>>)
            %dma_wait3A_1007 = arith.constant 0 : i32
            %dma_wait3A_1008 = tpu.memref_slice %arg4[%dma_wait3A_1007] : memref<1280000xf32, #tpu.memory_space<hbm>> -> memref<1280000xf32, #tpu.memory_space<hbm>>
            tpu.wait_indirect_dma semaphore(%arg38 : memref<!tpu.dma_semaphore, #tpu.memory_space<semaphore_mem>>) src(%dma_wait3A_1008 : memref<1280000xf32, #tpu.memory_space<hbm>>) dst(%arg23 : memref<64xf32, #tpu.memory_space<vmem>>)
            %mul3A_1009 = arith.constant 16 : i32
            %mul3A_1010 = arith.muli %while3A_785, %mul3A_1009 : i32
            %add3A_1011 = arith.constant 0 : i32
            %add3A_1012 = arith.addi %mul3A_1010, %add3A_1011 : i32
            %broadcast_in_dim3A_1013 = vector.broadcast %add3A_1012 : i32 to vector<16xi32>
            %add3A_1014 = arith.addi %broadcast_in_dim3A_1013, %shift_right_arithmetic3A_2 : vector<16xi32>
            %gather3A_1015 = tpu.vector_load_idx %arg15[%add3A_1014] : memref<2016xi32, #tpu.memory_space<vmem>>[vector<16xi32>], vector<16xi32>,
            %mul3A_1016 = arith.constant 4 : i32
            %mul3A_1017 = vector.broadcast %mul3A_1016 : i32 to vector<16xi32>
            %mul3A_1018 = arith.muli %gather3A_1015, %mul3A_1017 : vector<16xi32>
            %add3A_1019 = arith.addi %mul3A_1018, %and3A_4 : vector<16xi32>
            %gather3A_1020 = tpu.vector_load_idx %arg17[%add3A_1019] : memref<336xf32, #tpu.memory_space<vmem>>[vector<16xi32>], vector<16xf32>,
            %get3A = arith.constant 0 : index
            %get3A_1021 = tpu.vector_load %arg23[%get3A] {strides = array<i32>} : memref<64xf32, #tpu.memory_space<vmem>>, vector<16xf32>,
            %add3A_1022 = arith.constant 1.000000e-16 : f32
            %add3A_1023 = vector.broadcast %add3A_1022 : f32 to vector<16xf32>
            %add3A_1024 = arith.addf %gather3A_1020, %add3A_1023 : vector<16xf32>
            %div3A_1025 = arith.divf %get3A_1021, %add3A_1024 : vector<16xf32>
            %lt3A_1026 = arith.cmpi slt, %add3A_1014, %broadcast_in_dim3A_673 : vector<16xi32>
            %jit3A_1027 = arith.constant 0.000000e+00 : f32
            %broadcast_in_dim3A_1028 = vector.broadcast %jit3A_1027 : f32 to vector<16xf32>
            %select_n3A_1029 = arith.select %lt3A_1026, %div3A_1025, %broadcast_in_dim3A_1028 : vector<16xi1>, vector<16xf32>
            %swap3A_1030 = arith.constant 0 : index
            %swap3A_1031 = tpu.vector_load %arg25[%swap3A_1030] {strides = array<i32>} : memref<64xf32, #tpu.memory_space<vmem>>, vector<16xf32>,
            tpu.vector_store %arg25[%swap3A_1030], %select_n3A_1029 {strides = array<i32>} : memref<64xf32, #tpu.memory_space<vmem>>, vector<16xf32>,
            %add3A_1032 = arith.constant 4 : i32
            %add3A_1033 = arith.addi %mul3A_1010, %add3A_1032 : i32
            %broadcast_in_dim3A_1034 = vector.broadcast %add3A_1033 : i32 to vector<16xi32>
            %add3A_1035 = arith.addi %broadcast_in_dim3A_1034, %shift_right_arithmetic3A_2 : vector<16xi32>
            %gather3A_1036 = tpu.vector_load_idx %arg15[%add3A_1035] : memref<2016xi32, #tpu.memory_space<vmem>>[vector<16xi32>], vector<16xi32>,
            %mul3A_1037 = arith.constant 4 : i32
            %mul3A_1038 = vector.broadcast %mul3A_1037 : i32 to vector<16xi32>
            %mul3A_1039 = arith.muli %gather3A_1036, %mul3A_1038 : vector<16xi32>
            %add3A_1040 = arith.addi %mul3A_1039, %and3A_4 : vector<16xi32>
            %gather3A_1041 = tpu.vector_load_idx %arg17[%add3A_1040] : memref<336xf32, #tpu.memory_space<vmem>>[vector<16xi32>], vector<16xf32>,
            %get3A_1042 = arith.constant 16 : index
            %get3A_1043 = tpu.vector_load %arg23[%get3A_1042] {strides = array<i32>} : memref<64xf32, #tpu.memory_space<vmem>>, vector<16xf32>,
            %add3A_1044 = arith.constant 1.000000e-16 : f32
            %add3A_1045 = vector.broadcast %add3A_1044 : f32 to vector<16xf32>
            %add3A_1046 = arith.addf %gather3A_1041, %add3A_1045 : vector<16xf32>
            %div3A_1047 = arith.divf %get3A_1043, %add3A_1046 : vector<16xf32>
            %lt3A_1048 = arith.cmpi slt, %add3A_1035, %broadcast_in_dim3A_673 : vector<16xi32>
            %jit3A_1049 = arith.constant 0.000000e+00 : f32
            %broadcast_in_dim3A_1050 = vector.broadcast %jit3A_1049 : f32 to vector<16xf32>
            %select_n3A_1051 = arith.select %lt3A_1048, %div3A_1047, %broadcast_in_dim3A_1050 : vector<16xi1>, vector<16xf32>
            %swap3A_1052 = arith.constant 16 : index
            %swap3A_1053 = tpu.vector_load %arg25[%swap3A_1052] {strides = array<i32>} : memref<64xf32, #tpu.memory_space<vmem>>, vector<16xf32>,
            tpu.vector_store %arg25[%swap3A_1052], %select_n3A_1051 {strides = array<i32>} : memref<64xf32, #tpu.memory_space<vmem>>, vector<16xf32>,
            %add3A_1054 = arith.constant 8 : i32
            %add3A_1055 = arith.addi %mul3A_1010, %add3A_1054 : i32
            %broadcast_in_dim3A_1056 = vector.broadcast %add3A_1055 : i32 to vector<16xi32>
            %add3A_1057 = arith.addi %broadcast_in_dim3A_1056, %shift_right_arithmetic3A_2 : vector<16xi32>
            %gather3A_1058 = tpu.vector_load_idx %arg15[%add3A_1057] : memref<2016xi32, #tpu.memory_space<vmem>>[vector<16xi32>], vector<16xi32>,
            %mul3A_1059 = arith.constant 4 : i32
            %mul3A_1060 = vector.broadcast %mul3A_1059 : i32 to vector<16xi32>
            %mul3A_1061 = arith.muli %gather3A_1058, %mul3A_1060 : vector<16xi32>
            %add3A_1062 = arith.addi %mul3A_1061, %and3A_4 : vector<16xi32>
            %gather3A_1063 = tpu.vector_load_idx %arg17[%add3A_1062] : memref<336xf32, #tpu.memory_space<vmem>>[vector<16xi32>], vector<16xf32>,
            %get3A_1064 = arith.constant 32 : index
            %get3A_1065 = tpu.vector_load %arg23[%get3A_1064] {strides = array<i32>} : memref<64xf32, #tpu.memory_space<vmem>>, vector<16xf32>,
            %add3A_1066 = arith.constant 1.000000e-16 : f32
            %add3A_1067 = vector.broadcast %add3A_1066 : f32 to vector<16xf32>
            %add3A_1068 = arith.addf %gather3A_1063, %add3A_1067 : vector<16xf32>
            %div3A_1069 = arith.divf %get3A_1065, %add3A_1068 : vector<16xf32>
            %lt3A_1070 = arith.cmpi slt, %add3A_1057, %broadcast_in_dim3A_673 : vector<16xi32>
            %jit3A_1071 = arith.constant 0.000000e+00 : f32
            %broadcast_in_dim3A_1072 = vector.broadcast %jit3A_1071 : f32 to vector<16xf32>
            %select_n3A_1073 = arith.select %lt3A_1070, %div3A_1069, %broadcast_in_dim3A_1072 : vector<16xi1>, vector<16xf32>
            %swap3A_1074 = arith.constant 32 : index
            %swap3A_1075 = tpu.vector_load %arg25[%swap3A_1074] {strides = array<i32>} : memref<64xf32, #tpu.memory_space<vmem>>, vector<16xf32>,
            tpu.vector_store %arg25[%swap3A_1074], %select_n3A_1073 {strides = array<i32>} : memref<64xf32, #tpu.memory_space<vmem>>, vector<16xf32>,
            %add3A_1076 = arith.constant 12 : i32
            %add3A_1077 = arith.addi %mul3A_1010, %add3A_1076 : i32
            %broadcast_in_dim3A_1078 = vector.broadcast %add3A_1077 : i32 to vector<16xi32>
            %add3A_1079 = arith.addi %broadcast_in_dim3A_1078, %shift_right_arithmetic3A_2 : vector<16xi32>
            %gather3A_1080 = tpu.vector_load_idx %arg15[%add3A_1079] : memref<2016xi32, #tpu.memory_space<vmem>>[vector<16xi32>], vector<16xi32>,
            %mul3A_1081 = arith.constant 4 : i32
            %mul3A_1082 = vector.broadcast %mul3A_1081 : i32 to vector<16xi32>
            %mul3A_1083 = arith.muli %gather3A_1080, %mul3A_1082 : vector<16xi32>
            %add3A_1084 = arith.addi %mul3A_1083, %and3A_4 : vector<16xi32>
            %gather3A_1085 = tpu.vector_load_idx %arg17[%add3A_1084] : memref<336xf32, #tpu.memory_space<vmem>>[vector<16xi32>], vector<16xf32>,
            %get3A_1086 = arith.constant 48 : index
            %get3A_1087 = tpu.vector_load %arg23[%get3A_1086] {strides = array<i32>} : memref<64xf32, #tpu.memory_space<vmem>>, vector<16xf32>,
            %add3A_1088 = arith.constant 1.000000e-16 : f32
            %add3A_1089 = vector.broadcast %add3A_1088 : f32 to vector<16xf32>
            %add3A_1090 = arith.addf %gather3A_1085, %add3A_1089 : vector<16xf32>
            %div3A_1091 = arith.divf %get3A_1087, %add3A_1090 : vector<16xf32>
            %lt3A_1092 = arith.cmpi slt, %add3A_1079, %broadcast_in_dim3A_673 : vector<16xi32>
            %jit3A_1093 = arith.constant 0.000000e+00 : f32
            %broadcast_in_dim3A_1094 = vector.broadcast %jit3A_1093 : f32 to vector<16xf32>
            %select_n3A_1095 = arith.select %lt3A_1092, %div3A_1091, %broadcast_in_dim3A_1094 : vector<16xi1>, vector<16xf32>
            %swap3A_1096 = arith.constant 48 : index
            %swap3A_1097 = tpu.vector_load %arg25[%swap3A_1096] {strides = array<i32>} : memref<64xf32, #tpu.memory_space<vmem>>, vector<16xf32>,
            tpu.vector_store %arg25[%swap3A_1096], %select_n3A_1095 {strides = array<i32>} : memref<64xf32, #tpu.memory_space<vmem>>, vector<16xf32>,
            %scan3A_1098 = arith.constant 0 : i32
            %scan3A_1099 = arith.constant 0 : i32
            %scan3A_1100 = arith.constant 16 : i32
            %scan3A_1101 = arith.addi %scan3A_1099, %scan3A_1100 : i32
            %scan3A_1102 = arith.constant 1 : i32
            %scan3A_1103 = scf.for %scan3A_1106 = %scan3A_1099 to %scan3A_1101 step %scan3A_1102 iter_args(%scan3A_1107 = %scan3A_1098) -> (i32)  : i32 {
              %add3A_1108 = arith.addi %mul3A_1010, %scan3A_1106 : i32
              %broadcast_in_dim3A_1109 = vector.broadcast %add3A_1108 : i32 to vector<16xi32>
              %gather3A_1110 = tpu.vector_load_idx %arg15[%broadcast_in_dim3A_1109] : memref<2016xi32, #tpu.memory_space<vmem>>[vector<16xi32>], vector<16xi32>,
              %mul3A_1111 = arith.constant 768 : i32
              %mul3A_1112 = vector.broadcast %mul3A_1111 : i32 to vector<16xi32>
              %mul3A_1113 = arith.muli %gather3A_1110, %mul3A_1112 : vector<16xi32>
              %add3A_1114 = arith.addi %mul3A_1113, %iota3A : vector<16xi32>
              %mul3A_1115 = arith.constant 64 : i32
              %mul3A_1116 = vector.broadcast %mul3A_1115 : i32 to vector<16xi32>
              %mul3A_1117 = arith.muli %gather3A_1110, %mul3A_1116 : vector<16xi32>
              %add3A_1118 = arith.addi %mul3A_1117, %iota3A : vector<16xi32>
              %mul3A_1119 = arith.constant 16 : i32
              %mul3A_1120 = arith.muli %scan3A_1106, %mul3A_1119 : i32
              %get3A_1121 = arith.index_cast %mul3A_1120 : i32 to index
              %get3A_1122 = tpu.vector_load %arg30[%get3A_1121] {strides = array<i32>} : memref<256xf32, #tpu.memory_space<vmem>>, vector<16xf32>,
              %mul3A_1123 = arith.constant 4 : i32
              %mul3A_1124 = arith.muli %scan3A_1106, %mul3A_1123 : i32
              %add3A_1125 = arith.constant 0 : i32
              %add3A_1126 = arith.addi %mul3A_1124, %add3A_1125 : i32
              %broadcast_in_dim3A_1127 = vector.broadcast %add3A_1126 : i32 to vector<16xi32>
              %gather3A_1128 = tpu.vector_load_idx %arg25[%broadcast_in_dim3A_1127] : memref<64xf32, #tpu.memory_space<vmem>>[vector<16xi32>], vector<16xf32>,
              %get3A_1129 = arith.index_cast %scan3A_1106 : i32 to index
              %get3A_1130 = arith.constant 0 : index
              %get3A_1131 = tpu.vector_load %arg26[%get3A_1129, %get3A_1130] {strides = array<i32>} : memref<16x768xf32, #tpu.memory_space<vmem>>, vector<16xf32>,
              %add3A_1132 = arith.constant 0 : i32
              %add3A_1133 = vector.broadcast %add3A_1132 : i32 to vector<16xi32>
              %add3A_1134 = arith.addi %add3A_1114, %add3A_1133 : vector<16xi32>
              %mul3A_1135 = arith.mulf %get3A_1131, %gather3A_1128 : vector<16xf32>
              tpu.vector_store_idx %arg19[%add3A_1134], %mul3A_1135 {add = true} : memref<61440xf32, #tpu.memory_space<vmem>>[vector<16xi32>], vector<16xf32>,
              %get3A_1136 = arith.index_cast %scan3A_1106 : i32 to index
              %get3A_1137 = arith.constant 16 : index
              %get3A_1138 = tpu.vector_load %arg26[%get3A_1136, %get3A_1137] {strides = array<i32>} : memref<16x768xf32, #tpu.memory_space<vmem>>, vector<16xf32>,
              %add3A_1139 = arith.constant 16 : i32
              %add3A_1140 = vector.broadcast %add3A_1139 : i32 to vector<16xi32>
              %add3A_1141 = arith.addi %add3A_1114, %add3A_1140 : vector<16xi32>
              %mul3A_1142 = arith.mulf %get3A_1138, %gather3A_1128 : vector<16xf32>
              tpu.vector_store_idx %arg19[%add3A_1141], %mul3A_1142 {add = true} : memref<61440xf32, #tpu.memory_space<vmem>>[vector<16xi32>], vector<16xf32>,
              %get3A_1143 = arith.index_cast %scan3A_1106 : i32 to index
              %get3A_1144 = arith.constant 32 : index
              %get3A_1145 = tpu.vector_load %arg26[%get3A_1143, %get3A_1144] {strides = array<i32>} : memref<16x768xf32, #tpu.memory_space<vmem>>, vector<16xf32>,
              %add3A_1146 = arith.constant 32 : i32
              %add3A_1147 = vector.broadcast %add3A_1146 : i32 to vector<16xi32>
              %add3A_1148 = arith.addi %add3A_1114, %add3A_1147 : vector<16xi32>
              %mul3A_1149 = arith.mulf %get3A_1145, %gather3A_1128 : vector<16xf32>
              tpu.vector_store_idx %arg19[%add3A_1148], %mul3A_1149 {add = true} : memref<61440xf32, #tpu.memory_space<vmem>>[vector<16xi32>], vector<16xf32>,
              %get3A_1150 = arith.index_cast %scan3A_1106 : i32 to index
              %get3A_1151 = arith.constant 48 : index
              %get3A_1152 = tpu.vector_load %arg26[%get3A_1150, %get3A_1151] {strides = array<i32>} : memref<16x768xf32, #tpu.memory_space<vmem>>, vector<16xf32>,
              %add3A_1153 = arith.constant 48 : i32
              %add3A_1154 = vector.broadcast %add3A_1153 : i32 to vector<16xi32>
              %add3A_1155 = arith.addi %add3A_1114, %add3A_1154 : vector<16xi32>
              %mul3A_1156 = arith.mulf %get3A_1152, %gather3A_1128 : vector<16xf32>
              tpu.vector_store_idx %arg19[%add3A_1155], %mul3A_1156 {add = true} : memref<61440xf32, #tpu.memory_space<vmem>>[vector<16xi32>], vector<16xf32>,
              %get3A_1157 = arith.index_cast %scan3A_1106 : i32 to index
              %get3A_1158 = arith.constant 64 : index
              %get3A_1159 = tpu.vector_load %arg26[%get3A_1157, %get3A_1158] {strides = array<i32>} : memref<16x768xf32, #tpu.memory_space<vmem>>, vector<16xf32>,
              %add3A_1160 = arith.constant 64 : i32
              %add3A_1161 = vector.broadcast %add3A_1160 : i32 to vector<16xi32>
              %add3A_1162 = arith.addi %add3A_1114, %add3A_1161 : vector<16xi32>
              %mul3A_1163 = arith.mulf %get3A_1159, %gather3A_1128 : vector<16xf32>
              tpu.vector_store_idx %arg19[%add3A_1162], %mul3A_1163 {add = true} : memref<61440xf32, #tpu.memory_space<vmem>>[vector<16xi32>], vector<16xf32>,
              %get3A_1164 = arith.index_cast %scan3A_1106 : i32 to index
              %get3A_1165 = arith.constant 80 : index
              %get3A_1166 = tpu.vector_load %arg26[%get3A_1164, %get3A_1165] {strides = array<i32>} : memref<16x768xf32, #tpu.memory_space<vmem>>, vector<16xf32>,
              %add3A_1167 = arith.constant 80 : i32
              %add3A_1168 = vector.broadcast %add3A_1167 : i32 to vector<16xi32>
              %add3A_1169 = arith.addi %add3A_1114, %add3A_1168 : vector<16xi32>
              %mul3A_1170 = arith.mulf %get3A_1166, %gather3A_1128 : vector<16xf32>
              tpu.vector_store_idx %arg19[%add3A_1169], %mul3A_1170 {add = true} : memref<61440xf32, #tpu.memory_space<vmem>>[vector<16xi32>], vector<16xf32>,
              %get3A_1171 = arith.index_cast %scan3A_1106 : i32 to index
              %get3A_1172 = arith.constant 96 : index
              %get3A_1173 = tpu.vector_load %arg26[%get3A_1171, %get3A_1172] {strides = array<i32>} : memref<16x768xf32, #tpu.memory_space<vmem>>, vector<16xf32>,
              %add3A_1174 = arith.constant 96 : i32
              %add3A_1175 = vector.broadcast %add3A_1174 : i32 to vector<16xi32>
              %add3A_1176 = arith.addi %add3A_1114, %add3A_1175 : vector<16xi32>
              %mul3A_1177 = arith.mulf %get3A_1173, %gather3A_1128 : vector<16xf32>
              tpu.vector_store_idx %arg19[%add3A_1176], %mul3A_1177 {add = true} : memref<61440xf32, #tpu.memory_space<vmem>>[vector<16xi32>], vector<16xf32>,
              %get3A_1178 = arith.index_cast %scan3A_1106 : i32 to index
              %get3A_1179 = arith.constant 112 : index
              %get3A_1180 = tpu.vector_load %arg26[%get3A_1178, %get3A_1179] {strides = array<i32>} : memref<16x768xf32, #tpu.memory_space<vmem>>, vector<16xf32>,
              %add3A_1181 = arith.constant 112 : i32
              %add3A_1182 = vector.broadcast %add3A_1181 : i32 to vector<16xi32>
              %add3A_1183 = arith.addi %add3A_1114, %add3A_1182 : vector<16xi32>
              %mul3A_1184 = arith.mulf %get3A_1180, %gather3A_1128 : vector<16xf32>
              tpu.vector_store_idx %arg19[%add3A_1183], %mul3A_1184 {add = true} : memref<61440xf32, #tpu.memory_space<vmem>>[vector<16xi32>], vector<16xf32>,
              %get3A_1185 = arith.index_cast %scan3A_1106 : i32 to index
              %get3A_1186 = arith.constant 128 : index
              %get3A_1187 = tpu.vector_load %arg26[%get3A_1185, %get3A_1186] {strides = array<i32>} : memref<16x768xf32, #tpu.memory_space<vmem>>, vector<16xf32>,
              %add3A_1188 = arith.constant 128 : i32
              %add3A_1189 = vector.broadcast %add3A_1188 : i32 to vector<16xi32>
              %add3A_1190 = arith.addi %add3A_1114, %add3A_1189 : vector<16xi32>
              %mul3A_1191 = arith.mulf %get3A_1187, %gather3A_1128 : vector<16xf32>
              tpu.vector_store_idx %arg19[%add3A_1190], %mul3A_1191 {add = true} : memref<61440xf32, #tpu.memory_space<vmem>>[vector<16xi32>], vector<16xf32>,
              %get3A_1192 = arith.index_cast %scan3A_1106 : i32 to index
              %get3A_1193 = arith.constant 144 : index
              %get3A_1194 = tpu.vector_load %arg26[%get3A_1192, %get3A_1193] {strides = array<i32>} : memref<16x768xf32, #tpu.memory_space<vmem>>, vector<16xf32>,
              %add3A_1195 = arith.constant 144 : i32
              %add3A_1196 = vector.broadcast %add3A_1195 : i32 to vector<16xi32>
              %add3A_1197 = arith.addi %add3A_1114, %add3A_1196 : vector<16xi32>
              %mul3A_1198 = arith.mulf %get3A_1194, %gather3A_1128 : vector<16xf32>
              tpu.vector_store_idx %arg19[%add3A_1197], %mul3A_1198 {add = true} : memref<61440xf32, #tpu.memory_space<vmem>>[vector<16xi32>], vector<16xf32>,
              %get3A_1199 = arith.index_cast %scan3A_1106 : i32 to index
              %get3A_1200 = arith.constant 160 : index
              %get3A_1201 = tpu.vector_load %arg26[%get3A_1199, %get3A_1200] {strides = array<i32>} : memref<16x768xf32, #tpu.memory_space<vmem>>, vector<16xf32>,
              %add3A_1202 = arith.constant 160 : i32
              %add3A_1203 = vector.broadcast %add3A_1202 : i32 to vector<16xi32>
              %add3A_1204 = arith.addi %add3A_1114, %add3A_1203 : vector<16xi32>
              %mul3A_1205 = arith.mulf %get3A_1201, %gather3A_1128 : vector<16xf32>
              tpu.vector_store_idx %arg19[%add3A_1204], %mul3A_1205 {add = true} : memref<61440xf32, #tpu.memory_space<vmem>>[vector<16xi32>], vector<16xf32>,
              %get3A_1206 = arith.index_cast %scan3A_1106 : i32 to index
              %get3A_1207 = arith.constant 176 : index
              %get3A_1208 = tpu.vector_load %arg26[%get3A_1206, %get3A_1207] {strides = array<i32>} : memref<16x768xf32, #tpu.memory_space<vmem>>, vector<16xf32>,
              %add3A_1209 = arith.constant 176 : i32
              %add3A_1210 = vector.broadcast %add3A_1209 : i32 to vector<16xi32>
              %add3A_1211 = arith.addi %add3A_1114, %add3A_1210 : vector<16xi32>
              %mul3A_1212 = arith.mulf %get3A_1208, %gather3A_1128 : vector<16xf32>
              tpu.vector_store_idx %arg19[%add3A_1211], %mul3A_1212 {add = true} : memref<61440xf32, #tpu.memory_space<vmem>>[vector<16xi32>], vector<16xf32>,
              %add3A_1213 = arith.constant 0 : i32
              %add3A_1214 = vector.broadcast %add3A_1213 : i32 to vector<16xi32>
              %add3A_1215 = arith.addi %add3A_1118, %add3A_1214 : vector<16xi32>
              %mul3A_1216 = arith.mulf %get3A_1122, %gather3A_1128 : vector<16xf32>
              tpu.vector_store_idx %arg20[%add3A_1215], %mul3A_1216 {add = true} : memref<5120xf32, #tpu.memory_space<vmem>>[vector<16xi32>], vector<16xf32>,
              %mul3A_1217 = arith.constant 4 : i32
              %mul3A_1218 = arith.muli %scan3A_1106, %mul3A_1217 : i32
              %add3A_1219 = arith.constant 1 : i32
              %add3A_1220 = arith.addi %mul3A_1218, %add3A_1219 : i32
              %broadcast_in_dim3A_1221 = vector.broadcast %add3A_1220 : i32 to vector<16xi32>
              %gather3A_1222 = tpu.vector_load_idx %arg25[%broadcast_in_dim3A_1221] : memref<64xf32, #tpu.memory_space<vmem>>[vector<16xi32>], vector<16xf32>,
              %get3A_1223 = arith.index_cast %scan3A_1106 : i32 to index
              %get3A_1224 = arith.constant 192 : index
              %get3A_1225 = tpu.vector_load %arg26[%get3A_1223, %get3A_1224] {strides = array<i32>} : memref<16x768xf32, #tpu.memory_space<vmem>>, vector<16xf32>,
              %add3A_1226 = arith.constant 192 : i32
              %add3A_1227 = vector.broadcast %add3A_1226 : i32 to vector<16xi32>
              %add3A_1228 = arith.addi %add3A_1114, %add3A_1227 : vector<16xi32>
              %mul3A_1229 = arith.mulf %get3A_1225, %gather3A_1222 : vector<16xf32>
              tpu.vector_store_idx %arg19[%add3A_1228], %mul3A_1229 {add = true} : memref<61440xf32, #tpu.memory_space<vmem>>[vector<16xi32>], vector<16xf32>,
              %get3A_1230 = arith.index_cast %scan3A_1106 : i32 to index
              %get3A_1231 = arith.constant 208 : index
              %get3A_1232 = tpu.vector_load %arg26[%get3A_1230, %get3A_1231] {strides = array<i32>} : memref<16x768xf32, #tpu.memory_space<vmem>>, vector<16xf32>,
              %add3A_1233 = arith.constant 208 : i32
              %add3A_1234 = vector.broadcast %add3A_1233 : i32 to vector<16xi32>
              %add3A_1235 = arith.addi %add3A_1114, %add3A_1234 : vector<16xi32>
              %mul3A_1236 = arith.mulf %get3A_1232, %gather3A_1222 : vector<16xf32>
              tpu.vector_store_idx %arg19[%add3A_1235], %mul3A_1236 {add = true} : memref<61440xf32, #tpu.memory_space<vmem>>[vector<16xi32>], vector<16xf32>,
              %get3A_1237 = arith.index_cast %scan3A_1106 : i32 to index
              %get3A_1238 = arith.constant 224 : index
              %get3A_1239 = tpu.vector_load %arg26[%get3A_1237, %get3A_1238] {strides = array<i32>} : memref<16x768xf32, #tpu.memory_space<vmem>>, vector<16xf32>,
              %add3A_1240 = arith.constant 224 : i32
              %add3A_1241 = vector.broadcast %add3A_1240 : i32 to vector<16xi32>
              %add3A_1242 = arith.addi %add3A_1114, %add3A_1241 : vector<16xi32>
              %mul3A_1243 = arith.mulf %get3A_1239, %gather3A_1222 : vector<16xf32>
              tpu.vector_store_idx %arg19[%add3A_1242], %mul3A_1243 {add = true} : memref<61440xf32, #tpu.memory_space<vmem>>[vector<16xi32>], vector<16xf32>,
              %get3A_1244 = arith.index_cast %scan3A_1106 : i32 to index
              %get3A_1245 = arith.constant 240 : index
              %get3A_1246 = tpu.vector_load %arg26[%get3A_1244, %get3A_1245] {strides = array<i32>} : memref<16x768xf32, #tpu.memory_space<vmem>>, vector<16xf32>,
              %add3A_1247 = arith.constant 240 : i32
              %add3A_1248 = vector.broadcast %add3A_1247 : i32 to vector<16xi32>
              %add3A_1249 = arith.addi %add3A_1114, %add3A_1248 : vector<16xi32>
              %mul3A_1250 = arith.mulf %get3A_1246, %gather3A_1222 : vector<16xf32>
              tpu.vector_store_idx %arg19[%add3A_1249], %mul3A_1250 {add = true} : memref<61440xf32, #tpu.memory_space<vmem>>[vector<16xi32>], vector<16xf32>,
              %get3A_1251 = arith.index_cast %scan3A_1106 : i32 to index
              %get3A_1252 = arith.constant 256 : index
              %get3A_1253 = tpu.vector_load %arg26[%get3A_1251, %get3A_1252] {strides = array<i32>} : memref<16x768xf32, #tpu.memory_space<vmem>>, vector<16xf32>,
              %add3A_1254 = arith.constant 256 : i32
              %add3A_1255 = vector.broadcast %add3A_1254 : i32 to vector<16xi32>
              %add3A_1256 = arith.addi %add3A_1114, %add3A_1255 : vector<16xi32>
              %mul3A_1257 = arith.mulf %get3A_1253, %gather3A_1222 : vector<16xf32>
              tpu.vector_store_idx %arg19[%add3A_1256], %mul3A_1257 {add = true} : memref<61440xf32, #tpu.memory_space<vmem>>[vector<16xi32>], vector<16xf32>,
              %get3A_1258 = arith.index_cast %scan3A_1106 : i32 to index
              %get3A_1259 = arith.constant 272 : index
              %get3A_1260 = tpu.vector_load %arg26[%get3A_1258, %get3A_1259] {strides = array<i32>} : memref<16x768xf32, #tpu.memory_space<vmem>>, vector<16xf32>,
              %add3A_1261 = arith.constant 272 : i32
              %add3A_1262 = vector.broadcast %add3A_1261 : i32 to vector<16xi32>
              %add3A_1263 = arith.addi %add3A_1114, %add3A_1262 : vector<16xi32>
              %mul3A_1264 = arith.mulf %get3A_1260, %gather3A_1222 : vector<16xf32>
              tpu.vector_store_idx %arg19[%add3A_1263], %mul3A_1264 {add = true} : memref<61440xf32, #tpu.memory_space<vmem>>[vector<16xi32>], vector<16xf32>,
              %get3A_1265 = arith.index_cast %scan3A_1106 : i32 to index
              %get3A_1266 = arith.constant 288 : index
              %get3A_1267 = tpu.vector_load %arg26[%get3A_1265, %get3A_1266] {strides = array<i32>} : memref<16x768xf32, #tpu.memory_space<vmem>>, vector<16xf32>,
              %add3A_1268 = arith.constant 288 : i32
              %add3A_1269 = vector.broadcast %add3A_1268 : i32 to vector<16xi32>
              %add3A_1270 = arith.addi %add3A_1114, %add3A_1269 : vector<16xi32>
              %mul3A_1271 = arith.mulf %get3A_1267, %gather3A_1222 : vector<16xf32>
              tpu.vector_store_idx %arg19[%add3A_1270], %mul3A_1271 {add = true} : memref<61440xf32, #tpu.memory_space<vmem>>[vector<16xi32>], vector<16xf32>,
              %get3A_1272 = arith.index_cast %scan3A_1106 : i32 to index
              %get3A_1273 = arith.constant 304 : index
              %get3A_1274 = tpu.vector_load %arg26[%get3A_1272, %get3A_1273] {strides = array<i32>} : memref<16x768xf32, #tpu.memory_space<vmem>>, vector<16xf32>,
              %add3A_1275 = arith.constant 304 : i32
              %add3A_1276 = vector.broadcast %add3A_1275 : i32 to vector<16xi32>
              %add3A_1277 = arith.addi %add3A_1114, %add3A_1276 : vector<16xi32>
              %mul3A_1278 = arith.mulf %get3A_1274, %gather3A_1222 : vector<16xf32>
              tpu.vector_store_idx %arg19[%add3A_1277], %mul3A_1278 {add = true} : memref<61440xf32, #tpu.memory_space<vmem>>[vector<16xi32>], vector<16xf32>,
              %get3A_1279 = arith.index_cast %scan3A_1106 : i32 to index
              %get3A_1280 = arith.constant 320 : index
              %get3A_1281 = tpu.vector_load %arg26[%get3A_1279, %get3A_1280] {strides = array<i32>} : memref<16x768xf32, #tpu.memory_space<vmem>>, vector<16xf32>,
              %add3A_1282 = arith.constant 320 : i32
              %add3A_1283 = vector.broadcast %add3A_1282 : i32 to vector<16xi32>
              %add3A_1284 = arith.addi %add3A_1114, %add3A_1283 : vector<16xi32>
              %mul3A_1285 = arith.mulf %get3A_1281, %gather3A_1222 : vector<16xf32>
              tpu.vector_store_idx %arg19[%add3A_1284], %mul3A_1285 {add = true} : memref<61440xf32, #tpu.memory_space<vmem>>[vector<16xi32>], vector<16xf32>,
              %get3A_1286 = arith.index_cast %scan3A_1106 : i32 to index
              %get3A_1287 = arith.constant 336 : index
              %get3A_1288 = tpu.vector_load %arg26[%get3A_1286, %get3A_1287] {strides = array<i32>} : memref<16x768xf32, #tpu.memory_space<vmem>>, vector<16xf32>,
              %add3A_1289 = arith.constant 336 : i32
              %add3A_1290 = vector.broadcast %add3A_1289 : i32 to vector<16xi32>
              %add3A_1291 = arith.addi %add3A_1114, %add3A_1290 : vector<16xi32>
              %mul3A_1292 = arith.mulf %get3A_1288, %gather3A_1222 : vector<16xf32>
              tpu.vector_store_idx %arg19[%add3A_1291], %mul3A_1292 {add = true} : memref<61440xf32, #tpu.memory_space<vmem>>[vector<16xi32>], vector<16xf32>,
              %get3A_1293 = arith.index_cast %scan3A_1106 : i32 to index
              %get3A_1294 = arith.constant 352 : index
              %get3A_1295 = tpu.vector_load %arg26[%get3A_1293, %get3A_1294] {strides = array<i32>} : memref<16x768xf32, #tpu.memory_space<vmem>>, vector<16xf32>,
              %add3A_1296 = arith.constant 352 : i32
              %add3A_1297 = vector.broadcast %add3A_1296 : i32 to vector<16xi32>
              %add3A_1298 = arith.addi %add3A_1114, %add3A_1297 : vector<16xi32>
              %mul3A_1299 = arith.mulf %get3A_1295, %gather3A_1222 : vector<16xf32>
              tpu.vector_store_idx %arg19[%add3A_1298], %mul3A_1299 {add = true} : memref<61440xf32, #tpu.memory_space<vmem>>[vector<16xi32>], vector<16xf32>,
              %get3A_1300 = arith.index_cast %scan3A_1106 : i32 to index
              %get3A_1301 = arith.constant 368 : index
              %get3A_1302 = tpu.vector_load %arg26[%get3A_1300, %get3A_1301] {strides = array<i32>} : memref<16x768xf32, #tpu.memory_space<vmem>>, vector<16xf32>,
              %add3A_1303 = arith.constant 368 : i32
              %add3A_1304 = vector.broadcast %add3A_1303 : i32 to vector<16xi32>
              %add3A_1305 = arith.addi %add3A_1114, %add3A_1304 : vector<16xi32>
              %mul3A_1306 = arith.mulf %get3A_1302, %gather3A_1222 : vector<16xf32>
              tpu.vector_store_idx %arg19[%add3A_1305], %mul3A_1306 {add = true} : memref<61440xf32, #tpu.memory_space<vmem>>[vector<16xi32>], vector<16xf32>,
              %add3A_1307 = arith.constant 16 : i32
              %add3A_1308 = vector.broadcast %add3A_1307 : i32 to vector<16xi32>
              %add3A_1309 = arith.addi %add3A_1118, %add3A_1308 : vector<16xi32>
              %mul3A_1310 = arith.mulf %get3A_1122, %gather3A_1222 : vector<16xf32>
              tpu.vector_store_idx %arg20[%add3A_1309], %mul3A_1310 {add = true} : memref<5120xf32, #tpu.memory_space<vmem>>[vector<16xi32>], vector<16xf32>,
              %mul3A_1311 = arith.constant 4 : i32
              %mul3A_1312 = arith.muli %scan3A_1106, %mul3A_1311 : i32
              %add3A_1313 = arith.constant 2 : i32
              %add3A_1314 = arith.addi %mul3A_1312, %add3A_1313 : i32
              %broadcast_in_dim3A_1315 = vector.broadcast %add3A_1314 : i32 to vector<16xi32>
              %gather3A_1316 = tpu.vector_load_idx %arg25[%broadcast_in_dim3A_1315] : memref<64xf32, #tpu.memory_space<vmem>>[vector<16xi32>], vector<16xf32>,
              %get3A_1317 = arith.index_cast %scan3A_1106 : i32 to index
              %get3A_1318 = arith.constant 384 : index
              %get3A_1319 = tpu.vector_load %arg26[%get3A_1317, %get3A_1318] {strides = array<i32>} : memref<16x768xf32, #tpu.memory_space<vmem>>, vector<16xf32>,
              %add3A_1320 = arith.constant 384 : i32
              %add3A_1321 = vector.broadcast %add3A_1320 : i32 to vector<16xi32>
              %add3A_1322 = arith.addi %add3A_1114, %add3A_1321 : vector<16xi32>
              %mul3A_1323 = arith.mulf %get3A_1319, %gather3A_1316 : vector<16xf32>
              tpu.vector_store_idx %arg19[%add3A_1322], %mul3A_1323 {add = true} : memref<61440xf32, #tpu.memory_space<vmem>>[vector<16xi32>], vector<16xf32>,
              %get3A_1324 = arith.index_cast %scan3A_1106 : i32 to index
              %get3A_1325 = arith.constant 400 : index
              %get3A_1326 = tpu.vector_load %arg26[%get3A_1324, %get3A_1325] {strides = array<i32>} : memref<16x768xf32, #tpu.memory_space<vmem>>, vector<16xf32>,
              %add3A_1327 = arith.constant 400 : i32
              %add3A_1328 = vector.broadcast %add3A_1327 : i32 to vector<16xi32>
              %add3A_1329 = arith.addi %add3A_1114, %add3A_1328 : vector<16xi32>
              %mul3A_1330 = arith.mulf %get3A_1326, %gather3A_1316 : vector<16xf32>
              tpu.vector_store_idx %arg19[%add3A_1329], %mul3A_1330 {add = true} : memref<61440xf32, #tpu.memory_space<vmem>>[vector<16xi32>], vector<16xf32>,
              %get3A_1331 = arith.index_cast %scan3A_1106 : i32 to index
              %get3A_1332 = arith.constant 416 : index
              %get3A_1333 = tpu.vector_load %arg26[%get3A_1331, %get3A_1332] {strides = array<i32>} : memref<16x768xf32, #tpu.memory_space<vmem>>, vector<16xf32>,
              %add3A_1334 = arith.constant 416 : i32
              %add3A_1335 = vector.broadcast %add3A_1334 : i32 to vector<16xi32>
              %add3A_1336 = arith.addi %add3A_1114, %add3A_1335 : vector<16xi32>
              %mul3A_1337 = arith.mulf %get3A_1333, %gather3A_1316 : vector<16xf32>
              tpu.vector_store_idx %arg19[%add3A_1336], %mul3A_1337 {add = true} : memref<61440xf32, #tpu.memory_space<vmem>>[vector<16xi32>], vector<16xf32>,
              %get3A_1338 = arith.index_cast %scan3A_1106 : i32 to index
              %get3A_1339 = arith.constant 432 : index
              %get3A_1340 = tpu.vector_load %arg26[%get3A_1338, %get3A_1339] {strides = array<i32>} : memref<16x768xf32, #tpu.memory_space<vmem>>, vector<16xf32>,
              %add3A_1341 = arith.constant 432 : i32
              %add3A_1342 = vector.broadcast %add3A_1341 : i32 to vector<16xi32>
              %add3A_1343 = arith.addi %add3A_1114, %add3A_1342 : vector<16xi32>
              %mul3A_1344 = arith.mulf %get3A_1340, %gather3A_1316 : vector<16xf32>
              tpu.vector_store_idx %arg19[%add3A_1343], %mul3A_1344 {add = true} : memref<61440xf32, #tpu.memory_space<vmem>>[vector<16xi32>], vector<16xf32>,
              %get3A_1345 = arith.index_cast %scan3A_1106 : i32 to index
              %get3A_1346 = arith.constant 448 : index
              %get3A_1347 = tpu.vector_load %arg26[%get3A_1345, %get3A_1346] {strides = array<i32>} : memref<16x768xf32, #tpu.memory_space<vmem>>, vector<16xf32>,
              %add3A_1348 = arith.constant 448 : i32
              %add3A_1349 = vector.broadcast %add3A_1348 : i32 to vector<16xi32>
              %add3A_1350 = arith.addi %add3A_1114, %add3A_1349 : vector<16xi32>
              %mul3A_1351 = arith.mulf %get3A_1347, %gather3A_1316 : vector<16xf32>
              tpu.vector_store_idx %arg19[%add3A_1350], %mul3A_1351 {add = true} : memref<61440xf32, #tpu.memory_space<vmem>>[vector<16xi32>], vector<16xf32>,
              %get3A_1352 = arith.index_cast %scan3A_1106 : i32 to index
              %get3A_1353 = arith.constant 464 : index
              %get3A_1354 = tpu.vector_load %arg26[%get3A_1352, %get3A_1353] {strides = array<i32>} : memref<16x768xf32, #tpu.memory_space<vmem>>, vector<16xf32>,
              %add3A_1355 = arith.constant 464 : i32
              %add3A_1356 = vector.broadcast %add3A_1355 : i32 to vector<16xi32>
              %add3A_1357 = arith.addi %add3A_1114, %add3A_1356 : vector<16xi32>
              %mul3A_1358 = arith.mulf %get3A_1354, %gather3A_1316 : vector<16xf32>
              tpu.vector_store_idx %arg19[%add3A_1357], %mul3A_1358 {add = true} : memref<61440xf32, #tpu.memory_space<vmem>>[vector<16xi32>], vector<16xf32>,
              %get3A_1359 = arith.index_cast %scan3A_1106 : i32 to index
              %get3A_1360 = arith.constant 480 : index
              %get3A_1361 = tpu.vector_load %arg26[%get3A_1359, %get3A_1360] {strides = array<i32>} : memref<16x768xf32, #tpu.memory_space<vmem>>, vector<16xf32>,
              %add3A_1362 = arith.constant 480 : i32
              %add3A_1363 = vector.broadcast %add3A_1362 : i32 to vector<16xi32>
              %add3A_1364 = arith.addi %add3A_1114, %add3A_1363 : vector<16xi32>
              %mul3A_1365 = arith.mulf %get3A_1361, %gather3A_1316 : vector<16xf32>
              tpu.vector_store_idx %arg19[%add3A_1364], %mul3A_1365 {add = true} : memref<61440xf32, #tpu.memory_space<vmem>>[vector<16xi32>], vector<16xf32>,
              %get3A_1366 = arith.index_cast %scan3A_1106 : i32 to index
              %get3A_1367 = arith.constant 496 : index
              %get3A_1368 = tpu.vector_load %arg26[%get3A_1366, %get3A_1367] {strides = array<i32>} : memref<16x768xf32, #tpu.memory_space<vmem>>, vector<16xf32>,
              %add3A_1369 = arith.constant 496 : i32
              %add3A_1370 = vector.broadcast %add3A_1369 : i32 to vector<16xi32>
              %add3A_1371 = arith.addi %add3A_1114, %add3A_1370 : vector<16xi32>
              %mul3A_1372 = arith.mulf %get3A_1368, %gather3A_1316 : vector<16xf32>
              tpu.vector_store_idx %arg19[%add3A_1371], %mul3A_1372 {add = true} : memref<61440xf32, #tpu.memory_space<vmem>>[vector<16xi32>], vector<16xf32>,
              %get3A_1373 = arith.index_cast %scan3A_1106 : i32 to index
              %get3A_1374 = arith.constant 512 : index
              %get3A_1375 = tpu.vector_load %arg26[%get3A_1373, %get3A_1374] {strides = array<i32>} : memref<16x768xf32, #tpu.memory_space<vmem>>, vector<16xf32>,
              %add3A_1376 = arith.constant 512 : i32
              %add3A_1377 = vector.broadcast %add3A_1376 : i32 to vector<16xi32>
              %add3A_1378 = arith.addi %add3A_1114, %add3A_1377 : vector<16xi32>
              %mul3A_1379 = arith.mulf %get3A_1375, %gather3A_1316 : vector<16xf32>
              tpu.vector_store_idx %arg19[%add3A_1378], %mul3A_1379 {add = true} : memref<61440xf32, #tpu.memory_space<vmem>>[vector<16xi32>], vector<16xf32>,
              %get3A_1380 = arith.index_cast %scan3A_1106 : i32 to index
              %get3A_1381 = arith.constant 528 : index
              %get3A_1382 = tpu.vector_load %arg26[%get3A_1380, %get3A_1381] {strides = array<i32>} : memref<16x768xf32, #tpu.memory_space<vmem>>, vector<16xf32>,
              %add3A_1383 = arith.constant 528 : i32
              %add3A_1384 = vector.broadcast %add3A_1383 : i32 to vector<16xi32>
              %add3A_1385 = arith.addi %add3A_1114, %add3A_1384 : vector<16xi32>
              %mul3A_1386 = arith.mulf %get3A_1382, %gather3A_1316 : vector<16xf32>
              tpu.vector_store_idx %arg19[%add3A_1385], %mul3A_1386 {add = true} : memref<61440xf32, #tpu.memory_space<vmem>>[vector<16xi32>], vector<16xf32>,
              %get3A_1387 = arith.index_cast %scan3A_1106 : i32 to index
              %get3A_1388 = arith.constant 544 : index
              %get3A_1389 = tpu.vector_load %arg26[%get3A_1387, %get3A_1388] {strides = array<i32>} : memref<16x768xf32, #tpu.memory_space<vmem>>, vector<16xf32>,
              %add3A_1390 = arith.constant 544 : i32
              %add3A_1391 = vector.broadcast %add3A_1390 : i32 to vector<16xi32>
              %add3A_1392 = arith.addi %add3A_1114, %add3A_1391 : vector<16xi32>
              %mul3A_1393 = arith.mulf %get3A_1389, %gather3A_1316 : vector<16xf32>
              tpu.vector_store_idx %arg19[%add3A_1392], %mul3A_1393 {add = true} : memref<61440xf32, #tpu.memory_space<vmem>>[vector<16xi32>], vector<16xf32>,
              %get3A_1394 = arith.index_cast %scan3A_1106 : i32 to index
              %get3A_1395 = arith.constant 560 : index
              %get3A_1396 = tpu.vector_load %arg26[%get3A_1394, %get3A_1395] {strides = array<i32>} : memref<16x768xf32, #tpu.memory_space<vmem>>, vector<16xf32>,
              %add3A_1397 = arith.constant 560 : i32
              %add3A_1398 = vector.broadcast %add3A_1397 : i32 to vector<16xi32>
              %add3A_1399 = arith.addi %add3A_1114, %add3A_1398 : vector<16xi32>
              %mul3A_1400 = arith.mulf %get3A_1396, %gather3A_1316 : vector<16xf32>
              tpu.vector_store_idx %arg19[%add3A_1399], %mul3A_1400 {add = true} : memref<61440xf32, #tpu.memory_space<vmem>>[vector<16xi32>], vector<16xf32>,
              %add3A_1401 = arith.constant 32 : i32
              %add3A_1402 = vector.broadcast %add3A_1401 : i32 to vector<16xi32>
              %add3A_1403 = arith.addi %add3A_1118, %add3A_1402 : vector<16xi32>
              %mul3A_1404 = arith.mulf %get3A_1122, %gather3A_1316 : vector<16xf32>
              tpu.vector_store_idx %arg20[%add3A_1403], %mul3A_1404 {add = true} : memref<5120xf32, #tpu.memory_space<vmem>>[vector<16xi32>], vector<16xf32>,
              %mul3A_1405 = arith.constant 4 : i32
              %mul3A_1406 = arith.muli %scan3A_1106, %mul3A_1405 : i32
              %add3A_1407 = arith.constant 3 : i32
              %add3A_1408 = arith.addi %mul3A_1406, %add3A_1407 : i32
              %broadcast_in_dim3A_1409 = vector.broadcast %add3A_1408 : i32 to vector<16xi32>
              %gather3A_1410 = tpu.vector_load_idx %arg25[%broadcast_in_dim3A_1409] : memref<64xf32, #tpu.memory_space<vmem>>[vector<16xi32>], vector<16xf32>,
              %get3A_1411 = arith.index_cast %scan3A_1106 : i32 to index
              %get3A_1412 = arith.constant 576 : index
              %get3A_1413 = tpu.vector_load %arg26[%get3A_1411, %get3A_1412] {strides = array<i32>} : memref<16x768xf32, #tpu.memory_space<vmem>>, vector<16xf32>,
              %add3A_1414 = arith.constant 576 : i32
              %add3A_1415 = vector.broadcast %add3A_1414 : i32 to vector<16xi32>
              %add3A_1416 = arith.addi %add3A_1114, %add3A_1415 : vector<16xi32>
              %mul3A_1417 = arith.mulf %get3A_1413, %gather3A_1410 : vector<16xf32>
              tpu.vector_store_idx %arg19[%add3A_1416], %mul3A_1417 {add = true} : memref<61440xf32, #tpu.memory_space<vmem>>[vector<16xi32>], vector<16xf32>,
              %get3A_1418 = arith.index_cast %scan3A_1106 : i32 to index
              %get3A_1419 = arith.constant 592 : index
              %get3A_1420 = tpu.vector_load %arg26[%get3A_1418, %get3A_1419] {strides = array<i32>} : memref<16x768xf32, #tpu.memory_space<vmem>>, vector<16xf32>,
              %add3A_1421 = arith.constant 592 : i32
              %add3A_1422 = vector.broadcast %add3A_1421 : i32 to vector<16xi32>
              %add3A_1423 = arith.addi %add3A_1114, %add3A_1422 : vector<16xi32>
              %mul3A_1424 = arith.mulf %get3A_1420, %gather3A_1410 : vector<16xf32>
              tpu.vector_store_idx %arg19[%add3A_1423], %mul3A_1424 {add = true} : memref<61440xf32, #tpu.memory_space<vmem>>[vector<16xi32>], vector<16xf32>,
              %get3A_1425 = arith.index_cast %scan3A_1106 : i32 to index
              %get3A_1426 = arith.constant 608 : index
              %get3A_1427 = tpu.vector_load %arg26[%get3A_1425, %get3A_1426] {strides = array<i32>} : memref<16x768xf32, #tpu.memory_space<vmem>>, vector<16xf32>,
              %add3A_1428 = arith.constant 608 : i32
              %add3A_1429 = vector.broadcast %add3A_1428 : i32 to vector<16xi32>
              %add3A_1430 = arith.addi %add3A_1114, %add3A_1429 : vector<16xi32>
              %mul3A_1431 = arith.mulf %get3A_1427, %gather3A_1410 : vector<16xf32>
              tpu.vector_store_idx %arg19[%add3A_1430], %mul3A_1431 {add = true} : memref<61440xf32, #tpu.memory_space<vmem>>[vector<16xi32>], vector<16xf32>,
              %get3A_1432 = arith.index_cast %scan3A_1106 : i32 to index
              %get3A_1433 = arith.constant 624 : index
              %get3A_1434 = tpu.vector_load %arg26[%get3A_1432, %get3A_1433] {strides = array<i32>} : memref<16x768xf32, #tpu.memory_space<vmem>>, vector<16xf32>,
              %add3A_1435 = arith.constant 624 : i32
              %add3A_1436 = vector.broadcast %add3A_1435 : i32 to vector<16xi32>
              %add3A_1437 = arith.addi %add3A_1114, %add3A_1436 : vector<16xi32>
              %mul3A_1438 = arith.mulf %get3A_1434, %gather3A_1410 : vector<16xf32>
              tpu.vector_store_idx %arg19[%add3A_1437], %mul3A_1438 {add = true} : memref<61440xf32, #tpu.memory_space<vmem>>[vector<16xi32>], vector<16xf32>,
              %get3A_1439 = arith.index_cast %scan3A_1106 : i32 to index
              %get3A_1440 = arith.constant 640 : index
              %get3A_1441 = tpu.vector_load %arg26[%get3A_1439, %get3A_1440] {strides = array<i32>} : memref<16x768xf32, #tpu.memory_space<vmem>>, vector<16xf32>,
              %add3A_1442 = arith.constant 640 : i32
              %add3A_1443 = vector.broadcast %add3A_1442 : i32 to vector<16xi32>
              %add3A_1444 = arith.addi %add3A_1114, %add3A_1443 : vector<16xi32>
              %mul3A_1445 = arith.mulf %get3A_1441, %gather3A_1410 : vector<16xf32>
              tpu.vector_store_idx %arg19[%add3A_1444], %mul3A_1445 {add = true} : memref<61440xf32, #tpu.memory_space<vmem>>[vector<16xi32>], vector<16xf32>,
              %get3A_1446 = arith.index_cast %scan3A_1106 : i32 to index
              %get3A_1447 = arith.constant 656 : index
              %get3A_1448 = tpu.vector_load %arg26[%get3A_1446, %get3A_1447] {strides = array<i32>} : memref<16x768xf32, #tpu.memory_space<vmem>>, vector<16xf32>,
              %add3A_1449 = arith.constant 656 : i32
              %add3A_1450 = vector.broadcast %add3A_1449 : i32 to vector<16xi32>
              %add3A_1451 = arith.addi %add3A_1114, %add3A_1450 : vector<16xi32>
              %mul3A_1452 = arith.mulf %get3A_1448, %gather3A_1410 : vector<16xf32>
              tpu.vector_store_idx %arg19[%add3A_1451], %mul3A_1452 {add = true} : memref<61440xf32, #tpu.memory_space<vmem>>[vector<16xi32>], vector<16xf32>,
              %get3A_1453 = arith.index_cast %scan3A_1106 : i32 to index
              %get3A_1454 = arith.constant 672 : index
              %get3A_1455 = tpu.vector_load %arg26[%get3A_1453, %get3A_1454] {strides = array<i32>} : memref<16x768xf32, #tpu.memory_space<vmem>>, vector<16xf32>,
              %add3A_1456 = arith.constant 672 : i32
              %add3A_1457 = vector.broadcast %add3A_1456 : i32 to vector<16xi32>
              %add3A_1458 = arith.addi %add3A_1114, %add3A_1457 : vector<16xi32>
              %mul3A_1459 = arith.mulf %get3A_1455, %gather3A_1410 : vector<16xf32>
              tpu.vector_store_idx %arg19[%add3A_1458], %mul3A_1459 {add = true} : memref<61440xf32, #tpu.memory_space<vmem>>[vector<16xi32>], vector<16xf32>,
              %get3A_1460 = arith.index_cast %scan3A_1106 : i32 to index
              %get3A_1461 = arith.constant 688 : index
              %get3A_1462 = tpu.vector_load %arg26[%get3A_1460, %get3A_1461] {strides = array<i32>} : memref<16x768xf32, #tpu.memory_space<vmem>>, vector<16xf32>,
              %add3A_1463 = arith.constant 688 : i32
              %add3A_1464 = vector.broadcast %add3A_1463 : i32 to vector<16xi32>
              %add3A_1465 = arith.addi %add3A_1114, %add3A_1464 : vector<16xi32>
              %mul3A_1466 = arith.mulf %get3A_1462, %gather3A_1410 : vector<16xf32>
              tpu.vector_store_idx %arg19[%add3A_1465], %mul3A_1466 {add = true} : memref<61440xf32, #tpu.memory_space<vmem>>[vector<16xi32>], vector<16xf32>,
              %get3A_1467 = arith.index_cast %scan3A_1106 : i32 to index
              %get3A_1468 = arith.constant 704 : index
              %get3A_1469 = tpu.vector_load %arg26[%get3A_1467, %get3A_1468] {strides = array<i32>} : memref<16x768xf32, #tpu.memory_space<vmem>>, vector<16xf32>,
              %add3A_1470 = arith.constant 704 : i32
              %add3A_1471 = vector.broadcast %add3A_1470 : i32 to vector<16xi32>
              %add3A_1472 = arith.addi %add3A_1114, %add3A_1471 : vector<16xi32>
              %mul3A_1473 = arith.mulf %get3A_1469, %gather3A_1410 : vector<16xf32>
              tpu.vector_store_idx %arg19[%add3A_1472], %mul3A_1473 {add = true} : memref<61440xf32, #tpu.memory_space<vmem>>[vector<16xi32>], vector<16xf32>,
              %get3A_1474 = arith.index_cast %scan3A_1106 : i32 to index
              %get3A_1475 = arith.constant 720 : index
              %get3A_1476 = tpu.vector_load %arg26[%get3A_1474, %get3A_1475] {strides = array<i32>} : memref<16x768xf32, #tpu.memory_space<vmem>>, vector<16xf32>,
              %add3A_1477 = arith.constant 720 : i32
              %add3A_1478 = vector.broadcast %add3A_1477 : i32 to vector<16xi32>
              %add3A_1479 = arith.addi %add3A_1114, %add3A_1478 : vector<16xi32>
              %mul3A_1480 = arith.mulf %get3A_1476, %gather3A_1410 : vector<16xf32>
              tpu.vector_store_idx %arg19[%add3A_1479], %mul3A_1480 {add = true} : memref<61440xf32, #tpu.memory_space<vmem>>[vector<16xi32>], vector<16xf32>,
              %get3A_1481 = arith.index_cast %scan3A_1106 : i32 to index
              %get3A_1482 = arith.constant 736 : index
              %get3A_1483 = tpu.vector_load %arg26[%get3A_1481, %get3A_1482] {strides = array<i32>} : memref<16x768xf32, #tpu.memory_space<vmem>>, vector<16xf32>,
              %add3A_1484 = arith.constant 736 : i32
              %add3A_1485 = vector.broadcast %add3A_1484 : i32 to vector<16xi32>
              %add3A_1486 = arith.addi %add3A_1114, %add3A_1485 : vector<16xi32>
              %mul3A_1487 = arith.mulf %get3A_1483, %gather3A_1410 : vector<16xf32>
              tpu.vector_store_idx %arg19[%add3A_1486], %mul3A_1487 {add = true} : memref<61440xf32, #tpu.memory_space<vmem>>[vector<16xi32>], vector<16xf32>,
              %get3A_1488 = arith.index_cast %scan3A_1106 : i32 to index
              %get3A_1489 = arith.constant 752 : index
              %get3A_1490 = tpu.vector_load %arg26[%get3A_1488, %get3A_1489] {strides = array<i32>} : memref<16x768xf32, #tpu.memory_space<vmem>>, vector<16xf32>,
              %add3A_1491 = arith.constant 752 : i32
              %add3A_1492 = vector.broadcast %add3A_1491 : i32 to vector<16xi32>
              %add3A_1493 = arith.addi %add3A_1114, %add3A_1492 : vector<16xi32>
              %mul3A_1494 = arith.mulf %get3A_1490, %gather3A_1410 : vector<16xf32>
              tpu.vector_store_idx %arg19[%add3A_1493], %mul3A_1494 {add = true} : memref<61440xf32, #tpu.memory_space<vmem>>[vector<16xi32>], vector<16xf32>,
              %add3A_1495 = arith.constant 48 : i32
              %add3A_1496 = vector.broadcast %add3A_1495 : i32 to vector<16xi32>
              %add3A_1497 = arith.addi %add3A_1118, %add3A_1496 : vector<16xi32>
              %mul3A_1498 = arith.mulf %get3A_1122, %gather3A_1410 : vector<16xf32>
              tpu.vector_store_idx %arg20[%add3A_1497], %mul3A_1498 {add = true} : memref<5120xf32, #tpu.memory_space<vmem>>[vector<16xi32>], vector<16xf32>,
              %scan3A_1499 = arith.constant 0 : i32
              scf.yield %scan3A_1499 : i32
            }
            %scan3A_1104 = arith.constant 16 : i32
            %while3A_1105 = arith.constant 0 : i32
            scf.yield %while3A_1105 : i32
          }
          %dma_wait3A_685 = arith.constant 0 : i32
          %dma_wait3A_686 = tpu.memref_slice %arg2[%dma_wait3A_685] : memref<320000xi32, #tpu.memory_space<hbm>> -> memref<2000xi32, #tpu.memory_space<hbm>>
          %dma_wait3A_687 = arith.constant 0 : i32
          %dma_wait3A_688 = tpu.memref_slice %arg2[%dma_wait3A_687] : memref<320000xi32, #tpu.memory_space<hbm>> -> memref<2000xi32, #tpu.memory_space<hbm>>
          tpu.wait_dma2 semaphore(%arg33 : memref<!tpu.dma_semaphore, #tpu.memory_space<semaphore_mem>>) src(%dma_wait3A_688 : memref<2000xi32, #tpu.memory_space<hbm>>) dst(%arg11 : memref<2000xi32, #tpu.memory_space<vmem>>)
          %dma_wait3A_689 = arith.constant 0 : i32
          %dma_wait3A_690 = tpu.memref_slice %arg3[%dma_wait3A_689] : memref<320000xi32, #tpu.memory_space<hbm>> -> memref<2000xi32, #tpu.memory_space<hbm>>
          %dma_wait3A_691 = arith.constant 0 : i32
          %dma_wait3A_692 = tpu.memref_slice %arg3[%dma_wait3A_691] : memref<320000xi32, #tpu.memory_space<hbm>> -> memref<2000xi32, #tpu.memory_space<hbm>>
          tpu.wait_dma2 semaphore(%arg33 : memref<!tpu.dma_semaphore, #tpu.memory_space<semaphore_mem>>) src(%dma_wait3A_692 : memref<2000xi32, #tpu.memory_space<hbm>>) dst(%arg13 : memref<2000xi32, #tpu.memory_space<vmem>>)
          %add3A_693 = arith.constant 1 : i32
          %add3A_694 = arith.addi %add3A_595, %add3A_693 : i32
          %lt3A_695 = arith.constant 160 : i32
          %lt3A_696 = arith.cmpi slt, %add3A_694, %lt3A_695 : i32
          %convert_element_type3A_697 = arith.extui %lt3A_696 : i1 to i32
          %cond3A_698 = arith.constant 0 : i32
          %cond3A_699 = arith.cmpi ne, %convert_element_type3A_697, %cond3A_698 : i32
          scf.if %cond3A_699 {
            %add3A_785 = arith.constant 1 : i32
            %add3A_786 = arith.addi %add3A_595, %add3A_785 : i32
            %mul3A_787 = arith.constant 2000 : i32
            %mul3A_788 = arith.muli %add3A_786, %mul3A_787 : i32
            %dma_start3A_789 = tpu.memref_slice %arg2[%mul3A_788] : memref<320000xi32, #tpu.memory_space<hbm>> -> memref<2000xi32, #tpu.memory_space<hbm>>
            %dma_start3A_790 = tpu.memref_slice %arg2[%mul3A_788] : memref<320000xi32, #tpu.memory_space<hbm>> -> memref<2000xi32, #tpu.memory_space<hbm>>
            tpu.enqueue_dma source(%dma_start3A_790 : memref<2000xi32, #tpu.memory_space<hbm>>) target(%arg10 : memref<2000xi32, #tpu.memory_space<vmem>>) target_semaphore(%arg32 : memref<!tpu.dma_semaphore, #tpu.memory_space<semaphore_mem>>)
            %dma_start3A_791 = tpu.memref_slice %arg3[%mul3A_788] : memref<320000xi32, #tpu.memory_space<hbm>> -> memref<2000xi32, #tpu.memory_space<hbm>>
            %dma_start3A_792 = tpu.memref_slice %arg3[%mul3A_788] : memref<320000xi32, #tpu.memory_space<hbm>> -> memref<2000xi32, #tpu.memory_space<hbm>>
            tpu.enqueue_dma source(%dma_start3A_792 : memref<2000xi32, #tpu.memory_space<hbm>>) target(%arg12 : memref<2000xi32, #tpu.memory_space<vmem>>) target_semaphore(%arg32 : memref<!tpu.dma_semaphore, #tpu.memory_space<semaphore_mem>>)
          } else {
          }
          %mul3A_700 = arith.constant 2000 : i32
          %mul3A_701 = arith.muli %add3A_595, %mul3A_700 : i32
          %scan3A_702 = arith.constant 0 : i32
          %scan3A_703 = arith.constant 0 : i32
          %scan3A_704 = arith.constant 125 : i32
          %scan3A_705 = arith.addi %scan3A_703, %scan3A_704 : i32
          %scan3A_706 = arith.constant 1 : i32
          %scan3A_707 = scf.for %scan3A_785 = %scan3A_703 to %scan3A_705 step %scan3A_706 iter_args(%scan3A_786 = %scan3A_702) -> (i32)  : i32 {
            %mul3A_787 = arith.constant 16 : i32
            %mul3A_788 = arith.muli %scan3A_785, %mul3A_787 : i32
            %get3A = arith.index_cast %mul3A_788 : i32 to index
            %get3A_789 = tpu.vector_load %arg11[%get3A] {strides = array<i32>} : memref<2000xi32, #tpu.memory_space<vmem>>, vector<16xi32>,
            %sub3A_790 = vector.broadcast %mul3A_30 : i32 to vector<16xi32>
            %sub3A_791 = arith.subi %get3A_789, %sub3A_790 : vector<16xi32>
            %ge3A = arith.constant 0 : i32
            %ge3A_792 = vector.broadcast %ge3A : i32 to vector<16xi32>
            %ge3A_793 = arith.cmpi sge, %sub3A_791, %ge3A_792 : vector<16xi32>
            %lt3A_794 = arith.constant 80 : i32
            %lt3A_795 = vector.broadcast %lt3A_794 : i32 to vector<16xi32>
            %lt3A_796 = arith.cmpi slt, %sub3A_791, %lt3A_795 : vector<16xi32>
            %and3A_797 = arith.andi %ge3A_793, %lt3A_796 : vector<16xi1>
            %mul3A_798 = arith.constant 16 : i32
            %mul3A_799 = arith.muli %scan3A_785, %mul3A_798 : i32
            %add3A_800 = arith.addi %mul3A_701, %mul3A_799 : i32
            %add3A_801 = vector.broadcast %add3A_800 : i32 to vector<16xi32>
            %add3A_802 = arith.addi %add3A_801, %iota3A : vector<16xi32>
            %swap3A_803 = arith.index_cast %scan3A_786 : i32 to index
            %swap3A_804 = tpu.vector_load %arg14[%swap3A_803] masked %and3A_797 {strides = array<i32>} : memref<2016xi32, #tpu.memory_space<vmem>>, vector<16xi32>, vector<16xi1>
            tpu.vector_store %arg14[%swap3A_803], %add3A_802 masked %and3A_797 {strides = array<i32>} : memref<2016xi32, #tpu.memory_space<vmem>>, vector<16xi32>, vector<16xi1>
            %swap3A_805 = arith.index_cast %scan3A_786 : i32 to index
            %swap3A_806 = tpu.vector_load %arg15[%swap3A_805] masked %and3A_797 {strides = array<i32>} : memref<2016xi32, #tpu.memory_space<vmem>>, vector<16xi32>, vector<16xi1>
            tpu.vector_store %arg15[%swap3A_805], %sub3A_791 masked %and3A_797 {strides = array<i32>} : memref<2016xi32, #tpu.memory_space<vmem>>, vector<16xi32>, vector<16xi1>
            %get3A_807 = arith.index_cast %mul3A_788 : i32 to index
            %get3A_808 = tpu.vector_load %arg13[%get3A_807] {strides = array<i32>} : memref<2000xi32, #tpu.memory_space<vmem>>, vector<16xi32>,
            %swap3A_809 = arith.index_cast %scan3A_786 : i32 to index
            %swap3A_810 = tpu.vector_load %arg16[%swap3A_809] masked %and3A_797 {strides = array<i32>} : memref<2016xi32, #tpu.memory_space<vmem>>, vector<16xi32>, vector<16xi1>
            tpu.vector_store %arg16[%swap3A_809], %get3A_808 masked %and3A_797 {strides = array<i32>} : memref<2016xi32, #tpu.memory_space<vmem>>, vector<16xi32>, vector<16xi1>
            %all_reduce_population_count3A = tpu.all_reduce %and3A_797 {dim = 0 : i64, kind = #tpu.reduction_kind<sum>} : vector<16xi1> -> vector<16xi32>
            %slice3A = vector.extract_strided_slice %all_reduce_population_count3A {offsets = [0], sizes = [1], strides = [1]} : vector<16xi32> to vector<1xi32>
            %squeeze3A = vector.extract %slice3A[0] : i32 from vector<1xi32>
            %add3A_811 = arith.addi %scan3A_786, %squeeze3A : i32
            scf.yield %add3A_811 : i32
          }
          %scan3A_708 = arith.constant 125 : i32
          %mul3A_709 = arith.constant 300 : i32
          %mul3A_710 = arith.muli %add3A, %mul3A_709 : i32
          %add3A_711 = vector.broadcast %mul3A_710 : i32 to vector<16xi32>
          %add3A_712 = arith.addi %add3A_711, %iota3A : vector<16xi32>
          %swap3A_713 = arith.index_cast %scan3A_707 : i32 to index
          %swap3A_714 = tpu.vector_load %arg16[%swap3A_713] {strides = array<i32>} : memref<2016xi32, #tpu.memory_space<vmem>>, vector<16xi32>,
          tpu.vector_store %arg16[%swap3A_713], %add3A_712 {strides = array<i32>} : memref<2016xi32, #tpu.memory_space<vmem>>, vector<16xi32>,
          %swap3A_715 = arith.index_cast %scan3A_707 : i32 to index
          %swap3A_716 = tpu.vector_load %arg14[%swap3A_715] {strides = array<i32>} : memref<2016xi32, #tpu.memory_space<vmem>>, vector<16xi32>,
          tpu.vector_store %arg14[%swap3A_715], %broadcast_in_dim3A_7 {strides = array<i32>} : memref<2016xi32, #tpu.memory_space<vmem>>, vector<16xi32>,
          %add3A_717 = arith.constant 16 : i32
          %add3A_718 = arith.addi %scan3A_707, %add3A_717 : i32
          %sub3A_719 = arith.constant 1 : i32
          %sub3A_720 = arith.subi %add3A_718, %sub3A_719 : i32
          %jit3A_721 = arith.constant 16 : i32
          %div3A_722 = arith.divsi %sub3A_720, %jit3A_721 : i32
          %sign3A_723 = arith.constant 0 : i32
          %sign3A_724 = arith.cmpi sgt, %sub3A_720, %sign3A_723 : i32
          %sign3A_725 = arith.extui %sign3A_724 : i1 to i32
          %sign3A_726 = arith.constant 0 : i32
          %sign3A_727 = arith.cmpi slt, %sub3A_720, %sign3A_726 : i32
          %sign3A_728 = arith.extui %sign3A_727 : i1 to i32
          %sign3A_729 = arith.subi %sign3A_725, %sign3A_728 : i32
          %sign3A_730 = arith.constant 0 : i32
          %sign3A_731 = arith.cmpi sgt, %jit3A_721, %sign3A_730 : i32
          %sign3A_732 = arith.extui %sign3A_731 : i1 to i32
          %sign3A_733 = arith.constant 0 : i32
          %sign3A_734 = arith.cmpi slt, %jit3A_721, %sign3A_733 : i32
          %sign3A_735 = arith.extui %sign3A_734 : i1 to i32
          %sign3A_736 = arith.subi %sign3A_732, %sign3A_735 : i32
          %ne3A_737 = arith.cmpi ne, %sign3A_729, %sign3A_736 : i32
          %rem3A_738 = arith.remsi %sub3A_720, %jit3A_721 : i32
          %ne3A_739 = arith.constant 0 : i32
          %ne3A_740 = arith.cmpi ne, %rem3A_738, %ne3A_739 : i32
          %and3A_741 = arith.andi %ne3A_737, %ne3A_740 : i1
          %sub3A_742 = arith.constant 1 : i32
          %sub3A_743 = arith.subi %div3A_722, %sub3A_742 : i32
          %select_n3A_744 = arith.select %and3A_741, %sub3A_743, %div3A_722 : i32
          %add3A_745 = arith.constant 1 : i32
          %add3A_746 = arith.addi %select_n3A_744, %add3A_745 : i32
          %jit3A_747 = arith.constant 2 : i32
          %div3A_748 = arith.divsi %add3A_746, %jit3A_747 : i32
          %sign3A_749 = arith.constant 0 : i32
          %sign3A_750 = arith.cmpi sgt, %add3A_746, %sign3A_749 : i32
          %sign3A_751 = arith.extui %sign3A_750 : i1 to i32
          %sign3A_752 = arith.constant 0 : i32
          %sign3A_753 = arith.cmpi slt, %add3A_746, %sign3A_752 : i32
          %sign3A_754 = arith.extui %sign3A_753 : i1 to i32
          %sign3A_755 = arith.subi %sign3A_751, %sign3A_754 : i32
          %sign3A_756 = arith.constant 0 : i32
          %sign3A_757 = arith.cmpi sgt, %jit3A_747, %sign3A_756 : i32
          %sign3A_758 = arith.extui %sign3A_757 : i1 to i32
          %sign3A_759 = arith.constant 0 : i32
          %sign3A_760 = arith.cmpi slt, %jit3A_747, %sign3A_759 : i32
          %sign3A_761 = arith.extui %sign3A_760 : i1 to i32
          %sign3A_762 = arith.subi %sign3A_758, %sign3A_761 : i32
          %ne3A_763 = arith.cmpi ne, %sign3A_755, %sign3A_762 : i32
          %rem3A_764 = arith.remsi %add3A_746, %jit3A_747 : i32
          %ne3A_765 = arith.constant 0 : i32
          %ne3A_766 = arith.cmpi ne, %rem3A_764, %ne3A_765 : i32
          %and3A_767 = arith.andi %ne3A_763, %ne3A_766 : i1
          %sub3A_768 = arith.constant 1 : i32
          %sub3A_769 = arith.subi %div3A_748, %sub3A_768 : i32
          %select_n3A_770 = arith.select %and3A_767, %sub3A_769, %div3A_748 : i32
          %broadcast_in_dim3A_771 = vector.broadcast %scan3A_707 : i32 to vector<16xi32>
          %while3A_772 = arith.constant 0 : i32
          %while3A_773 = arith.constant 0 : i32
          %while3A_774 = arith.subi %select_n3A_744, %while3A_772 : i32
          %while3A_775 = arith.addi %while3A_772, %while3A_774 : i32
          %while3A_776 = arith.constant 1 : i32
          %while3A_777 = arith.divsi %while3A_774, %while3A_776 : i32
          %while3A_778 = arith.muli %while3A_777, %while3A_776 : i32
          %while3A_779 = arith.addi %while3A_772, %while3A_778 : i32
          %while3A_780 = arith.constant 1 : i32
          %while3A_781 = scf.for %while3A_785 = %while3A_772 to %while3A_779 step %while3A_780 iter_args(%while3A_786 = %while3A_773) -> (i32)  : i32 {
            %mul3A_787 = arith.constant 16 : i32
            %mul3A_788 = arith.muli %while3A_785, %mul3A_787 : i32
            %add3A_789 = arith.constant 0 : i32
            %add3A_790 = arith.addi %mul3A_788, %add3A_789 : i32
            %broadcast_in_dim3A_791 = vector.broadcast %add3A_790 : i32 to vector<16xi32>
            %add3A_792 = arith.addi %broadcast_in_dim3A_791, %shift_right_arithmetic3A_2 : vector<16xi32>
            %gather3A = tpu.vector_load_idx %arg14[%add3A_792] : memref<2016xi32, #tpu.memory_space<vmem>>[vector<16xi32>], vector<16xi32>,
            %mul3A_793 = arith.constant 4 : i32
            %mul3A_794 = vector.broadcast %mul3A_793 : i32 to vector<16xi32>
            %mul3A_795 = arith.muli %gather3A, %mul3A_794 : vector<16xi32>
            %add3A_796 = arith.addi %mul3A_795, %and3A_4 : vector<16xi32>
            %swap3A_797 = arith.constant 0 : index
            %swap3A_798 = tpu.vector_load %arg21[%swap3A_797] {strides = array<i32>} : memref<64xi32, #tpu.memory_space<vmem>>, vector<16xi32>,
            tpu.vector_store %arg21[%swap3A_797], %add3A_796 {strides = array<i32>} : memref<64xi32, #tpu.memory_space<vmem>>, vector<16xi32>,
            %add3A_799 = arith.constant 4 : i32
            %add3A_800 = arith.addi %mul3A_788, %add3A_799 : i32
            %broadcast_in_dim3A_801 = vector.broadcast %add3A_800 : i32 to vector<16xi32>
            %add3A_802 = arith.addi %broadcast_in_dim3A_801, %shift_right_arithmetic3A_2 : vector<16xi32>
            %gather3A_803 = tpu.vector_load_idx %arg14[%add3A_802] : memref<2016xi32, #tpu.memory_space<vmem>>[vector<16xi32>], vector<16xi32>,
            %mul3A_804 = arith.constant 4 : i32
            %mul3A_805 = vector.broadcast %mul3A_804 : i32 to vector<16xi32>
            %mul3A_806 = arith.muli %gather3A_803, %mul3A_805 : vector<16xi32>
            %add3A_807 = arith.addi %mul3A_806, %and3A_4 : vector<16xi32>
            %swap3A_808 = arith.constant 16 : index
            %swap3A_809 = tpu.vector_load %arg21[%swap3A_808] {strides = array<i32>} : memref<64xi32, #tpu.memory_space<vmem>>, vector<16xi32>,
            tpu.vector_store %arg21[%swap3A_808], %add3A_807 {strides = array<i32>} : memref<64xi32, #tpu.memory_space<vmem>>, vector<16xi32>,
            %add3A_810 = arith.constant 8 : i32
            %add3A_811 = arith.addi %mul3A_788, %add3A_810 : i32
            %broadcast_in_dim3A_812 = vector.broadcast %add3A_811 : i32 to vector<16xi32>
            %add3A_813 = arith.addi %broadcast_in_dim3A_812, %shift_right_arithmetic3A_2 : vector<16xi32>
            %gather3A_814 = tpu.vector_load_idx %arg14[%add3A_813] : memref<2016xi32, #tpu.memory_space<vmem>>[vector<16xi32>], vector<16xi32>,
            %mul3A_815 = arith.constant 4 : i32
            %mul3A_816 = vector.broadcast %mul3A_815 : i32 to vector<16xi32>
            %mul3A_817 = arith.muli %gather3A_814, %mul3A_816 : vector<16xi32>
            %add3A_818 = arith.addi %mul3A_817, %and3A_4 : vector<16xi32>
            %swap3A_819 = arith.constant 32 : index
            %swap3A_820 = tpu.vector_load %arg21[%swap3A_819] {strides = array<i32>} : memref<64xi32, #tpu.memory_space<vmem>>, vector<16xi32>,
            tpu.vector_store %arg21[%swap3A_819], %add3A_818 {strides = array<i32>} : memref<64xi32, #tpu.memory_space<vmem>>, vector<16xi32>,
            %add3A_821 = arith.constant 12 : i32
            %add3A_822 = arith.addi %mul3A_788, %add3A_821 : i32
            %broadcast_in_dim3A_823 = vector.broadcast %add3A_822 : i32 to vector<16xi32>
            %add3A_824 = arith.addi %broadcast_in_dim3A_823, %shift_right_arithmetic3A_2 : vector<16xi32>
            %gather3A_825 = tpu.vector_load_idx %arg14[%add3A_824] : memref<2016xi32, #tpu.memory_space<vmem>>[vector<16xi32>], vector<16xi32>,
            %mul3A_826 = arith.constant 4 : i32
            %mul3A_827 = vector.broadcast %mul3A_826 : i32 to vector<16xi32>
            %mul3A_828 = arith.muli %gather3A_825, %mul3A_827 : vector<16xi32>
            %add3A_829 = arith.addi %mul3A_828, %and3A_4 : vector<16xi32>
            %swap3A_830 = arith.constant 48 : index
            %swap3A_831 = tpu.vector_load %arg21[%swap3A_830] {strides = array<i32>} : memref<64xi32, #tpu.memory_space<vmem>>, vector<16xi32>,
            tpu.vector_store %arg21[%swap3A_830], %add3A_829 {strides = array<i32>} : memref<64xi32, #tpu.memory_space<vmem>>, vector<16xi32>,
            %add3A_832 = arith.constant 0 : i32
            %add3A_833 = arith.addi %mul3A_788, %add3A_832 : i32
            %broadcast_in_dim3A_834 = vector.broadcast %add3A_833 : i32 to vector<16xi32>
            %gather3A_835 = tpu.vector_load_idx %arg14[%broadcast_in_dim3A_834] : memref<2016xi32, #tpu.memory_space<vmem>>[vector<16xi32>], vector<16xi32>,
            %mul3A_836 = arith.constant 16 : i32
            %mul3A_837 = vector.broadcast %mul3A_836 : i32 to vector<16xi32>
            %mul3A_838 = arith.muli %gather3A_835, %mul3A_837 : vector<16xi32>
            %add3A_839 = arith.addi %mul3A_838, %iota3A : vector<16xi32>
            %swap3A_840 = arith.constant 0 : index
            %swap3A_841 = tpu.vector_load %arg28[%swap3A_840] {strides = array<i32>} : memref<256xi32, #tpu.memory_space<vmem>>, vector<16xi32>,
            tpu.vector_store %arg28[%swap3A_840], %add3A_839 {strides = array<i32>} : memref<256xi32, #tpu.memory_space<vmem>>, vector<16xi32>,
            %add3A_842 = arith.constant 1 : i32
            %add3A_843 = arith.addi %mul3A_788, %add3A_842 : i32
            %broadcast_in_dim3A_844 = vector.broadcast %add3A_843 : i32 to vector<16xi32>
            %gather3A_845 = tpu.vector_load_idx %arg14[%broadcast_in_dim3A_844] : memref<2016xi32, #tpu.memory_space<vmem>>[vector<16xi32>], vector<16xi32>,
            %mul3A_846 = arith.constant 16 : i32
            %mul3A_847 = vector.broadcast %mul3A_846 : i32 to vector<16xi32>
            %mul3A_848 = arith.muli %gather3A_845, %mul3A_847 : vector<16xi32>
            %add3A_849 = arith.addi %mul3A_848, %iota3A : vector<16xi32>
            %swap3A_850 = arith.constant 16 : index
            %swap3A_851 = tpu.vector_load %arg28[%swap3A_850] {strides = array<i32>} : memref<256xi32, #tpu.memory_space<vmem>>, vector<16xi32>,
            tpu.vector_store %arg28[%swap3A_850], %add3A_849 {strides = array<i32>} : memref<256xi32, #tpu.memory_space<vmem>>, vector<16xi32>,
            %add3A_852 = arith.constant 2 : i32
            %add3A_853 = arith.addi %mul3A_788, %add3A_852 : i32
            %broadcast_in_dim3A_854 = vector.broadcast %add3A_853 : i32 to vector<16xi32>
            %gather3A_855 = tpu.vector_load_idx %arg14[%broadcast_in_dim3A_854] : memref<2016xi32, #tpu.memory_space<vmem>>[vector<16xi32>], vector<16xi32>,
            %mul3A_856 = arith.constant 16 : i32
            %mul3A_857 = vector.broadcast %mul3A_856 : i32 to vector<16xi32>
            %mul3A_858 = arith.muli %gather3A_855, %mul3A_857 : vector<16xi32>
            %add3A_859 = arith.addi %mul3A_858, %iota3A : vector<16xi32>
            %swap3A_860 = arith.constant 32 : index
            %swap3A_861 = tpu.vector_load %arg28[%swap3A_860] {strides = array<i32>} : memref<256xi32, #tpu.memory_space<vmem>>, vector<16xi32>,
            tpu.vector_store %arg28[%swap3A_860], %add3A_859 {strides = array<i32>} : memref<256xi32, #tpu.memory_space<vmem>>, vector<16xi32>,
            %add3A_862 = arith.constant 3 : i32
            %add3A_863 = arith.addi %mul3A_788, %add3A_862 : i32
            %broadcast_in_dim3A_864 = vector.broadcast %add3A_863 : i32 to vector<16xi32>
            %gather3A_865 = tpu.vector_load_idx %arg14[%broadcast_in_dim3A_864] : memref<2016xi32, #tpu.memory_space<vmem>>[vector<16xi32>], vector<16xi32>,
            %mul3A_866 = arith.constant 16 : i32
            %mul3A_867 = vector.broadcast %mul3A_866 : i32 to vector<16xi32>
            %mul3A_868 = arith.muli %gather3A_865, %mul3A_867 : vector<16xi32>
            %add3A_869 = arith.addi %mul3A_868, %iota3A : vector<16xi32>
            %swap3A_870 = arith.constant 48 : index
            %swap3A_871 = tpu.vector_load %arg28[%swap3A_870] {strides = array<i32>} : memref<256xi32, #tpu.memory_space<vmem>>, vector<16xi32>,
            tpu.vector_store %arg28[%swap3A_870], %add3A_869 {strides = array<i32>} : memref<256xi32, #tpu.memory_space<vmem>>, vector<16xi32>,
            %add3A_872 = arith.constant 4 : i32
            %add3A_873 = arith.addi %mul3A_788, %add3A_872 : i32
            %broadcast_in_dim3A_874 = vector.broadcast %add3A_873 : i32 to vector<16xi32>
            %gather3A_875 = tpu.vector_load_idx %arg14[%broadcast_in_dim3A_874] : memref<2016xi32, #tpu.memory_space<vmem>>[vector<16xi32>], vector<16xi32>,
            %mul3A_876 = arith.constant 16 : i32
            %mul3A_877 = vector.broadcast %mul3A_876 : i32 to vector<16xi32>
            %mul3A_878 = arith.muli %gather3A_875, %mul3A_877 : vector<16xi32>
            %add3A_879 = arith.addi %mul3A_878, %iota3A : vector<16xi32>
            %swap3A_880 = arith.constant 64 : index
            %swap3A_881 = tpu.vector_load %arg28[%swap3A_880] {strides = array<i32>} : memref<256xi32, #tpu.memory_space<vmem>>, vector<16xi32>,
            tpu.vector_store %arg28[%swap3A_880], %add3A_879 {strides = array<i32>} : memref<256xi32, #tpu.memory_space<vmem>>, vector<16xi32>,
            %add3A_882 = arith.constant 5 : i32
            %add3A_883 = arith.addi %mul3A_788, %add3A_882 : i32
            %broadcast_in_dim3A_884 = vector.broadcast %add3A_883 : i32 to vector<16xi32>
            %gather3A_885 = tpu.vector_load_idx %arg14[%broadcast_in_dim3A_884] : memref<2016xi32, #tpu.memory_space<vmem>>[vector<16xi32>], vector<16xi32>,
            %mul3A_886 = arith.constant 16 : i32
            %mul3A_887 = vector.broadcast %mul3A_886 : i32 to vector<16xi32>
            %mul3A_888 = arith.muli %gather3A_885, %mul3A_887 : vector<16xi32>
            %add3A_889 = arith.addi %mul3A_888, %iota3A : vector<16xi32>
            %swap3A_890 = arith.constant 80 : index
            %swap3A_891 = tpu.vector_load %arg28[%swap3A_890] {strides = array<i32>} : memref<256xi32, #tpu.memory_space<vmem>>, vector<16xi32>,
            tpu.vector_store %arg28[%swap3A_890], %add3A_889 {strides = array<i32>} : memref<256xi32, #tpu.memory_space<vmem>>, vector<16xi32>,
            %add3A_892 = arith.constant 6 : i32
            %add3A_893 = arith.addi %mul3A_788, %add3A_892 : i32
            %broadcast_in_dim3A_894 = vector.broadcast %add3A_893 : i32 to vector<16xi32>
            %gather3A_895 = tpu.vector_load_idx %arg14[%broadcast_in_dim3A_894] : memref<2016xi32, #tpu.memory_space<vmem>>[vector<16xi32>], vector<16xi32>,
            %mul3A_896 = arith.constant 16 : i32
            %mul3A_897 = vector.broadcast %mul3A_896 : i32 to vector<16xi32>
            %mul3A_898 = arith.muli %gather3A_895, %mul3A_897 : vector<16xi32>
            %add3A_899 = arith.addi %mul3A_898, %iota3A : vector<16xi32>
            %swap3A_900 = arith.constant 96 : index
            %swap3A_901 = tpu.vector_load %arg28[%swap3A_900] {strides = array<i32>} : memref<256xi32, #tpu.memory_space<vmem>>, vector<16xi32>,
            tpu.vector_store %arg28[%swap3A_900], %add3A_899 {strides = array<i32>} : memref<256xi32, #tpu.memory_space<vmem>>, vector<16xi32>,
            %add3A_902 = arith.constant 7 : i32
            %add3A_903 = arith.addi %mul3A_788, %add3A_902 : i32
            %broadcast_in_dim3A_904 = vector.broadcast %add3A_903 : i32 to vector<16xi32>
            %gather3A_905 = tpu.vector_load_idx %arg14[%broadcast_in_dim3A_904] : memref<2016xi32, #tpu.memory_space<vmem>>[vector<16xi32>], vector<16xi32>,
            %mul3A_906 = arith.constant 16 : i32
            %mul3A_907 = vector.broadcast %mul3A_906 : i32 to vector<16xi32>
            %mul3A_908 = arith.muli %gather3A_905, %mul3A_907 : vector<16xi32>
            %add3A_909 = arith.addi %mul3A_908, %iota3A : vector<16xi32>
            %swap3A_910 = arith.constant 112 : index
            %swap3A_911 = tpu.vector_load %arg28[%swap3A_910] {strides = array<i32>} : memref<256xi32, #tpu.memory_space<vmem>>, vector<16xi32>,
            tpu.vector_store %arg28[%swap3A_910], %add3A_909 {strides = array<i32>} : memref<256xi32, #tpu.memory_space<vmem>>, vector<16xi32>,
            %add3A_912 = arith.constant 8 : i32
            %add3A_913 = arith.addi %mul3A_788, %add3A_912 : i32
            %broadcast_in_dim3A_914 = vector.broadcast %add3A_913 : i32 to vector<16xi32>
            %gather3A_915 = tpu.vector_load_idx %arg14[%broadcast_in_dim3A_914] : memref<2016xi32, #tpu.memory_space<vmem>>[vector<16xi32>], vector<16xi32>,
            %mul3A_916 = arith.constant 16 : i32
            %mul3A_917 = vector.broadcast %mul3A_916 : i32 to vector<16xi32>
            %mul3A_918 = arith.muli %gather3A_915, %mul3A_917 : vector<16xi32>
            %add3A_919 = arith.addi %mul3A_918, %iota3A : vector<16xi32>
            %swap3A_920 = arith.constant 128 : index
            %swap3A_921 = tpu.vector_load %arg28[%swap3A_920] {strides = array<i32>} : memref<256xi32, #tpu.memory_space<vmem>>, vector<16xi32>,
            tpu.vector_store %arg28[%swap3A_920], %add3A_919 {strides = array<i32>} : memref<256xi32, #tpu.memory_space<vmem>>, vector<16xi32>,
            %add3A_922 = arith.constant 9 : i32
            %add3A_923 = arith.addi %mul3A_788, %add3A_922 : i32
            %broadcast_in_dim3A_924 = vector.broadcast %add3A_923 : i32 to vector<16xi32>
            %gather3A_925 = tpu.vector_load_idx %arg14[%broadcast_in_dim3A_924] : memref<2016xi32, #tpu.memory_space<vmem>>[vector<16xi32>], vector<16xi32>,
            %mul3A_926 = arith.constant 16 : i32
            %mul3A_927 = vector.broadcast %mul3A_926 : i32 to vector<16xi32>
            %mul3A_928 = arith.muli %gather3A_925, %mul3A_927 : vector<16xi32>
            %add3A_929 = arith.addi %mul3A_928, %iota3A : vector<16xi32>
            %swap3A_930 = arith.constant 144 : index
            %swap3A_931 = tpu.vector_load %arg28[%swap3A_930] {strides = array<i32>} : memref<256xi32, #tpu.memory_space<vmem>>, vector<16xi32>,
            tpu.vector_store %arg28[%swap3A_930], %add3A_929 {strides = array<i32>} : memref<256xi32, #tpu.memory_space<vmem>>, vector<16xi32>,
            %add3A_932 = arith.constant 10 : i32
            %add3A_933 = arith.addi %mul3A_788, %add3A_932 : i32
            %broadcast_in_dim3A_934 = vector.broadcast %add3A_933 : i32 to vector<16xi32>
            %gather3A_935 = tpu.vector_load_idx %arg14[%broadcast_in_dim3A_934] : memref<2016xi32, #tpu.memory_space<vmem>>[vector<16xi32>], vector<16xi32>,
            %mul3A_936 = arith.constant 16 : i32
            %mul3A_937 = vector.broadcast %mul3A_936 : i32 to vector<16xi32>
            %mul3A_938 = arith.muli %gather3A_935, %mul3A_937 : vector<16xi32>
            %add3A_939 = arith.addi %mul3A_938, %iota3A : vector<16xi32>
            %swap3A_940 = arith.constant 160 : index
            %swap3A_941 = tpu.vector_load %arg28[%swap3A_940] {strides = array<i32>} : memref<256xi32, #tpu.memory_space<vmem>>, vector<16xi32>,
            tpu.vector_store %arg28[%swap3A_940], %add3A_939 {strides = array<i32>} : memref<256xi32, #tpu.memory_space<vmem>>, vector<16xi32>,
            %add3A_942 = arith.constant 11 : i32
            %add3A_943 = arith.addi %mul3A_788, %add3A_942 : i32
            %broadcast_in_dim3A_944 = vector.broadcast %add3A_943 : i32 to vector<16xi32>
            %gather3A_945 = tpu.vector_load_idx %arg14[%broadcast_in_dim3A_944] : memref<2016xi32, #tpu.memory_space<vmem>>[vector<16xi32>], vector<16xi32>,
            %mul3A_946 = arith.constant 16 : i32
            %mul3A_947 = vector.broadcast %mul3A_946 : i32 to vector<16xi32>
            %mul3A_948 = arith.muli %gather3A_945, %mul3A_947 : vector<16xi32>
            %add3A_949 = arith.addi %mul3A_948, %iota3A : vector<16xi32>
            %swap3A_950 = arith.constant 176 : index
            %swap3A_951 = tpu.vector_load %arg28[%swap3A_950] {strides = array<i32>} : memref<256xi32, #tpu.memory_space<vmem>>, vector<16xi32>,
            tpu.vector_store %arg28[%swap3A_950], %add3A_949 {strides = array<i32>} : memref<256xi32, #tpu.memory_space<vmem>>, vector<16xi32>,
            %add3A_952 = arith.constant 12 : i32
            %add3A_953 = arith.addi %mul3A_788, %add3A_952 : i32
            %broadcast_in_dim3A_954 = vector.broadcast %add3A_953 : i32 to vector<16xi32>
            %gather3A_955 = tpu.vector_load_idx %arg14[%broadcast_in_dim3A_954] : memref<2016xi32, #tpu.memory_space<vmem>>[vector<16xi32>], vector<16xi32>,
            %mul3A_956 = arith.constant 16 : i32
            %mul3A_957 = vector.broadcast %mul3A_956 : i32 to vector<16xi32>
            %mul3A_958 = arith.muli %gather3A_955, %mul3A_957 : vector<16xi32>
            %add3A_959 = arith.addi %mul3A_958, %iota3A : vector<16xi32>
            %swap3A_960 = arith.constant 192 : index
            %swap3A_961 = tpu.vector_load %arg28[%swap3A_960] {strides = array<i32>} : memref<256xi32, #tpu.memory_space<vmem>>, vector<16xi32>,
            tpu.vector_store %arg28[%swap3A_960], %add3A_959 {strides = array<i32>} : memref<256xi32, #tpu.memory_space<vmem>>, vector<16xi32>,
            %add3A_962 = arith.constant 13 : i32
            %add3A_963 = arith.addi %mul3A_788, %add3A_962 : i32
            %broadcast_in_dim3A_964 = vector.broadcast %add3A_963 : i32 to vector<16xi32>
            %gather3A_965 = tpu.vector_load_idx %arg14[%broadcast_in_dim3A_964] : memref<2016xi32, #tpu.memory_space<vmem>>[vector<16xi32>], vector<16xi32>,
            %mul3A_966 = arith.constant 16 : i32
            %mul3A_967 = vector.broadcast %mul3A_966 : i32 to vector<16xi32>
            %mul3A_968 = arith.muli %gather3A_965, %mul3A_967 : vector<16xi32>
            %add3A_969 = arith.addi %mul3A_968, %iota3A : vector<16xi32>
            %swap3A_970 = arith.constant 208 : index
            %swap3A_971 = tpu.vector_load %arg28[%swap3A_970] {strides = array<i32>} : memref<256xi32, #tpu.memory_space<vmem>>, vector<16xi32>,
            tpu.vector_store %arg28[%swap3A_970], %add3A_969 {strides = array<i32>} : memref<256xi32, #tpu.memory_space<vmem>>, vector<16xi32>,
            %add3A_972 = arith.constant 14 : i32
            %add3A_973 = arith.addi %mul3A_788, %add3A_972 : i32
            %broadcast_in_dim3A_974 = vector.broadcast %add3A_973 : i32 to vector<16xi32>
            %gather3A_975 = tpu.vector_load_idx %arg14[%broadcast_in_dim3A_974] : memref<2016xi32, #tpu.memory_space<vmem>>[vector<16xi32>], vector<16xi32>,
            %mul3A_976 = arith.constant 16 : i32
            %mul3A_977 = vector.broadcast %mul3A_976 : i32 to vector<16xi32>
            %mul3A_978 = arith.muli %gather3A_975, %mul3A_977 : vector<16xi32>
            %add3A_979 = arith.addi %mul3A_978, %iota3A : vector<16xi32>
            %swap3A_980 = arith.constant 224 : index
            %swap3A_981 = tpu.vector_load %arg28[%swap3A_980] {strides = array<i32>} : memref<256xi32, #tpu.memory_space<vmem>>, vector<16xi32>,
            tpu.vector_store %arg28[%swap3A_980], %add3A_979 {strides = array<i32>} : memref<256xi32, #tpu.memory_space<vmem>>, vector<16xi32>,
            %add3A_982 = arith.constant 15 : i32
            %add3A_983 = arith.addi %mul3A_788, %add3A_982 : i32
            %broadcast_in_dim3A_984 = vector.broadcast %add3A_983 : i32 to vector<16xi32>
            %gather3A_985 = tpu.vector_load_idx %arg14[%broadcast_in_dim3A_984] : memref<2016xi32, #tpu.memory_space<vmem>>[vector<16xi32>], vector<16xi32>,
            %mul3A_986 = arith.constant 16 : i32
            %mul3A_987 = vector.broadcast %mul3A_986 : i32 to vector<16xi32>
            %mul3A_988 = arith.muli %gather3A_985, %mul3A_987 : vector<16xi32>
            %add3A_989 = arith.addi %mul3A_988, %iota3A : vector<16xi32>
            %swap3A_990 = arith.constant 240 : index
            %swap3A_991 = tpu.vector_load %arg28[%swap3A_990] {strides = array<i32>} : memref<256xi32, #tpu.memory_space<vmem>>, vector<16xi32>,
            tpu.vector_store %arg28[%swap3A_990], %add3A_989 {strides = array<i32>} : memref<256xi32, #tpu.memory_space<vmem>>, vector<16xi32>,
            %dma_start3A_992 = tpu.memref_slice %arg16[%mul3A_788] : memref<2016xi32, #tpu.memory_space<vmem>> -> memref<16xi32, #tpu.memory_space<vmem>>
            %dma_start3A_993 = arith.constant 0 : i32
            %dma_start3A_994 = arith.constant 0 : i32
            %dma_start3A_995 = tpu.memref_slice %arg6[%dma_start3A_993, %dma_start3A_994] : memref<10000x768xf32, #tpu.memory_space<hbm>> -> memref<10000x768xf32, #tpu.memory_space<hbm>>
            tpu.enqueue_indirect_dma source(%dma_start3A_995 : memref<10000x768xf32, #tpu.memory_space<hbm>>) target(%arg26 : memref<16x768xf32, #tpu.memory_space<vmem>>) offsets(%dma_start3A_992 : memref<16xi32, #tpu.memory_space<vmem>>) semaphore(%arg34 : memref<!tpu.dma_semaphore, #tpu.memory_space<semaphore_mem>>)
            %dma_start3A_996 = arith.constant 0 : i32
            %dma_start3A_997 = tpu.memref_slice %arg7[%dma_start3A_996] : memref<5120000xf32, #tpu.memory_space<hbm>> -> memref<5120000xf32, #tpu.memory_space<hbm>>
            tpu.enqueue_indirect_dma source(%dma_start3A_997 : memref<5120000xf32, #tpu.memory_space<hbm>>) target(%arg30 : memref<256xf32, #tpu.memory_space<vmem>>) offsets(%arg28 : memref<256xi32, #tpu.memory_space<vmem>>) semaphore(%arg36 : memref<!tpu.dma_semaphore, #tpu.memory_space<semaphore_mem>>)
            %dma_start3A_998 = arith.constant 0 : i32
            %dma_start3A_999 = tpu.memref_slice %arg4[%dma_start3A_998] : memref<1280000xf32, #tpu.memory_space<hbm>> -> memref<1280000xf32, #tpu.memory_space<hbm>>
            tpu.enqueue_indirect_dma source(%dma_start3A_999 : memref<1280000xf32, #tpu.memory_space<hbm>>) target(%arg23 : memref<64xf32, #tpu.memory_space<vmem>>) offsets(%arg21 : memref<64xi32, #tpu.memory_space<vmem>>) semaphore(%arg38 : memref<!tpu.dma_semaphore, #tpu.memory_space<semaphore_mem>>)
            %dma_wait3A_1000 = arith.constant 0 : i32
            %dma_wait3A_1001 = tpu.memref_slice %arg16[%dma_wait3A_1000] : memref<2016xi32, #tpu.memory_space<vmem>> -> memref<16xi32, #tpu.memory_space<vmem>>
            %dma_wait3A_1002 = arith.constant 0 : i32
            %dma_wait3A_1003 = arith.constant 0 : i32
            %dma_wait3A_1004 = tpu.memref_slice %arg6[%dma_wait3A_1002, %dma_wait3A_1003] : memref<10000x768xf32, #tpu.memory_space<hbm>> -> memref<10000x768xf32, #tpu.memory_space<hbm>>
            tpu.wait_indirect_dma semaphore(%arg34 : memref<!tpu.dma_semaphore, #tpu.memory_space<semaphore_mem>>) src(%dma_wait3A_1004 : memref<10000x768xf32, #tpu.memory_space<hbm>>) dst(%arg26 : memref<16x768xf32, #tpu.memory_space<vmem>>)
            %dma_wait3A_1005 = arith.constant 0 : i32
            %dma_wait3A_1006 = tpu.memref_slice %arg7[%dma_wait3A_1005] : memref<5120000xf32, #tpu.memory_space<hbm>> -> memref<5120000xf32, #tpu.memory_space<hbm>>
            tpu.wait_indirect_dma semaphore(%arg36 : memref<!tpu.dma_semaphore, #tpu.memory_space<semaphore_mem>>) src(%dma_wait3A_1006 : memref<5120000xf32, #tpu.memory_space<hbm>>) dst(%arg30 : memref<256xf32, #tpu.memory_space<vmem>>)
            %dma_wait3A_1007 = arith.constant 0 : i32
            %dma_wait3A_1008 = tpu.memref_slice %arg4[%dma_wait3A_1007] : memref<1280000xf32, #tpu.memory_space<hbm>> -> memref<1280000xf32, #tpu.memory_space<hbm>>
            tpu.wait_indirect_dma semaphore(%arg38 : memref<!tpu.dma_semaphore, #tpu.memory_space<semaphore_mem>>) src(%dma_wait3A_1008 : memref<1280000xf32, #tpu.memory_space<hbm>>) dst(%arg23 : memref<64xf32, #tpu.memory_space<vmem>>)
            %mul3A_1009 = arith.constant 16 : i32
            %mul3A_1010 = arith.muli %while3A_785, %mul3A_1009 : i32
            %add3A_1011 = arith.constant 0 : i32
            %add3A_1012 = arith.addi %mul3A_1010, %add3A_1011 : i32
            %broadcast_in_dim3A_1013 = vector.broadcast %add3A_1012 : i32 to vector<16xi32>
            %add3A_1014 = arith.addi %broadcast_in_dim3A_1013, %shift_right_arithmetic3A_2 : vector<16xi32>
            %gather3A_1015 = tpu.vector_load_idx %arg15[%add3A_1014] : memref<2016xi32, #tpu.memory_space<vmem>>[vector<16xi32>], vector<16xi32>,
            %mul3A_1016 = arith.constant 4 : i32
            %mul3A_1017 = vector.broadcast %mul3A_1016 : i32 to vector<16xi32>
            %mul3A_1018 = arith.muli %gather3A_1015, %mul3A_1017 : vector<16xi32>
            %add3A_1019 = arith.addi %mul3A_1018, %and3A_4 : vector<16xi32>
            %gather3A_1020 = tpu.vector_load_idx %arg17[%add3A_1019] : memref<336xf32, #tpu.memory_space<vmem>>[vector<16xi32>], vector<16xf32>,
            %get3A = arith.constant 0 : index
            %get3A_1021 = tpu.vector_load %arg23[%get3A] {strides = array<i32>} : memref<64xf32, #tpu.memory_space<vmem>>, vector<16xf32>,
            %add3A_1022 = arith.constant 1.000000e-16 : f32
            %add3A_1023 = vector.broadcast %add3A_1022 : f32 to vector<16xf32>
            %add3A_1024 = arith.addf %gather3A_1020, %add3A_1023 : vector<16xf32>
            %div3A_1025 = arith.divf %get3A_1021, %add3A_1024 : vector<16xf32>
            %lt3A_1026 = arith.cmpi slt, %add3A_1014, %broadcast_in_dim3A_771 : vector<16xi32>
            %jit3A_1027 = arith.constant 0.000000e+00 : f32
            %broadcast_in_dim3A_1028 = vector.broadcast %jit3A_1027 : f32 to vector<16xf32>
            %select_n3A_1029 = arith.select %lt3A_1026, %div3A_1025, %broadcast_in_dim3A_1028 : vector<16xi1>, vector<16xf32>
            %swap3A_1030 = arith.constant 0 : index
            %swap3A_1031 = tpu.vector_load %arg25[%swap3A_1030] {strides = array<i32>} : memref<64xf32, #tpu.memory_space<vmem>>, vector<16xf32>,
            tpu.vector_store %arg25[%swap3A_1030], %select_n3A_1029 {strides = array<i32>} : memref<64xf32, #tpu.memory_space<vmem>>, vector<16xf32>,
            %add3A_1032 = arith.constant 4 : i32
            %add3A_1033 = arith.addi %mul3A_1010, %add3A_1032 : i32
            %broadcast_in_dim3A_1034 = vector.broadcast %add3A_1033 : i32 to vector<16xi32>
            %add3A_1035 = arith.addi %broadcast_in_dim3A_1034, %shift_right_arithmetic3A_2 : vector<16xi32>
            %gather3A_1036 = tpu.vector_load_idx %arg15[%add3A_1035] : memref<2016xi32, #tpu.memory_space<vmem>>[vector<16xi32>], vector<16xi32>,
            %mul3A_1037 = arith.constant 4 : i32
            %mul3A_1038 = vector.broadcast %mul3A_1037 : i32 to vector<16xi32>
            %mul3A_1039 = arith.muli %gather3A_1036, %mul3A_1038 : vector<16xi32>
            %add3A_1040 = arith.addi %mul3A_1039, %and3A_4 : vector<16xi32>
            %gather3A_1041 = tpu.vector_load_idx %arg17[%add3A_1040] : memref<336xf32, #tpu.memory_space<vmem>>[vector<16xi32>], vector<16xf32>,
            %get3A_1042 = arith.constant 16 : index
            %get3A_1043 = tpu.vector_load %arg23[%get3A_1042] {strides = array<i32>} : memref<64xf32, #tpu.memory_space<vmem>>, vector<16xf32>,
            %add3A_1044 = arith.constant 1.000000e-16 : f32
            %add3A_1045 = vector.broadcast %add3A_1044 : f32 to vector<16xf32>
            %add3A_1046 = arith.addf %gather3A_1041, %add3A_1045 : vector<16xf32>
            %div3A_1047 = arith.divf %get3A_1043, %add3A_1046 : vector<16xf32>
            %lt3A_1048 = arith.cmpi slt, %add3A_1035, %broadcast_in_dim3A_771 : vector<16xi32>
            %jit3A_1049 = arith.constant 0.000000e+00 : f32
            %broadcast_in_dim3A_1050 = vector.broadcast %jit3A_1049 : f32 to vector<16xf32>
            %select_n3A_1051 = arith.select %lt3A_1048, %div3A_1047, %broadcast_in_dim3A_1050 : vector<16xi1>, vector<16xf32>
            %swap3A_1052 = arith.constant 16 : index
            %swap3A_1053 = tpu.vector_load %arg25[%swap3A_1052] {strides = array<i32>} : memref<64xf32, #tpu.memory_space<vmem>>, vector<16xf32>,
            tpu.vector_store %arg25[%swap3A_1052], %select_n3A_1051 {strides = array<i32>} : memref<64xf32, #tpu.memory_space<vmem>>, vector<16xf32>,
            %add3A_1054 = arith.constant 8 : i32
            %add3A_1055 = arith.addi %mul3A_1010, %add3A_1054 : i32
            %broadcast_in_dim3A_1056 = vector.broadcast %add3A_1055 : i32 to vector<16xi32>
            %add3A_1057 = arith.addi %broadcast_in_dim3A_1056, %shift_right_arithmetic3A_2 : vector<16xi32>
            %gather3A_1058 = tpu.vector_load_idx %arg15[%add3A_1057] : memref<2016xi32, #tpu.memory_space<vmem>>[vector<16xi32>], vector<16xi32>,
            %mul3A_1059 = arith.constant 4 : i32
            %mul3A_1060 = vector.broadcast %mul3A_1059 : i32 to vector<16xi32>
            %mul3A_1061 = arith.muli %gather3A_1058, %mul3A_1060 : vector<16xi32>
            %add3A_1062 = arith.addi %mul3A_1061, %and3A_4 : vector<16xi32>
            %gather3A_1063 = tpu.vector_load_idx %arg17[%add3A_1062] : memref<336xf32, #tpu.memory_space<vmem>>[vector<16xi32>], vector<16xf32>,
            %get3A_1064 = arith.constant 32 : index
            %get3A_1065 = tpu.vector_load %arg23[%get3A_1064] {strides = array<i32>} : memref<64xf32, #tpu.memory_space<vmem>>, vector<16xf32>,
            %add3A_1066 = arith.constant 1.000000e-16 : f32
            %add3A_1067 = vector.broadcast %add3A_1066 : f32 to vector<16xf32>
            %add3A_1068 = arith.addf %gather3A_1063, %add3A_1067 : vector<16xf32>
            %div3A_1069 = arith.divf %get3A_1065, %add3A_1068 : vector<16xf32>
            %lt3A_1070 = arith.cmpi slt, %add3A_1057, %broadcast_in_dim3A_771 : vector<16xi32>
            %jit3A_1071 = arith.constant 0.000000e+00 : f32
            %broadcast_in_dim3A_1072 = vector.broadcast %jit3A_1071 : f32 to vector<16xf32>
            %select_n3A_1073 = arith.select %lt3A_1070, %div3A_1069, %broadcast_in_dim3A_1072 : vector<16xi1>, vector<16xf32>
            %swap3A_1074 = arith.constant 32 : index
            %swap3A_1075 = tpu.vector_load %arg25[%swap3A_1074] {strides = array<i32>} : memref<64xf32, #tpu.memory_space<vmem>>, vector<16xf32>,
            tpu.vector_store %arg25[%swap3A_1074], %select_n3A_1073 {strides = array<i32>} : memref<64xf32, #tpu.memory_space<vmem>>, vector<16xf32>,
            %add3A_1076 = arith.constant 12 : i32
            %add3A_1077 = arith.addi %mul3A_1010, %add3A_1076 : i32
            %broadcast_in_dim3A_1078 = vector.broadcast %add3A_1077 : i32 to vector<16xi32>
            %add3A_1079 = arith.addi %broadcast_in_dim3A_1078, %shift_right_arithmetic3A_2 : vector<16xi32>
            %gather3A_1080 = tpu.vector_load_idx %arg15[%add3A_1079] : memref<2016xi32, #tpu.memory_space<vmem>>[vector<16xi32>], vector<16xi32>,
            %mul3A_1081 = arith.constant 4 : i32
            %mul3A_1082 = vector.broadcast %mul3A_1081 : i32 to vector<16xi32>
            %mul3A_1083 = arith.muli %gather3A_1080, %mul3A_1082 : vector<16xi32>
            %add3A_1084 = arith.addi %mul3A_1083, %and3A_4 : vector<16xi32>
            %gather3A_1085 = tpu.vector_load_idx %arg17[%add3A_1084] : memref<336xf32, #tpu.memory_space<vmem>>[vector<16xi32>], vector<16xf32>,
            %get3A_1086 = arith.constant 48 : index
            %get3A_1087 = tpu.vector_load %arg23[%get3A_1086] {strides = array<i32>} : memref<64xf32, #tpu.memory_space<vmem>>, vector<16xf32>,
            %add3A_1088 = arith.constant 1.000000e-16 : f32
            %add3A_1089 = vector.broadcast %add3A_1088 : f32 to vector<16xf32>
            %add3A_1090 = arith.addf %gather3A_1085, %add3A_1089 : vector<16xf32>
            %div3A_1091 = arith.divf %get3A_1087, %add3A_1090 : vector<16xf32>
            %lt3A_1092 = arith.cmpi slt, %add3A_1079, %broadcast_in_dim3A_771 : vector<16xi32>
            %jit3A_1093 = arith.constant 0.000000e+00 : f32
            %broadcast_in_dim3A_1094 = vector.broadcast %jit3A_1093 : f32 to vector<16xf32>
            %select_n3A_1095 = arith.select %lt3A_1092, %div3A_1091, %broadcast_in_dim3A_1094 : vector<16xi1>, vector<16xf32>
            %swap3A_1096 = arith.constant 48 : index
            %swap3A_1097 = tpu.vector_load %arg25[%swap3A_1096] {strides = array<i32>} : memref<64xf32, #tpu.memory_space<vmem>>, vector<16xf32>,
            tpu.vector_store %arg25[%swap3A_1096], %select_n3A_1095 {strides = array<i32>} : memref<64xf32, #tpu.memory_space<vmem>>, vector<16xf32>,
            %scan3A_1098 = arith.constant 0 : i32
            %scan3A_1099 = arith.constant 0 : i32
            %scan3A_1100 = arith.constant 16 : i32
            %scan3A_1101 = arith.addi %scan3A_1099, %scan3A_1100 : i32
            %scan3A_1102 = arith.constant 1 : i32
            %scan3A_1103 = scf.for %scan3A_1106 = %scan3A_1099 to %scan3A_1101 step %scan3A_1102 iter_args(%scan3A_1107 = %scan3A_1098) -> (i32)  : i32 {
              %add3A_1108 = arith.addi %mul3A_1010, %scan3A_1106 : i32
              %broadcast_in_dim3A_1109 = vector.broadcast %add3A_1108 : i32 to vector<16xi32>
              %gather3A_1110 = tpu.vector_load_idx %arg15[%broadcast_in_dim3A_1109] : memref<2016xi32, #tpu.memory_space<vmem>>[vector<16xi32>], vector<16xi32>,
              %mul3A_1111 = arith.constant 768 : i32
              %mul3A_1112 = vector.broadcast %mul3A_1111 : i32 to vector<16xi32>
              %mul3A_1113 = arith.muli %gather3A_1110, %mul3A_1112 : vector<16xi32>
              %add3A_1114 = arith.addi %mul3A_1113, %iota3A : vector<16xi32>
              %mul3A_1115 = arith.constant 64 : i32
              %mul3A_1116 = vector.broadcast %mul3A_1115 : i32 to vector<16xi32>
              %mul3A_1117 = arith.muli %gather3A_1110, %mul3A_1116 : vector<16xi32>
              %add3A_1118 = arith.addi %mul3A_1117, %iota3A : vector<16xi32>
              %mul3A_1119 = arith.constant 16 : i32
              %mul3A_1120 = arith.muli %scan3A_1106, %mul3A_1119 : i32
              %get3A_1121 = arith.index_cast %mul3A_1120 : i32 to index
              %get3A_1122 = tpu.vector_load %arg30[%get3A_1121] {strides = array<i32>} : memref<256xf32, #tpu.memory_space<vmem>>, vector<16xf32>,
              %mul3A_1123 = arith.constant 4 : i32
              %mul3A_1124 = arith.muli %scan3A_1106, %mul3A_1123 : i32
              %add3A_1125 = arith.constant 0 : i32
              %add3A_1126 = arith.addi %mul3A_1124, %add3A_1125 : i32
              %broadcast_in_dim3A_1127 = vector.broadcast %add3A_1126 : i32 to vector<16xi32>
              %gather3A_1128 = tpu.vector_load_idx %arg25[%broadcast_in_dim3A_1127] : memref<64xf32, #tpu.memory_space<vmem>>[vector<16xi32>], vector<16xf32>,
              %get3A_1129 = arith.index_cast %scan3A_1106 : i32 to index
              %get3A_1130 = arith.constant 0 : index
              %get3A_1131 = tpu.vector_load %arg26[%get3A_1129, %get3A_1130] {strides = array<i32>} : memref<16x768xf32, #tpu.memory_space<vmem>>, vector<16xf32>,
              %add3A_1132 = arith.constant 0 : i32
              %add3A_1133 = vector.broadcast %add3A_1132 : i32 to vector<16xi32>
              %add3A_1134 = arith.addi %add3A_1114, %add3A_1133 : vector<16xi32>
              %mul3A_1135 = arith.mulf %get3A_1131, %gather3A_1128 : vector<16xf32>
              tpu.vector_store_idx %arg19[%add3A_1134], %mul3A_1135 {add = true} : memref<61440xf32, #tpu.memory_space<vmem>>[vector<16xi32>], vector<16xf32>,
              %get3A_1136 = arith.index_cast %scan3A_1106 : i32 to index
              %get3A_1137 = arith.constant 16 : index
              %get3A_1138 = tpu.vector_load %arg26[%get3A_1136, %get3A_1137] {strides = array<i32>} : memref<16x768xf32, #tpu.memory_space<vmem>>, vector<16xf32>,
              %add3A_1139 = arith.constant 16 : i32
              %add3A_1140 = vector.broadcast %add3A_1139 : i32 to vector<16xi32>
              %add3A_1141 = arith.addi %add3A_1114, %add3A_1140 : vector<16xi32>
              %mul3A_1142 = arith.mulf %get3A_1138, %gather3A_1128 : vector<16xf32>
              tpu.vector_store_idx %arg19[%add3A_1141], %mul3A_1142 {add = true} : memref<61440xf32, #tpu.memory_space<vmem>>[vector<16xi32>], vector<16xf32>,
              %get3A_1143 = arith.index_cast %scan3A_1106 : i32 to index
              %get3A_1144 = arith.constant 32 : index
              %get3A_1145 = tpu.vector_load %arg26[%get3A_1143, %get3A_1144] {strides = array<i32>} : memref<16x768xf32, #tpu.memory_space<vmem>>, vector<16xf32>,
              %add3A_1146 = arith.constant 32 : i32
              %add3A_1147 = vector.broadcast %add3A_1146 : i32 to vector<16xi32>
              %add3A_1148 = arith.addi %add3A_1114, %add3A_1147 : vector<16xi32>
              %mul3A_1149 = arith.mulf %get3A_1145, %gather3A_1128 : vector<16xf32>
              tpu.vector_store_idx %arg19[%add3A_1148], %mul3A_1149 {add = true} : memref<61440xf32, #tpu.memory_space<vmem>>[vector<16xi32>], vector<16xf32>,
              %get3A_1150 = arith.index_cast %scan3A_1106 : i32 to index
              %get3A_1151 = arith.constant 48 : index
              %get3A_1152 = tpu.vector_load %arg26[%get3A_1150, %get3A_1151] {strides = array<i32>} : memref<16x768xf32, #tpu.memory_space<vmem>>, vector<16xf32>,
              %add3A_1153 = arith.constant 48 : i32
              %add3A_1154 = vector.broadcast %add3A_1153 : i32 to vector<16xi32>
              %add3A_1155 = arith.addi %add3A_1114, %add3A_1154 : vector<16xi32>
              %mul3A_1156 = arith.mulf %get3A_1152, %gather3A_1128 : vector<16xf32>
              tpu.vector_store_idx %arg19[%add3A_1155], %mul3A_1156 {add = true} : memref<61440xf32, #tpu.memory_space<vmem>>[vector<16xi32>], vector<16xf32>,
              %get3A_1157 = arith.index_cast %scan3A_1106 : i32 to index
              %get3A_1158 = arith.constant 64 : index
              %get3A_1159 = tpu.vector_load %arg26[%get3A_1157, %get3A_1158] {strides = array<i32>} : memref<16x768xf32, #tpu.memory_space<vmem>>, vector<16xf32>,
              %add3A_1160 = arith.constant 64 : i32
              %add3A_1161 = vector.broadcast %add3A_1160 : i32 to vector<16xi32>
              %add3A_1162 = arith.addi %add3A_1114, %add3A_1161 : vector<16xi32>
              %mul3A_1163 = arith.mulf %get3A_1159, %gather3A_1128 : vector<16xf32>
              tpu.vector_store_idx %arg19[%add3A_1162], %mul3A_1163 {add = true} : memref<61440xf32, #tpu.memory_space<vmem>>[vector<16xi32>], vector<16xf32>,
              %get3A_1164 = arith.index_cast %scan3A_1106 : i32 to index
              %get3A_1165 = arith.constant 80 : index
              %get3A_1166 = tpu.vector_load %arg26[%get3A_1164, %get3A_1165] {strides = array<i32>} : memref<16x768xf32, #tpu.memory_space<vmem>>, vector<16xf32>,
              %add3A_1167 = arith.constant 80 : i32
              %add3A_1168 = vector.broadcast %add3A_1167 : i32 to vector<16xi32>
              %add3A_1169 = arith.addi %add3A_1114, %add3A_1168 : vector<16xi32>
              %mul3A_1170 = arith.mulf %get3A_1166, %gather3A_1128 : vector<16xf32>
              tpu.vector_store_idx %arg19[%add3A_1169], %mul3A_1170 {add = true} : memref<61440xf32, #tpu.memory_space<vmem>>[vector<16xi32>], vector<16xf32>,
              %get3A_1171 = arith.index_cast %scan3A_1106 : i32 to index
              %get3A_1172 = arith.constant 96 : index
              %get3A_1173 = tpu.vector_load %arg26[%get3A_1171, %get3A_1172] {strides = array<i32>} : memref<16x768xf32, #tpu.memory_space<vmem>>, vector<16xf32>,
              %add3A_1174 = arith.constant 96 : i32
              %add3A_1175 = vector.broadcast %add3A_1174 : i32 to vector<16xi32>
              %add3A_1176 = arith.addi %add3A_1114, %add3A_1175 : vector<16xi32>
              %mul3A_1177 = arith.mulf %get3A_1173, %gather3A_1128 : vector<16xf32>
              tpu.vector_store_idx %arg19[%add3A_1176], %mul3A_1177 {add = true} : memref<61440xf32, #tpu.memory_space<vmem>>[vector<16xi32>], vector<16xf32>,
              %get3A_1178 = arith.index_cast %scan3A_1106 : i32 to index
              %get3A_1179 = arith.constant 112 : index
              %get3A_1180 = tpu.vector_load %arg26[%get3A_1178, %get3A_1179] {strides = array<i32>} : memref<16x768xf32, #tpu.memory_space<vmem>>, vector<16xf32>,
              %add3A_1181 = arith.constant 112 : i32
              %add3A_1182 = vector.broadcast %add3A_1181 : i32 to vector<16xi32>
              %add3A_1183 = arith.addi %add3A_1114, %add3A_1182 : vector<16xi32>
              %mul3A_1184 = arith.mulf %get3A_1180, %gather3A_1128 : vector<16xf32>
              tpu.vector_store_idx %arg19[%add3A_1183], %mul3A_1184 {add = true} : memref<61440xf32, #tpu.memory_space<vmem>>[vector<16xi32>], vector<16xf32>,
              %get3A_1185 = arith.index_cast %scan3A_1106 : i32 to index
              %get3A_1186 = arith.constant 128 : index
              %get3A_1187 = tpu.vector_load %arg26[%get3A_1185, %get3A_1186] {strides = array<i32>} : memref<16x768xf32, #tpu.memory_space<vmem>>, vector<16xf32>,
              %add3A_1188 = arith.constant 128 : i32
              %add3A_1189 = vector.broadcast %add3A_1188 : i32 to vector<16xi32>
              %add3A_1190 = arith.addi %add3A_1114, %add3A_1189 : vector<16xi32>
              %mul3A_1191 = arith.mulf %get3A_1187, %gather3A_1128 : vector<16xf32>
              tpu.vector_store_idx %arg19[%add3A_1190], %mul3A_1191 {add = true} : memref<61440xf32, #tpu.memory_space<vmem>>[vector<16xi32>], vector<16xf32>,
              %get3A_1192 = arith.index_cast %scan3A_1106 : i32 to index
              %get3A_1193 = arith.constant 144 : index
              %get3A_1194 = tpu.vector_load %arg26[%get3A_1192, %get3A_1193] {strides = array<i32>} : memref<16x768xf32, #tpu.memory_space<vmem>>, vector<16xf32>,
              %add3A_1195 = arith.constant 144 : i32
              %add3A_1196 = vector.broadcast %add3A_1195 : i32 to vector<16xi32>
              %add3A_1197 = arith.addi %add3A_1114, %add3A_1196 : vector<16xi32>
              %mul3A_1198 = arith.mulf %get3A_1194, %gather3A_1128 : vector<16xf32>
              tpu.vector_store_idx %arg19[%add3A_1197], %mul3A_1198 {add = true} : memref<61440xf32, #tpu.memory_space<vmem>>[vector<16xi32>], vector<16xf32>,
              %get3A_1199 = arith.index_cast %scan3A_1106 : i32 to index
              %get3A_1200 = arith.constant 160 : index
              %get3A_1201 = tpu.vector_load %arg26[%get3A_1199, %get3A_1200] {strides = array<i32>} : memref<16x768xf32, #tpu.memory_space<vmem>>, vector<16xf32>,
              %add3A_1202 = arith.constant 160 : i32
              %add3A_1203 = vector.broadcast %add3A_1202 : i32 to vector<16xi32>
              %add3A_1204 = arith.addi %add3A_1114, %add3A_1203 : vector<16xi32>
              %mul3A_1205 = arith.mulf %get3A_1201, %gather3A_1128 : vector<16xf32>
              tpu.vector_store_idx %arg19[%add3A_1204], %mul3A_1205 {add = true} : memref<61440xf32, #tpu.memory_space<vmem>>[vector<16xi32>], vector<16xf32>,
              %get3A_1206 = arith.index_cast %scan3A_1106 : i32 to index
              %get3A_1207 = arith.constant 176 : index
              %get3A_1208 = tpu.vector_load %arg26[%get3A_1206, %get3A_1207] {strides = array<i32>} : memref<16x768xf32, #tpu.memory_space<vmem>>, vector<16xf32>,
              %add3A_1209 = arith.constant 176 : i32
              %add3A_1210 = vector.broadcast %add3A_1209 : i32 to vector<16xi32>
              %add3A_1211 = arith.addi %add3A_1114, %add3A_1210 : vector<16xi32>
              %mul3A_1212 = arith.mulf %get3A_1208, %gather3A_1128 : vector<16xf32>
              tpu.vector_store_idx %arg19[%add3A_1211], %mul3A_1212 {add = true} : memref<61440xf32, #tpu.memory_space<vmem>>[vector<16xi32>], vector<16xf32>,
              %add3A_1213 = arith.constant 0 : i32
              %add3A_1214 = vector.broadcast %add3A_1213 : i32 to vector<16xi32>
              %add3A_1215 = arith.addi %add3A_1118, %add3A_1214 : vector<16xi32>
              %mul3A_1216 = arith.mulf %get3A_1122, %gather3A_1128 : vector<16xf32>
              tpu.vector_store_idx %arg20[%add3A_1215], %mul3A_1216 {add = true} : memref<5120xf32, #tpu.memory_space<vmem>>[vector<16xi32>], vector<16xf32>,
              %mul3A_1217 = arith.constant 4 : i32
              %mul3A_1218 = arith.muli %scan3A_1106, %mul3A_1217 : i32
              %add3A_1219 = arith.constant 1 : i32
              %add3A_1220 = arith.addi %mul3A_1218, %add3A_1219 : i32
              %broadcast_in_dim3A_1221 = vector.broadcast %add3A_1220 : i32 to vector<16xi32>
              %gather3A_1222 = tpu.vector_load_idx %arg25[%broadcast_in_dim3A_1221] : memref<64xf32, #tpu.memory_space<vmem>>[vector<16xi32>], vector<16xf32>,
              %get3A_1223 = arith.index_cast %scan3A_1106 : i32 to index
              %get3A_1224 = arith.constant 192 : index
              %get3A_1225 = tpu.vector_load %arg26[%get3A_1223, %get3A_1224] {strides = array<i32>} : memref<16x768xf32, #tpu.memory_space<vmem>>, vector<16xf32>,
              %add3A_1226 = arith.constant 192 : i32
              %add3A_1227 = vector.broadcast %add3A_1226 : i32 to vector<16xi32>
              %add3A_1228 = arith.addi %add3A_1114, %add3A_1227 : vector<16xi32>
              %mul3A_1229 = arith.mulf %get3A_1225, %gather3A_1222 : vector<16xf32>
              tpu.vector_store_idx %arg19[%add3A_1228], %mul3A_1229 {add = true} : memref<61440xf32, #tpu.memory_space<vmem>>[vector<16xi32>], vector<16xf32>,
              %get3A_1230 = arith.index_cast %scan3A_1106 : i32 to index
              %get3A_1231 = arith.constant 208 : index
              %get3A_1232 = tpu.vector_load %arg26[%get3A_1230, %get3A_1231] {strides = array<i32>} : memref<16x768xf32, #tpu.memory_space<vmem>>, vector<16xf32>,
              %add3A_1233 = arith.constant 208 : i32
              %add3A_1234 = vector.broadcast %add3A_1233 : i32 to vector<16xi32>
              %add3A_1235 = arith.addi %add3A_1114, %add3A_1234 : vector<16xi32>
              %mul3A_1236 = arith.mulf %get3A_1232, %gather3A_1222 : vector<16xf32>
              tpu.vector_store_idx %arg19[%add3A_1235], %mul3A_1236 {add = true} : memref<61440xf32, #tpu.memory_space<vmem>>[vector<16xi32>], vector<16xf32>,
              %get3A_1237 = arith.index_cast %scan3A_1106 : i32 to index
              %get3A_1238 = arith.constant 224 : index
              %get3A_1239 = tpu.vector_load %arg26[%get3A_1237, %get3A_1238] {strides = array<i32>} : memref<16x768xf32, #tpu.memory_space<vmem>>, vector<16xf32>,
              %add3A_1240 = arith.constant 224 : i32
              %add3A_1241 = vector.broadcast %add3A_1240 : i32 to vector<16xi32>
              %add3A_1242 = arith.addi %add3A_1114, %add3A_1241 : vector<16xi32>
              %mul3A_1243 = arith.mulf %get3A_1239, %gather3A_1222 : vector<16xf32>
              tpu.vector_store_idx %arg19[%add3A_1242], %mul3A_1243 {add = true} : memref<61440xf32, #tpu.memory_space<vmem>>[vector<16xi32>], vector<16xf32>,
              %get3A_1244 = arith.index_cast %scan3A_1106 : i32 to index
              %get3A_1245 = arith.constant 240 : index
              %get3A_1246 = tpu.vector_load %arg26[%get3A_1244, %get3A_1245] {strides = array<i32>} : memref<16x768xf32, #tpu.memory_space<vmem>>, vector<16xf32>,
              %add3A_1247 = arith.constant 240 : i32
              %add3A_1248 = vector.broadcast %add3A_1247 : i32 to vector<16xi32>
              %add3A_1249 = arith.addi %add3A_1114, %add3A_1248 : vector<16xi32>
              %mul3A_1250 = arith.mulf %get3A_1246, %gather3A_1222 : vector<16xf32>
              tpu.vector_store_idx %arg19[%add3A_1249], %mul3A_1250 {add = true} : memref<61440xf32, #tpu.memory_space<vmem>>[vector<16xi32>], vector<16xf32>,
              %get3A_1251 = arith.index_cast %scan3A_1106 : i32 to index
              %get3A_1252 = arith.constant 256 : index
              %get3A_1253 = tpu.vector_load %arg26[%get3A_1251, %get3A_1252] {strides = array<i32>} : memref<16x768xf32, #tpu.memory_space<vmem>>, vector<16xf32>,
              %add3A_1254 = arith.constant 256 : i32
              %add3A_1255 = vector.broadcast %add3A_1254 : i32 to vector<16xi32>
              %add3A_1256 = arith.addi %add3A_1114, %add3A_1255 : vector<16xi32>
              %mul3A_1257 = arith.mulf %get3A_1253, %gather3A_1222 : vector<16xf32>
              tpu.vector_store_idx %arg19[%add3A_1256], %mul3A_1257 {add = true} : memref<61440xf32, #tpu.memory_space<vmem>>[vector<16xi32>], vector<16xf32>,
              %get3A_1258 = arith.index_cast %scan3A_1106 : i32 to index
              %get3A_1259 = arith.constant 272 : index
              %get3A_1260 = tpu.vector_load %arg26[%get3A_1258, %get3A_1259] {strides = array<i32>} : memref<16x768xf32, #tpu.memory_space<vmem>>, vector<16xf32>,
              %add3A_1261 = arith.constant 272 : i32
              %add3A_1262 = vector.broadcast %add3A_1261 : i32 to vector<16xi32>
              %add3A_1263 = arith.addi %add3A_1114, %add3A_1262 : vector<16xi32>
              %mul3A_1264 = arith.mulf %get3A_1260, %gather3A_1222 : vector<16xf32>
              tpu.vector_store_idx %arg19[%add3A_1263], %mul3A_1264 {add = true} : memref<61440xf32, #tpu.memory_space<vmem>>[vector<16xi32>], vector<16xf32>,
              %get3A_1265 = arith.index_cast %scan3A_1106 : i32 to index
              %get3A_1266 = arith.constant 288 : index
              %get3A_1267 = tpu.vector_load %arg26[%get3A_1265, %get3A_1266] {strides = array<i32>} : memref<16x768xf32, #tpu.memory_space<vmem>>, vector<16xf32>,
              %add3A_1268 = arith.constant 288 : i32
              %add3A_1269 = vector.broadcast %add3A_1268 : i32 to vector<16xi32>
              %add3A_1270 = arith.addi %add3A_1114, %add3A_1269 : vector<16xi32>
              %mul3A_1271 = arith.mulf %get3A_1267, %gather3A_1222 : vector<16xf32>
              tpu.vector_store_idx %arg19[%add3A_1270], %mul3A_1271 {add = true} : memref<61440xf32, #tpu.memory_space<vmem>>[vector<16xi32>], vector<16xf32>,
              %get3A_1272 = arith.index_cast %scan3A_1106 : i32 to index
              %get3A_1273 = arith.constant 304 : index
              %get3A_1274 = tpu.vector_load %arg26[%get3A_1272, %get3A_1273] {strides = array<i32>} : memref<16x768xf32, #tpu.memory_space<vmem>>, vector<16xf32>,
              %add3A_1275 = arith.constant 304 : i32
              %add3A_1276 = vector.broadcast %add3A_1275 : i32 to vector<16xi32>
              %add3A_1277 = arith.addi %add3A_1114, %add3A_1276 : vector<16xi32>
              %mul3A_1278 = arith.mulf %get3A_1274, %gather3A_1222 : vector<16xf32>
              tpu.vector_store_idx %arg19[%add3A_1277], %mul3A_1278 {add = true} : memref<61440xf32, #tpu.memory_space<vmem>>[vector<16xi32>], vector<16xf32>,
              %get3A_1279 = arith.index_cast %scan3A_1106 : i32 to index
              %get3A_1280 = arith.constant 320 : index
              %get3A_1281 = tpu.vector_load %arg26[%get3A_1279, %get3A_1280] {strides = array<i32>} : memref<16x768xf32, #tpu.memory_space<vmem>>, vector<16xf32>,
              %add3A_1282 = arith.constant 320 : i32
              %add3A_1283 = vector.broadcast %add3A_1282 : i32 to vector<16xi32>
              %add3A_1284 = arith.addi %add3A_1114, %add3A_1283 : vector<16xi32>
              %mul3A_1285 = arith.mulf %get3A_1281, %gather3A_1222 : vector<16xf32>
              tpu.vector_store_idx %arg19[%add3A_1284], %mul3A_1285 {add = true} : memref<61440xf32, #tpu.memory_space<vmem>>[vector<16xi32>], vector<16xf32>,
              %get3A_1286 = arith.index_cast %scan3A_1106 : i32 to index
              %get3A_1287 = arith.constant 336 : index
              %get3A_1288 = tpu.vector_load %arg26[%get3A_1286, %get3A_1287] {strides = array<i32>} : memref<16x768xf32, #tpu.memory_space<vmem>>, vector<16xf32>,
              %add3A_1289 = arith.constant 336 : i32
              %add3A_1290 = vector.broadcast %add3A_1289 : i32 to vector<16xi32>
              %add3A_1291 = arith.addi %add3A_1114, %add3A_1290 : vector<16xi32>
              %mul3A_1292 = arith.mulf %get3A_1288, %gather3A_1222 : vector<16xf32>
              tpu.vector_store_idx %arg19[%add3A_1291], %mul3A_1292 {add = true} : memref<61440xf32, #tpu.memory_space<vmem>>[vector<16xi32>], vector<16xf32>,
              %get3A_1293 = arith.index_cast %scan3A_1106 : i32 to index
              %get3A_1294 = arith.constant 352 : index
              %get3A_1295 = tpu.vector_load %arg26[%get3A_1293, %get3A_1294] {strides = array<i32>} : memref<16x768xf32, #tpu.memory_space<vmem>>, vector<16xf32>,
              %add3A_1296 = arith.constant 352 : i32
              %add3A_1297 = vector.broadcast %add3A_1296 : i32 to vector<16xi32>
              %add3A_1298 = arith.addi %add3A_1114, %add3A_1297 : vector<16xi32>
              %mul3A_1299 = arith.mulf %get3A_1295, %gather3A_1222 : vector<16xf32>
              tpu.vector_store_idx %arg19[%add3A_1298], %mul3A_1299 {add = true} : memref<61440xf32, #tpu.memory_space<vmem>>[vector<16xi32>], vector<16xf32>,
              %get3A_1300 = arith.index_cast %scan3A_1106 : i32 to index
              %get3A_1301 = arith.constant 368 : index
              %get3A_1302 = tpu.vector_load %arg26[%get3A_1300, %get3A_1301] {strides = array<i32>} : memref<16x768xf32, #tpu.memory_space<vmem>>, vector<16xf32>,
              %add3A_1303 = arith.constant 368 : i32
              %add3A_1304 = vector.broadcast %add3A_1303 : i32 to vector<16xi32>
              %add3A_1305 = arith.addi %add3A_1114, %add3A_1304 : vector<16xi32>
              %mul3A_1306 = arith.mulf %get3A_1302, %gather3A_1222 : vector<16xf32>
              tpu.vector_store_idx %arg19[%add3A_1305], %mul3A_1306 {add = true} : memref<61440xf32, #tpu.memory_space<vmem>>[vector<16xi32>], vector<16xf32>,
              %add3A_1307 = arith.constant 16 : i32
              %add3A_1308 = vector.broadcast %add3A_1307 : i32 to vector<16xi32>
              %add3A_1309 = arith.addi %add3A_1118, %add3A_1308 : vector<16xi32>
              %mul3A_1310 = arith.mulf %get3A_1122, %gather3A_1222 : vector<16xf32>
              tpu.vector_store_idx %arg20[%add3A_1309], %mul3A_1310 {add = true} : memref<5120xf32, #tpu.memory_space<vmem>>[vector<16xi32>], vector<16xf32>,
              %mul3A_1311 = arith.constant 4 : i32
              %mul3A_1312 = arith.muli %scan3A_1106, %mul3A_1311 : i32
              %add3A_1313 = arith.constant 2 : i32
              %add3A_1314 = arith.addi %mul3A_1312, %add3A_1313 : i32
              %broadcast_in_dim3A_1315 = vector.broadcast %add3A_1314 : i32 to vector<16xi32>
              %gather3A_1316 = tpu.vector_load_idx %arg25[%broadcast_in_dim3A_1315] : memref<64xf32, #tpu.memory_space<vmem>>[vector<16xi32>], vector<16xf32>,
              %get3A_1317 = arith.index_cast %scan3A_1106 : i32 to index
              %get3A_1318 = arith.constant 384 : index
              %get3A_1319 = tpu.vector_load %arg26[%get3A_1317, %get3A_1318] {strides = array<i32>} : memref<16x768xf32, #tpu.memory_space<vmem>>, vector<16xf32>,
              %add3A_1320 = arith.constant 384 : i32
              %add3A_1321 = vector.broadcast %add3A_1320 : i32 to vector<16xi32>
              %add3A_1322 = arith.addi %add3A_1114, %add3A_1321 : vector<16xi32>
              %mul3A_1323 = arith.mulf %get3A_1319, %gather3A_1316 : vector<16xf32>
              tpu.vector_store_idx %arg19[%add3A_1322], %mul3A_1323 {add = true} : memref<61440xf32, #tpu.memory_space<vmem>>[vector<16xi32>], vector<16xf32>,
              %get3A_1324 = arith.index_cast %scan3A_1106 : i32 to index
              %get3A_1325 = arith.constant 400 : index
              %get3A_1326 = tpu.vector_load %arg26[%get3A_1324, %get3A_1325] {strides = array<i32>} : memref<16x768xf32, #tpu.memory_space<vmem>>, vector<16xf32>,
              %add3A_1327 = arith.constant 400 : i32
              %add3A_1328 = vector.broadcast %add3A_1327 : i32 to vector<16xi32>
              %add3A_1329 = arith.addi %add3A_1114, %add3A_1328 : vector<16xi32>
              %mul3A_1330 = arith.mulf %get3A_1326, %gather3A_1316 : vector<16xf32>
              tpu.vector_store_idx %arg19[%add3A_1329], %mul3A_1330 {add = true} : memref<61440xf32, #tpu.memory_space<vmem>>[vector<16xi32>], vector<16xf32>,
              %get3A_1331 = arith.index_cast %scan3A_1106 : i32 to index
              %get3A_1332 = arith.constant 416 : index
              %get3A_1333 = tpu.vector_load %arg26[%get3A_1331, %get3A_1332] {strides = array<i32>} : memref<16x768xf32, #tpu.memory_space<vmem>>, vector<16xf32>,
              %add3A_1334 = arith.constant 416 : i32
              %add3A_1335 = vector.broadcast %add3A_1334 : i32 to vector<16xi32>
              %add3A_1336 = arith.addi %add3A_1114, %add3A_1335 : vector<16xi32>
              %mul3A_1337 = arith.mulf %get3A_1333, %gather3A_1316 : vector<16xf32>
              tpu.vector_store_idx %arg19[%add3A_1336], %mul3A_1337 {add = true} : memref<61440xf32, #tpu.memory_space<vmem>>[vector<16xi32>], vector<16xf32>,
              %get3A_1338 = arith.index_cast %scan3A_1106 : i32 to index
              %get3A_1339 = arith.constant 432 : index
              %get3A_1340 = tpu.vector_load %arg26[%get3A_1338, %get3A_1339] {strides = array<i32>} : memref<16x768xf32, #tpu.memory_space<vmem>>, vector<16xf32>,
              %add3A_1341 = arith.constant 432 : i32
              %add3A_1342 = vector.broadcast %add3A_1341 : i32 to vector<16xi32>
              %add3A_1343 = arith.addi %add3A_1114, %add3A_1342 : vector<16xi32>
              %mul3A_1344 = arith.mulf %get3A_1340, %gather3A_1316 : vector<16xf32>
              tpu.vector_store_idx %arg19[%add3A_1343], %mul3A_1344 {add = true} : memref<61440xf32, #tpu.memory_space<vmem>>[vector<16xi32>], vector<16xf32>,
              %get3A_1345 = arith.index_cast %scan3A_1106 : i32 to index
              %get3A_1346 = arith.constant 448 : index
              %get3A_1347 = tpu.vector_load %arg26[%get3A_1345, %get3A_1346] {strides = array<i32>} : memref<16x768xf32, #tpu.memory_space<vmem>>, vector<16xf32>,
              %add3A_1348 = arith.constant 448 : i32
              %add3A_1349 = vector.broadcast %add3A_1348 : i32 to vector<16xi32>
              %add3A_1350 = arith.addi %add3A_1114, %add3A_1349 : vector<16xi32>
              %mul3A_1351 = arith.mulf %get3A_1347, %gather3A_1316 : vector<16xf32>
              tpu.vector_store_idx %arg19[%add3A_1350], %mul3A_1351 {add = true} : memref<61440xf32, #tpu.memory_space<vmem>>[vector<16xi32>], vector<16xf32>,
              %get3A_1352 = arith.index_cast %scan3A_1106 : i32 to index
              %get3A_1353 = arith.constant 464 : index
              %get3A_1354 = tpu.vector_load %arg26[%get3A_1352, %get3A_1353] {strides = array<i32>} : memref<16x768xf32, #tpu.memory_space<vmem>>, vector<16xf32>,
              %add3A_1355 = arith.constant 464 : i32
              %add3A_1356 = vector.broadcast %add3A_1355 : i32 to vector<16xi32>
              %add3A_1357 = arith.addi %add3A_1114, %add3A_1356 : vector<16xi32>
              %mul3A_1358 = arith.mulf %get3A_1354, %gather3A_1316 : vector<16xf32>
              tpu.vector_store_idx %arg19[%add3A_1357], %mul3A_1358 {add = true} : memref<61440xf32, #tpu.memory_space<vmem>>[vector<16xi32>], vector<16xf32>,
              %get3A_1359 = arith.index_cast %scan3A_1106 : i32 to index
              %get3A_1360 = arith.constant 480 : index
              %get3A_1361 = tpu.vector_load %arg26[%get3A_1359, %get3A_1360] {strides = array<i32>} : memref<16x768xf32, #tpu.memory_space<vmem>>, vector<16xf32>,
              %add3A_1362 = arith.constant 480 : i32
              %add3A_1363 = vector.broadcast %add3A_1362 : i32 to vector<16xi32>
              %add3A_1364 = arith.addi %add3A_1114, %add3A_1363 : vector<16xi32>
              %mul3A_1365 = arith.mulf %get3A_1361, %gather3A_1316 : vector<16xf32>
              tpu.vector_store_idx %arg19[%add3A_1364], %mul3A_1365 {add = true} : memref<61440xf32, #tpu.memory_space<vmem>>[vector<16xi32>], vector<16xf32>,
              %get3A_1366 = arith.index_cast %scan3A_1106 : i32 to index
              %get3A_1367 = arith.constant 496 : index
              %get3A_1368 = tpu.vector_load %arg26[%get3A_1366, %get3A_1367] {strides = array<i32>} : memref<16x768xf32, #tpu.memory_space<vmem>>, vector<16xf32>,
              %add3A_1369 = arith.constant 496 : i32
              %add3A_1370 = vector.broadcast %add3A_1369 : i32 to vector<16xi32>
              %add3A_1371 = arith.addi %add3A_1114, %add3A_1370 : vector<16xi32>
              %mul3A_1372 = arith.mulf %get3A_1368, %gather3A_1316 : vector<16xf32>
              tpu.vector_store_idx %arg19[%add3A_1371], %mul3A_1372 {add = true} : memref<61440xf32, #tpu.memory_space<vmem>>[vector<16xi32>], vector<16xf32>,
              %get3A_1373 = arith.index_cast %scan3A_1106 : i32 to index
              %get3A_1374 = arith.constant 512 : index
              %get3A_1375 = tpu.vector_load %arg26[%get3A_1373, %get3A_1374] {strides = array<i32>} : memref<16x768xf32, #tpu.memory_space<vmem>>, vector<16xf32>,
              %add3A_1376 = arith.constant 512 : i32
              %add3A_1377 = vector.broadcast %add3A_1376 : i32 to vector<16xi32>
              %add3A_1378 = arith.addi %add3A_1114, %add3A_1377 : vector<16xi32>
              %mul3A_1379 = arith.mulf %get3A_1375, %gather3A_1316 : vector<16xf32>
              tpu.vector_store_idx %arg19[%add3A_1378], %mul3A_1379 {add = true} : memref<61440xf32, #tpu.memory_space<vmem>>[vector<16xi32>], vector<16xf32>,
              %get3A_1380 = arith.index_cast %scan3A_1106 : i32 to index
              %get3A_1381 = arith.constant 528 : index
              %get3A_1382 = tpu.vector_load %arg26[%get3A_1380, %get3A_1381] {strides = array<i32>} : memref<16x768xf32, #tpu.memory_space<vmem>>, vector<16xf32>,
              %add3A_1383 = arith.constant 528 : i32
              %add3A_1384 = vector.broadcast %add3A_1383 : i32 to vector<16xi32>
              %add3A_1385 = arith.addi %add3A_1114, %add3A_1384 : vector<16xi32>
              %mul3A_1386 = arith.mulf %get3A_1382, %gather3A_1316 : vector<16xf32>
              tpu.vector_store_idx %arg19[%add3A_1385], %mul3A_1386 {add = true} : memref<61440xf32, #tpu.memory_space<vmem>>[vector<16xi32>], vector<16xf32>,
              %get3A_1387 = arith.index_cast %scan3A_1106 : i32 to index
              %get3A_1388 = arith.constant 544 : index
              %get3A_1389 = tpu.vector_load %arg26[%get3A_1387, %get3A_1388] {strides = array<i32>} : memref<16x768xf32, #tpu.memory_space<vmem>>, vector<16xf32>,
              %add3A_1390 = arith.constant 544 : i32
              %add3A_1391 = vector.broadcast %add3A_1390 : i32 to vector<16xi32>
              %add3A_1392 = arith.addi %add3A_1114, %add3A_1391 : vector<16xi32>
              %mul3A_1393 = arith.mulf %get3A_1389, %gather3A_1316 : vector<16xf32>
              tpu.vector_store_idx %arg19[%add3A_1392], %mul3A_1393 {add = true} : memref<61440xf32, #tpu.memory_space<vmem>>[vector<16xi32>], vector<16xf32>,
              %get3A_1394 = arith.index_cast %scan3A_1106 : i32 to index
              %get3A_1395 = arith.constant 560 : index
              %get3A_1396 = tpu.vector_load %arg26[%get3A_1394, %get3A_1395] {strides = array<i32>} : memref<16x768xf32, #tpu.memory_space<vmem>>, vector<16xf32>,
              %add3A_1397 = arith.constant 560 : i32
              %add3A_1398 = vector.broadcast %add3A_1397 : i32 to vector<16xi32>
              %add3A_1399 = arith.addi %add3A_1114, %add3A_1398 : vector<16xi32>
              %mul3A_1400 = arith.mulf %get3A_1396, %gather3A_1316 : vector<16xf32>
              tpu.vector_store_idx %arg19[%add3A_1399], %mul3A_1400 {add = true} : memref<61440xf32, #tpu.memory_space<vmem>>[vector<16xi32>], vector<16xf32>,
              %add3A_1401 = arith.constant 32 : i32
              %add3A_1402 = vector.broadcast %add3A_1401 : i32 to vector<16xi32>
              %add3A_1403 = arith.addi %add3A_1118, %add3A_1402 : vector<16xi32>
              %mul3A_1404 = arith.mulf %get3A_1122, %gather3A_1316 : vector<16xf32>
              tpu.vector_store_idx %arg20[%add3A_1403], %mul3A_1404 {add = true} : memref<5120xf32, #tpu.memory_space<vmem>>[vector<16xi32>], vector<16xf32>,
              %mul3A_1405 = arith.constant 4 : i32
              %mul3A_1406 = arith.muli %scan3A_1106, %mul3A_1405 : i32
              %add3A_1407 = arith.constant 3 : i32
              %add3A_1408 = arith.addi %mul3A_1406, %add3A_1407 : i32
              %broadcast_in_dim3A_1409 = vector.broadcast %add3A_1408 : i32 to vector<16xi32>
              %gather3A_1410 = tpu.vector_load_idx %arg25[%broadcast_in_dim3A_1409] : memref<64xf32, #tpu.memory_space<vmem>>[vector<16xi32>], vector<16xf32>,
              %get3A_1411 = arith.index_cast %scan3A_1106 : i32 to index
              %get3A_1412 = arith.constant 576 : index
              %get3A_1413 = tpu.vector_load %arg26[%get3A_1411, %get3A_1412] {strides = array<i32>} : memref<16x768xf32, #tpu.memory_space<vmem>>, vector<16xf32>,
              %add3A_1414 = arith.constant 576 : i32
              %add3A_1415 = vector.broadcast %add3A_1414 : i32 to vector<16xi32>
              %add3A_1416 = arith.addi %add3A_1114, %add3A_1415 : vector<16xi32>
              %mul3A_1417 = arith.mulf %get3A_1413, %gather3A_1410 : vector<16xf32>
              tpu.vector_store_idx %arg19[%add3A_1416], %mul3A_1417 {add = true} : memref<61440xf32, #tpu.memory_space<vmem>>[vector<16xi32>], vector<16xf32>,
              %get3A_1418 = arith.index_cast %scan3A_1106 : i32 to index
              %get3A_1419 = arith.constant 592 : index
              %get3A_1420 = tpu.vector_load %arg26[%get3A_1418, %get3A_1419] {strides = array<i32>} : memref<16x768xf32, #tpu.memory_space<vmem>>, vector<16xf32>,
              %add3A_1421 = arith.constant 592 : i32
              %add3A_1422 = vector.broadcast %add3A_1421 : i32 to vector<16xi32>
              %add3A_1423 = arith.addi %add3A_1114, %add3A_1422 : vector<16xi32>
              %mul3A_1424 = arith.mulf %get3A_1420, %gather3A_1410 : vector<16xf32>
              tpu.vector_store_idx %arg19[%add3A_1423], %mul3A_1424 {add = true} : memref<61440xf32, #tpu.memory_space<vmem>>[vector<16xi32>], vector<16xf32>,
              %get3A_1425 = arith.index_cast %scan3A_1106 : i32 to index
              %get3A_1426 = arith.constant 608 : index
              %get3A_1427 = tpu.vector_load %arg26[%get3A_1425, %get3A_1426] {strides = array<i32>} : memref<16x768xf32, #tpu.memory_space<vmem>>, vector<16xf32>,
              %add3A_1428 = arith.constant 608 : i32
              %add3A_1429 = vector.broadcast %add3A_1428 : i32 to vector<16xi32>
              %add3A_1430 = arith.addi %add3A_1114, %add3A_1429 : vector<16xi32>
              %mul3A_1431 = arith.mulf %get3A_1427, %gather3A_1410 : vector<16xf32>
              tpu.vector_store_idx %arg19[%add3A_1430], %mul3A_1431 {add = true} : memref<61440xf32, #tpu.memory_space<vmem>>[vector<16xi32>], vector<16xf32>,
              %get3A_1432 = arith.index_cast %scan3A_1106 : i32 to index
              %get3A_1433 = arith.constant 624 : index
              %get3A_1434 = tpu.vector_load %arg26[%get3A_1432, %get3A_1433] {strides = array<i32>} : memref<16x768xf32, #tpu.memory_space<vmem>>, vector<16xf32>,
              %add3A_1435 = arith.constant 624 : i32
              %add3A_1436 = vector.broadcast %add3A_1435 : i32 to vector<16xi32>
              %add3A_1437 = arith.addi %add3A_1114, %add3A_1436 : vector<16xi32>
              %mul3A_1438 = arith.mulf %get3A_1434, %gather3A_1410 : vector<16xf32>
              tpu.vector_store_idx %arg19[%add3A_1437], %mul3A_1438 {add = true} : memref<61440xf32, #tpu.memory_space<vmem>>[vector<16xi32>], vector<16xf32>,
              %get3A_1439 = arith.index_cast %scan3A_1106 : i32 to index
              %get3A_1440 = arith.constant 640 : index
              %get3A_1441 = tpu.vector_load %arg26[%get3A_1439, %get3A_1440] {strides = array<i32>} : memref<16x768xf32, #tpu.memory_space<vmem>>, vector<16xf32>,
              %add3A_1442 = arith.constant 640 : i32
              %add3A_1443 = vector.broadcast %add3A_1442 : i32 to vector<16xi32>
              %add3A_1444 = arith.addi %add3A_1114, %add3A_1443 : vector<16xi32>
              %mul3A_1445 = arith.mulf %get3A_1441, %gather3A_1410 : vector<16xf32>
              tpu.vector_store_idx %arg19[%add3A_1444], %mul3A_1445 {add = true} : memref<61440xf32, #tpu.memory_space<vmem>>[vector<16xi32>], vector<16xf32>,
              %get3A_1446 = arith.index_cast %scan3A_1106 : i32 to index
              %get3A_1447 = arith.constant 656 : index
              %get3A_1448 = tpu.vector_load %arg26[%get3A_1446, %get3A_1447] {strides = array<i32>} : memref<16x768xf32, #tpu.memory_space<vmem>>, vector<16xf32>,
              %add3A_1449 = arith.constant 656 : i32
              %add3A_1450 = vector.broadcast %add3A_1449 : i32 to vector<16xi32>
              %add3A_1451 = arith.addi %add3A_1114, %add3A_1450 : vector<16xi32>
              %mul3A_1452 = arith.mulf %get3A_1448, %gather3A_1410 : vector<16xf32>
              tpu.vector_store_idx %arg19[%add3A_1451], %mul3A_1452 {add = true} : memref<61440xf32, #tpu.memory_space<vmem>>[vector<16xi32>], vector<16xf32>,
              %get3A_1453 = arith.index_cast %scan3A_1106 : i32 to index
              %get3A_1454 = arith.constant 672 : index
              %get3A_1455 = tpu.vector_load %arg26[%get3A_1453, %get3A_1454] {strides = array<i32>} : memref<16x768xf32, #tpu.memory_space<vmem>>, vector<16xf32>,
              %add3A_1456 = arith.constant 672 : i32
              %add3A_1457 = vector.broadcast %add3A_1456 : i32 to vector<16xi32>
              %add3A_1458 = arith.addi %add3A_1114, %add3A_1457 : vector<16xi32>
              %mul3A_1459 = arith.mulf %get3A_1455, %gather3A_1410 : vector<16xf32>
              tpu.vector_store_idx %arg19[%add3A_1458], %mul3A_1459 {add = true} : memref<61440xf32, #tpu.memory_space<vmem>>[vector<16xi32>], vector<16xf32>,
              %get3A_1460 = arith.index_cast %scan3A_1106 : i32 to index
              %get3A_1461 = arith.constant 688 : index
              %get3A_1462 = tpu.vector_load %arg26[%get3A_1460, %get3A_1461] {strides = array<i32>} : memref<16x768xf32, #tpu.memory_space<vmem>>, vector<16xf32>,
              %add3A_1463 = arith.constant 688 : i32
              %add3A_1464 = vector.broadcast %add3A_1463 : i32 to vector<16xi32>
              %add3A_1465 = arith.addi %add3A_1114, %add3A_1464 : vector<16xi32>
              %mul3A_1466 = arith.mulf %get3A_1462, %gather3A_1410 : vector<16xf32>
              tpu.vector_store_idx %arg19[%add3A_1465], %mul3A_1466 {add = true} : memref<61440xf32, #tpu.memory_space<vmem>>[vector<16xi32>], vector<16xf32>,
              %get3A_1467 = arith.index_cast %scan3A_1106 : i32 to index
              %get3A_1468 = arith.constant 704 : index
              %get3A_1469 = tpu.vector_load %arg26[%get3A_1467, %get3A_1468] {strides = array<i32>} : memref<16x768xf32, #tpu.memory_space<vmem>>, vector<16xf32>,
              %add3A_1470 = arith.constant 704 : i32
              %add3A_1471 = vector.broadcast %add3A_1470 : i32 to vector<16xi32>
              %add3A_1472 = arith.addi %add3A_1114, %add3A_1471 : vector<16xi32>
              %mul3A_1473 = arith.mulf %get3A_1469, %gather3A_1410 : vector<16xf32>
              tpu.vector_store_idx %arg19[%add3A_1472], %mul3A_1473 {add = true} : memref<61440xf32, #tpu.memory_space<vmem>>[vector<16xi32>], vector<16xf32>,
              %get3A_1474 = arith.index_cast %scan3A_1106 : i32 to index
              %get3A_1475 = arith.constant 720 : index
              %get3A_1476 = tpu.vector_load %arg26[%get3A_1474, %get3A_1475] {strides = array<i32>} : memref<16x768xf32, #tpu.memory_space<vmem>>, vector<16xf32>,
              %add3A_1477 = arith.constant 720 : i32
              %add3A_1478 = vector.broadcast %add3A_1477 : i32 to vector<16xi32>
              %add3A_1479 = arith.addi %add3A_1114, %add3A_1478 : vector<16xi32>
              %mul3A_1480 = arith.mulf %get3A_1476, %gather3A_1410 : vector<16xf32>
              tpu.vector_store_idx %arg19[%add3A_1479], %mul3A_1480 {add = true} : memref<61440xf32, #tpu.memory_space<vmem>>[vector<16xi32>], vector<16xf32>,
              %get3A_1481 = arith.index_cast %scan3A_1106 : i32 to index
              %get3A_1482 = arith.constant 736 : index
              %get3A_1483 = tpu.vector_load %arg26[%get3A_1481, %get3A_1482] {strides = array<i32>} : memref<16x768xf32, #tpu.memory_space<vmem>>, vector<16xf32>,
              %add3A_1484 = arith.constant 736 : i32
              %add3A_1485 = vector.broadcast %add3A_1484 : i32 to vector<16xi32>
              %add3A_1486 = arith.addi %add3A_1114, %add3A_1485 : vector<16xi32>
              %mul3A_1487 = arith.mulf %get3A_1483, %gather3A_1410 : vector<16xf32>
              tpu.vector_store_idx %arg19[%add3A_1486], %mul3A_1487 {add = true} : memref<61440xf32, #tpu.memory_space<vmem>>[vector<16xi32>], vector<16xf32>,
              %get3A_1488 = arith.index_cast %scan3A_1106 : i32 to index
              %get3A_1489 = arith.constant 752 : index
              %get3A_1490 = tpu.vector_load %arg26[%get3A_1488, %get3A_1489] {strides = array<i32>} : memref<16x768xf32, #tpu.memory_space<vmem>>, vector<16xf32>,
              %add3A_1491 = arith.constant 752 : i32
              %add3A_1492 = vector.broadcast %add3A_1491 : i32 to vector<16xi32>
              %add3A_1493 = arith.addi %add3A_1114, %add3A_1492 : vector<16xi32>
              %mul3A_1494 = arith.mulf %get3A_1490, %gather3A_1410 : vector<16xf32>
              tpu.vector_store_idx %arg19[%add3A_1493], %mul3A_1494 {add = true} : memref<61440xf32, #tpu.memory_space<vmem>>[vector<16xi32>], vector<16xf32>,
              %add3A_1495 = arith.constant 48 : i32
              %add3A_1496 = vector.broadcast %add3A_1495 : i32 to vector<16xi32>
              %add3A_1497 = arith.addi %add3A_1118, %add3A_1496 : vector<16xi32>
              %mul3A_1498 = arith.mulf %get3A_1122, %gather3A_1410 : vector<16xf32>
              tpu.vector_store_idx %arg20[%add3A_1497], %mul3A_1498 {add = true} : memref<5120xf32, #tpu.memory_space<vmem>>[vector<16xi32>], vector<16xf32>,
              %scan3A_1499 = arith.constant 0 : i32
              scf.yield %scan3A_1499 : i32
            }
            %scan3A_1104 = arith.constant 16 : i32
            %while3A_1105 = arith.constant 0 : i32
            scf.yield %while3A_1105 : i32
          }
          %while3A_782 = arith.constant 1 : i32
          %while3A_783 = scf.for %while3A_785 = %while3A_779 to %while3A_775 step %while3A_782 iter_args(%while3A_786 = %while3A_781) -> (i32)  : i32 {
            %mul3A_787 = arith.constant 16 : i32
            %mul3A_788 = arith.muli %while3A_785, %mul3A_787 : i32
            %add3A_789 = arith.constant 0 : i32
            %add3A_790 = arith.addi %mul3A_788, %add3A_789 : i32
            %broadcast_in_dim3A_791 = vector.broadcast %add3A_790 : i32 to vector<16xi32>
            %add3A_792 = arith.addi %broadcast_in_dim3A_791, %shift_right_arithmetic3A_2 : vector<16xi32>
            %gather3A = tpu.vector_load_idx %arg14[%add3A_792] : memref<2016xi32, #tpu.memory_space<vmem>>[vector<16xi32>], vector<16xi32>,
            %mul3A_793 = arith.constant 4 : i32
            %mul3A_794 = vector.broadcast %mul3A_793 : i32 to vector<16xi32>
            %mul3A_795 = arith.muli %gather3A, %mul3A_794 : vector<16xi32>
            %add3A_796 = arith.addi %mul3A_795, %and3A_4 : vector<16xi32>
            %swap3A_797 = arith.constant 0 : index
            %swap3A_798 = tpu.vector_load %arg21[%swap3A_797] {strides = array<i32>} : memref<64xi32, #tpu.memory_space<vmem>>, vector<16xi32>,
            tpu.vector_store %arg21[%swap3A_797], %add3A_796 {strides = array<i32>} : memref<64xi32, #tpu.memory_space<vmem>>, vector<16xi32>,
            %add3A_799 = arith.constant 4 : i32
            %add3A_800 = arith.addi %mul3A_788, %add3A_799 : i32
            %broadcast_in_dim3A_801 = vector.broadcast %add3A_800 : i32 to vector<16xi32>
            %add3A_802 = arith.addi %broadcast_in_dim3A_801, %shift_right_arithmetic3A_2 : vector<16xi32>
            %gather3A_803 = tpu.vector_load_idx %arg14[%add3A_802] : memref<2016xi32, #tpu.memory_space<vmem>>[vector<16xi32>], vector<16xi32>,
            %mul3A_804 = arith.constant 4 : i32
            %mul3A_805 = vector.broadcast %mul3A_804 : i32 to vector<16xi32>
            %mul3A_806 = arith.muli %gather3A_803, %mul3A_805 : vector<16xi32>
            %add3A_807 = arith.addi %mul3A_806, %and3A_4 : vector<16xi32>
            %swap3A_808 = arith.constant 16 : index
            %swap3A_809 = tpu.vector_load %arg21[%swap3A_808] {strides = array<i32>} : memref<64xi32, #tpu.memory_space<vmem>>, vector<16xi32>,
            tpu.vector_store %arg21[%swap3A_808], %add3A_807 {strides = array<i32>} : memref<64xi32, #tpu.memory_space<vmem>>, vector<16xi32>,
            %add3A_810 = arith.constant 8 : i32
            %add3A_811 = arith.addi %mul3A_788, %add3A_810 : i32
            %broadcast_in_dim3A_812 = vector.broadcast %add3A_811 : i32 to vector<16xi32>
            %add3A_813 = arith.addi %broadcast_in_dim3A_812, %shift_right_arithmetic3A_2 : vector<16xi32>
            %gather3A_814 = tpu.vector_load_idx %arg14[%add3A_813] : memref<2016xi32, #tpu.memory_space<vmem>>[vector<16xi32>], vector<16xi32>,
            %mul3A_815 = arith.constant 4 : i32
            %mul3A_816 = vector.broadcast %mul3A_815 : i32 to vector<16xi32>
            %mul3A_817 = arith.muli %gather3A_814, %mul3A_816 : vector<16xi32>
            %add3A_818 = arith.addi %mul3A_817, %and3A_4 : vector<16xi32>
            %swap3A_819 = arith.constant 32 : index
            %swap3A_820 = tpu.vector_load %arg21[%swap3A_819] {strides = array<i32>} : memref<64xi32, #tpu.memory_space<vmem>>, vector<16xi32>,
            tpu.vector_store %arg21[%swap3A_819], %add3A_818 {strides = array<i32>} : memref<64xi32, #tpu.memory_space<vmem>>, vector<16xi32>,
            %add3A_821 = arith.constant 12 : i32
            %add3A_822 = arith.addi %mul3A_788, %add3A_821 : i32
            %broadcast_in_dim3A_823 = vector.broadcast %add3A_822 : i32 to vector<16xi32>
            %add3A_824 = arith.addi %broadcast_in_dim3A_823, %shift_right_arithmetic3A_2 : vector<16xi32>
            %gather3A_825 = tpu.vector_load_idx %arg14[%add3A_824] : memref<2016xi32, #tpu.memory_space<vmem>>[vector<16xi32>], vector<16xi32>,
            %mul3A_826 = arith.constant 4 : i32
            %mul3A_827 = vector.broadcast %mul3A_826 : i32 to vector<16xi32>
            %mul3A_828 = arith.muli %gather3A_825, %mul3A_827 : vector<16xi32>
            %add3A_829 = arith.addi %mul3A_828, %and3A_4 : vector<16xi32>
            %swap3A_830 = arith.constant 48 : index
            %swap3A_831 = tpu.vector_load %arg21[%swap3A_830] {strides = array<i32>} : memref<64xi32, #tpu.memory_space<vmem>>, vector<16xi32>,
            tpu.vector_store %arg21[%swap3A_830], %add3A_829 {strides = array<i32>} : memref<64xi32, #tpu.memory_space<vmem>>, vector<16xi32>,
            %add3A_832 = arith.constant 0 : i32
            %add3A_833 = arith.addi %mul3A_788, %add3A_832 : i32
            %broadcast_in_dim3A_834 = vector.broadcast %add3A_833 : i32 to vector<16xi32>
            %gather3A_835 = tpu.vector_load_idx %arg14[%broadcast_in_dim3A_834] : memref<2016xi32, #tpu.memory_space<vmem>>[vector<16xi32>], vector<16xi32>,
            %mul3A_836 = arith.constant 16 : i32
            %mul3A_837 = vector.broadcast %mul3A_836 : i32 to vector<16xi32>
            %mul3A_838 = arith.muli %gather3A_835, %mul3A_837 : vector<16xi32>
            %add3A_839 = arith.addi %mul3A_838, %iota3A : vector<16xi32>
            %swap3A_840 = arith.constant 0 : index
            %swap3A_841 = tpu.vector_load %arg28[%swap3A_840] {strides = array<i32>} : memref<256xi32, #tpu.memory_space<vmem>>, vector<16xi32>,
            tpu.vector_store %arg28[%swap3A_840], %add3A_839 {strides = array<i32>} : memref<256xi32, #tpu.memory_space<vmem>>, vector<16xi32>,
            %add3A_842 = arith.constant 1 : i32
            %add3A_843 = arith.addi %mul3A_788, %add3A_842 : i32
            %broadcast_in_dim3A_844 = vector.broadcast %add3A_843 : i32 to vector<16xi32>
            %gather3A_845 = tpu.vector_load_idx %arg14[%broadcast_in_dim3A_844] : memref<2016xi32, #tpu.memory_space<vmem>>[vector<16xi32>], vector<16xi32>,
            %mul3A_846 = arith.constant 16 : i32
            %mul3A_847 = vector.broadcast %mul3A_846 : i32 to vector<16xi32>
            %mul3A_848 = arith.muli %gather3A_845, %mul3A_847 : vector<16xi32>
            %add3A_849 = arith.addi %mul3A_848, %iota3A : vector<16xi32>
            %swap3A_850 = arith.constant 16 : index
            %swap3A_851 = tpu.vector_load %arg28[%swap3A_850] {strides = array<i32>} : memref<256xi32, #tpu.memory_space<vmem>>, vector<16xi32>,
            tpu.vector_store %arg28[%swap3A_850], %add3A_849 {strides = array<i32>} : memref<256xi32, #tpu.memory_space<vmem>>, vector<16xi32>,
            %add3A_852 = arith.constant 2 : i32
            %add3A_853 = arith.addi %mul3A_788, %add3A_852 : i32
            %broadcast_in_dim3A_854 = vector.broadcast %add3A_853 : i32 to vector<16xi32>
            %gather3A_855 = tpu.vector_load_idx %arg14[%broadcast_in_dim3A_854] : memref<2016xi32, #tpu.memory_space<vmem>>[vector<16xi32>], vector<16xi32>,
            %mul3A_856 = arith.constant 16 : i32
            %mul3A_857 = vector.broadcast %mul3A_856 : i32 to vector<16xi32>
            %mul3A_858 = arith.muli %gather3A_855, %mul3A_857 : vector<16xi32>
            %add3A_859 = arith.addi %mul3A_858, %iota3A : vector<16xi32>
            %swap3A_860 = arith.constant 32 : index
            %swap3A_861 = tpu.vector_load %arg28[%swap3A_860] {strides = array<i32>} : memref<256xi32, #tpu.memory_space<vmem>>, vector<16xi32>,
            tpu.vector_store %arg28[%swap3A_860], %add3A_859 {strides = array<i32>} : memref<256xi32, #tpu.memory_space<vmem>>, vector<16xi32>,
            %add3A_862 = arith.constant 3 : i32
            %add3A_863 = arith.addi %mul3A_788, %add3A_862 : i32
            %broadcast_in_dim3A_864 = vector.broadcast %add3A_863 : i32 to vector<16xi32>
            %gather3A_865 = tpu.vector_load_idx %arg14[%broadcast_in_dim3A_864] : memref<2016xi32, #tpu.memory_space<vmem>>[vector<16xi32>], vector<16xi32>,
            %mul3A_866 = arith.constant 16 : i32
            %mul3A_867 = vector.broadcast %mul3A_866 : i32 to vector<16xi32>
            %mul3A_868 = arith.muli %gather3A_865, %mul3A_867 : vector<16xi32>
            %add3A_869 = arith.addi %mul3A_868, %iota3A : vector<16xi32>
            %swap3A_870 = arith.constant 48 : index
            %swap3A_871 = tpu.vector_load %arg28[%swap3A_870] {strides = array<i32>} : memref<256xi32, #tpu.memory_space<vmem>>, vector<16xi32>,
            tpu.vector_store %arg28[%swap3A_870], %add3A_869 {strides = array<i32>} : memref<256xi32, #tpu.memory_space<vmem>>, vector<16xi32>,
            %add3A_872 = arith.constant 4 : i32
            %add3A_873 = arith.addi %mul3A_788, %add3A_872 : i32
            %broadcast_in_dim3A_874 = vector.broadcast %add3A_873 : i32 to vector<16xi32>
            %gather3A_875 = tpu.vector_load_idx %arg14[%broadcast_in_dim3A_874] : memref<2016xi32, #tpu.memory_space<vmem>>[vector<16xi32>], vector<16xi32>,
            %mul3A_876 = arith.constant 16 : i32
            %mul3A_877 = vector.broadcast %mul3A_876 : i32 to vector<16xi32>
            %mul3A_878 = arith.muli %gather3A_875, %mul3A_877 : vector<16xi32>
            %add3A_879 = arith.addi %mul3A_878, %iota3A : vector<16xi32>
            %swap3A_880 = arith.constant 64 : index
            %swap3A_881 = tpu.vector_load %arg28[%swap3A_880] {strides = array<i32>} : memref<256xi32, #tpu.memory_space<vmem>>, vector<16xi32>,
            tpu.vector_store %arg28[%swap3A_880], %add3A_879 {strides = array<i32>} : memref<256xi32, #tpu.memory_space<vmem>>, vector<16xi32>,
            %add3A_882 = arith.constant 5 : i32
            %add3A_883 = arith.addi %mul3A_788, %add3A_882 : i32
            %broadcast_in_dim3A_884 = vector.broadcast %add3A_883 : i32 to vector<16xi32>
            %gather3A_885 = tpu.vector_load_idx %arg14[%broadcast_in_dim3A_884] : memref<2016xi32, #tpu.memory_space<vmem>>[vector<16xi32>], vector<16xi32>,
            %mul3A_886 = arith.constant 16 : i32
            %mul3A_887 = vector.broadcast %mul3A_886 : i32 to vector<16xi32>
            %mul3A_888 = arith.muli %gather3A_885, %mul3A_887 : vector<16xi32>
            %add3A_889 = arith.addi %mul3A_888, %iota3A : vector<16xi32>
            %swap3A_890 = arith.constant 80 : index
            %swap3A_891 = tpu.vector_load %arg28[%swap3A_890] {strides = array<i32>} : memref<256xi32, #tpu.memory_space<vmem>>, vector<16xi32>,
            tpu.vector_store %arg28[%swap3A_890], %add3A_889 {strides = array<i32>} : memref<256xi32, #tpu.memory_space<vmem>>, vector<16xi32>,
            %add3A_892 = arith.constant 6 : i32
            %add3A_893 = arith.addi %mul3A_788, %add3A_892 : i32
            %broadcast_in_dim3A_894 = vector.broadcast %add3A_893 : i32 to vector<16xi32>
            %gather3A_895 = tpu.vector_load_idx %arg14[%broadcast_in_dim3A_894] : memref<2016xi32, #tpu.memory_space<vmem>>[vector<16xi32>], vector<16xi32>,
            %mul3A_896 = arith.constant 16 : i32
            %mul3A_897 = vector.broadcast %mul3A_896 : i32 to vector<16xi32>
            %mul3A_898 = arith.muli %gather3A_895, %mul3A_897 : vector<16xi32>
            %add3A_899 = arith.addi %mul3A_898, %iota3A : vector<16xi32>
            %swap3A_900 = arith.constant 96 : index
            %swap3A_901 = tpu.vector_load %arg28[%swap3A_900] {strides = array<i32>} : memref<256xi32, #tpu.memory_space<vmem>>, vector<16xi32>,
            tpu.vector_store %arg28[%swap3A_900], %add3A_899 {strides = array<i32>} : memref<256xi32, #tpu.memory_space<vmem>>, vector<16xi32>,
            %add3A_902 = arith.constant 7 : i32
            %add3A_903 = arith.addi %mul3A_788, %add3A_902 : i32
            %broadcast_in_dim3A_904 = vector.broadcast %add3A_903 : i32 to vector<16xi32>
            %gather3A_905 = tpu.vector_load_idx %arg14[%broadcast_in_dim3A_904] : memref<2016xi32, #tpu.memory_space<vmem>>[vector<16xi32>], vector<16xi32>,
            %mul3A_906 = arith.constant 16 : i32
            %mul3A_907 = vector.broadcast %mul3A_906 : i32 to vector<16xi32>
            %mul3A_908 = arith.muli %gather3A_905, %mul3A_907 : vector<16xi32>
            %add3A_909 = arith.addi %mul3A_908, %iota3A : vector<16xi32>
            %swap3A_910 = arith.constant 112 : index
            %swap3A_911 = tpu.vector_load %arg28[%swap3A_910] {strides = array<i32>} : memref<256xi32, #tpu.memory_space<vmem>>, vector<16xi32>,
            tpu.vector_store %arg28[%swap3A_910], %add3A_909 {strides = array<i32>} : memref<256xi32, #tpu.memory_space<vmem>>, vector<16xi32>,
            %add3A_912 = arith.constant 8 : i32
            %add3A_913 = arith.addi %mul3A_788, %add3A_912 : i32
            %broadcast_in_dim3A_914 = vector.broadcast %add3A_913 : i32 to vector<16xi32>
            %gather3A_915 = tpu.vector_load_idx %arg14[%broadcast_in_dim3A_914] : memref<2016xi32, #tpu.memory_space<vmem>>[vector<16xi32>], vector<16xi32>,
            %mul3A_916 = arith.constant 16 : i32
            %mul3A_917 = vector.broadcast %mul3A_916 : i32 to vector<16xi32>
            %mul3A_918 = arith.muli %gather3A_915, %mul3A_917 : vector<16xi32>
            %add3A_919 = arith.addi %mul3A_918, %iota3A : vector<16xi32>
            %swap3A_920 = arith.constant 128 : index
            %swap3A_921 = tpu.vector_load %arg28[%swap3A_920] {strides = array<i32>} : memref<256xi32, #tpu.memory_space<vmem>>, vector<16xi32>,
            tpu.vector_store %arg28[%swap3A_920], %add3A_919 {strides = array<i32>} : memref<256xi32, #tpu.memory_space<vmem>>, vector<16xi32>,
            %add3A_922 = arith.constant 9 : i32
            %add3A_923 = arith.addi %mul3A_788, %add3A_922 : i32
            %broadcast_in_dim3A_924 = vector.broadcast %add3A_923 : i32 to vector<16xi32>
            %gather3A_925 = tpu.vector_load_idx %arg14[%broadcast_in_dim3A_924] : memref<2016xi32, #tpu.memory_space<vmem>>[vector<16xi32>], vector<16xi32>,
            %mul3A_926 = arith.constant 16 : i32
            %mul3A_927 = vector.broadcast %mul3A_926 : i32 to vector<16xi32>
            %mul3A_928 = arith.muli %gather3A_925, %mul3A_927 : vector<16xi32>
            %add3A_929 = arith.addi %mul3A_928, %iota3A : vector<16xi32>
            %swap3A_930 = arith.constant 144 : index
            %swap3A_931 = tpu.vector_load %arg28[%swap3A_930] {strides = array<i32>} : memref<256xi32, #tpu.memory_space<vmem>>, vector<16xi32>,
            tpu.vector_store %arg28[%swap3A_930], %add3A_929 {strides = array<i32>} : memref<256xi32, #tpu.memory_space<vmem>>, vector<16xi32>,
            %add3A_932 = arith.constant 10 : i32
            %add3A_933 = arith.addi %mul3A_788, %add3A_932 : i32
            %broadcast_in_dim3A_934 = vector.broadcast %add3A_933 : i32 to vector<16xi32>
            %gather3A_935 = tpu.vector_load_idx %arg14[%broadcast_in_dim3A_934] : memref<2016xi32, #tpu.memory_space<vmem>>[vector<16xi32>], vector<16xi32>,
            %mul3A_936 = arith.constant 16 : i32
            %mul3A_937 = vector.broadcast %mul3A_936 : i32 to vector<16xi32>
            %mul3A_938 = arith.muli %gather3A_935, %mul3A_937 : vector<16xi32>
            %add3A_939 = arith.addi %mul3A_938, %iota3A : vector<16xi32>
            %swap3A_940 = arith.constant 160 : index
            %swap3A_941 = tpu.vector_load %arg28[%swap3A_940] {strides = array<i32>} : memref<256xi32, #tpu.memory_space<vmem>>, vector<16xi32>,
            tpu.vector_store %arg28[%swap3A_940], %add3A_939 {strides = array<i32>} : memref<256xi32, #tpu.memory_space<vmem>>, vector<16xi32>,
            %add3A_942 = arith.constant 11 : i32
            %add3A_943 = arith.addi %mul3A_788, %add3A_942 : i32
            %broadcast_in_dim3A_944 = vector.broadcast %add3A_943 : i32 to vector<16xi32>
            %gather3A_945 = tpu.vector_load_idx %arg14[%broadcast_in_dim3A_944] : memref<2016xi32, #tpu.memory_space<vmem>>[vector<16xi32>], vector<16xi32>,
            %mul3A_946 = arith.constant 16 : i32
            %mul3A_947 = vector.broadcast %mul3A_946 : i32 to vector<16xi32>
            %mul3A_948 = arith.muli %gather3A_945, %mul3A_947 : vector<16xi32>
            %add3A_949 = arith.addi %mul3A_948, %iota3A : vector<16xi32>
            %swap3A_950 = arith.constant 176 : index
            %swap3A_951 = tpu.vector_load %arg28[%swap3A_950] {strides = array<i32>} : memref<256xi32, #tpu.memory_space<vmem>>, vector<16xi32>,
            tpu.vector_store %arg28[%swap3A_950], %add3A_949 {strides = array<i32>} : memref<256xi32, #tpu.memory_space<vmem>>, vector<16xi32>,
            %add3A_952 = arith.constant 12 : i32
            %add3A_953 = arith.addi %mul3A_788, %add3A_952 : i32
            %broadcast_in_dim3A_954 = vector.broadcast %add3A_953 : i32 to vector<16xi32>
            %gather3A_955 = tpu.vector_load_idx %arg14[%broadcast_in_dim3A_954] : memref<2016xi32, #tpu.memory_space<vmem>>[vector<16xi32>], vector<16xi32>,
            %mul3A_956 = arith.constant 16 : i32
            %mul3A_957 = vector.broadcast %mul3A_956 : i32 to vector<16xi32>
            %mul3A_958 = arith.muli %gather3A_955, %mul3A_957 : vector<16xi32>
            %add3A_959 = arith.addi %mul3A_958, %iota3A : vector<16xi32>
            %swap3A_960 = arith.constant 192 : index
            %swap3A_961 = tpu.vector_load %arg28[%swap3A_960] {strides = array<i32>} : memref<256xi32, #tpu.memory_space<vmem>>, vector<16xi32>,
            tpu.vector_store %arg28[%swap3A_960], %add3A_959 {strides = array<i32>} : memref<256xi32, #tpu.memory_space<vmem>>, vector<16xi32>,
            %add3A_962 = arith.constant 13 : i32
            %add3A_963 = arith.addi %mul3A_788, %add3A_962 : i32
            %broadcast_in_dim3A_964 = vector.broadcast %add3A_963 : i32 to vector<16xi32>
            %gather3A_965 = tpu.vector_load_idx %arg14[%broadcast_in_dim3A_964] : memref<2016xi32, #tpu.memory_space<vmem>>[vector<16xi32>], vector<16xi32>,
            %mul3A_966 = arith.constant 16 : i32
            %mul3A_967 = vector.broadcast %mul3A_966 : i32 to vector<16xi32>
            %mul3A_968 = arith.muli %gather3A_965, %mul3A_967 : vector<16xi32>
            %add3A_969 = arith.addi %mul3A_968, %iota3A : vector<16xi32>
            %swap3A_970 = arith.constant 208 : index
            %swap3A_971 = tpu.vector_load %arg28[%swap3A_970] {strides = array<i32>} : memref<256xi32, #tpu.memory_space<vmem>>, vector<16xi32>,
            tpu.vector_store %arg28[%swap3A_970], %add3A_969 {strides = array<i32>} : memref<256xi32, #tpu.memory_space<vmem>>, vector<16xi32>,
            %add3A_972 = arith.constant 14 : i32
            %add3A_973 = arith.addi %mul3A_788, %add3A_972 : i32
            %broadcast_in_dim3A_974 = vector.broadcast %add3A_973 : i32 to vector<16xi32>
            %gather3A_975 = tpu.vector_load_idx %arg14[%broadcast_in_dim3A_974] : memref<2016xi32, #tpu.memory_space<vmem>>[vector<16xi32>], vector<16xi32>,
            %mul3A_976 = arith.constant 16 : i32
            %mul3A_977 = vector.broadcast %mul3A_976 : i32 to vector<16xi32>
            %mul3A_978 = arith.muli %gather3A_975, %mul3A_977 : vector<16xi32>
            %add3A_979 = arith.addi %mul3A_978, %iota3A : vector<16xi32>
            %swap3A_980 = arith.constant 224 : index
            %swap3A_981 = tpu.vector_load %arg28[%swap3A_980] {strides = array<i32>} : memref<256xi32, #tpu.memory_space<vmem>>, vector<16xi32>,
            tpu.vector_store %arg28[%swap3A_980], %add3A_979 {strides = array<i32>} : memref<256xi32, #tpu.memory_space<vmem>>, vector<16xi32>,
            %add3A_982 = arith.constant 15 : i32
            %add3A_983 = arith.addi %mul3A_788, %add3A_982 : i32
            %broadcast_in_dim3A_984 = vector.broadcast %add3A_983 : i32 to vector<16xi32>
            %gather3A_985 = tpu.vector_load_idx %arg14[%broadcast_in_dim3A_984] : memref<2016xi32, #tpu.memory_space<vmem>>[vector<16xi32>], vector<16xi32>,
            %mul3A_986 = arith.constant 16 : i32
            %mul3A_987 = vector.broadcast %mul3A_986 : i32 to vector<16xi32>
            %mul3A_988 = arith.muli %gather3A_985, %mul3A_987 : vector<16xi32>
            %add3A_989 = arith.addi %mul3A_988, %iota3A : vector<16xi32>
            %swap3A_990 = arith.constant 240 : index
            %swap3A_991 = tpu.vector_load %arg28[%swap3A_990] {strides = array<i32>} : memref<256xi32, #tpu.memory_space<vmem>>, vector<16xi32>,
            tpu.vector_store %arg28[%swap3A_990], %add3A_989 {strides = array<i32>} : memref<256xi32, #tpu.memory_space<vmem>>, vector<16xi32>,
            %dma_start3A_992 = tpu.memref_slice %arg16[%mul3A_788] : memref<2016xi32, #tpu.memory_space<vmem>> -> memref<16xi32, #tpu.memory_space<vmem>>
            %dma_start3A_993 = arith.constant 0 : i32
            %dma_start3A_994 = arith.constant 0 : i32
            %dma_start3A_995 = tpu.memref_slice %arg6[%dma_start3A_993, %dma_start3A_994] : memref<10000x768xf32, #tpu.memory_space<hbm>> -> memref<10000x768xf32, #tpu.memory_space<hbm>>
            tpu.enqueue_indirect_dma source(%dma_start3A_995 : memref<10000x768xf32, #tpu.memory_space<hbm>>) target(%arg26 : memref<16x768xf32, #tpu.memory_space<vmem>>) offsets(%dma_start3A_992 : memref<16xi32, #tpu.memory_space<vmem>>) semaphore(%arg34 : memref<!tpu.dma_semaphore, #tpu.memory_space<semaphore_mem>>)
            %dma_start3A_996 = arith.constant 0 : i32
            %dma_start3A_997 = tpu.memref_slice %arg7[%dma_start3A_996] : memref<5120000xf32, #tpu.memory_space<hbm>> -> memref<5120000xf32, #tpu.memory_space<hbm>>
            tpu.enqueue_indirect_dma source(%dma_start3A_997 : memref<5120000xf32, #tpu.memory_space<hbm>>) target(%arg30 : memref<256xf32, #tpu.memory_space<vmem>>) offsets(%arg28 : memref<256xi32, #tpu.memory_space<vmem>>) semaphore(%arg36 : memref<!tpu.dma_semaphore, #tpu.memory_space<semaphore_mem>>)
            %dma_start3A_998 = arith.constant 0 : i32
            %dma_start3A_999 = tpu.memref_slice %arg4[%dma_start3A_998] : memref<1280000xf32, #tpu.memory_space<hbm>> -> memref<1280000xf32, #tpu.memory_space<hbm>>
            tpu.enqueue_indirect_dma source(%dma_start3A_999 : memref<1280000xf32, #tpu.memory_space<hbm>>) target(%arg23 : memref<64xf32, #tpu.memory_space<vmem>>) offsets(%arg21 : memref<64xi32, #tpu.memory_space<vmem>>) semaphore(%arg38 : memref<!tpu.dma_semaphore, #tpu.memory_space<semaphore_mem>>)
            %dma_wait3A_1000 = arith.constant 0 : i32
            %dma_wait3A_1001 = tpu.memref_slice %arg16[%dma_wait3A_1000] : memref<2016xi32, #tpu.memory_space<vmem>> -> memref<16xi32, #tpu.memory_space<vmem>>
            %dma_wait3A_1002 = arith.constant 0 : i32
            %dma_wait3A_1003 = arith.constant 0 : i32
            %dma_wait3A_1004 = tpu.memref_slice %arg6[%dma_wait3A_1002, %dma_wait3A_1003] : memref<10000x768xf32, #tpu.memory_space<hbm>> -> memref<10000x768xf32, #tpu.memory_space<hbm>>
            tpu.wait_indirect_dma semaphore(%arg34 : memref<!tpu.dma_semaphore, #tpu.memory_space<semaphore_mem>>) src(%dma_wait3A_1004 : memref<10000x768xf32, #tpu.memory_space<hbm>>) dst(%arg26 : memref<16x768xf32, #tpu.memory_space<vmem>>)
            %dma_wait3A_1005 = arith.constant 0 : i32
            %dma_wait3A_1006 = tpu.memref_slice %arg7[%dma_wait3A_1005] : memref<5120000xf32, #tpu.memory_space<hbm>> -> memref<5120000xf32, #tpu.memory_space<hbm>>
            tpu.wait_indirect_dma semaphore(%arg36 : memref<!tpu.dma_semaphore, #tpu.memory_space<semaphore_mem>>) src(%dma_wait3A_1006 : memref<5120000xf32, #tpu.memory_space<hbm>>) dst(%arg30 : memref<256xf32, #tpu.memory_space<vmem>>)
            %dma_wait3A_1007 = arith.constant 0 : i32
            %dma_wait3A_1008 = tpu.memref_slice %arg4[%dma_wait3A_1007] : memref<1280000xf32, #tpu.memory_space<hbm>> -> memref<1280000xf32, #tpu.memory_space<hbm>>
            tpu.wait_indirect_dma semaphore(%arg38 : memref<!tpu.dma_semaphore, #tpu.memory_space<semaphore_mem>>) src(%dma_wait3A_1008 : memref<1280000xf32, #tpu.memory_space<hbm>>) dst(%arg23 : memref<64xf32, #tpu.memory_space<vmem>>)
            %mul3A_1009 = arith.constant 16 : i32
            %mul3A_1010 = arith.muli %while3A_785, %mul3A_1009 : i32
            %add3A_1011 = arith.constant 0 : i32
            %add3A_1012 = arith.addi %mul3A_1010, %add3A_1011 : i32
            %broadcast_in_dim3A_1013 = vector.broadcast %add3A_1012 : i32 to vector<16xi32>
            %add3A_1014 = arith.addi %broadcast_in_dim3A_1013, %shift_right_arithmetic3A_2 : vector<16xi32>
            %gather3A_1015 = tpu.vector_load_idx %arg15[%add3A_1014] : memref<2016xi32, #tpu.memory_space<vmem>>[vector<16xi32>], vector<16xi32>,
            %mul3A_1016 = arith.constant 4 : i32
            %mul3A_1017 = vector.broadcast %mul3A_1016 : i32 to vector<16xi32>
            %mul3A_1018 = arith.muli %gather3A_1015, %mul3A_1017 : vector<16xi32>
            %add3A_1019 = arith.addi %mul3A_1018, %and3A_4 : vector<16xi32>
            %gather3A_1020 = tpu.vector_load_idx %arg17[%add3A_1019] : memref<336xf32, #tpu.memory_space<vmem>>[vector<16xi32>], vector<16xf32>,
            %get3A = arith.constant 0 : index
            %get3A_1021 = tpu.vector_load %arg23[%get3A] {strides = array<i32>} : memref<64xf32, #tpu.memory_space<vmem>>, vector<16xf32>,
            %add3A_1022 = arith.constant 1.000000e-16 : f32
            %add3A_1023 = vector.broadcast %add3A_1022 : f32 to vector<16xf32>
            %add3A_1024 = arith.addf %gather3A_1020, %add3A_1023 : vector<16xf32>
            %div3A_1025 = arith.divf %get3A_1021, %add3A_1024 : vector<16xf32>
            %lt3A_1026 = arith.cmpi slt, %add3A_1014, %broadcast_in_dim3A_771 : vector<16xi32>
            %jit3A_1027 = arith.constant 0.000000e+00 : f32
            %broadcast_in_dim3A_1028 = vector.broadcast %jit3A_1027 : f32 to vector<16xf32>
            %select_n3A_1029 = arith.select %lt3A_1026, %div3A_1025, %broadcast_in_dim3A_1028 : vector<16xi1>, vector<16xf32>
            %swap3A_1030 = arith.constant 0 : index
            %swap3A_1031 = tpu.vector_load %arg25[%swap3A_1030] {strides = array<i32>} : memref<64xf32, #tpu.memory_space<vmem>>, vector<16xf32>,
            tpu.vector_store %arg25[%swap3A_1030], %select_n3A_1029 {strides = array<i32>} : memref<64xf32, #tpu.memory_space<vmem>>, vector<16xf32>,
            %add3A_1032 = arith.constant 4 : i32
            %add3A_1033 = arith.addi %mul3A_1010, %add3A_1032 : i32
            %broadcast_in_dim3A_1034 = vector.broadcast %add3A_1033 : i32 to vector<16xi32>
            %add3A_1035 = arith.addi %broadcast_in_dim3A_1034, %shift_right_arithmetic3A_2 : vector<16xi32>
            %gather3A_1036 = tpu.vector_load_idx %arg15[%add3A_1035] : memref<2016xi32, #tpu.memory_space<vmem>>[vector<16xi32>], vector<16xi32>,
            %mul3A_1037 = arith.constant 4 : i32
            %mul3A_1038 = vector.broadcast %mul3A_1037 : i32 to vector<16xi32>
            %mul3A_1039 = arith.muli %gather3A_1036, %mul3A_1038 : vector<16xi32>
            %add3A_1040 = arith.addi %mul3A_1039, %and3A_4 : vector<16xi32>
            %gather3A_1041 = tpu.vector_load_idx %arg17[%add3A_1040] : memref<336xf32, #tpu.memory_space<vmem>>[vector<16xi32>], vector<16xf32>,
            %get3A_1042 = arith.constant 16 : index
            %get3A_1043 = tpu.vector_load %arg23[%get3A_1042] {strides = array<i32>} : memref<64xf32, #tpu.memory_space<vmem>>, vector<16xf32>,
            %add3A_1044 = arith.constant 1.000000e-16 : f32
            %add3A_1045 = vector.broadcast %add3A_1044 : f32 to vector<16xf32>
            %add3A_1046 = arith.addf %gather3A_1041, %add3A_1045 : vector<16xf32>
            %div3A_1047 = arith.divf %get3A_1043, %add3A_1046 : vector<16xf32>
            %lt3A_1048 = arith.cmpi slt, %add3A_1035, %broadcast_in_dim3A_771 : vector<16xi32>
            %jit3A_1049 = arith.constant 0.000000e+00 : f32
            %broadcast_in_dim3A_1050 = vector.broadcast %jit3A_1049 : f32 to vector<16xf32>
            %select_n3A_1051 = arith.select %lt3A_1048, %div3A_1047, %broadcast_in_dim3A_1050 : vector<16xi1>, vector<16xf32>
            %swap3A_1052 = arith.constant 16 : index
            %swap3A_1053 = tpu.vector_load %arg25[%swap3A_1052] {strides = array<i32>} : memref<64xf32, #tpu.memory_space<vmem>>, vector<16xf32>,
            tpu.vector_store %arg25[%swap3A_1052], %select_n3A_1051 {strides = array<i32>} : memref<64xf32, #tpu.memory_space<vmem>>, vector<16xf32>,
            %add3A_1054 = arith.constant 8 : i32
            %add3A_1055 = arith.addi %mul3A_1010, %add3A_1054 : i32
            %broadcast_in_dim3A_1056 = vector.broadcast %add3A_1055 : i32 to vector<16xi32>
            %add3A_1057 = arith.addi %broadcast_in_dim3A_1056, %shift_right_arithmetic3A_2 : vector<16xi32>
            %gather3A_1058 = tpu.vector_load_idx %arg15[%add3A_1057] : memref<2016xi32, #tpu.memory_space<vmem>>[vector<16xi32>], vector<16xi32>,
            %mul3A_1059 = arith.constant 4 : i32
            %mul3A_1060 = vector.broadcast %mul3A_1059 : i32 to vector<16xi32>
            %mul3A_1061 = arith.muli %gather3A_1058, %mul3A_1060 : vector<16xi32>
            %add3A_1062 = arith.addi %mul3A_1061, %and3A_4 : vector<16xi32>
            %gather3A_1063 = tpu.vector_load_idx %arg17[%add3A_1062] : memref<336xf32, #tpu.memory_space<vmem>>[vector<16xi32>], vector<16xf32>,
            %get3A_1064 = arith.constant 32 : index
            %get3A_1065 = tpu.vector_load %arg23[%get3A_1064] {strides = array<i32>} : memref<64xf32, #tpu.memory_space<vmem>>, vector<16xf32>,
            %add3A_1066 = arith.constant 1.000000e-16 : f32
            %add3A_1067 = vector.broadcast %add3A_1066 : f32 to vector<16xf32>
            %add3A_1068 = arith.addf %gather3A_1063, %add3A_1067 : vector<16xf32>
            %div3A_1069 = arith.divf %get3A_1065, %add3A_1068 : vector<16xf32>
            %lt3A_1070 = arith.cmpi slt, %add3A_1057, %broadcast_in_dim3A_771 : vector<16xi32>
            %jit3A_1071 = arith.constant 0.000000e+00 : f32
            %broadcast_in_dim3A_1072 = vector.broadcast %jit3A_1071 : f32 to vector<16xf32>
            %select_n3A_1073 = arith.select %lt3A_1070, %div3A_1069, %broadcast_in_dim3A_1072 : vector<16xi1>, vector<16xf32>
            %swap3A_1074 = arith.constant 32 : index
            %swap3A_1075 = tpu.vector_load %arg25[%swap3A_1074] {strides = array<i32>} : memref<64xf32, #tpu.memory_space<vmem>>, vector<16xf32>,
            tpu.vector_store %arg25[%swap3A_1074], %select_n3A_1073 {strides = array<i32>} : memref<64xf32, #tpu.memory_space<vmem>>, vector<16xf32>,
            %add3A_1076 = arith.constant 12 : i32
            %add3A_1077 = arith.addi %mul3A_1010, %add3A_1076 : i32
            %broadcast_in_dim3A_1078 = vector.broadcast %add3A_1077 : i32 to vector<16xi32>
            %add3A_1079 = arith.addi %broadcast_in_dim3A_1078, %shift_right_arithmetic3A_2 : vector<16xi32>
            %gather3A_1080 = tpu.vector_load_idx %arg15[%add3A_1079] : memref<2016xi32, #tpu.memory_space<vmem>>[vector<16xi32>], vector<16xi32>,
            %mul3A_1081 = arith.constant 4 : i32
            %mul3A_1082 = vector.broadcast %mul3A_1081 : i32 to vector<16xi32>
            %mul3A_1083 = arith.muli %gather3A_1080, %mul3A_1082 : vector<16xi32>
            %add3A_1084 = arith.addi %mul3A_1083, %and3A_4 : vector<16xi32>
            %gather3A_1085 = tpu.vector_load_idx %arg17[%add3A_1084] : memref<336xf32, #tpu.memory_space<vmem>>[vector<16xi32>], vector<16xf32>,
            %get3A_1086 = arith.constant 48 : index
            %get3A_1087 = tpu.vector_load %arg23[%get3A_1086] {strides = array<i32>} : memref<64xf32, #tpu.memory_space<vmem>>, vector<16xf32>,
            %add3A_1088 = arith.constant 1.000000e-16 : f32
            %add3A_1089 = vector.broadcast %add3A_1088 : f32 to vector<16xf32>
            %add3A_1090 = arith.addf %gather3A_1085, %add3A_1089 : vector<16xf32>
            %div3A_1091 = arith.divf %get3A_1087, %add3A_1090 : vector<16xf32>
            %lt3A_1092 = arith.cmpi slt, %add3A_1079, %broadcast_in_dim3A_771 : vector<16xi32>
            %jit3A_1093 = arith.constant 0.000000e+00 : f32
            %broadcast_in_dim3A_1094 = vector.broadcast %jit3A_1093 : f32 to vector<16xf32>
            %select_n3A_1095 = arith.select %lt3A_1092, %div3A_1091, %broadcast_in_dim3A_1094 : vector<16xi1>, vector<16xf32>
            %swap3A_1096 = arith.constant 48 : index
            %swap3A_1097 = tpu.vector_load %arg25[%swap3A_1096] {strides = array<i32>} : memref<64xf32, #tpu.memory_space<vmem>>, vector<16xf32>,
            tpu.vector_store %arg25[%swap3A_1096], %select_n3A_1095 {strides = array<i32>} : memref<64xf32, #tpu.memory_space<vmem>>, vector<16xf32>,
            %scan3A_1098 = arith.constant 0 : i32
            %scan3A_1099 = arith.constant 0 : i32
            %scan3A_1100 = arith.constant 16 : i32
            %scan3A_1101 = arith.addi %scan3A_1099, %scan3A_1100 : i32
            %scan3A_1102 = arith.constant 1 : i32
            %scan3A_1103 = scf.for %scan3A_1106 = %scan3A_1099 to %scan3A_1101 step %scan3A_1102 iter_args(%scan3A_1107 = %scan3A_1098) -> (i32)  : i32 {
              %add3A_1108 = arith.addi %mul3A_1010, %scan3A_1106 : i32
              %broadcast_in_dim3A_1109 = vector.broadcast %add3A_1108 : i32 to vector<16xi32>
              %gather3A_1110 = tpu.vector_load_idx %arg15[%broadcast_in_dim3A_1109] : memref<2016xi32, #tpu.memory_space<vmem>>[vector<16xi32>], vector<16xi32>,
              %mul3A_1111 = arith.constant 768 : i32
              %mul3A_1112 = vector.broadcast %mul3A_1111 : i32 to vector<16xi32>
              %mul3A_1113 = arith.muli %gather3A_1110, %mul3A_1112 : vector<16xi32>
              %add3A_1114 = arith.addi %mul3A_1113, %iota3A : vector<16xi32>
              %mul3A_1115 = arith.constant 64 : i32
              %mul3A_1116 = vector.broadcast %mul3A_1115 : i32 to vector<16xi32>
              %mul3A_1117 = arith.muli %gather3A_1110, %mul3A_1116 : vector<16xi32>
              %add3A_1118 = arith.addi %mul3A_1117, %iota3A : vector<16xi32>
              %mul3A_1119 = arith.constant 16 : i32
              %mul3A_1120 = arith.muli %scan3A_1106, %mul3A_1119 : i32
              %get3A_1121 = arith.index_cast %mul3A_1120 : i32 to index
              %get3A_1122 = tpu.vector_load %arg30[%get3A_1121] {strides = array<i32>} : memref<256xf32, #tpu.memory_space<vmem>>, vector<16xf32>,
              %mul3A_1123 = arith.constant 4 : i32
              %mul3A_1124 = arith.muli %scan3A_1106, %mul3A_1123 : i32
              %add3A_1125 = arith.constant 0 : i32
              %add3A_1126 = arith.addi %mul3A_1124, %add3A_1125 : i32
              %broadcast_in_dim3A_1127 = vector.broadcast %add3A_1126 : i32 to vector<16xi32>
              %gather3A_1128 = tpu.vector_load_idx %arg25[%broadcast_in_dim3A_1127] : memref<64xf32, #tpu.memory_space<vmem>>[vector<16xi32>], vector<16xf32>,
              %get3A_1129 = arith.index_cast %scan3A_1106 : i32 to index
              %get3A_1130 = arith.constant 0 : index
              %get3A_1131 = tpu.vector_load %arg26[%get3A_1129, %get3A_1130] {strides = array<i32>} : memref<16x768xf32, #tpu.memory_space<vmem>>, vector<16xf32>,
              %add3A_1132 = arith.constant 0 : i32
              %add3A_1133 = vector.broadcast %add3A_1132 : i32 to vector<16xi32>
              %add3A_1134 = arith.addi %add3A_1114, %add3A_1133 : vector<16xi32>
              %mul3A_1135 = arith.mulf %get3A_1131, %gather3A_1128 : vector<16xf32>
              tpu.vector_store_idx %arg19[%add3A_1134], %mul3A_1135 {add = true} : memref<61440xf32, #tpu.memory_space<vmem>>[vector<16xi32>], vector<16xf32>,
              %get3A_1136 = arith.index_cast %scan3A_1106 : i32 to index
              %get3A_1137 = arith.constant 16 : index
              %get3A_1138 = tpu.vector_load %arg26[%get3A_1136, %get3A_1137] {strides = array<i32>} : memref<16x768xf32, #tpu.memory_space<vmem>>, vector<16xf32>,
              %add3A_1139 = arith.constant 16 : i32
              %add3A_1140 = vector.broadcast %add3A_1139 : i32 to vector<16xi32>
              %add3A_1141 = arith.addi %add3A_1114, %add3A_1140 : vector<16xi32>
              %mul3A_1142 = arith.mulf %get3A_1138, %gather3A_1128 : vector<16xf32>
              tpu.vector_store_idx %arg19[%add3A_1141], %mul3A_1142 {add = true} : memref<61440xf32, #tpu.memory_space<vmem>>[vector<16xi32>], vector<16xf32>,
              %get3A_1143 = arith.index_cast %scan3A_1106 : i32 to index
              %get3A_1144 = arith.constant 32 : index
              %get3A_1145 = tpu.vector_load %arg26[%get3A_1143, %get3A_1144] {strides = array<i32>} : memref<16x768xf32, #tpu.memory_space<vmem>>, vector<16xf32>,
              %add3A_1146 = arith.constant 32 : i32
              %add3A_1147 = vector.broadcast %add3A_1146 : i32 to vector<16xi32>
              %add3A_1148 = arith.addi %add3A_1114, %add3A_1147 : vector<16xi32>
              %mul3A_1149 = arith.mulf %get3A_1145, %gather3A_1128 : vector<16xf32>
              tpu.vector_store_idx %arg19[%add3A_1148], %mul3A_1149 {add = true} : memref<61440xf32, #tpu.memory_space<vmem>>[vector<16xi32>], vector<16xf32>,
              %get3A_1150 = arith.index_cast %scan3A_1106 : i32 to index
              %get3A_1151 = arith.constant 48 : index
              %get3A_1152 = tpu.vector_load %arg26[%get3A_1150, %get3A_1151] {strides = array<i32>} : memref<16x768xf32, #tpu.memory_space<vmem>>, vector<16xf32>,
              %add3A_1153 = arith.constant 48 : i32
              %add3A_1154 = vector.broadcast %add3A_1153 : i32 to vector<16xi32>
              %add3A_1155 = arith.addi %add3A_1114, %add3A_1154 : vector<16xi32>
              %mul3A_1156 = arith.mulf %get3A_1152, %gather3A_1128 : vector<16xf32>
              tpu.vector_store_idx %arg19[%add3A_1155], %mul3A_1156 {add = true} : memref<61440xf32, #tpu.memory_space<vmem>>[vector<16xi32>], vector<16xf32>,
              %get3A_1157 = arith.index_cast %scan3A_1106 : i32 to index
              %get3A_1158 = arith.constant 64 : index
              %get3A_1159 = tpu.vector_load %arg26[%get3A_1157, %get3A_1158] {strides = array<i32>} : memref<16x768xf32, #tpu.memory_space<vmem>>, vector<16xf32>,
              %add3A_1160 = arith.constant 64 : i32
              %add3A_1161 = vector.broadcast %add3A_1160 : i32 to vector<16xi32>
              %add3A_1162 = arith.addi %add3A_1114, %add3A_1161 : vector<16xi32>
              %mul3A_1163 = arith.mulf %get3A_1159, %gather3A_1128 : vector<16xf32>
              tpu.vector_store_idx %arg19[%add3A_1162], %mul3A_1163 {add = true} : memref<61440xf32, #tpu.memory_space<vmem>>[vector<16xi32>], vector<16xf32>,
              %get3A_1164 = arith.index_cast %scan3A_1106 : i32 to index
              %get3A_1165 = arith.constant 80 : index
              %get3A_1166 = tpu.vector_load %arg26[%get3A_1164, %get3A_1165] {strides = array<i32>} : memref<16x768xf32, #tpu.memory_space<vmem>>, vector<16xf32>,
              %add3A_1167 = arith.constant 80 : i32
              %add3A_1168 = vector.broadcast %add3A_1167 : i32 to vector<16xi32>
              %add3A_1169 = arith.addi %add3A_1114, %add3A_1168 : vector<16xi32>
              %mul3A_1170 = arith.mulf %get3A_1166, %gather3A_1128 : vector<16xf32>
              tpu.vector_store_idx %arg19[%add3A_1169], %mul3A_1170 {add = true} : memref<61440xf32, #tpu.memory_space<vmem>>[vector<16xi32>], vector<16xf32>,
              %get3A_1171 = arith.index_cast %scan3A_1106 : i32 to index
              %get3A_1172 = arith.constant 96 : index
              %get3A_1173 = tpu.vector_load %arg26[%get3A_1171, %get3A_1172] {strides = array<i32>} : memref<16x768xf32, #tpu.memory_space<vmem>>, vector<16xf32>,
              %add3A_1174 = arith.constant 96 : i32
              %add3A_1175 = vector.broadcast %add3A_1174 : i32 to vector<16xi32>
              %add3A_1176 = arith.addi %add3A_1114, %add3A_1175 : vector<16xi32>
              %mul3A_1177 = arith.mulf %get3A_1173, %gather3A_1128 : vector<16xf32>
              tpu.vector_store_idx %arg19[%add3A_1176], %mul3A_1177 {add = true} : memref<61440xf32, #tpu.memory_space<vmem>>[vector<16xi32>], vector<16xf32>,
              %get3A_1178 = arith.index_cast %scan3A_1106 : i32 to index
              %get3A_1179 = arith.constant 112 : index
              %get3A_1180 = tpu.vector_load %arg26[%get3A_1178, %get3A_1179] {strides = array<i32>} : memref<16x768xf32, #tpu.memory_space<vmem>>, vector<16xf32>,
              %add3A_1181 = arith.constant 112 : i32
              %add3A_1182 = vector.broadcast %add3A_1181 : i32 to vector<16xi32>
              %add3A_1183 = arith.addi %add3A_1114, %add3A_1182 : vector<16xi32>
              %mul3A_1184 = arith.mulf %get3A_1180, %gather3A_1128 : vector<16xf32>
              tpu.vector_store_idx %arg19[%add3A_1183], %mul3A_1184 {add = true} : memref<61440xf32, #tpu.memory_space<vmem>>[vector<16xi32>], vector<16xf32>,
              %get3A_1185 = arith.index_cast %scan3A_1106 : i32 to index
              %get3A_1186 = arith.constant 128 : index
              %get3A_1187 = tpu.vector_load %arg26[%get3A_1185, %get3A_1186] {strides = array<i32>} : memref<16x768xf32, #tpu.memory_space<vmem>>, vector<16xf32>,
              %add3A_1188 = arith.constant 128 : i32
              %add3A_1189 = vector.broadcast %add3A_1188 : i32 to vector<16xi32>
              %add3A_1190 = arith.addi %add3A_1114, %add3A_1189 : vector<16xi32>
              %mul3A_1191 = arith.mulf %get3A_1187, %gather3A_1128 : vector<16xf32>
              tpu.vector_store_idx %arg19[%add3A_1190], %mul3A_1191 {add = true} : memref<61440xf32, #tpu.memory_space<vmem>>[vector<16xi32>], vector<16xf32>,
              %get3A_1192 = arith.index_cast %scan3A_1106 : i32 to index
              %get3A_1193 = arith.constant 144 : index
              %get3A_1194 = tpu.vector_load %arg26[%get3A_1192, %get3A_1193] {strides = array<i32>} : memref<16x768xf32, #tpu.memory_space<vmem>>, vector<16xf32>,
              %add3A_1195 = arith.constant 144 : i32
              %add3A_1196 = vector.broadcast %add3A_1195 : i32 to vector<16xi32>
              %add3A_1197 = arith.addi %add3A_1114, %add3A_1196 : vector<16xi32>
              %mul3A_1198 = arith.mulf %get3A_1194, %gather3A_1128 : vector<16xf32>
              tpu.vector_store_idx %arg19[%add3A_1197], %mul3A_1198 {add = true} : memref<61440xf32, #tpu.memory_space<vmem>>[vector<16xi32>], vector<16xf32>,
              %get3A_1199 = arith.index_cast %scan3A_1106 : i32 to index
              %get3A_1200 = arith.constant 160 : index
              %get3A_1201 = tpu.vector_load %arg26[%get3A_1199, %get3A_1200] {strides = array<i32>} : memref<16x768xf32, #tpu.memory_space<vmem>>, vector<16xf32>,
              %add3A_1202 = arith.constant 160 : i32
              %add3A_1203 = vector.broadcast %add3A_1202 : i32 to vector<16xi32>
              %add3A_1204 = arith.addi %add3A_1114, %add3A_1203 : vector<16xi32>
              %mul3A_1205 = arith.mulf %get3A_1201, %gather3A_1128 : vector<16xf32>
              tpu.vector_store_idx %arg19[%add3A_1204], %mul3A_1205 {add = true} : memref<61440xf32, #tpu.memory_space<vmem>>[vector<16xi32>], vector<16xf32>,
              %get3A_1206 = arith.index_cast %scan3A_1106 : i32 to index
              %get3A_1207 = arith.constant 176 : index
              %get3A_1208 = tpu.vector_load %arg26[%get3A_1206, %get3A_1207] {strides = array<i32>} : memref<16x768xf32, #tpu.memory_space<vmem>>, vector<16xf32>,
              %add3A_1209 = arith.constant 176 : i32
              %add3A_1210 = vector.broadcast %add3A_1209 : i32 to vector<16xi32>
              %add3A_1211 = arith.addi %add3A_1114, %add3A_1210 : vector<16xi32>
              %mul3A_1212 = arith.mulf %get3A_1208, %gather3A_1128 : vector<16xf32>
              tpu.vector_store_idx %arg19[%add3A_1211], %mul3A_1212 {add = true} : memref<61440xf32, #tpu.memory_space<vmem>>[vector<16xi32>], vector<16xf32>,
              %add3A_1213 = arith.constant 0 : i32
              %add3A_1214 = vector.broadcast %add3A_1213 : i32 to vector<16xi32>
              %add3A_1215 = arith.addi %add3A_1118, %add3A_1214 : vector<16xi32>
              %mul3A_1216 = arith.mulf %get3A_1122, %gather3A_1128 : vector<16xf32>
              tpu.vector_store_idx %arg20[%add3A_1215], %mul3A_1216 {add = true} : memref<5120xf32, #tpu.memory_space<vmem>>[vector<16xi32>], vector<16xf32>,
              %mul3A_1217 = arith.constant 4 : i32
              %mul3A_1218 = arith.muli %scan3A_1106, %mul3A_1217 : i32
              %add3A_1219 = arith.constant 1 : i32
              %add3A_1220 = arith.addi %mul3A_1218, %add3A_1219 : i32
              %broadcast_in_dim3A_1221 = vector.broadcast %add3A_1220 : i32 to vector<16xi32>
              %gather3A_1222 = tpu.vector_load_idx %arg25[%broadcast_in_dim3A_1221] : memref<64xf32, #tpu.memory_space<vmem>>[vector<16xi32>], vector<16xf32>,
              %get3A_1223 = arith.index_cast %scan3A_1106 : i32 to index
              %get3A_1224 = arith.constant 192 : index
              %get3A_1225 = tpu.vector_load %arg26[%get3A_1223, %get3A_1224] {strides = array<i32>} : memref<16x768xf32, #tpu.memory_space<vmem>>, vector<16xf32>,
              %add3A_1226 = arith.constant 192 : i32
              %add3A_1227 = vector.broadcast %add3A_1226 : i32 to vector<16xi32>
              %add3A_1228 = arith.addi %add3A_1114, %add3A_1227 : vector<16xi32>
              %mul3A_1229 = arith.mulf %get3A_1225, %gather3A_1222 : vector<16xf32>
              tpu.vector_store_idx %arg19[%add3A_1228], %mul3A_1229 {add = true} : memref<61440xf32, #tpu.memory_space<vmem>>[vector<16xi32>], vector<16xf32>,
              %get3A_1230 = arith.index_cast %scan3A_1106 : i32 to index
              %get3A_1231 = arith.constant 208 : index
              %get3A_1232 = tpu.vector_load %arg26[%get3A_1230, %get3A_1231] {strides = array<i32>} : memref<16x768xf32, #tpu.memory_space<vmem>>, vector<16xf32>,
              %add3A_1233 = arith.constant 208 : i32
              %add3A_1234 = vector.broadcast %add3A_1233 : i32 to vector<16xi32>
              %add3A_1235 = arith.addi %add3A_1114, %add3A_1234 : vector<16xi32>
              %mul3A_1236 = arith.mulf %get3A_1232, %gather3A_1222 : vector<16xf32>
              tpu.vector_store_idx %arg19[%add3A_1235], %mul3A_1236 {add = true} : memref<61440xf32, #tpu.memory_space<vmem>>[vector<16xi32>], vector<16xf32>,
              %get3A_1237 = arith.index_cast %scan3A_1106 : i32 to index
              %get3A_1238 = arith.constant 224 : index
              %get3A_1239 = tpu.vector_load %arg26[%get3A_1237, %get3A_1238] {strides = array<i32>} : memref<16x768xf32, #tpu.memory_space<vmem>>, vector<16xf32>,
              %add3A_1240 = arith.constant 224 : i32
              %add3A_1241 = vector.broadcast %add3A_1240 : i32 to vector<16xi32>
              %add3A_1242 = arith.addi %add3A_1114, %add3A_1241 : vector<16xi32>
              %mul3A_1243 = arith.mulf %get3A_1239, %gather3A_1222 : vector<16xf32>
              tpu.vector_store_idx %arg19[%add3A_1242], %mul3A_1243 {add = true} : memref<61440xf32, #tpu.memory_space<vmem>>[vector<16xi32>], vector<16xf32>,
              %get3A_1244 = arith.index_cast %scan3A_1106 : i32 to index
              %get3A_1245 = arith.constant 240 : index
              %get3A_1246 = tpu.vector_load %arg26[%get3A_1244, %get3A_1245] {strides = array<i32>} : memref<16x768xf32, #tpu.memory_space<vmem>>, vector<16xf32>,
              %add3A_1247 = arith.constant 240 : i32
              %add3A_1248 = vector.broadcast %add3A_1247 : i32 to vector<16xi32>
              %add3A_1249 = arith.addi %add3A_1114, %add3A_1248 : vector<16xi32>
              %mul3A_1250 = arith.mulf %get3A_1246, %gather3A_1222 : vector<16xf32>
              tpu.vector_store_idx %arg19[%add3A_1249], %mul3A_1250 {add = true} : memref<61440xf32, #tpu.memory_space<vmem>>[vector<16xi32>], vector<16xf32>,
              %get3A_1251 = arith.index_cast %scan3A_1106 : i32 to index
              %get3A_1252 = arith.constant 256 : index
              %get3A_1253 = tpu.vector_load %arg26[%get3A_1251, %get3A_1252] {strides = array<i32>} : memref<16x768xf32, #tpu.memory_space<vmem>>, vector<16xf32>,
              %add3A_1254 = arith.constant 256 : i32
              %add3A_1255 = vector.broadcast %add3A_1254 : i32 to vector<16xi32>
              %add3A_1256 = arith.addi %add3A_1114, %add3A_1255 : vector<16xi32>
              %mul3A_1257 = arith.mulf %get3A_1253, %gather3A_1222 : vector<16xf32>
              tpu.vector_store_idx %arg19[%add3A_1256], %mul3A_1257 {add = true} : memref<61440xf32, #tpu.memory_space<vmem>>[vector<16xi32>], vector<16xf32>,
              %get3A_1258 = arith.index_cast %scan3A_1106 : i32 to index
              %get3A_1259 = arith.constant 272 : index
              %get3A_1260 = tpu.vector_load %arg26[%get3A_1258, %get3A_1259] {strides = array<i32>} : memref<16x768xf32, #tpu.memory_space<vmem>>, vector<16xf32>,
              %add3A_1261 = arith.constant 272 : i32
              %add3A_1262 = vector.broadcast %add3A_1261 : i32 to vector<16xi32>
              %add3A_1263 = arith.addi %add3A_1114, %add3A_1262 : vector<16xi32>
              %mul3A_1264 = arith.mulf %get3A_1260, %gather3A_1222 : vector<16xf32>
              tpu.vector_store_idx %arg19[%add3A_1263], %mul3A_1264 {add = true} : memref<61440xf32, #tpu.memory_space<vmem>>[vector<16xi32>], vector<16xf32>,
              %get3A_1265 = arith.index_cast %scan3A_1106 : i32 to index
              %get3A_1266 = arith.constant 288 : index
              %get3A_1267 = tpu.vector_load %arg26[%get3A_1265, %get3A_1266] {strides = array<i32>} : memref<16x768xf32, #tpu.memory_space<vmem>>, vector<16xf32>,
              %add3A_1268 = arith.constant 288 : i32
              %add3A_1269 = vector.broadcast %add3A_1268 : i32 to vector<16xi32>
              %add3A_1270 = arith.addi %add3A_1114, %add3A_1269 : vector<16xi32>
              %mul3A_1271 = arith.mulf %get3A_1267, %gather3A_1222 : vector<16xf32>
              tpu.vector_store_idx %arg19[%add3A_1270], %mul3A_1271 {add = true} : memref<61440xf32, #tpu.memory_space<vmem>>[vector<16xi32>], vector<16xf32>,
              %get3A_1272 = arith.index_cast %scan3A_1106 : i32 to index
              %get3A_1273 = arith.constant 304 : index
              %get3A_1274 = tpu.vector_load %arg26[%get3A_1272, %get3A_1273] {strides = array<i32>} : memref<16x768xf32, #tpu.memory_space<vmem>>, vector<16xf32>,
              %add3A_1275 = arith.constant 304 : i32
              %add3A_1276 = vector.broadcast %add3A_1275 : i32 to vector<16xi32>
              %add3A_1277 = arith.addi %add3A_1114, %add3A_1276 : vector<16xi32>
              %mul3A_1278 = arith.mulf %get3A_1274, %gather3A_1222 : vector<16xf32>
              tpu.vector_store_idx %arg19[%add3A_1277], %mul3A_1278 {add = true} : memref<61440xf32, #tpu.memory_space<vmem>>[vector<16xi32>], vector<16xf32>,
              %get3A_1279 = arith.index_cast %scan3A_1106 : i32 to index
              %get3A_1280 = arith.constant 320 : index
              %get3A_1281 = tpu.vector_load %arg26[%get3A_1279, %get3A_1280] {strides = array<i32>} : memref<16x768xf32, #tpu.memory_space<vmem>>, vector<16xf32>,
              %add3A_1282 = arith.constant 320 : i32
              %add3A_1283 = vector.broadcast %add3A_1282 : i32 to vector<16xi32>
              %add3A_1284 = arith.addi %add3A_1114, %add3A_1283 : vector<16xi32>
              %mul3A_1285 = arith.mulf %get3A_1281, %gather3A_1222 : vector<16xf32>
              tpu.vector_store_idx %arg19[%add3A_1284], %mul3A_1285 {add = true} : memref<61440xf32, #tpu.memory_space<vmem>>[vector<16xi32>], vector<16xf32>,
              %get3A_1286 = arith.index_cast %scan3A_1106 : i32 to index
              %get3A_1287 = arith.constant 336 : index
              %get3A_1288 = tpu.vector_load %arg26[%get3A_1286, %get3A_1287] {strides = array<i32>} : memref<16x768xf32, #tpu.memory_space<vmem>>, vector<16xf32>,
              %add3A_1289 = arith.constant 336 : i32
              %add3A_1290 = vector.broadcast %add3A_1289 : i32 to vector<16xi32>
              %add3A_1291 = arith.addi %add3A_1114, %add3A_1290 : vector<16xi32>
              %mul3A_1292 = arith.mulf %get3A_1288, %gather3A_1222 : vector<16xf32>
              tpu.vector_store_idx %arg19[%add3A_1291], %mul3A_1292 {add = true} : memref<61440xf32, #tpu.memory_space<vmem>>[vector<16xi32>], vector<16xf32>,
              %get3A_1293 = arith.index_cast %scan3A_1106 : i32 to index
              %get3A_1294 = arith.constant 352 : index
              %get3A_1295 = tpu.vector_load %arg26[%get3A_1293, %get3A_1294] {strides = array<i32>} : memref<16x768xf32, #tpu.memory_space<vmem>>, vector<16xf32>,
              %add3A_1296 = arith.constant 352 : i32
              %add3A_1297 = vector.broadcast %add3A_1296 : i32 to vector<16xi32>
              %add3A_1298 = arith.addi %add3A_1114, %add3A_1297 : vector<16xi32>
              %mul3A_1299 = arith.mulf %get3A_1295, %gather3A_1222 : vector<16xf32>
              tpu.vector_store_idx %arg19[%add3A_1298], %mul3A_1299 {add = true} : memref<61440xf32, #tpu.memory_space<vmem>>[vector<16xi32>], vector<16xf32>,
              %get3A_1300 = arith.index_cast %scan3A_1106 : i32 to index
              %get3A_1301 = arith.constant 368 : index
              %get3A_1302 = tpu.vector_load %arg26[%get3A_1300, %get3A_1301] {strides = array<i32>} : memref<16x768xf32, #tpu.memory_space<vmem>>, vector<16xf32>,
              %add3A_1303 = arith.constant 368 : i32
              %add3A_1304 = vector.broadcast %add3A_1303 : i32 to vector<16xi32>
              %add3A_1305 = arith.addi %add3A_1114, %add3A_1304 : vector<16xi32>
              %mul3A_1306 = arith.mulf %get3A_1302, %gather3A_1222 : vector<16xf32>
              tpu.vector_store_idx %arg19[%add3A_1305], %mul3A_1306 {add = true} : memref<61440xf32, #tpu.memory_space<vmem>>[vector<16xi32>], vector<16xf32>,
              %add3A_1307 = arith.constant 16 : i32
              %add3A_1308 = vector.broadcast %add3A_1307 : i32 to vector<16xi32>
              %add3A_1309 = arith.addi %add3A_1118, %add3A_1308 : vector<16xi32>
              %mul3A_1310 = arith.mulf %get3A_1122, %gather3A_1222 : vector<16xf32>
              tpu.vector_store_idx %arg20[%add3A_1309], %mul3A_1310 {add = true} : memref<5120xf32, #tpu.memory_space<vmem>>[vector<16xi32>], vector<16xf32>,
              %mul3A_1311 = arith.constant 4 : i32
              %mul3A_1312 = arith.muli %scan3A_1106, %mul3A_1311 : i32
              %add3A_1313 = arith.constant 2 : i32
              %add3A_1314 = arith.addi %mul3A_1312, %add3A_1313 : i32
              %broadcast_in_dim3A_1315 = vector.broadcast %add3A_1314 : i32 to vector<16xi32>
              %gather3A_1316 = tpu.vector_load_idx %arg25[%broadcast_in_dim3A_1315] : memref<64xf32, #tpu.memory_space<vmem>>[vector<16xi32>], vector<16xf32>,
              %get3A_1317 = arith.index_cast %scan3A_1106 : i32 to index
              %get3A_1318 = arith.constant 384 : index
              %get3A_1319 = tpu.vector_load %arg26[%get3A_1317, %get3A_1318] {strides = array<i32>} : memref<16x768xf32, #tpu.memory_space<vmem>>, vector<16xf32>,
              %add3A_1320 = arith.constant 384 : i32
              %add3A_1321 = vector.broadcast %add3A_1320 : i32 to vector<16xi32>
              %add3A_1322 = arith.addi %add3A_1114, %add3A_1321 : vector<16xi32>
              %mul3A_1323 = arith.mulf %get3A_1319, %gather3A_1316 : vector<16xf32>
              tpu.vector_store_idx %arg19[%add3A_1322], %mul3A_1323 {add = true} : memref<61440xf32, #tpu.memory_space<vmem>>[vector<16xi32>], vector<16xf32>,
              %get3A_1324 = arith.index_cast %scan3A_1106 : i32 to index
              %get3A_1325 = arith.constant 400 : index
              %get3A_1326 = tpu.vector_load %arg26[%get3A_1324, %get3A_1325] {strides = array<i32>} : memref<16x768xf32, #tpu.memory_space<vmem>>, vector<16xf32>,
              %add3A_1327 = arith.constant 400 : i32
              %add3A_1328 = vector.broadcast %add3A_1327 : i32 to vector<16xi32>
              %add3A_1329 = arith.addi %add3A_1114, %add3A_1328 : vector<16xi32>
              %mul3A_1330 = arith.mulf %get3A_1326, %gather3A_1316 : vector<16xf32>
              tpu.vector_store_idx %arg19[%add3A_1329], %mul3A_1330 {add = true} : memref<61440xf32, #tpu.memory_space<vmem>>[vector<16xi32>], vector<16xf32>,
              %get3A_1331 = arith.index_cast %scan3A_1106 : i32 to index
              %get3A_1332 = arith.constant 416 : index
              %get3A_1333 = tpu.vector_load %arg26[%get3A_1331, %get3A_1332] {strides = array<i32>} : memref<16x768xf32, #tpu.memory_space<vmem>>, vector<16xf32>,
              %add3A_1334 = arith.constant 416 : i32
              %add3A_1335 = vector.broadcast %add3A_1334 : i32 to vector<16xi32>
              %add3A_1336 = arith.addi %add3A_1114, %add3A_1335 : vector<16xi32>
              %mul3A_1337 = arith.mulf %get3A_1333, %gather3A_1316 : vector<16xf32>
              tpu.vector_store_idx %arg19[%add3A_1336], %mul3A_1337 {add = true} : memref<61440xf32, #tpu.memory_space<vmem>>[vector<16xi32>], vector<16xf32>,
              %get3A_1338 = arith.index_cast %scan3A_1106 : i32 to index
              %get3A_1339 = arith.constant 432 : index
              %get3A_1340 = tpu.vector_load %arg26[%get3A_1338, %get3A_1339] {strides = array<i32>} : memref<16x768xf32, #tpu.memory_space<vmem>>, vector<16xf32>,
              %add3A_1341 = arith.constant 432 : i32
              %add3A_1342 = vector.broadcast %add3A_1341 : i32 to vector<16xi32>
              %add3A_1343 = arith.addi %add3A_1114, %add3A_1342 : vector<16xi32>
              %mul3A_1344 = arith.mulf %get3A_1340, %gather3A_1316 : vector<16xf32>
              tpu.vector_store_idx %arg19[%add3A_1343], %mul3A_1344 {add = true} : memref<61440xf32, #tpu.memory_space<vmem>>[vector<16xi32>], vector<16xf32>,
              %get3A_1345 = arith.index_cast %scan3A_1106 : i32 to index
              %get3A_1346 = arith.constant 448 : index
              %get3A_1347 = tpu.vector_load %arg26[%get3A_1345, %get3A_1346] {strides = array<i32>} : memref<16x768xf32, #tpu.memory_space<vmem>>, vector<16xf32>,
              %add3A_1348 = arith.constant 448 : i32
              %add3A_1349 = vector.broadcast %add3A_1348 : i32 to vector<16xi32>
              %add3A_1350 = arith.addi %add3A_1114, %add3A_1349 : vector<16xi32>
              %mul3A_1351 = arith.mulf %get3A_1347, %gather3A_1316 : vector<16xf32>
              tpu.vector_store_idx %arg19[%add3A_1350], %mul3A_1351 {add = true} : memref<61440xf32, #tpu.memory_space<vmem>>[vector<16xi32>], vector<16xf32>,
              %get3A_1352 = arith.index_cast %scan3A_1106 : i32 to index
              %get3A_1353 = arith.constant 464 : index
              %get3A_1354 = tpu.vector_load %arg26[%get3A_1352, %get3A_1353] {strides = array<i32>} : memref<16x768xf32, #tpu.memory_space<vmem>>, vector<16xf32>,
              %add3A_1355 = arith.constant 464 : i32
              %add3A_1356 = vector.broadcast %add3A_1355 : i32 to vector<16xi32>
              %add3A_1357 = arith.addi %add3A_1114, %add3A_1356 : vector<16xi32>
              %mul3A_1358 = arith.mulf %get3A_1354, %gather3A_1316 : vector<16xf32>
              tpu.vector_store_idx %arg19[%add3A_1357], %mul3A_1358 {add = true} : memref<61440xf32, #tpu.memory_space<vmem>>[vector<16xi32>], vector<16xf32>,
              %get3A_1359 = arith.index_cast %scan3A_1106 : i32 to index
              %get3A_1360 = arith.constant 480 : index
              %get3A_1361 = tpu.vector_load %arg26[%get3A_1359, %get3A_1360] {strides = array<i32>} : memref<16x768xf32, #tpu.memory_space<vmem>>, vector<16xf32>,
              %add3A_1362 = arith.constant 480 : i32
              %add3A_1363 = vector.broadcast %add3A_1362 : i32 to vector<16xi32>
              %add3A_1364 = arith.addi %add3A_1114, %add3A_1363 : vector<16xi32>
              %mul3A_1365 = arith.mulf %get3A_1361, %gather3A_1316 : vector<16xf32>
              tpu.vector_store_idx %arg19[%add3A_1364], %mul3A_1365 {add = true} : memref<61440xf32, #tpu.memory_space<vmem>>[vector<16xi32>], vector<16xf32>,
              %get3A_1366 = arith.index_cast %scan3A_1106 : i32 to index
              %get3A_1367 = arith.constant 496 : index
              %get3A_1368 = tpu.vector_load %arg26[%get3A_1366, %get3A_1367] {strides = array<i32>} : memref<16x768xf32, #tpu.memory_space<vmem>>, vector<16xf32>,
              %add3A_1369 = arith.constant 496 : i32
              %add3A_1370 = vector.broadcast %add3A_1369 : i32 to vector<16xi32>
              %add3A_1371 = arith.addi %add3A_1114, %add3A_1370 : vector<16xi32>
              %mul3A_1372 = arith.mulf %get3A_1368, %gather3A_1316 : vector<16xf32>
              tpu.vector_store_idx %arg19[%add3A_1371], %mul3A_1372 {add = true} : memref<61440xf32, #tpu.memory_space<vmem>>[vector<16xi32>], vector<16xf32>,
              %get3A_1373 = arith.index_cast %scan3A_1106 : i32 to index
              %get3A_1374 = arith.constant 512 : index
              %get3A_1375 = tpu.vector_load %arg26[%get3A_1373, %get3A_1374] {strides = array<i32>} : memref<16x768xf32, #tpu.memory_space<vmem>>, vector<16xf32>,
              %add3A_1376 = arith.constant 512 : i32
              %add3A_1377 = vector.broadcast %add3A_1376 : i32 to vector<16xi32>
              %add3A_1378 = arith.addi %add3A_1114, %add3A_1377 : vector<16xi32>
              %mul3A_1379 = arith.mulf %get3A_1375, %gather3A_1316 : vector<16xf32>
              tpu.vector_store_idx %arg19[%add3A_1378], %mul3A_1379 {add = true} : memref<61440xf32, #tpu.memory_space<vmem>>[vector<16xi32>], vector<16xf32>,
              %get3A_1380 = arith.index_cast %scan3A_1106 : i32 to index
              %get3A_1381 = arith.constant 528 : index
              %get3A_1382 = tpu.vector_load %arg26[%get3A_1380, %get3A_1381] {strides = array<i32>} : memref<16x768xf32, #tpu.memory_space<vmem>>, vector<16xf32>,
              %add3A_1383 = arith.constant 528 : i32
              %add3A_1384 = vector.broadcast %add3A_1383 : i32 to vector<16xi32>
              %add3A_1385 = arith.addi %add3A_1114, %add3A_1384 : vector<16xi32>
              %mul3A_1386 = arith.mulf %get3A_1382, %gather3A_1316 : vector<16xf32>
              tpu.vector_store_idx %arg19[%add3A_1385], %mul3A_1386 {add = true} : memref<61440xf32, #tpu.memory_space<vmem>>[vector<16xi32>], vector<16xf32>,
              %get3A_1387 = arith.index_cast %scan3A_1106 : i32 to index
              %get3A_1388 = arith.constant 544 : index
              %get3A_1389 = tpu.vector_load %arg26[%get3A_1387, %get3A_1388] {strides = array<i32>} : memref<16x768xf32, #tpu.memory_space<vmem>>, vector<16xf32>,
              %add3A_1390 = arith.constant 544 : i32
              %add3A_1391 = vector.broadcast %add3A_1390 : i32 to vector<16xi32>
              %add3A_1392 = arith.addi %add3A_1114, %add3A_1391 : vector<16xi32>
              %mul3A_1393 = arith.mulf %get3A_1389, %gather3A_1316 : vector<16xf32>
              tpu.vector_store_idx %arg19[%add3A_1392], %mul3A_1393 {add = true} : memref<61440xf32, #tpu.memory_space<vmem>>[vector<16xi32>], vector<16xf32>,
              %get3A_1394 = arith.index_cast %scan3A_1106 : i32 to index
              %get3A_1395 = arith.constant 560 : index
              %get3A_1396 = tpu.vector_load %arg26[%get3A_1394, %get3A_1395] {strides = array<i32>} : memref<16x768xf32, #tpu.memory_space<vmem>>, vector<16xf32>,
              %add3A_1397 = arith.constant 560 : i32
              %add3A_1398 = vector.broadcast %add3A_1397 : i32 to vector<16xi32>
              %add3A_1399 = arith.addi %add3A_1114, %add3A_1398 : vector<16xi32>
              %mul3A_1400 = arith.mulf %get3A_1396, %gather3A_1316 : vector<16xf32>
              tpu.vector_store_idx %arg19[%add3A_1399], %mul3A_1400 {add = true} : memref<61440xf32, #tpu.memory_space<vmem>>[vector<16xi32>], vector<16xf32>,
              %add3A_1401 = arith.constant 32 : i32
              %add3A_1402 = vector.broadcast %add3A_1401 : i32 to vector<16xi32>
              %add3A_1403 = arith.addi %add3A_1118, %add3A_1402 : vector<16xi32>
              %mul3A_1404 = arith.mulf %get3A_1122, %gather3A_1316 : vector<16xf32>
              tpu.vector_store_idx %arg20[%add3A_1403], %mul3A_1404 {add = true} : memref<5120xf32, #tpu.memory_space<vmem>>[vector<16xi32>], vector<16xf32>,
              %mul3A_1405 = arith.constant 4 : i32
              %mul3A_1406 = arith.muli %scan3A_1106, %mul3A_1405 : i32
              %add3A_1407 = arith.constant 3 : i32
              %add3A_1408 = arith.addi %mul3A_1406, %add3A_1407 : i32
              %broadcast_in_dim3A_1409 = vector.broadcast %add3A_1408 : i32 to vector<16xi32>
              %gather3A_1410 = tpu.vector_load_idx %arg25[%broadcast_in_dim3A_1409] : memref<64xf32, #tpu.memory_space<vmem>>[vector<16xi32>], vector<16xf32>,
              %get3A_1411 = arith.index_cast %scan3A_1106 : i32 to index
              %get3A_1412 = arith.constant 576 : index
              %get3A_1413 = tpu.vector_load %arg26[%get3A_1411, %get3A_1412] {strides = array<i32>} : memref<16x768xf32, #tpu.memory_space<vmem>>, vector<16xf32>,
              %add3A_1414 = arith.constant 576 : i32
              %add3A_1415 = vector.broadcast %add3A_1414 : i32 to vector<16xi32>
              %add3A_1416 = arith.addi %add3A_1114, %add3A_1415 : vector<16xi32>
              %mul3A_1417 = arith.mulf %get3A_1413, %gather3A_1410 : vector<16xf32>
              tpu.vector_store_idx %arg19[%add3A_1416], %mul3A_1417 {add = true} : memref<61440xf32, #tpu.memory_space<vmem>>[vector<16xi32>], vector<16xf32>,
              %get3A_1418 = arith.index_cast %scan3A_1106 : i32 to index
              %get3A_1419 = arith.constant 592 : index
              %get3A_1420 = tpu.vector_load %arg26[%get3A_1418, %get3A_1419] {strides = array<i32>} : memref<16x768xf32, #tpu.memory_space<vmem>>, vector<16xf32>,
              %add3A_1421 = arith.constant 592 : i32
              %add3A_1422 = vector.broadcast %add3A_1421 : i32 to vector<16xi32>
              %add3A_1423 = arith.addi %add3A_1114, %add3A_1422 : vector<16xi32>
              %mul3A_1424 = arith.mulf %get3A_1420, %gather3A_1410 : vector<16xf32>
              tpu.vector_store_idx %arg19[%add3A_1423], %mul3A_1424 {add = true} : memref<61440xf32, #tpu.memory_space<vmem>>[vector<16xi32>], vector<16xf32>,
              %get3A_1425 = arith.index_cast %scan3A_1106 : i32 to index
              %get3A_1426 = arith.constant 608 : index
              %get3A_1427 = tpu.vector_load %arg26[%get3A_1425, %get3A_1426] {strides = array<i32>} : memref<16x768xf32, #tpu.memory_space<vmem>>, vector<16xf32>,
              %add3A_1428 = arith.constant 608 : i32
              %add3A_1429 = vector.broadcast %add3A_1428 : i32 to vector<16xi32>
              %add3A_1430 = arith.addi %add3A_1114, %add3A_1429 : vector<16xi32>
              %mul3A_1431 = arith.mulf %get3A_1427, %gather3A_1410 : vector<16xf32>
              tpu.vector_store_idx %arg19[%add3A_1430], %mul3A_1431 {add = true} : memref<61440xf32, #tpu.memory_space<vmem>>[vector<16xi32>], vector<16xf32>,
              %get3A_1432 = arith.index_cast %scan3A_1106 : i32 to index
              %get3A_1433 = arith.constant 624 : index
              %get3A_1434 = tpu.vector_load %arg26[%get3A_1432, %get3A_1433] {strides = array<i32>} : memref<16x768xf32, #tpu.memory_space<vmem>>, vector<16xf32>,
              %add3A_1435 = arith.constant 624 : i32
              %add3A_1436 = vector.broadcast %add3A_1435 : i32 to vector<16xi32>
              %add3A_1437 = arith.addi %add3A_1114, %add3A_1436 : vector<16xi32>
              %mul3A_1438 = arith.mulf %get3A_1434, %gather3A_1410 : vector<16xf32>
              tpu.vector_store_idx %arg19[%add3A_1437], %mul3A_1438 {add = true} : memref<61440xf32, #tpu.memory_space<vmem>>[vector<16xi32>], vector<16xf32>,
              %get3A_1439 = arith.index_cast %scan3A_1106 : i32 to index
              %get3A_1440 = arith.constant 640 : index
              %get3A_1441 = tpu.vector_load %arg26[%get3A_1439, %get3A_1440] {strides = array<i32>} : memref<16x768xf32, #tpu.memory_space<vmem>>, vector<16xf32>,
              %add3A_1442 = arith.constant 640 : i32
              %add3A_1443 = vector.broadcast %add3A_1442 : i32 to vector<16xi32>
              %add3A_1444 = arith.addi %add3A_1114, %add3A_1443 : vector<16xi32>
              %mul3A_1445 = arith.mulf %get3A_1441, %gather3A_1410 : vector<16xf32>
              tpu.vector_store_idx %arg19[%add3A_1444], %mul3A_1445 {add = true} : memref<61440xf32, #tpu.memory_space<vmem>>[vector<16xi32>], vector<16xf32>,
              %get3A_1446 = arith.index_cast %scan3A_1106 : i32 to index
              %get3A_1447 = arith.constant 656 : index
              %get3A_1448 = tpu.vector_load %arg26[%get3A_1446, %get3A_1447] {strides = array<i32>} : memref<16x768xf32, #tpu.memory_space<vmem>>, vector<16xf32>,
              %add3A_1449 = arith.constant 656 : i32
              %add3A_1450 = vector.broadcast %add3A_1449 : i32 to vector<16xi32>
              %add3A_1451 = arith.addi %add3A_1114, %add3A_1450 : vector<16xi32>
              %mul3A_1452 = arith.mulf %get3A_1448, %gather3A_1410 : vector<16xf32>
              tpu.vector_store_idx %arg19[%add3A_1451], %mul3A_1452 {add = true} : memref<61440xf32, #tpu.memory_space<vmem>>[vector<16xi32>], vector<16xf32>,
              %get3A_1453 = arith.index_cast %scan3A_1106 : i32 to index
              %get3A_1454 = arith.constant 672 : index
              %get3A_1455 = tpu.vector_load %arg26[%get3A_1453, %get3A_1454] {strides = array<i32>} : memref<16x768xf32, #tpu.memory_space<vmem>>, vector<16xf32>,
              %add3A_1456 = arith.constant 672 : i32
              %add3A_1457 = vector.broadcast %add3A_1456 : i32 to vector<16xi32>
              %add3A_1458 = arith.addi %add3A_1114, %add3A_1457 : vector<16xi32>
              %mul3A_1459 = arith.mulf %get3A_1455, %gather3A_1410 : vector<16xf32>
              tpu.vector_store_idx %arg19[%add3A_1458], %mul3A_1459 {add = true} : memref<61440xf32, #tpu.memory_space<vmem>>[vector<16xi32>], vector<16xf32>,
              %get3A_1460 = arith.index_cast %scan3A_1106 : i32 to index
              %get3A_1461 = arith.constant 688 : index
              %get3A_1462 = tpu.vector_load %arg26[%get3A_1460, %get3A_1461] {strides = array<i32>} : memref<16x768xf32, #tpu.memory_space<vmem>>, vector<16xf32>,
              %add3A_1463 = arith.constant 688 : i32
              %add3A_1464 = vector.broadcast %add3A_1463 : i32 to vector<16xi32>
              %add3A_1465 = arith.addi %add3A_1114, %add3A_1464 : vector<16xi32>
              %mul3A_1466 = arith.mulf %get3A_1462, %gather3A_1410 : vector<16xf32>
              tpu.vector_store_idx %arg19[%add3A_1465], %mul3A_1466 {add = true} : memref<61440xf32, #tpu.memory_space<vmem>>[vector<16xi32>], vector<16xf32>,
              %get3A_1467 = arith.index_cast %scan3A_1106 : i32 to index
              %get3A_1468 = arith.constant 704 : index
              %get3A_1469 = tpu.vector_load %arg26[%get3A_1467, %get3A_1468] {strides = array<i32>} : memref<16x768xf32, #tpu.memory_space<vmem>>, vector<16xf32>,
              %add3A_1470 = arith.constant 704 : i32
              %add3A_1471 = vector.broadcast %add3A_1470 : i32 to vector<16xi32>
              %add3A_1472 = arith.addi %add3A_1114, %add3A_1471 : vector<16xi32>
              %mul3A_1473 = arith.mulf %get3A_1469, %gather3A_1410 : vector<16xf32>
              tpu.vector_store_idx %arg19[%add3A_1472], %mul3A_1473 {add = true} : memref<61440xf32, #tpu.memory_space<vmem>>[vector<16xi32>], vector<16xf32>,
              %get3A_1474 = arith.index_cast %scan3A_1106 : i32 to index
              %get3A_1475 = arith.constant 720 : index
              %get3A_1476 = tpu.vector_load %arg26[%get3A_1474, %get3A_1475] {strides = array<i32>} : memref<16x768xf32, #tpu.memory_space<vmem>>, vector<16xf32>,
              %add3A_1477 = arith.constant 720 : i32
              %add3A_1478 = vector.broadcast %add3A_1477 : i32 to vector<16xi32>
              %add3A_1479 = arith.addi %add3A_1114, %add3A_1478 : vector<16xi32>
              %mul3A_1480 = arith.mulf %get3A_1476, %gather3A_1410 : vector<16xf32>
              tpu.vector_store_idx %arg19[%add3A_1479], %mul3A_1480 {add = true} : memref<61440xf32, #tpu.memory_space<vmem>>[vector<16xi32>], vector<16xf32>,
              %get3A_1481 = arith.index_cast %scan3A_1106 : i32 to index
              %get3A_1482 = arith.constant 736 : index
              %get3A_1483 = tpu.vector_load %arg26[%get3A_1481, %get3A_1482] {strides = array<i32>} : memref<16x768xf32, #tpu.memory_space<vmem>>, vector<16xf32>,
              %add3A_1484 = arith.constant 736 : i32
              %add3A_1485 = vector.broadcast %add3A_1484 : i32 to vector<16xi32>
              %add3A_1486 = arith.addi %add3A_1114, %add3A_1485 : vector<16xi32>
              %mul3A_1487 = arith.mulf %get3A_1483, %gather3A_1410 : vector<16xf32>
              tpu.vector_store_idx %arg19[%add3A_1486], %mul3A_1487 {add = true} : memref<61440xf32, #tpu.memory_space<vmem>>[vector<16xi32>], vector<16xf32>,
              %get3A_1488 = arith.index_cast %scan3A_1106 : i32 to index
              %get3A_1489 = arith.constant 752 : index
              %get3A_1490 = tpu.vector_load %arg26[%get3A_1488, %get3A_1489] {strides = array<i32>} : memref<16x768xf32, #tpu.memory_space<vmem>>, vector<16xf32>,
              %add3A_1491 = arith.constant 752 : i32
              %add3A_1492 = vector.broadcast %add3A_1491 : i32 to vector<16xi32>
              %add3A_1493 = arith.addi %add3A_1114, %add3A_1492 : vector<16xi32>
              %mul3A_1494 = arith.mulf %get3A_1490, %gather3A_1410 : vector<16xf32>
              tpu.vector_store_idx %arg19[%add3A_1493], %mul3A_1494 {add = true} : memref<61440xf32, #tpu.memory_space<vmem>>[vector<16xi32>], vector<16xf32>,
              %add3A_1495 = arith.constant 48 : i32
              %add3A_1496 = vector.broadcast %add3A_1495 : i32 to vector<16xi32>
              %add3A_1497 = arith.addi %add3A_1118, %add3A_1496 : vector<16xi32>
              %mul3A_1498 = arith.mulf %get3A_1122, %gather3A_1410 : vector<16xf32>
              tpu.vector_store_idx %arg20[%add3A_1497], %mul3A_1498 {add = true} : memref<5120xf32, #tpu.memory_space<vmem>>[vector<16xi32>], vector<16xf32>,
              %scan3A_1499 = arith.constant 0 : i32
              scf.yield %scan3A_1499 : i32
            }
            %scan3A_1104 = arith.constant 16 : i32
            %while3A_1105 = arith.constant 0 : i32
            scf.yield %while3A_1105 : i32
          }
          %scan3A_784 = arith.constant 0 : i32
          scf.yield %scan3A_784 : i32
        }
        %scan3A_583 = arith.constant 80 : i32
        %mul3A_584 = arith.constant 768 : i32
        %mul3A_585 = arith.muli %mul3A_30, %mul3A_584 : i32
        "tpu.region"() ({
          %run_scoped3A = tpu.sem_alloc : memref<!tpu.dma_semaphore, #tpu.memory_space<semaphore_mem>>
          %dma_start3A_590 = tpu.memref_slice %arg8[%mul3A_585] : memref<7680000xf32, #tpu.memory_space<hbm>> -> memref<61440xf32, #tpu.memory_space<hbm>>
          %dma_start3A_591 = tpu.memref_slice %arg8[%mul3A_585] : memref<7680000xf32, #tpu.memory_space<hbm>> -> memref<61440xf32, #tpu.memory_space<hbm>>
          tpu.enqueue_dma source(%arg19 : memref<61440xf32, #tpu.memory_space<vmem>>) target(%dma_start3A_591 : memref<61440xf32, #tpu.memory_space<hbm>>) target_semaphore(%run_scoped3A : memref<!tpu.dma_semaphore, #tpu.memory_space<semaphore_mem>>)
          %dma_wait3A_592 = tpu.memref_slice %arg8[%mul3A_585] : memref<7680000xf32, #tpu.memory_space<hbm>> -> memref<61440xf32, #tpu.memory_space<hbm>>
          %dma_wait3A_593 = tpu.memref_slice %arg8[%mul3A_585] : memref<7680000xf32, #tpu.memory_space<hbm>> -> memref<61440xf32, #tpu.memory_space<hbm>>
          tpu.wait_dma2 semaphore(%run_scoped3A : memref<!tpu.dma_semaphore, #tpu.memory_space<semaphore_mem>>) src(%arg19 : memref<61440xf32, #tpu.memory_space<vmem>>) dst(%dma_wait3A_593 : memref<61440xf32, #tpu.memory_space<hbm>>)
          tpu.yield
        }) : () -> ()
        %mul3A_586 = arith.constant 4 : i32
        %mul3A_587 = arith.muli %mul3A_30, %mul3A_586 : i32
        %mul3A_588 = arith.constant 16 : i32
        %mul3A_589 = arith.muli %mul3A_587, %mul3A_588 : i32
        "tpu.region"() ({
          %run_scoped3A = tpu.sem_alloc : memref<!tpu.dma_semaphore, #tpu.memory_space<semaphore_mem>>
          %dma_start3A_590 = tpu.memref_slice %arg9[%mul3A_589] : memref<640000xf32, #tpu.memory_space<hbm>> -> memref<5120xf32, #tpu.memory_space<hbm>>
          %dma_start3A_591 = tpu.memref_slice %arg9[%mul3A_589] : memref<640000xf32, #tpu.memory_space<hbm>> -> memref<5120xf32, #tpu.memory_space<hbm>>
          tpu.enqueue_dma source(%arg20 : memref<5120xf32, #tpu.memory_space<vmem>>) target(%dma_start3A_591 : memref<5120xf32, #tpu.memory_space<hbm>>) target_semaphore(%run_scoped3A : memref<!tpu.dma_semaphore, #tpu.memory_space<semaphore_mem>>)
          %dma_wait3A_592 = tpu.memref_slice %arg9[%mul3A_589] : memref<640000xf32, #tpu.memory_space<hbm>> -> memref<5120xf32, #tpu.memory_space<hbm>>
          %dma_wait3A_593 = tpu.memref_slice %arg9[%mul3A_589] : memref<640000xf32, #tpu.memory_space<hbm>> -> memref<5120xf32, #tpu.memory_space<hbm>>
          tpu.wait_dma2 semaphore(%run_scoped3A : memref<!tpu.dma_semaphore, #tpu.memory_space<semaphore_mem>>) src(%arg20 : memref<5120xf32, #tpu.memory_space<vmem>>) dst(%dma_wait3A_593 : memref<5120xf32, #tpu.memory_space<hbm>>)
          tpu.yield
        }) : () -> ()
      } else {
      }
      %scan3A_28 = arith.constant 0 : i32
      scf.yield %scan3A_28 : i32
    }
    %scan3A_20 = arith.constant 4 : i32
    return
  }
}

module attributes {stable_mosaic.version = 14 : i64} {
  func.func @_le_body(%arg0: i32, %arg1: memref<8000x16xf32, #tpu.memory_space<vmem>>, %arg2: memref<16x4xf32, #tpu.memory_space<vmem>>, %arg3: memref<8000x4xf32, #tpu.memory_space<vmem>>) attributes {dimension_semantics = [#tpu.dimension_semantics<arbitrary>], iteration_bounds = array<i64: 40>, scalar_prefetch = 0 : i64, scratch_operands = 0 : i64, tpu.core_type = #tpu.core_type<tc>, window_params = [{transform_indices = @transform_0, window_bounds = array<i64: 8000, 16>}, {pipeline_mode = #tpu.pipeline_mode<synchronous>, transform_indices = @transform_1, window_bounds = array<i64: 16, 4>}, {transform_indices = @transform_2, window_bounds = array<i64: 8000, 4>}]} {
    %get3A = arith.constant 0 : index
    %get3A_0 = arith.constant 0 : index
    %get3A_1 = vector.load %arg1[%get3A, %get3A_0] : memref<8000x16xf32, #tpu.memory_space<vmem>>, vector<8000x16xf32>
    %get3A_2 = arith.constant 0 : index
    %get3A_3 = arith.constant 0 : index
    %get3A_4 = vector.load %arg2[%get3A_2, %get3A_3] : memref<16x4xf32, #tpu.memory_space<vmem>>, vector<16x4xf32>
    %dot_general3A = arith.constant dense<0.000000e+00> : vector<8000x4xf32>
    %dot_general3A_5 = tpu.matmul %get3A_1, %get3A_4, %dot_general3A {dimension_numbers = #tpu.dot_dimension_numbers<[1], [0], [0], [1], [0, 0, 1, 1], [], []>, transpose_lhs_hint = false} : vector<8000x16xf32>, vector<16x4xf32>, vector<8000x4xf32> -> vector<8000x4xf32>
    %swap3A = arith.constant 0 : index
    %swap3A_6 = arith.constant 0 : index
    %swap3A_7 = vector.load %arg3[%swap3A, %swap3A_6] : memref<8000x4xf32, #tpu.memory_space<vmem>>, vector<8000x4xf32>
    tpu.vector_store %arg3[%swap3A, %swap3A_6], %dot_general3A_5 {strides = array<i32>} : memref<8000x4xf32, #tpu.memory_space<vmem>>, vector<8000x4xf32>,
    return
  }
  func.func @transform_0(%arg0: i32) -> (i32, i32) {
    %c0_i32 = arith.constant 0 : i32
    %c0_i32_0 = arith.constant 0 : i32
    return %arg0, %c0_i32 : i32, i32
  }
  func.func @transform_1(%arg0: i32) -> (i32, i32) {
    %c0_i32 = arith.constant 0 : i32
    %c0_i32_0 = arith.constant 0 : i32
    %c0_i32_1 = arith.constant 0 : i32
    return %c0_i32, %c0_i32_0 : i32, i32
  }
  func.func @transform_2(%arg0: i32) -> (i32, i32) {
    %c0_i32 = arith.constant 0 : i32
    %c0_i32_0 = arith.constant 0 : i32
    return %arg0, %c0_i32 : i32, i32
  }
}

module attributes {stable_mosaic.version = 14 : i64} {
  func.func @_proj_body(%arg0: i32, %arg1: memref<1000x128xf32, #tpu.memory_space<vmem>>, %arg2: memref<128x776xf32, #tpu.memory_space<vmem>>, %arg3: memref<1000x768xf32, #tpu.memory_space<vmem>>, %arg4: memref<1000x8xf32, #tpu.memory_space<vmem>>) attributes {dimension_semantics = [#tpu.dimension_semantics<arbitrary>], iteration_bounds = array<i64: 10>, scalar_prefetch = 0 : i64, scratch_operands = 0 : i64, tpu.core_type = #tpu.core_type<tc>, window_params = [{transform_indices = @transform_0, window_bounds = array<i64: 1000, 128>}, {pipeline_mode = #tpu.pipeline_mode<synchronous>, transform_indices = @transform_1, window_bounds = array<i64: 128, 776>}, {transform_indices = @transform_2, window_bounds = array<i64: 1000, 768>}, {transform_indices = @transform_3, window_bounds = array<i64: 1000, 8>}]} {
    %get3A = arith.constant 0 : index
    %get3A_0 = arith.constant 0 : index
    %get3A_1 = vector.load %arg1[%get3A, %get3A_0] : memref<1000x128xf32, #tpu.memory_space<vmem>>, vector<1000x128xf32>
    %get3A_2 = arith.constant 0 : index
    %get3A_3 = arith.constant 0 : index
    %get3A_4 = vector.load %arg2[%get3A_2, %get3A_3] : memref<128x776xf32, #tpu.memory_space<vmem>>, vector<128x776xf32>
    %slice3A = vector.extract_strided_slice %get3A_4 {offsets = [0, 0], sizes = [128, 768], strides = [1, 1]} : vector<128x776xf32> to vector<128x768xf32>
    %dot_general3A = arith.constant dense<0.000000e+00> : vector<1000x768xf32>
    %dot_general3A_5 = tpu.matmul %get3A_1, %slice3A, %dot_general3A {dimension_numbers = #tpu.dot_dimension_numbers<[1], [0], [0], [1], [0, 0, 1, 1], [], []>, transpose_lhs_hint = false} : vector<1000x128xf32>, vector<128x768xf32>, vector<1000x768xf32> -> vector<1000x768xf32>
    %swap3A = arith.constant 0 : index
    %swap3A_6 = arith.constant 0 : index
    %swap3A_7 = vector.load %arg3[%swap3A, %swap3A_6] : memref<1000x768xf32, #tpu.memory_space<vmem>>, vector<1000x768xf32>
    tpu.vector_store %arg3[%swap3A, %swap3A_6], %dot_general3A_5 {strides = array<i32>} : memref<1000x768xf32, #tpu.memory_space<vmem>>, vector<1000x768xf32>,
    %slice3A_8 = vector.extract_strided_slice %get3A_4 {offsets = [0, 768], sizes = [128, 8], strides = [1, 1]} : vector<128x776xf32> to vector<128x8xf32>
    %dot_general3A_9 = arith.constant dense<0.000000e+00> : vector<1000x8xf32>
    %dot_general3A_10 = tpu.matmul %get3A_1, %slice3A_8, %dot_general3A_9 {dimension_numbers = #tpu.dot_dimension_numbers<[1], [0], [0], [1], [0, 0, 1, 1], [], []>, transpose_lhs_hint = false} : vector<1000x128xf32>, vector<128x8xf32>, vector<1000x8xf32> -> vector<1000x8xf32>
    %swap3A_11 = arith.constant 0 : index
    %swap3A_12 = arith.constant 0 : index
    %swap3A_13 = vector.load %arg4[%swap3A_11, %swap3A_12] : memref<1000x8xf32, #tpu.memory_space<vmem>>, vector<1000x8xf32>
    tpu.vector_store %arg4[%swap3A_11, %swap3A_12], %dot_general3A_10 {strides = array<i32>} : memref<1000x8xf32, #tpu.memory_space<vmem>>, vector<1000x8xf32>,
    return
  }
  func.func @transform_0(%arg0: i32) -> (i32, i32) {
    %c0_i32 = arith.constant 0 : i32
    %c0_i32_0 = arith.constant 0 : i32
    return %arg0, %c0_i32 : i32, i32
  }
  func.func @transform_1(%arg0: i32) -> (i32, i32) {
    %c0_i32 = arith.constant 0 : i32
    %c0_i32_0 = arith.constant 0 : i32
    %c0_i32_1 = arith.constant 0 : i32
    return %c0_i32, %c0_i32_0 : i32, i32
  }
  func.func @transform_2(%arg0: i32) -> (i32, i32) {
    %c0_i32 = arith.constant 0 : i32
    %c0_i32_0 = arith.constant 0 : i32
    return %arg0, %c0_i32 : i32, i32
  }
  func.func @transform_3(%arg0: i32) -> (i32, i32) {
    %c0_i32 = arith.constant 0 : i32
    %c0_i32_0 = arith.constant 0 : i32
    return %arg0, %c0_i32 : i32, i32
  }
}

module attributes {stable_mosaic.version = 14 : i64} {
  func.func @_final_body(%arg0: i32, %arg1: memref<1000x768xf32, #tpu.memory_space<vmem>>, %arg2: memref<1000x64xf32, #tpu.memory_space<vmem>>, %arg3: memref<64x768xf32, #tpu.memory_space<vmem>>, %arg4: memref<1000x768xf32, #tpu.memory_space<vmem>>) attributes {dimension_semantics = [#tpu.dimension_semantics<arbitrary>], iteration_bounds = array<i64: 10>, scalar_prefetch = 0 : i64, scratch_operands = 0 : i64, tpu.core_type = #tpu.core_type<tc>, window_params = [{transform_indices = @transform_0, window_bounds = array<i64: 1000, 768>}, {transform_indices = @transform_1, window_bounds = array<i64: 1000, 64>}, {pipeline_mode = #tpu.pipeline_mode<synchronous>, transform_indices = @transform_2, window_bounds = array<i64: 64, 768>}, {transform_indices = @transform_3, window_bounds = array<i64: 1000, 768>}]} {
    %get3A = arith.constant 0 : index
    %get3A_0 = arith.constant 0 : index
    %get3A_1 = vector.load %arg1[%get3A, %get3A_0] : memref<1000x768xf32, #tpu.memory_space<vmem>>, vector<1000x768xf32>
    %get3A_2 = arith.constant 0 : index
    %get3A_3 = arith.constant 0 : index
    %get3A_4 = vector.load %arg2[%get3A_2, %get3A_3] : memref<1000x64xf32, #tpu.memory_space<vmem>>, vector<1000x64xf32>
    %get3A_5 = arith.constant 0 : index
    %get3A_6 = arith.constant 0 : index
    %get3A_7 = vector.load %arg3[%get3A_5, %get3A_6] : memref<64x768xf32, #tpu.memory_space<vmem>>, vector<64x768xf32>
    %dot_general3A = arith.constant dense<0.000000e+00> : vector<1000x768xf32>
    %dot_general3A_8 = tpu.matmul %get3A_4, %get3A_7, %dot_general3A {dimension_numbers = #tpu.dot_dimension_numbers<[1], [0], [0], [1], [0, 0, 1, 1], [], []>, transpose_lhs_hint = false} : vector<1000x64xf32>, vector<64x768xf32>, vector<1000x768xf32> -> vector<1000x768xf32>
    %add3A = arith.addf %get3A_1, %dot_general3A_8 : vector<1000x768xf32>
    %gt3A = arith.constant 0.000000e+00 : f32
    %gt3A_9 = vector.broadcast %gt3A : f32 to vector<1000x768xf32>
    %gt3A_10 = arith.cmpf ogt, %add3A, %gt3A_9 : vector<1000x768xf32>
    %min3A = arith.constant 0.000000e+00 : f32
    %min3A_11 = vector.broadcast %min3A : f32 to vector<1000x768xf32>
    %min3A_12 = arith.minimumf %add3A, %min3A_11 : vector<1000x768xf32>
    %exp3A = math.exp %min3A_12 : vector<1000x768xf32>
    %sub3A = arith.constant 1.000000e+00 : f32
    %sub3A_13 = vector.broadcast %sub3A : f32 to vector<1000x768xf32>
    %sub3A_14 = arith.subf %exp3A, %sub3A_13 : vector<1000x768xf32>
    %select_n3A = arith.select %gt3A_10, %add3A, %sub3A_14 : vector<1000x768xi1>, vector<1000x768xf32>
    %swap3A = arith.constant 0 : index
    %swap3A_15 = arith.constant 0 : index
    %swap3A_16 = vector.load %arg4[%swap3A, %swap3A_15] : memref<1000x768xf32, #tpu.memory_space<vmem>>, vector<1000x768xf32>
    tpu.vector_store %arg4[%swap3A, %swap3A_15], %select_n3A {strides = array<i32>} : memref<1000x768xf32, #tpu.memory_space<vmem>>, vector<1000x768xf32>,
    return
  }
  func.func @transform_0(%arg0: i32) -> (i32, i32) {
    %c0_i32 = arith.constant 0 : i32
    %c0_i32_0 = arith.constant 0 : i32
    return %arg0, %c0_i32 : i32, i32
  }
  func.func @transform_1(%arg0: i32) -> (i32, i32) {
    %c0_i32 = arith.constant 0 : i32
    %c0_i32_0 = arith.constant 0 : i32
    return %arg0, %c0_i32 : i32, i32
  }
  func.func @transform_2(%arg0: i32) -> (i32, i32) {
    %c0_i32 = arith.constant 0 : i32
    %c0_i32_0 = arith.constant 0 : i32
    %c0_i32_1 = arith.constant 0 : i32
    return %c0_i32, %c0_i32_0 : i32, i32
  }
  func.func @transform_3(%arg0: i32) -> (i32, i32) {
    %c0_i32 = arith.constant 0 : i32
    %c0_i32_0 = arith.constant 0 : i32
    return %arg0, %c0_i32 : i32, i32
  }
}

</mosaic_0001>

<sc_bundles>
// kernel: kernel.10.cloned.1.call-start
scs
__scs_entry_jumppad:
0x0: {  	(pc) =	sbr.rel $0x88, $3  }
0x1: {  	(tag) =	ssettag $0x0;
	lr =	simm.s32 $0x1  }
0x2: {  	[smem:$0x3F99] =	sst lr;
	_ =	strace $0xD0000000  }
0x3: {  	_ = 	snop  }
0x4: {  	_ = 	snop  }
0x5: {  	_ = 	snop  }
0x6: {  	_ = 	snop  }
0x7: {  	_ = 	snop  }
__scs_overlays_trampoline_lowered:
0x8: {  	[smem:$0x3FA8] =	sst s0  }
0x9: {  	[smem:$0x3FA9] =	sst s1  }
0xa: {  	[smem:$0x3FAA] =	sst s2  }
0xb: {  	[smem:$0x3FAB] =	sst s3  }
0xc: {  	[smem:$0x3FAC] =	sst s4  }
0xd: {  	[smem:$0x3FAD] =	sst s5  }
0xe: {  	[smem:$0x3FAE] =	sst s6  }
0xf: {  	[smem:$0x3FAF] =	sst s7  }
0x10: {  	[smem:$0x3FB0] =	sst s8  }
0x11: {  	[smem:$0x3FB1] =	sst s9;
	s0 =	simm.s32 @!p0 $0x0  }
0x12: {  	s1 =	sld [smem:$0x3F97];
	s0 =	simm.s32 @p0 $0x1  }
0x13: {  	[smem:$0x3FB2] =	sst s0;
	s0 =	simm.s32 @!p1 $0x0  }
0x14: {  	s2 =	sld [smem:$0x3F96];
	s0 =	simm.s32 @p1 $0x1  }
0x15: {  	[smem:$0x3FB3] =	sst s0;
	s0 =	simm.s32 @!p2 $0x0  }
0x16: {  	s3 =	sld [smem:$0x3FDB];
	s0 =	simm.s32 @p2 $0x1  }
0x17: {  	s4 =	simm.s32 $0x1BF5;
	[smem:$0x3FB5] =	sst s0  }
0x18: {  	s0 =	sld [smem:$0x3F98];
	_ =	swait.ge [sflag:s4], $0x0  }
0x19: {  	s7 =	sld [smem:$0x3F99]  }
0x1a: {  	s8 =	sadd.s32 $0xFFFFE003, lr  }
0x1b: {  	s9 =	sadd.s32 $0xFFFFFEF7, lr;
	s5 =	simm.s32 $0xFFFFFFFF;
	p2 =	slt.u32 s8, $0xFFFFF086  }
0x1c: {  	p1 =	slt.u32 s9, $0xF7A;
	s5 =	simm.s32 @!p2 $0x0  }
0x1d: {  	s5 =	simm.s32 @p1 $0x1;
	p0 =	seq.s32 s7, s2  }
0x1e: {  	s7 =	smul.u32 @!p0 $0xF7A, s2;
	p2 =	seq.s32 @!p0 s5, $0x0  }
0x1f: {  	s9 =	smul.u32 $0xF7A, s1;
	s8 =	simm.s32 @!p0 $0x1BF5;
	p2 =	por !p2, p0  }
0x20: {  	[sflag:s8] =	ssyncset.s32 @!p0 $0xFFFFF086;
	s6 =	sadd.s32 @!p0 s3, s7;
	s7 =	simm.s32 @!p0 $0x108  }
0x21: {  	s3 =	sadd.s32 s3, s9;
	s6 =	sadd.s32 @!p0 $0x88, s6;
	s7 =	simm.s32 @p2 $0x1082  }
0x22: {  	[simem:s7], [sflag:s8] =	dma.local @!p0 [hbm:s6], $0xF7A  }
0x23: {  	s9 =	sor.u32 $0xD0000000, s2;
	s6 =	simm.s32 $0x108;
	_ =	swait.ge @!p0 [sflag:s8], $0x0  }
0x24: {  	s3 =	sadd.s32 $0x88, s3;
	s6 =	simm.s32 @!p1 $0x1082;
	[sflag:s4] =	ssyncset.s32 $0xFFFFF086  }
0x25: {  	[simem:s6], [sflag:s4] =	dma.local [hbm:s3], $0xF7A  }
0x26: {  	[smem:$0x3F99] =	sst s1;
	(tag) =	ssettag s2;
	_ =	strace s9  }
0x27: {  	s1 =	sld [smem:$0x3FA9]  }
0x28: {  	s2 =	sld [smem:$0x3FAA]  }
0x29: {  	s4 =	sld [smem:$0x3FAC]  }
0x2a: {  	p0 =	seq.s32 s5, $0x0;
	s5 =	sld [smem:$0x3FAD]  }
0x2b: {  	s6 =	sld [smem:$0x3FAE]  }
0x2c: {  	s7 =	sld [smem:$0x3FAF]  }
0x2d: {  	s3 =	simm.s32 $0x108;
	s8 =	sld [smem:$0x3FB0]  }
0x2e: {  	s3 =	simm.s32 @!p0 $0x1082;
	s9 =	sld [smem:$0x3FB1]  }
0x2f: {  	lr =	sadd.s32 s0, s3;
	s0 =	sld [smem:$0x3FA8]  }
0x30: {  	s3 =	sld [smem:$0x3FAB]  }
0x31: {  	[smem:$0x3FB4] =	sst s10  }
0x32: {  	s10 =	sld [smem:$0x3FB2];
	_ =	sdelay $0x3  }
0x33: {  	p0 =	seq.s32 s10, $0x1;
	s10 =	sld [smem:$0x3FB4];
	_ =	sdelay $0x3  }
0x34: {  	[smem:$0x3FB4] =	sst s10  }
0x35: {  	s10 =	sld [smem:$0x3FB3];
	_ =	sdelay $0x3  }
0x36: {  	p1 =	seq.s32 s10, $0x1;
	s10 =	sld [smem:$0x3FB4];
	_ =	sdelay $0x3  }
0x37: {  	[smem:$0x3FB4] =	sst s10  }
0x38: {  	s10 =	sld [smem:$0x3FB5]  }
0x39: {  	_ = 	snop;
	(pc) =	sbr.ind lr, $3  }
0x3a: {  	_ = 	snop  }
0x3b: {  	_ = 	snop  }
0x3c: {  	p2 =	seq.s32 s10, $0x1;
	s10 =	sld [smem:$0x3FB4]  }
0x3d: {  	_ =	shalt  }
0x3e: {  	_ =	shalt  }
0x3f: {  	_ =	shalt  }
0x40: {  	_ =	shalt  }
0x41: {  	_ =	shalt  }
0x42: {  	_ =	shalt  }
0x43: {  	_ =	shalt  }
0x44: {  	_ =	shalt  }
0x45: {  	_ =	shalt  }
0x46: {  	_ =	shalt  }
0x47: {  	_ =	shalt  }
0x48: {  	_ =	shalt  }
0x49: {  	_ =	shalt  }
0x4a: {  	_ =	shalt  }
0x4b: {  	_ =	shalt  }
0x4c: {  	_ =	shalt  }
0x4d: {  	_ =	shalt  }
0x4e: {  	_ =	shalt  }
0x4f: {  	_ =	shalt  }
0x50: {  	_ =	shalt  }
0x51: {  	_ =	shalt  }
0x52: {  	_ =	shalt  }
0x53: {  	_ =	shalt  }
0x54: {  	_ =	shalt  }
0x55: {  	_ =	shalt  }
0x56: {  	_ =	shalt  }
0x57: {  	_ =	shalt  }
0x58: {  	_ =	shalt  }
0x59: {  	_ =	shalt  }
0x5a: {  	_ =	shalt  }
0x5b: {  	_ =	shalt  }
0x5c: {  	_ =	shalt  }
0x5d: {  	_ =	shalt  }
0x5e: {  	_ =	shalt  }
0x5f: {  	_ =	shalt  }
0x60: {  	_ =	shalt  }
0x61: {  	_ =	shalt  }
0x62: {  	_ =	shalt  }
0x63: {  	_ =	shalt  }
0x64: {  	_ =	shalt  }
0x65: {  	_ =	shalt  }
0x66: {  	_ =	shalt  }
0x67: {  	_ =	shalt  }
0x68: {  	_ =	shalt  }
0x69: {  	_ =	shalt  }
0x6a: {  	_ =	shalt  }
0x6b: {  	_ =	shalt  }
0x6c: {  	_ =	shalt  }
0x6d: {  	_ =	shalt  }
0x6e: {  	_ =	shalt  }
0x6f: {  	_ =	shalt  }
0x70: {  	_ =	shalt  }
0x71: {  	_ =	shalt  }
0x72: {  	_ =	shalt  }
0x73: {  	_ =	shalt  }
0x74: {  	_ =	shalt  }
0x75: {  	_ =	shalt  }
0x76: {  	_ =	shalt  }
0x77: {  	_ =	shalt  }
0x78: {  	_ =	shalt  }
0x79: {  	_ =	shalt  }
0x7a: {  	_ =	shalt  }
0x7b: {  	_ =	shalt  }
0x7c: {  	_ =	shalt  }
0x7d: {  	_ =	shalt  }
0x7e: {  	_ =	shalt  }
0x7f: {  	_ =	shalt  }
0x80: {  	_ =	shalt  }
0x81: {  	_ =	shalt  }
0x82: {  	_ =	shalt  }
0x83: {  	_ =	shalt  }
0x84: {  	_ =	shalt  }
0x85: {  	_ =	shalt  }
0x86: {  	_ =	shalt  }
0x87: {  	_ =	shalt  }
.Lfunc_end0:
.L_simem_size_0:
called_computation.1_lowered:
.L_overlay_start_0:
0x88: {  	s2 =	sld [smem:$0x3FD9]  }
0x89: {  	s3 =	sld [smem:$0x3FFE];
	_ =	sdelay $0x1  }
0x8a: {  	s1 =	srdreg.scid  }
0x8b: {  	s0 =	sand.u32 $0x1, s1  }
0x8c: {  	s17 =	sshll.u32 s0, $0xA;
	s2 =	sadd.s32 s3, s2  }
0x8d: {  	s2 =	sadd.s32 s2, s17  }
0x8e: {  	[smem:$0x3FC0] =	sst s2  }
0x8f: {  	_ = 	snop  }
0x90: {  	s2 =	sld [smem:$0x3FD0];
	(tm) =	ssettm $0x1  }
0x91: {  	s18 =	sld [smem:$0x3FFB];
	_ =	sdelay $0x3  }
0x92: {  	_ =	strace s18  }
0x93: {  	s3 =	sld [smem:$0x3FFC];
	_ =	sdelay $0x3  }
0x94: {  	_ =	strace s3  }
0x95: {  	s3 =	sld [smem:$0x3FFD];
	_ =	sdelay $0x3  }
0x96: {  	_ =	strace s3  }
0x97: {  	_ =	strace $0x8FFFFFFF  }
0x98: {  	s19 =	sld [smem:$0x3FDB];
	_ =	sdelay $0x1  }
0x99: {  	s4 =	simm.s32 $_scs_section_size  }
0x9a: {  	s5 =	simm.s32 $_size__tile_overlayer_lowered;
	s6 =	simm.s32 $_tile_overlayer_lowered  }
0x9b: {  	s22 =	simm.s32 $0x1BFF;
	s21 =	sshll.u32 s6, $0x1;
	s3 =	sadd.s32 s4, s19  }
0x9c: {  	s7 =	simm.s32 $0x0;
	s20 =	sshll.u32 s5, $0x1;
	s5 =	sadd.s32 s21, s3  }
0x9d: {  	[timem:s7], [sflag:s22] =	dma.local [hbm:s5], s20  }
0x9e: {  	_ =	swait.ge [sflag:s22], s20  }
0x9f: {  	s4 =	ssub.s32 $0x0, s20;
	[sflag:s22] =	ssyncset.done $0x0  }
0xa0: {  	[sflag:s22] =	ssyncadd.s32 s4;
	_ =	sdelay $0x1  }
0xa1: {  	s23 =	simm.s32 $0x1B8B  }
0xa2: {  	_ =	swait.ge [sflag:s23], $0x1  }
0xa3: {  	[sflag:s23] =	ssyncset.done $0x0  }
0xa4: {  	s25 =	simm.s32 $0x1B8E;
	s24 =	sld [smem:$0x3FFE];
	[sflag:s23] =	ssyncadd.s32 $0xFFFFFFFF  }
0xa5: {  	s26 =	simm.s32 $execute0_lowered;
	[smem:$0x3FD2] =	sst s25  }
0xa6: {  	s5 =	sshll.u32 s26, $0x1;
	_ =	strace $0x80000049;
	[dreg:$0x1] =	wrdreg $0xFFFFFFFF  }
0xa7: {  	s28 =	simm.s32 $_size_execute0_lowered;
	s3 =	sadd.s32 s3, s5;
	[dreg:$0x0] =	wrdreg $0x0  }
0xa8: {  	s5 =	sshll.u32 s28, $0x1;
	[dreg:$0x2] =	wrdreg s3  }
0xa9: {  	[dreg:$0x3] =	wrdreg s5  }
0xaa: {  	[dreg:$0x4] =	wrdreg $0xC0  }
0xab: {  	_ =	task [dreg:s7], $0x5FFFF  }
0xac: {  	[dreg:$0x1] =	wrdreg $0xFFFFFFFF  }
0xad: {  	[dreg:$0x0] =	wrdreg $0x60  }
0xae: {  	[dreg:$0x2] =	wrdreg s24  }
0xaf: {  	[dreg:$0x3] =	wrdreg s2  }
0xb0: {  	[dreg:$0x4] =	wrdreg $0x9  }
0xb1: {  	_ =	task.clear_ibuf [dreg:s7], $0x5FFFF;
	_ =	strace $0x90000049  }
0xb2: {  	s29 =	simm.s32 $0x9;
	_ =	strace $0x8000004B  }
0xb3: {  	_ =	swait.ge [sflag:s29], $0x1  }
0xb4: {  	[sflag:s29] =	ssyncadd.s32 $0xFFFFFFFF  }
0xb5: {  	_ =	strace $0x9000004B  }
0xb6: {  	_ =	sfence  }
0xb7: {  	s30 =	sld [smem:$0x0];
	_ =	sdelay $0x2  }
0xb8: {  	s31 =	sshll.u32 s1, $0xD;
	s1 =	sshrl.u32 s1, $0x2  }
0xb9: {  	s3 =	sand.u32 $0x4000, s31;
	s1 =	sadd.s32 s1, s30  }
0xba: {  	s0 =	sor.u32 s3, s0;
	s1 =	sshll.u32 s1, $0x11  }
0xbb: {  	s0 =	sor.u32 s1, s0  }
0xbc: {  	s0 =	sadd.s32 $0x8F2B, s0  }
0xbd: {  	[sflag:s0] =	ssyncadd.remote.s32 $0x1  }
0xbe: {  	_ =	sfence.sel $0xFFFF  }
0xbf: {  	[dreg:$0x0] =	wrdreg $0xFFFFFFFF;
	(pc) =	sbr.abs _section_cstart, $3  }
0xc0: {  	[dreg:$0x1] =	wrdreg $0xFFFFFFFF  }
0xc1: {  	_ =	task.clear_ibuf [dreg:s7], $0x2FFFF;
	_ =	strace $0x9FFFFFFF  }
0xc2: {  	(tm) =	ssettm $0x7FFFFFFF  }
0xc3: {  	_ =	shalt  }
tec
execute0_lowered:
.L_overlay_start_1:
0x0: {  	(tag) =	ssettag $0x1  }
0x1: {  	v0 =	vlaneseq.u32  }
0x2: {  	v2 =	vimm.s32 $0x0;
	v3 =	vimm.f32 $0.0e+00;
	vm0 =	vmmov $0xffff  }
0x3: {  	v4 =	vshrl.u32 v0, $0x2;
	v7 =	vshrl.u32 v0, $0x3;
	v5 =	vand.u32 $0x3, v0  }
0x4: {  	s0 =	rddreg [dreg:$0x0];
	v6 =	vand.u32 $0x7, v0;
	v8 =	vor.u32 $0x8, v0;
	v9 =	vor.u32 $0x10, v0  }
0x5: {  	s1 =	rddreg [dreg:$0x1];
	s2 =	simm.s32 $0x0;
	s24 =	srdreg.scid;
	v10 =	vor.u32 $0x20, v0;
	v11 =	vor.u32 $0x30, v0;
	v12 =	vor.u32 $0x40, v0  }
0x6: {  	s5 =	stileid.u32;
	s28 =	simm.s32 $0x3;
	s19 =	simm.s32 $0x18F00;
	v13 =	vor.u32 $0x50, v0;
	v14 =	vor.u32 $0x60, v0;
	v15 =	vor.u32 $0x70, v0  }
0x7: {  	s21 =	simm.s32 $0x19700;
	s29 =	simm.s32 $0x2800;
	s7 =	simm.s32 $0x16680;
	v16 =	vor.u32 $0x80, v0;
	v17 =	vor.u32 $0x90, v0;
	v18 =	vor.u32 $0xA0, v0  }
0x8: {  	s9 =	simm.s32 $0x6180;
	s10 =	simm.s32 $0x15180;
	[smem:$0x7FF] =	sst s2;
	v19 =	vor.u32 $0xB0, v0;
	v20 =	vor.u32 $0xC0, v0;
	v21 =	vor.u32 $0xD0, v0  }
0x9: {  	s20 =	simm.s32 $0x100;
	s22 =	sadd.s32 $0x3A00, s0;
	s6 =	sadd.s32 $0x54AA00, s0;
	v22 =	vor.u32 $0xE0, v0;
	v23 =	vor.u32 $0xF0, v0;
	v24 =	vor.u32 $0x100, v0  }
0xa: {  	s31 =	simm.s32 $0x0;
	s23 =	sadd.s32 $0xD800, s0;
	s3 =	sadd.s32 $0x571C00, s0;
	v25 =	vor.u32 $0x110, v0;
	v26 =	vor.u32 $0x120, v0;
	v27 =	vor.u32 $0x130, v0  }
0xb: {  	s2 =	sand.u32 $0x1, s24;
	v28 =	vor.u32 $0x140, v0;
	v29 =	vor.u32 $0x150, v0;
	v30 =	vor.u32 $0x160, v0;
	_ =	strace $0x8000004A;
	[dreg:$0x3] =	wrdreg s22  }
0xc: {  	s8 =	sadd.s32 $0x598E00, s0;
	s4 =	sadd.s32 $0x17600, s0;
	v31 =	vor.u32 $0x170, v0;
	v32 =	vor.u32 $0x180, v0;
	v33 =	vor.u32 $0x190, v0;
	[dreg:$0x4] =	wrdreg s23  }
0xd: {  	s5 =	sshll.u32 s5, $0x1;
	s0 =	sadd.s32 $0x101C00, s0;
	v34 =	vor.u32 $0x1A0, v0;
	v35 =	vor.u32 $0x1B0, v0;
	v36 =	vor.u32 $0x1C0, v0;
	[dreg:$0x5] =	wrdreg s3  }
0xe: {  	s12 =	sadd.s32 $0x100, s1;
	s13 =	sadd.s32 $0x200, s1;
	v37 =	vor.u32 $0x1D0, v0;
	v38 =	vor.u32 $0x1E0, v0;
	v39 =	vor.u32 $0x1F0, v0;
	[dreg:$0x6] =	wrdreg s4  }
0xf: {  	v40 =	vor.u32 $0x200, v0;
	v41 =	vor.u32 $0x210, v0;
	v42 =	vor.u32 $0x220, v0;
	s24 =	simm.s32 $0x16600;
	s25 =	ssub.s32 $0x2, s2;
	[dreg:$0x7] =	wrdreg s0  }
.Ltmp0:
0x10: {  	v43 =	vor.u32 $0x230, v0;
	v44 =	vor.u32 $0x240, v0;
	v45 =	vor.u32 $0x250, v0;
	s4 =	sor.u32 s2, s5;
	s5 =	simm.s32 $0x2000;
	(pc) =	sbr.rel .LBB2_1-.Ltmp0, $4  }
0x11: {  	v46 =	vor.u32 $0x260, v0;
	v47 =	vor.u32 $0x270, v0;
	v48 =	vor.u32 $0x280, v0;
	s22 =	simm.s32 $0x40;
	s26 =	sshrl.u32 s25, $0x1;
	s2 =	smul.u32 $0x12C, s4  }
0x12: {  	v49 =	vor.u32 $0x290, v0;
	v50 =	vor.u32 $0x2A0, v0;
	v51 =	vor.u32 $0x2B0, v0;
	s23 =	simm.s32 $0x16580;
	[dreg:$0xa] =	wrdreg s31;
	s30 =	ssub.s32 s25, s26  }
0x13: {  	v52 =	vor.u32 $0x2C0, v0;
	v53 =	vor.u32 $0x2D0, v0;
	[dreg:$0x8] =	wrdreg s4;
	s25 =	simm.s32 $0x4;
	s0 =	smax.u32 s30, $0x1;
	v1 =	vadd.s32 s2, v0  }
0x14: {  	v54 =	vor.u32 $0x2E0, v0;
	v55 =	vor.u32 $0x2F0, v0;
	v7 =	vmul.u32 $0x8, v7;
	s26 =	simm.s32 $0x5;
	s2 =	simm.s32 $0x3800;
	[dreg:$0x9] =	wrdreg s0;
	[tilespmem:$0x1FFF0] =	vst v1  }
.LBB2_31:
0x15: {  	s3 =	rddreg [dreg:$0xa]  }
0x16: {  	s0 =	rddreg [dreg:$0x9];
	s3 =	sadd.s32 $0x1, s3  }
0x17: {  	p0 =	sne.s32 s3, s0  }
.Ltmp1:
0x18: {  	_ = 	snop;
	(pc) =	sbr.rel @!p0 .LBB2_32-.Ltmp1, $2  }
0x19: {  	_ =	sdelay $0x2  }
0x1a: {  	[dreg:$0xa] =	wrdreg s3  }
.LBB2_1:
0x1b: {  	s0 =	simm.s32 $0x0  }
.LBB2_2:
0x1c: {  	p0 =	sne.s32 s0, $0x1F40  }
.Ltmp2:
0x1d: {  	_ = 	snop;
	(pc) =	sbr.rel @p0 .LBB2_2-.Ltmp2, $4  }
0x1e: {  	s3 =	sshra.s32 s0, $0x2  }
0x1f: {  	[tilespmem:s3+$0x2000] =	vst v2  }
0x20: {  	[tilespmem:s3+$0x2800] =	vst v2  }
0x21: {  	s0 =	sadd.s32 $0x40, s0;
	[tilespmem:s3+$0x3000] =	vst v2  }
.Ltmp3:
0x22: {  	(pc) =	sbr.rel .LBB2_4-.Ltmp3, $2  }
0x23: {  	_ =	sdelay $0x2  }
0x24: {  	s3 =	simm.s32 $0x0  }
.LBB2_29:
0x25: {  	s11 =	rddreg [dreg:$0xc]  }
0x26: {  	s0 =	smul.u32 $0x1E00, s11  }
0x27: {  	s3 =	rddreg [dreg:$0x6]  }
0x28: {  	s17 =	simm.s32 $0x0;
	s4 =	simm.s32 $0x7;
	s0 =	sadd.s32 s3, s0  }
0x29: {  	[hbm4b:s0+s17] =	stream.linear.scatter [tilespmem:s9], [sflag:$0x7], $0xF000, $0x38;
	[tilespmem:$0x19900] =	vst v63  }
0x2a: {  	s18 =	smul.u32 $0x280, s11;
	_ =	swait.ge [sflag:s4], $0xF000  }
0x2b: {  	[sflag:s4] =	ssyncset.done $0x0;
	s30 =	rddreg [dreg:$0x7]  }
0x2c: {  	s31 =	simm.s32 $0x6;
	[sflag:s4] =	ssyncadd.s32 $0xFFFF1000;
	s0 =	sadd.s32 s30, s18  }
0x2d: {  	[hbm4b:s0+s17] =	stream.linear.scatter [tilespmem:s10], [sflag:$0x6], $0x1400, $0x38;
	[tilespmem:$0x19900] =	vst v63  }
0x2e: {  	_ =	swait.ge [sflag:s31], $0x1400  }
0x2f: {  	[sflag:s31] =	ssyncset.done $0x0;
	s4 =	rddreg [dreg:$0x8]  }
0x30: {  	s3 =	rddreg [dreg:$0xb];
	[sflag:s31] =	ssyncadd.s32 $0xFFFFEC00  }
.LBB2_30:
0x31: {  	s3 =	sadd.s32 $0x1, s3  }
0x32: {  	p0 =	sne.s32 s3, $0x4  }
.Ltmp4:
0x33: {  	_ = 	snop;
	(pc) =	sbr.rel @!p0 .LBB2_31-.Ltmp4, $1  }
0x34: {  	_ =	sdelay $0x3  }
.LBB2_4:
0x35: {  	s0 =	sshll.u32 s3, $0x5  }
0x36: {  	s15 =	sor.u32 s4, s0  }
0x37: {  	p0 =	sgt.u32 s15, $0x7C  }
.Ltmp5:
0x38: {  	_ = 	snop;
	(pc) =	sbr.rel @p0 .LBB2_30-.Ltmp5, $1  }
0x39: {  	_ =	sdelay $0x3  }
0x3a: {  	[tilespmem:$0x3800] =	vst v3  }
0x3b: {  	[tilespmem:$0x3810] =	vst v3  }
0x3c: {  	[tilespmem:$0x3820] =	vst v3  }
0x3d: {  	[tilespmem:$0x3830] =	vst v3  }
0x3e: {  	[tilespmem:$0x3840] =	vst v3  }
0x3f: {  	[tilespmem:$0x3850] =	vst v3  }
0x40: {  	[tilespmem:$0x3860] =	vst v3  }
0x41: {  	[tilespmem:$0x3870] =	vst v3  }
0x42: {  	[tilespmem:$0x3880] =	vst v3  }
0x43: {  	[tilespmem:$0x3890] =	vst v3  }
0x44: {  	[tilespmem:$0x38A0] =	vst v3  }
0x45: {  	[tilespmem:$0x38B0] =	vst v3  }
0x46: {  	[tilespmem:$0x38C0] =	vst v3  }
0x47: {  	[tilespmem:$0x38D0] =	vst v3  }
0x48: {  	[tilespmem:$0x38E0] =	vst v3  }
0x49: {  	[tilespmem:$0x38F0] =	vst v3  }
0x4a: {  	[tilespmem:$0x3900] =	vst v3  }
0x4b: {  	[tilespmem:$0x3910] =	vst v3;
	s0 =	smul.u32 $0x140, s15  }
0x4c: {  	[dreg:$0xb] =	wrdreg s3;
	[tilespmem:$0x3920] =	vst v3  }
0x4d: {  	[tilespmem:$0x3930] =	vst v3;
	s11 =	rddreg [dreg:$0x5];
	s0 =	sshrl.u32 s0, $0x3  }
0x4e: {  	[tilespmem:$0x3940] =	vst v3;
	s3 =	simm.s32 $0x3980;
	s4 =	sadd.s32 s11, s0;
	s0 =	simm.s32 $0x0  }
0x4f: {  	[tilespmem:s3], [sflag:$0x3] =	stream.linear.gather [hbm4b:s4+s0], $0x140, $0x38;
	[tilespmem:$0x19900] =	vst v63  }
0x50: {  	s14 =	simm.s32 $0x3AC0;
	s11 =	sadd.s32 $0x1388, s4  }
0x51: {  	[tilespmem:s14], [sflag:$0x3] =	stream.linear.gather [hbm4b:s11+s0], $0x140, $0x38;
	[tilespmem:$0x19900] =	vst v63  }
0x52: {  	s16 =	simm.s32 $0x3C00;
	s14 =	sadd.s32 $0x2710, s4  }
0x53: {  	[tilespmem:s16], [sflag:$0x3] =	stream.linear.gather [hbm4b:s14+s0], $0x140, $0x38;
	[tilespmem:$0x19900] =	vst v63  }
0x54: {  	s18 =	simm.s32 $0x3D40;
	s17 =	sadd.s32 $0x3A98, s4  }
0x55: {  	[tilespmem:s18], [sflag:$0x3] =	stream.linear.gather [hbm4b:s17+s0], $0x140, $0x38;
	[tilespmem:$0x19900] =	vst v63  }
0x56: {  	s31 =	simm.s32 $0x3E80;
	s30 =	sadd.s32 $0x4E20, s4  }
0x57: {  	[tilespmem:s31], [sflag:$0x3] =	stream.linear.gather [hbm4b:s30+s0], $0x140, $0x38;
	[tilespmem:$0x19900] =	vst v63  }
0x58: {  	s14 =	sadd.s32 $0x61A8, s4;
	s16 =	simm.s32 $0x3FC0  }
0x59: {  	[tilespmem:s16], [sflag:$0x3] =	stream.linear.gather [hbm4b:s14+s0], $0x140, $0x38;
	[tilespmem:$0x19900] =	vst v63  }
0x5a: {  	s17 =	sadd.s32 $0x7530, s4;
	s18 =	simm.s32 $0x4100  }
0x5b: {  	[tilespmem:s18], [sflag:$0x3] =	stream.linear.gather [hbm4b:s17+s0], $0x140, $0x38;
	[tilespmem:$0x19900] =	vst v63  }
0x5c: {  	s30 =	sadd.s32 $0x88B8, s4;
	s31 =	simm.s32 $0x4240  }
0x5d: {  	[tilespmem:s31], [sflag:$0x3] =	stream.linear.gather [hbm4b:s30+s0], $0x140, $0x38;
	[tilespmem:$0x19900] =	vst v63  }
0x5e: {  	s14 =	sadd.s32 $0x9C40, s4;
	s16 =	simm.s32 $0x4380  }
0x5f: {  	[tilespmem:s16], [sflag:$0x3] =	stream.linear.gather [hbm4b:s14+s0], $0x140, $0x38;
	[tilespmem:$0x19900] =	vst v63  }
0x60: {  	s17 =	sadd.s32 $0xAFC8, s4;
	s18 =	simm.s32 $0x44C0  }
0x61: {  	[tilespmem:s18], [sflag:$0x3] =	stream.linear.gather [hbm4b:s17+s0], $0x140, $0x38;
	[tilespmem:$0x19900] =	vst v63  }
0x62: {  	s30 =	sadd.s32 $0xC350, s4;
	s31 =	simm.s32 $0x4600  }
0x63: {  	[tilespmem:s31], [sflag:$0x3] =	stream.linear.gather [hbm4b:s30+s0], $0x140, $0x38;
	[tilespmem:$0x19900] =	vst v63  }
0x64: {  	s14 =	sadd.s32 $0xD6D8, s4;
	s16 =	simm.s32 $0x4740  }
0x65: {  	[tilespmem:s16], [sflag:$0x3] =	stream.linear.gather [hbm4b:s14+s0], $0x140, $0x38;
	[tilespmem:$0x19900] =	vst v63  }
0x66: {  	s17 =	sadd.s32 $0xEA60, s4;
	s18 =	simm.s32 $0x4880  }
0x67: {  	[tilespmem:s18], [sflag:$0x3] =	stream.linear.gather [hbm4b:s17+s0], $0x140, $0x38;
	[tilespmem:$0x19900] =	vst v63  }
0x68: {  	s30 =	sadd.s32 $0xFDE8, s4;
	s31 =	simm.s32 $0x49C0  }
0x69: {  	[tilespmem:s31], [sflag:$0x3] =	stream.linear.gather [hbm4b:s30+s0], $0x140, $0x38;
	[tilespmem:$0x19900] =	vst v63  }
0x6a: {  	s14 =	sadd.s32 $0x11170, s4;
	s16 =	simm.s32 $0x4B00  }
0x6b: {  	[tilespmem:s16], [sflag:$0x3] =	stream.linear.gather [hbm4b:s14+s0], $0x140, $0x38;
	[tilespmem:$0x19900] =	vst v63  }
0x6c: {  	s17 =	sadd.s32 $0x124F8, s4;
	s18 =	simm.s32 $0x4C40  }
0x6d: {  	[tilespmem:s18], [sflag:$0x3] =	stream.linear.gather [hbm4b:s17+s0], $0x140, $0x38;
	[tilespmem:$0x19900] =	vst v63  }
0x6e: {  	s30 =	sadd.s32 $0x13880, s4;
	s31 =	simm.s32 $0x4D80  }
0x6f: {  	[tilespmem:s31], [sflag:$0x3] =	stream.linear.gather [hbm4b:s30+s0], $0x140, $0x38;
	[tilespmem:$0x19900] =	vst v63  }
0x70: {  	s14 =	sadd.s32 $0x14C08, s4;
	s16 =	simm.s32 $0x4EC0  }
0x71: {  	[tilespmem:s16], [sflag:$0x3] =	stream.linear.gather [hbm4b:s14+s0], $0x140, $0x38;
	[tilespmem:$0x19900] =	vst v63  }
0x72: {  	s17 =	sadd.s32 $0x15F90, s4;
	s18 =	simm.s32 $0x5000  }
0x73: {  	[tilespmem:s18], [sflag:$0x3] =	stream.linear.gather [hbm4b:s17+s0], $0x140, $0x38;
	[tilespmem:$0x19900] =	vst v63  }
0x74: {  	s30 =	sadd.s32 $0x17318, s4;
	s31 =	simm.s32 $0x5140  }
0x75: {  	[tilespmem:s31], [sflag:$0x3] =	stream.linear.gather [hbm4b:s30+s0], $0x140, $0x38;
	[tilespmem:$0x19900] =	vst v63  }
0x76: {  	s14 =	sadd.s32 $0x186A0, s4;
	s16 =	simm.s32 $0x5280  }
0x77: {  	[tilespmem:s16], [sflag:$0x3] =	stream.linear.gather [hbm4b:s14+s0], $0x140, $0x38;
	[tilespmem:$0x19900] =	vst v63  }
0x78: {  	s17 =	sadd.s32 $0x19A28, s4;
	s18 =	simm.s32 $0x53C0  }
0x79: {  	[tilespmem:s18], [sflag:$0x3] =	stream.linear.gather [hbm4b:s17+s0], $0x140, $0x38;
	[tilespmem:$0x19900] =	vst v63  }
0x7a: {  	s30 =	sadd.s32 $0x1ADB0, s4;
	s31 =	simm.s32 $0x5500  }
0x7b: {  	[tilespmem:s31], [sflag:$0x3] =	stream.linear.gather [hbm4b:s30+s0], $0x140, $0x38;
	[tilespmem:$0x19900] =	vst v63  }
0x7c: {  	s14 =	sadd.s32 $0x1C138, s4;
	s16 =	simm.s32 $0x5640  }
0x7d: {  	[tilespmem:s16], [sflag:$0x3] =	stream.linear.gather [hbm4b:s14+s0], $0x140, $0x38;
	[tilespmem:$0x19900] =	vst v63  }
0x7e: {  	s17 =	sadd.s32 $0x1D4C0, s4;
	s18 =	simm.s32 $0x5780  }
0x7f: {  	[tilespmem:s18], [sflag:$0x3] =	stream.linear.gather [hbm4b:s17+s0], $0x140, $0x38;
	[tilespmem:$0x19900] =	vst v63  }
0x80: {  	s30 =	sadd.s32 $0x1E848, s4;
	s31 =	simm.s32 $0x58C0  }
0x81: {  	[tilespmem:s31], [sflag:$0x3] =	stream.linear.gather [hbm4b:s30+s0], $0x140, $0x38;
	[tilespmem:$0x19900] =	vst v63  }
0x82: {  	s14 =	sadd.s32 $0x1FBD0, s4;
	s16 =	simm.s32 $0x5A00  }
0x83: {  	[tilespmem:s16], [sflag:$0x3] =	stream.linear.gather [hbm4b:s14+s0], $0x140, $0x38;
	[tilespmem:$0x19900] =	vst v63  }
0x84: {  	s17 =	sadd.s32 $0x20F58, s4;
	s18 =	simm.s32 $0x5B40  }
0x85: {  	[tilespmem:s18], [sflag:$0x3] =	stream.linear.gather [hbm4b:s17+s0], $0x140, $0x38;
	[tilespmem:$0x19900] =	vst v63  }
0x86: {  	s30 =	sadd.s32 $0x222E0, s4;
	s31 =	simm.s32 $0x5C80  }
0x87: {  	[tilespmem:s31], [sflag:$0x3] =	stream.linear.gather [hbm4b:s30+s0], $0x140, $0x38;
	[tilespmem:$0x19900] =	vst v63  }
0x88: {  	s16 =	sadd.s32 $0x23668, s4;
	s17 =	simm.s32 $0x5DC0  }
0x89: {  	[tilespmem:s17], [sflag:$0x3] =	stream.linear.gather [hbm4b:s16+s0], $0x140, $0x38;
	[tilespmem:$0x19900] =	vst v63  }
0x8a: {  	s18 =	sadd.s32 $0x249F0, s4;
	s30 =	simm.s32 $0x5F00  }
0x8b: {  	[tilespmem:s30], [sflag:$0x3] =	stream.linear.gather [hbm4b:s18+s0], $0x140, $0x38;
	[tilespmem:$0x19900] =	vst v63  }
0x8c: {  	s4 =	sadd.s32 $0x25D78, s4;
	s31 =	simm.s32 $0x6040  }
0x8d: {  	[tilespmem:s31], [sflag:$0x3] =	stream.linear.gather [hbm4b:s4+s0], $0x140, $0x38;
	[tilespmem:$0x19900] =	vst v63  }
0x8e: {  	_ =	swait.ge [sflag:s28], $0x140  }
0x8f: {  	[sflag:s28] =	ssyncset.done $0x0  }
0x90: {  	[sflag:s28] =	ssyncadd.s32 $0xFFFFFEC0  }
0x91: {  	_ =	swait.ge [sflag:s28], $0x140  }
0x92: {  	[sflag:s28] =	ssyncset.done $0x0  }
0x93: {  	[sflag:s28] =	ssyncadd.s32 $0xFFFFFEC0  }
0x94: {  	_ =	swait.ge [sflag:s28], $0x140  }
0x95: {  	[sflag:s28] =	ssyncset.done $0x0  }
0x96: {  	[sflag:s28] =	ssyncadd.s32 $0xFFFFFEC0  }
0x97: {  	_ =	swait.ge [sflag:s28], $0x140  }
0x98: {  	[sflag:s28] =	ssyncset.done $0x0  }
0x99: {  	[sflag:s28] =	ssyncadd.s32 $0xFFFFFEC0  }
0x9a: {  	_ =	swait.ge [sflag:s28], $0x140  }
0x9b: {  	[sflag:s28] =	ssyncset.done $0x0  }
0x9c: {  	[sflag:s28] =	ssyncadd.s32 $0xFFFFFEC0  }
0x9d: {  	_ =	swait.ge [sflag:s28], $0x140  }
0x9e: {  	[sflag:s28] =	ssyncset.done $0x0  }
0x9f: {  	[sflag:s28] =	ssyncadd.s32 $0xFFFFFEC0  }
0xa0: {  	_ =	swait.ge [sflag:s28], $0x140  }
0xa1: {  	[sflag:s28] =	ssyncset.done $0x0  }
0xa2: {  	[sflag:s28] =	ssyncadd.s32 $0xFFFFFEC0  }
0xa3: {  	_ =	swait.ge [sflag:s28], $0x140  }
0xa4: {  	[sflag:s28] =	ssyncset.done $0x0  }
0xa5: {  	[sflag:s28] =	ssyncadd.s32 $0xFFFFFEC0  }
0xa6: {  	_ =	swait.ge [sflag:s28], $0x140  }
0xa7: {  	[sflag:s28] =	ssyncset.done $0x0  }
0xa8: {  	[sflag:s28] =	ssyncadd.s32 $0xFFFFFEC0  }
0xa9: {  	_ =	swait.ge [sflag:s28], $0x140  }
0xaa: {  	[sflag:s28] =	ssyncset.done $0x0  }
0xab: {  	[sflag:s28] =	ssyncadd.s32 $0xFFFFFEC0  }
0xac: {  	_ =	swait.ge [sflag:s28], $0x140  }
0xad: {  	[sflag:s28] =	ssyncset.done $0x0  }
0xae: {  	[sflag:s28] =	ssyncadd.s32 $0xFFFFFEC0  }
0xaf: {  	_ =	swait.ge [sflag:s28], $0x140  }
0xb0: {  	[sflag:s28] =	ssyncset.done $0x0  }
0xb1: {  	[sflag:s28] =	ssyncadd.s32 $0xFFFFFEC0  }
0xb2: {  	_ =	swait.ge [sflag:s28], $0x140  }
0xb3: {  	[sflag:s28] =	ssyncset.done $0x0  }
0xb4: {  	[sflag:s28] =	ssyncadd.s32 $0xFFFFFEC0  }
0xb5: {  	_ =	swait.ge [sflag:s28], $0x140  }
0xb6: {  	[sflag:s28] =	ssyncset.done $0x0  }
0xb7: {  	[sflag:s28] =	ssyncadd.s32 $0xFFFFFEC0  }
0xb8: {  	_ =	swait.ge [sflag:s28], $0x140  }
0xb9: {  	[sflag:s28] =	ssyncset.done $0x0  }
0xba: {  	[sflag:s28] =	ssyncadd.s32 $0xFFFFFEC0  }
0xbb: {  	_ =	swait.ge [sflag:s28], $0x140  }
0xbc: {  	[sflag:s28] =	ssyncset.done $0x0  }
0xbd: {  	[sflag:s28] =	ssyncadd.s32 $0xFFFFFEC0  }
0xbe: {  	_ =	swait.ge [sflag:s28], $0x140  }
0xbf: {  	[sflag:s28] =	ssyncset.done $0x0  }
0xc0: {  	[sflag:s28] =	ssyncadd.s32 $0xFFFFFEC0  }
0xc1: {  	_ =	swait.ge [sflag:s28], $0x140  }
0xc2: {  	[sflag:s28] =	ssyncset.done $0x0  }
0xc3: {  	[sflag:s28] =	ssyncadd.s32 $0xFFFFFEC0  }
0xc4: {  	_ =	swait.ge [sflag:s28], $0x140  }
0xc5: {  	[sflag:s28] =	ssyncset.done $0x0  }
0xc6: {  	[sflag:s28] =	ssyncadd.s32 $0xFFFFFEC0  }
0xc7: {  	_ =	swait.ge [sflag:s28], $0x140  }
0xc8: {  	[sflag:s28] =	ssyncset.done $0x0  }
0xc9: {  	[sflag:s28] =	ssyncadd.s32 $0xFFFFFEC0  }
0xca: {  	_ =	swait.ge [sflag:s28], $0x140  }
0xcb: {  	[sflag:s28] =	ssyncset.done $0x0  }
0xcc: {  	[sflag:s28] =	ssyncadd.s32 $0xFFFFFEC0  }
0xcd: {  	_ =	swait.ge [sflag:s28], $0x140  }
0xce: {  	[sflag:s28] =	ssyncset.done $0x0  }
0xcf: {  	[sflag:s28] =	ssyncadd.s32 $0xFFFFFEC0  }
0xd0: {  	_ =	swait.ge [sflag:s28], $0x140  }
0xd1: {  	[sflag:s28] =	ssyncset.done $0x0  }
0xd2: {  	[sflag:s28] =	ssyncadd.s32 $0xFFFFFEC0  }
0xd3: {  	_ =	swait.ge [sflag:s28], $0x140  }
0xd4: {  	[sflag:s28] =	ssyncset.done $0x0  }
0xd5: {  	[sflag:s28] =	ssyncadd.s32 $0xFFFFFEC0  }
0xd6: {  	_ =	swait.ge [sflag:s28], $0x140  }
0xd7: {  	[sflag:s28] =	ssyncset.done $0x0  }
0xd8: {  	[sflag:s28] =	ssyncadd.s32 $0xFFFFFEC0  }
0xd9: {  	_ =	swait.ge [sflag:s28], $0x140  }
0xda: {  	[sflag:s28] =	ssyncset.done $0x0  }
0xdb: {  	[sflag:s28] =	ssyncadd.s32 $0xFFFFFEC0  }
0xdc: {  	_ =	swait.ge [sflag:s28], $0x140  }
0xdd: {  	[sflag:s28] =	ssyncset.done $0x0  }
0xde: {  	[sflag:s28] =	ssyncadd.s32 $0xFFFFFEC0  }
0xdf: {  	_ =	swait.ge [sflag:s28], $0x140  }
0xe0: {  	[sflag:s28] =	ssyncset.done $0x0  }
0xe1: {  	[sflag:s28] =	ssyncadd.s32 $0xFFFFFEC0  }
0xe2: {  	_ =	swait.ge [sflag:s28], $0x140  }
0xe3: {  	[sflag:s28] =	ssyncset.done $0x0  }
0xe4: {  	[sflag:s28] =	ssyncadd.s32 $0xFFFFFEC0  }
0xe5: {  	_ =	swait.ge [sflag:s28], $0x140  }
0xe6: {  	[sflag:s28] =	ssyncset.done $0x0  }
0xe7: {  	[sflag:s28] =	ssyncadd.s32 $0xFFFFFEC0  }
0xe8: {  	_ =	swait.ge [sflag:s28], $0x140  }
0xe9: {  	[sflag:s28] =	ssyncset.done $0x0  }
0xea: {  	[sflag:s28] =	ssyncadd.s32 $0xFFFFFEC0  }
0xeb: {  	_ =	swait.ge [sflag:s28], $0x140  }
0xec: {  	[sflag:s28] =	ssyncset.done $0x0  }
0xed: {  	[sflag:s28] =	ssyncadd.s32 $0xFFFFFEC0  }
.LBB2_6:
0xee: {  	v56 =	vmov s3;
	_ =	sdelay $0x3  }
0xef: {  	s4 =	simm.s32 $0x0;
	s11 =	simm.s32 $0x40  }
.LBB2_7:
0xf0: {  	p0 =	sne.s32 s11, $0x4C0;
	v57 =	vld.idx.msk [tilespmem:v56+s4+$0x0 ss:$0x1], $0xffff  }
0xf1: {  	v58 =	vld [tilespmem:s4+$0x3800];
	_ =	sdelay $0x2  }
.Ltmp6:
0xf2: {  	(pc) =	sbr.rel @p0 .LBB2_7-.Ltmp6, $3  }
0xf3: {  	_ = 	snop  }
0xf4: {  	v57 =	vadd.f32 v57, v58;
	_ =	sdelay $0x1  }
0xf5: {  	[tilespmem:s4+$0x3800] =	vst v57;
	s4 =	sshra.s32 s11, $0x2;
	s11 =	sadd.s32 $0x40, s11  }
0xf6: {  	_ =	sdelay $0x3  }
0xf7: {  	v56 =	vld.idx.msk [tilespmem:v56+s4+$0x0 ss:$0x1], $0xffff  }
0xf8: {  	v57 =	vld [tilespmem:s4+$0x3800]  }
0xf9: {  	s0 =	sadd.s32 $0x1, s0  }
0xfa: {  	p0 =	sne.s32 s0, $0x20  }
.Ltmp7:
0xfb: {  	_ = 	snop;
	(pc) =	sbr.rel @p0 .LBB2_6-.Ltmp7, $3  }
0xfc: {  	_ = 	snop  }
0xfd: {  	v56 =	vadd.f32 v56, v57;
	_ =	sdelay $0x1  }
0xfe: {  	s3 =	sadd.s32 $0x140, s3;
	[tilespmem:s4+$0x3800] =	vst v56  }
0xff: {  	s0 =	simm.s32 $0x40;
	s3 =	simm.s32 $0x0  }
.LBB2_10:
0x100: {  	p0 =	sne.s32 s0, $0x3BFC0;
	[tilespmem:s3+$0x6180] =	vst v3;
	s3 =	smov.u32 s0;
	s0 =	sadd.s32 $0x40, s0  }
.Ltmp8:
0x101: {  	(pc) =	sbr.rel @p0 .LBB2_10-.Ltmp8, $2  }
0x102: {  	_ =	sdelay $0x2  }
0x103: {  	s3 =	sshra.s32 s3, $0x2  }
0x104: {  	[tilespmem:s3+$0x6180] =	vst v3;
	s0 =	simm.s32 $0x40;
	s3 =	simm.s32 $0x0  }
.LBB2_12:
0x105: {  	p0 =	sne.s32 s0, $0x4FC0;
	[tilespmem:s3+$0x15180] =	vst v3;
	s3 =	smov.u32 s0;
	s0 =	sadd.s32 $0x40, s0  }
.Ltmp9:
0x106: {  	(pc) =	sbr.rel @p0 .LBB2_12-.Ltmp9, $2  }
0x107: {  	_ =	sdelay $0x2  }
0x108: {  	s3 =	sshra.s32 s3, $0x2  }
0x109: {  	s0 =	rddreg [dreg:$0x3];
	s18 =	smul.u32 $0x50, s15  }
.Ltmp10:
0x10a: {  	[tilespmem:s3+$0x15180] =	vst v3;
	s11 =	simm.s32 $0x0;
	[dreg:$0xc] =	wrdreg s15;
	(pc) =	sbr.rel .LBB2_14-.Ltmp10, $4  }
0x10b: {  	[tilespmem:s11], [sflag:$0x1] =	stream.linear.gather [hbm4b:s0+s11], $0x7D0, $0x38;
	[tilespmem:$0x19900] =	vst v63  }
0x10c: {  	s30 =	rddreg [dreg:$0x4];
	s4 =	simm.s32 $0x1000;
	s31 =	simm.s32 $0x7D0  }
0x10d: {  	[tilespmem:s4], [sflag:$0x1] =	stream.linear.gather [hbm4b:s30+s11], $0x7D0, $0x38;
	[tilespmem:$0x19900] =	vst v63  }
0x10e: {  	s15 =	simm.s32 $0x0;
	[dreg:$0xd] =	wrdreg s31;
	v56 =	vmov s18;
	s4 =	simm.s32 $0x0  }
.LBB2_28:
0x10f: {  	s4 =	rddreg [dreg:$0xf]  }
0x110: {  	s4 =	sadd.s32 $0x1, s4  }
0x111: {  	p0 =	sne.s32 s4, $0x50  }
.Ltmp11:
0x112: {  	_ = 	snop;
	(pc) =	sbr.rel @!p0 .LBB2_29-.Ltmp11, $4  }
0x113: {  	_ = 	snop  }
0x114: {  	s0 =	rddreg [dreg:$0xd]  }
0x115: {  	s15 =	rddreg [dreg:$0xe];
	s0 =	sadd.s32 $0xFA0, s0  }
0x116: {  	v2 =	vimm.s32 $0x0;
	s15 =	sadd.s32 $0xFA0, s15;
	[dreg:$0xd] =	wrdreg s0  }
.LBB2_14:
0x117: {  	s3 =	simm.s32 $0x1  }
0x118: {  	_ =	swait.ge [sflag:s3], $0x7D0  }
0x119: {  	s0 =	smul.u32 $0xFA0, s4;
	s17 =	simm.s32 $0x800;
	[sflag:s3] =	ssyncset.done $0x0  }
0x11a: {  	s14 =	simm.s32 $0x0;
	[dreg:$0xf] =	wrdreg s4;
	[sflag:s3] =	ssyncadd.s32 $0xFFFFF830  }
0x11b: {  	_ =	swait.ge [sflag:s3], $0x7D0;
	[dreg:$0x10] =	wrdreg s0;
	s0 =	sshrl.u32 s0, $0x3  }
0x11c: {  	[sflag:s3] =	ssyncset.done $0x0;
	s0 =	sadd.s32 $0xFA, s0;
	s16 =	rddreg [dreg:$0x3]  }
0x11d: {  	s18 =	rddreg [dreg:$0x4];
	[sflag:s3] =	ssyncadd.s32 $0xFFFFF830;
	s3 =	sadd.s32 s16, s0  }
0x11e: {  	[tilespmem:s17], [sflag:$0x2] =	stream.linear.gather [hbm4b:s3+s14], $0x7D0, $0x38;
	[tilespmem:$0x19900] =	vst v63  }
0x11f: {  	s30 =	simm.s32 $0x1800;
	s31 =	simm.s32 $0x0;
	s0 =	sadd.s32 s18, s0  }
0x120: {  	[tilespmem:s30], [sflag:$0x2] =	stream.linear.gather [hbm4b:s0+s14], $0x7D0, $0x38;
	[tilespmem:$0x19900] =	vst v63  }
0x121: {  	v57 =	vld [tilespmem:s31+$0x0];
	_ =	sdelay $0x4  }
0x122: {  	v57 =	vsub.s32 v57, v56  }
0x123: {  	vm1 =	vlt.u32 v57, $0x50  }
0x124: {  	v63 =	vmpcnt.ones.xlane vm1  }
0x125: {  	v58 =	vor.u32 s15, v0  }
0x126: {  	[tilespmem:s14+$0x2000] =	vst.msk vm1, v58;
	(v2sf) =	vpush v63, $0x0  }
0x127: {  	[tilespmem:s14+$0x2800] =	vst.msk vm1, v57  }
0x128: {  	v57 =	vld [tilespmem:s31+$0x1000];
	_ =	sdelay $0x3  }
0x129: {  	s11 =	simm.s32 $0x80;
	s4 =	smov.u32 s15  }
0x12a: {  	[dreg:$0xe] =	wrdreg s15;
	s3 =	simm.s32 $0x0;
	s0 =	simm.s32 $0x10;
	[tilespmem:s14+$0x3000] =	vst.msk vm1, v57  }
.LBB2_15:
0x12b: {  	p0 =	sne.s32 s11, $0x1F00;
	v57 =	vld [tilespmem:s0+$0x0];
	_ =	sdelay $0x4  }
0x12c: {  	v57 =	vsub.s32 v57, v56  }
0x12d: {  	vm1 =	vlt.u32 v57, $0x50  }
0x12e: {  	s4 =	sadd.s32 $0x10, s4;
	v58 =	vmpcnt.ones.xlane vm1;
	s14 =	spop (v2sf)  }
0x12f: {  	v59 =	vor.u32 s4, v0;
	s3 =	sadd.s32 s3, s14  }
0x130: {  	[tilespmem:s3+$0x2000] =	vst.msk vm1, v59;
	(v2sf) =	vpush v58, $0x0  }
0x131: {  	[tilespmem:s3+$0x2800] =	vst.msk vm1, v57  }
0x132: {  	v57 =	vld [tilespmem:s0+$0x1000]  }
.Ltmp12:
0x133: {  	(pc) =	sbr.rel @p0 .LBB2_15-.Ltmp12, $2  }
0x134: {  	_ =	sdelay $0x2  }
0x135: {  	s0 =	sshra.s32 s11, $0x2;
	s11 =	sadd.s32 $0x40, s11;
	[tilespmem:s3+$0x3000] =	vst.msk vm1, v57  }
0x136: {  	v57 =	vld [tilespmem:s0+$0x0];
	_ =	sdelay $0x4  }
0x137: {  	v57 =	vsub.s32 v57, v56  }
0x138: {  	vm1 =	vlt.u32 v57, $0x50  }
0x139: {  	v58 =	vmpcnt.ones.xlane vm1;
	_ =	sdelay $0x1  }
0x13a: {  	(v2sf) =	vpush v58, $0x0;
	_ =	sdelay $0xd  }
0x13b: {  	s11 =	spop (v2sf)  }
0x13c: {  	s16 =	sadd.s32 s3, s11;
	s17 =	spop (v2sf)  }
0x13d: {  	s4 =	sadd.s32 $0x10, s4;
	s3 =	sadd.s32 s16, s17  }
0x13e: {  	v63 =	vor.u32 s4, v0;
	s18 =	sadd.s32 $0xF, s3  }
0x13f: {  	[tilespmem:s16+$0x2000] =	vst.msk vm1, v63;
	s30 =	sand.u32 $0xF, s18  }
0x140: {  	[tilespmem:s16+$0x2800] =	vst.msk vm1, v57;
	s31 =	sshra.s32 s18, $0x1F;
	p1 =	slt.s32 s18, $0x1;
	p0 =	sne.s32 s30, $0x0  }
0x141: {  	v57 =	vld [tilespmem:s0+$0x1000];
	s0 =	sshrl.u32 s31, $0x1C;
	p0 =	por !p1, !p0  }
0x142: {  	s11 =	simm.s32 $0x1;
	s0 =	sadd.s32 s0, s18;
	p0 =	por !p0, !p0  }
0x143: {  	s0 =	sshra.s32 s0, $0x4;
	s11 =	simm.s32 @!p0 $0x0  }
0x144: {  	v1 =	vld [tilespmem:$0x1FFF0];
	s11 =	ssub.s32 s0, s11  }
0x145: {  	p0 =	slt.s32 s11, $0x1  }
.Ltmp13:
0x146: {  	_ = 	snop;
	(pc) =	sbr.rel @p0 .LBB2_21-.Ltmp13, $4  }
0x147: {  	_ = 	snop  }
0x148: {  	[tilespmem:s16+$0x3000] =	vst.msk vm1, v57  }
0x149: {  	[tilespmem:s3+$0x3000] =	vst v1  }
0x14a: {  	[tilespmem:s3+$0x2000] =	vst v2  }
0x14b: {  	v57 =	vmov s3;
	s0 =	simm.s32 $0x0;
	s30 =	simm.s32 $0x0;
	s31 =	simm.s32 $0x0  }
.LBB2_18:
0x14c: {  	s3 =	sshll.u32 s31, $0x4  }
0x14d: {  	v61 =	vor.u32 s3, v4;
	_ =	sdelay $0x4  }
0x14e: {  	v58 =	vld.idx.msk [tilespmem:v61+s5+$0x0], $0xffff;
	_ =	sdelay $0x1  }
0x14f: {  	s15 =	sor.u32 $0x4, s3  }
0x150: {  	v60 =	vor.u32 s15, v4;
	_ =	sdelay $0x1  }
0x151: {  	v58 =	vshll.u32 v58, $0x2  }
0x152: {  	v58 =	vor.u32 v5, v58  }
0x153: {  	[tilespmem:$0x16580] =	vst v58  }
0x154: {  	v58 =	vld.idx.msk [tilespmem:v60+s5+$0x0], $0xffff;
	_ =	sdelay $0x1  }
0x155: {  	s14 =	sor.u32 $0x8, s3  }
0x156: {  	v59 =	vor.u32 s14, v4;
	_ =	sdelay $0x1  }
0x157: {  	v58 =	vshll.u32 v58, $0x2  }
0x158: {  	v58 =	vor.u32 v5, v58  }
0x159: {  	[tilespmem:$0x16590] =	vst v58  }
0x15a: {  	v62 =	vld.idx.msk [tilespmem:v59+s5+$0x0], $0xffff;
	_ =	sdelay $0x1  }
0x15b: {  	s4 =	sor.u32 $0xC, s3  }
0x15c: {  	v58 =	vor.u32 s4, v4;
	_ =	sdelay $0x1  }
0x15d: {  	v62 =	vshll.u32 v62, $0x2  }
0x15e: {  	v62 =	vor.u32 v5, v62  }
0x15f: {  	[tilespmem:$0x165A0] =	vst v62  }
0x160: {  	v62 =	vld.idx.msk [tilespmem:v58+s5+$0x0], $0xffff;
	_ =	sdelay $0x2  }
0x161: {  	v63 =	vmov s3;
	_ =	sdelay $0x1  }
0x162: {  	v62 =	vshll.u32 v62, $0x2  }
0x163: {  	v62 =	vor.u32 v5, v62  }
0x164: {  	[tilespmem:$0x165B0] =	vst v62  }
0x165: {  	s16 =	sor.u32 $0x1, s3;
	v62 =	vld.idx.msk [tilespmem:v63+s5+$0x0], $0xffff  }
0x166: {  	v63 =	vmov s16  }
0x167: {  	v63 =	vbroadcast v63, $0x0;
	_ =	sdelay $0x2  }
0x168: {  	v62 =	vshll.u32 v62, $0x4  }
0x169: {  	v62 =	vor.u32 v0, v62  }
0x16a: {  	[tilespmem:$0x19700] =	vst v62  }
0x16b: {  	s17 =	sor.u32 $0x2, s3;
	v62 =	vld.idx.msk [tilespmem:v63+s5+$0x0], $0xffff  }
0x16c: {  	v63 =	vmov s17  }
0x16d: {  	v63 =	vbroadcast v63, $0x0;
	_ =	sdelay $0x2  }
0x16e: {  	v62 =	vshll.u32 v62, $0x4  }
0x16f: {  	v62 =	vor.u32 v0, v62  }
0x170: {  	[tilespmem:$0x19710] =	vst v62  }
0x171: {  	s18 =	sor.u32 $0x3, s3;
	v62 =	vld.idx.msk [tilespmem:v63+s5+$0x0], $0xffff  }
0x172: {  	v63 =	vmov s18  }
0x173: {  	v63 =	vbroadcast v63, $0x0;
	_ =	sdelay $0x2  }
0x174: {  	v62 =	vshll.u32 v62, $0x4  }
0x175: {  	v62 =	vor.u32 v0, v62  }
0x176: {  	[tilespmem:$0x19720] =	vst v62  }
0x177: {  	v62 =	vld.idx.msk [tilespmem:v63+s5+$0x0], $0xffff;
	_ =	sdelay $0x2  }
0x178: {  	v63 =	vmov s15;
	_ =	sdelay $0x1  }
0x179: {  	v62 =	vshll.u32 v62, $0x4  }
0x17a: {  	v62 =	vor.u32 v0, v62  }
0x17b: {  	[tilespmem:$0x19730] =	vst v62  }
0x17c: {  	s17 =	sor.u32 $0x5, s3;
	v62 =	vld.idx.msk [tilespmem:v63+s5+$0x0], $0xffff  }
0x17d: {  	v63 =	vmov s17  }
0x17e: {  	v63 =	vbroadcast v63, $0x0;
	_ =	sdelay $0x2  }
0x17f: {  	v62 =	vshll.u32 v62, $0x4  }
0x180: {  	v62 =	vor.u32 v0, v62  }
0x181: {  	[tilespmem:$0x19740] =	vst v62  }
0x182: {  	s18 =	sor.u32 $0x6, s3;
	v62 =	vld.idx.msk [tilespmem:v63+s5+$0x0], $0xffff  }
0x183: {  	v63 =	vmov s18  }
0x184: {  	v63 =	vbroadcast v63, $0x0;
	_ =	sdelay $0x2  }
0x185: {  	v62 =	vshll.u32 v62, $0x4  }
0x186: {  	v62 =	vor.u32 v0, v62  }
0x187: {  	[tilespmem:$0x19750] =	vst v62  }
0x188: {  	s16 =	sor.u32 $0x7, s3;
	v62 =	vld.idx.msk [tilespmem:v63+s5+$0x0], $0xffff  }
0x189: {  	v63 =	vmov s16  }
0x18a: {  	v63 =	vbroadcast v63, $0x0;
	_ =	sdelay $0x2  }
0x18b: {  	v62 =	vshll.u32 v62, $0x4  }
0x18c: {  	v62 =	vor.u32 v0, v62  }
0x18d: {  	[tilespmem:$0x19760] =	vst v62  }
0x18e: {  	v62 =	vld.idx.msk [tilespmem:v63+s5+$0x0], $0xffff;
	_ =	sdelay $0x2  }
0x18f: {  	v63 =	vmov s14;
	_ =	sdelay $0x1  }
0x190: {  	v62 =	vshll.u32 v62, $0x4  }
0x191: {  	v62 =	vor.u32 v0, v62  }
0x192: {  	[tilespmem:$0x19770] =	vst v62  }
0x193: {  	s17 =	sor.u32 $0x9, s3;
	v62 =	vld.idx.msk [tilespmem:v63+s5+$0x0], $0xffff  }
0x194: {  	v63 =	vmov s17  }
0x195: {  	v63 =	vbroadcast v63, $0x0;
	_ =	sdelay $0x2  }
0x196: {  	v62 =	vshll.u32 v62, $0x4  }
0x197: {  	v62 =	vor.u32 v0, v62  }
0x198: {  	[tilespmem:$0x19780] =	vst v62  }
0x199: {  	s18 =	sor.u32 $0xA, s3;
	v62 =	vld.idx.msk [tilespmem:v63+s5+$0x0], $0xffff  }
0x19a: {  	v63 =	vmov s18  }
0x19b: {  	v63 =	vbroadcast v63, $0x0;
	_ =	sdelay $0x2  }
0x19c: {  	v62 =	vshll.u32 v62, $0x4  }
0x19d: {  	v62 =	vor.u32 v0, v62  }
0x19e: {  	[tilespmem:$0x19790] =	vst v62  }
0x19f: {  	s15 =	sor.u32 $0xB, s3;
	v62 =	vld.idx.msk [tilespmem:v63+s5+$0x0], $0xffff  }
0x1a0: {  	v63 =	vmov s15  }
0x1a1: {  	v63 =	vbroadcast v63, $0x0;
	_ =	sdelay $0x2  }
0x1a2: {  	v62 =	vshll.u32 v62, $0x4  }
0x1a3: {  	v62 =	vor.u32 v0, v62  }
0x1a4: {  	[tilespmem:$0x197A0] =	vst v62  }
0x1a5: {  	v62 =	vld.idx.msk [tilespmem:v63+s5+$0x0], $0xffff;
	_ =	sdelay $0x2  }
0x1a6: {  	v63 =	vmov s4;
	_ =	sdelay $0x1  }
0x1a7: {  	v62 =	vshll.u32 v62, $0x4  }
0x1a8: {  	v62 =	vor.u32 v0, v62  }
0x1a9: {  	[tilespmem:$0x197B0] =	vst v62  }
0x1aa: {  	s16 =	sor.u32 $0xD, s3;
	v62 =	vld.idx.msk [tilespmem:v63+s5+$0x0], $0xffff  }
0x1ab: {  	v63 =	vmov s16  }
0x1ac: {  	v63 =	vbroadcast v63, $0x0;
	_ =	sdelay $0x2  }
0x1ad: {  	v62 =	vshll.u32 v62, $0x4  }
0x1ae: {  	v62 =	vor.u32 v0, v62  }
0x1af: {  	[tilespmem:$0x197C0] =	vst v62  }
0x1b0: {  	s17 =	sor.u32 $0xE, s3;
	v62 =	vld.idx.msk [tilespmem:v63+s5+$0x0], $0xffff  }
0x1b1: {  	v63 =	vmov s17  }
0x1b2: {  	v63 =	vbroadcast v63, $0x0;
	_ =	sdelay $0x2  }
0x1b3: {  	v62 =	vshll.u32 v62, $0x4  }
0x1b4: {  	v62 =	vor.u32 v0, v62  }
0x1b5: {  	[tilespmem:$0x197D0] =	vst v62  }
0x1b6: {  	v62 =	vld.idx.msk [tilespmem:v63+s5+$0x0], $0xffff;
	_ =	sdelay $0x1  }
0x1b7: {  	s18 =	sshllo.u32 s31, $0x4  }
0x1b8: {  	v63 =	vmov s18;
	_ =	sdelay $0x1  }
0x1b9: {  	v62 =	vshll.u32 v62, $0x4  }
0x1ba: {  	v62 =	vor.u32 v0, v62  }
0x1bb: {  	[tilespmem:$0x197E0] =	vst v62  }
0x1bc: {  	v62 =	vld.idx.msk [tilespmem:v63+s5+$0x0], $0xffff;
	_ =	sdelay $0x4  }
0x1bd: {  	v62 =	vshll.u32 v62, $0x4  }
0x1be: {  	v62 =	vor.u32 v0, v62  }
0x1bf: {  	[tilespmem:$0x197F0] =	vst v62  }
0x1c0: {  	v62 =	vld [tilespmem:s3+$0x3000];
	_ =	sdelay $0x4  }
0x1c1: {  	v63 =	vshrl.u32 v62, $0x3  }
0x1c2: {  	v63 =	vmul.u32 $0x30, v63  }
0x1c3: {  	v62 =	vand.u32 $0x7, v62  }
0x1c4: {  	v62 =	vor.u32 v62, v63  }
0x1c5: {  	v63 =	vperm.xlane v62, v6;
	_ =	sdelay $0x1  }
0x1c6: {  	v63 =	vadd.s32 v7, v63;
	_ =	sdelay $0x3  }
0x1c7: {  	s14 =	simm.s32 $0x16700;
	v62 =	vperm.xlane v62, v8  }
0x1c8: {  	[tilespmem:s14], [sflag:$0x3] =	stream.indirect_vreg.gather [hbm4b:s1+s0], $0x80, v63, vm0, $0xb8;
	[tilespmem:$0x19900] =	vst v63  }
0x1c9: {  	s15 =	simm.s32 $0x16F00;
	v62 =	vadd.s32 v7, v62  }
0x1ca: {  	[tilespmem:s15], [sflag:$0x3] =	stream.indirect_vreg.gather [hbm4b:s12+s0], $0x80, v63, vm0, $0xb8;
	[tilespmem:$0x19900] =	vst v63  }
0x1cb: {  	s16 =	simm.s32 $0x17700  }
0x1cc: {  	[tilespmem:s16], [sflag:$0x3] =	stream.indirect_vreg.gather [hbm4b:s13+s0], $0x80, v63, vm0, $0xb8;
	[tilespmem:$0x19900] =	vst v63  }
0x1cd: {  	s17 =	simm.s32 $0x17F00  }
0x1ce: {  	[tilespmem:s17], [sflag:$0x3] =	stream.indirect_vreg.gather [hbm4b:s1+s0], $0x80, v62, vm0, $0xb8;
	[tilespmem:$0x19900] =	vst v63  }
0x1cf: {  	s18 =	simm.s32 $0x18700  }
0x1d0: {  	[tilespmem:s18], [sflag:$0x3] =	stream.indirect_vreg.gather [hbm4b:s12+s0], $0x80, v62, vm0, $0xb8;
	[tilespmem:$0x19900] =	vst v63  }
0x1d1: {  	_ = 	snop  }
0x1d2: {  	[tilespmem:s19], [sflag:$0x3] =	stream.indirect_vreg.gather [hbm4b:s13+s0], $0x80, v62, vm0, $0xb8;
	[tilespmem:$0x19900] =	vst v63  }
0x1d3: {  	s3 =	simm.s32 $0x19800  }
0x1d4: {  	[tilespmem:s3], [sflag:$0x4] =	stream.indirect.gather [hbm4b:s8+s20], $0x1, s21, s20, $0xb8;
	[tilespmem:$0x19900] =	vst v63  }
0x1d5: {  	_ = 	snop  }
0x1d6: {  	[tilespmem:s24], [sflag:$0x5] =	stream.indirect.gather [hbm4b:s6+s22], $0x1, s23, s22, $0xb8;
	[tilespmem:$0x19900] =	vst v63  }
0x1d7: {  	_ =	swait.ge [sflag:s28], $0x3000  }
0x1d8: {  	[sflag:s28] =	ssyncset.done $0x0  }
0x1d9: {  	[sflag:s28] =	ssyncadd.s32 $0xFFFFD000  }
0x1da: {  	_ =	swait.ge [sflag:s25], $0x100  }
0x1db: {  	[sflag:s25] =	ssyncset.done $0x0  }
0x1dc: {  	[sflag:s25] =	ssyncadd.s32 $0xFFFFFF00  }
0x1dd: {  	_ =	swait.ge [sflag:s26], $0x40  }
0x1de: {  	[sflag:s26] =	ssyncset.done $0x0  }
0x1df: {  	[sflag:s26] =	ssyncadd.s32 $0xFFFFFFC0  }
0x1e0: {  	v62 =	vld.idx.msk [tilespmem:v61+s29+$0x0], $0xffff;
	_ =	sdelay $0x4  }
0x1e1: {  	v62 =	vshll.u32 v62, $0x2  }
0x1e2: {  	v62 =	vor.u32 v5, v62;
	_ =	sdelay $0x4  }
0x1e3: {  	v62 =	vld.idx.msk [tilespmem:v62+s2+$0x0], $0xffff;
	_ =	sdelay $0x4  }
0x1e4: {  	v62 =	vadd.f32 $1.000000020e-16, v62;
	_ =	sdelay $0x1  }
0x1e5: {  	(erf) = vrcp.f32 v62;
	_ =	sdelay $0x4  }
0x1e6: {  	v62 =	vld [tilespmem:$0x16600];
	_ =	sdelay $0x3  }
0x1e7: {  	v63 =	vpop (erf)  }
0x1e8: {  	v62 =	vmul.f32 v63, v62  }
0x1e9: {  	vm1 =	vlt.s32 v61, v57  }
0x1ea: {  	v61 =	vnsel vm1, $0x0, v62  }
0x1eb: {  	[tilespmem:$0x16680] =	vst v61  }
0x1ec: {  	v61 =	vld.idx.msk [tilespmem:v60+s29+$0x0], $0xffff;
	_ =	sdelay $0x4  }
0x1ed: {  	v61 =	vshll.u32 v61, $0x2  }
0x1ee: {  	v61 =	vor.u32 v5, v61;
	_ =	sdelay $0x4  }
0x1ef: {  	v61 =	vld.idx.msk [tilespmem:v61+s2+$0x0], $0xffff;
	_ =	sdelay $0x4  }
0x1f0: {  	v61 =	vadd.f32 $1.000000020e-16, v61;
	_ =	sdelay $0x1  }
0x1f1: {  	(erf) = vrcp.f32 v61;
	_ =	sdelay $0x4  }
0x1f2: {  	v61 =	vld [tilespmem:$0x16610];
	_ =	sdelay $0x3  }
0x1f3: {  	v62 =	vpop (erf)  }
0x1f4: {  	v61 =	vmul.f32 v62, v61  }
0x1f5: {  	vm1 =	vlt.s32 v60, v57  }
0x1f6: {  	v60 =	vnsel vm1, $0x0, v61  }
0x1f7: {  	[tilespmem:$0x16690] =	vst v60  }
0x1f8: {  	v60 =	vld.idx.msk [tilespmem:v59+s29+$0x0], $0xffff;
	_ =	sdelay $0x4  }
0x1f9: {  	v60 =	vshll.u32 v60, $0x2  }
0x1fa: {  	v60 =	vor.u32 v5, v60;
	_ =	sdelay $0x4  }
0x1fb: {  	v60 =	vld.idx.msk [tilespmem:v60+s2+$0x0], $0xffff;
	_ =	sdelay $0x4  }
0x1fc: {  	v60 =	vadd.f32 $1.000000020e-16, v60;
	_ =	sdelay $0x1  }
0x1fd: {  	(erf) = vrcp.f32 v60;
	_ =	sdelay $0x4  }
0x1fe: {  	v60 =	vld [tilespmem:$0x16620];
	_ =	sdelay $0x3  }
0x1ff: {  	v61 =	vpop (erf)  }
0x200: {  	v60 =	vmul.f32 v61, v60  }
0x201: {  	vm1 =	vlt.s32 v59, v57  }
0x202: {  	v59 =	vnsel vm1, $0x0, v60  }
0x203: {  	[tilespmem:$0x166A0] =	vst v59  }
0x204: {  	v59 =	vld.idx.msk [tilespmem:v58+s29+$0x0], $0xffff;
	_ =	sdelay $0x4  }
0x205: {  	v59 =	vshll.u32 v59, $0x2  }
0x206: {  	v59 =	vor.u32 v5, v59;
	_ =	sdelay $0x4  }
0x207: {  	v59 =	vld.idx.msk [tilespmem:v59+s2+$0x0], $0xffff;
	_ =	sdelay $0x4  }
0x208: {  	v59 =	vadd.f32 $1.000000020e-16, v59;
	_ =	sdelay $0x1  }
0x209: {  	(erf) = vrcp.f32 v59;
	_ =	sdelay $0x4  }
0x20a: {  	v59 =	vld [tilespmem:$0x16630];
	_ =	sdelay $0x3  }
0x20b: {  	v60 =	vpop (erf)  }
0x20c: {  	v59 =	vmul.f32 v60, v59  }
0x20d: {  	vm1 =	vlt.s32 v58, v57  }
0x20e: {  	v58 =	vnsel vm1, $0x0, v59  }
0x20f: {  	s4 =	simm.s32 $0x0;
	s14 =	simm.s32 $0x0;
	s15 =	simm.s32 $0x0;
	[tilespmem:$0x166B0] =	vst v58  }
.LBB2_19:
0x210: {  	s16 =	sadd.s32 s15, s30  }
0x211: {  	v58 =	vmov s16;
	_ =	sdelay $0x1  }
0x212: {  	v59 =	vmov s4  }
0x213: {  	v59 =	vand.u32 $0xFFFFFFFC, v59  }
0x214: {  	s17 =	sshrl.u32 s15, $0x3;
	v59 =	vbroadcast v59, $0x0  }
0x215: {  	s16 =	smul.u32 $0x6000, s17;
	v60 =	vld.idx.msk [tilespmem:v58+s29+$0x0], $0xffff;
	_ =	sdelay $0x1  }
0x216: {  	s17 =	sand.u32 $0x380, s14;
	s16 =	sshra.s32 s16, $0x2  }
0x217: {  	s16 =	sor.u32 s17, s16  }
0x218: {  	v58 =	vld [tilespmem:s16+$0x16700]  }
0x219: {  	v61 =	vld.idx.msk [tilespmem:v59+s7+$0x0], $0xffff;
	v59 =	vmul.u32 $0x300, v60;
	_ =	sdelay $0x1  }
0x21a: {  	v62 =	vor.u32 v0, v59;
	_ =	sdelay $0x2  }
0x21b: {  	v63 =	vmul.f32 v58, v61  }
0x21c: {  	v58 =	vld [tilespmem:s3+$0x0]  }
0x21d: {  	s17 =	sadd.s32 $0x16700, s16;
	[tilespmem:v62+s9+$0x0] =	vst.idx.add.f32.msk $0xffff, v63  }
0x21e: {  	v62 =	vld [tilespmem:s17+$0x10];
	_ =	sdelay $0x1  }
0x21f: {  	v63 =	vor.u32 v9, v59;
	_ =	sdelay $0x2  }
0x220: {  	v62 =	vmul.f32 v62, v61;
	_ =	sdelay $0x1  }
0x221: {  	[tilespmem:v63+s9+$0x0] =	vst.idx.add.f32.msk $0xffff, v62  }
0x222: {  	v62 =	vld [tilespmem:s17+$0x20];
	_ =	sdelay $0x1  }
0x223: {  	v63 =	vor.u32 v10, v59;
	_ =	sdelay $0x2  }
0x224: {  	v62 =	vmul.f32 v62, v61;
	_ =	sdelay $0x1  }
0x225: {  	[tilespmem:v63+s9+$0x0] =	vst.idx.add.f32.msk $0xffff, v62  }
0x226: {  	v62 =	vld [tilespmem:s17+$0x30];
	_ =	sdelay $0x1  }
0x227: {  	v63 =	vor.u32 v11, v59;
	_ =	sdelay $0x2  }
0x228: {  	v62 =	vmul.f32 v62, v61;
	_ =	sdelay $0x1  }
0x229: {  	[tilespmem:v63+s9+$0x0] =	vst.idx.add.f32.msk $0xffff, v62  }
0x22a: {  	v62 =	vld [tilespmem:s17+$0x40];
	_ =	sdelay $0x1  }
0x22b: {  	v63 =	vor.u32 v12, v59;
	_ =	sdelay $0x2  }
0x22c: {  	v62 =	vmul.f32 v62, v61;
	_ =	sdelay $0x1  }
0x22d: {  	[tilespmem:v63+s9+$0x0] =	vst.idx.add.f32.msk $0xffff, v62  }
0x22e: {  	v62 =	vld [tilespmem:s17+$0x50];
	_ =	sdelay $0x1  }
0x22f: {  	v63 =	vor.u32 v13, v59;
	_ =	sdelay $0x2  }
0x230: {  	v62 =	vmul.f32 v62, v61;
	_ =	sdelay $0x1  }
0x231: {  	[tilespmem:v63+s9+$0x0] =	vst.idx.add.f32.msk $0xffff, v62  }
0x232: {  	v62 =	vld [tilespmem:s17+$0x60];
	_ =	sdelay $0x1  }
0x233: {  	v63 =	vor.u32 v14, v59;
	_ =	sdelay $0x2  }
0x234: {  	v62 =	vmul.f32 v62, v61;
	_ =	sdelay $0x1  }
0x235: {  	[tilespmem:v63+s9+$0x0] =	vst.idx.add.f32.msk $0xffff, v62  }
0x236: {  	v62 =	vld [tilespmem:s17+$0x70];
	_ =	sdelay $0x1  }
0x237: {  	v63 =	vor.u32 v15, v59;
	_ =	sdelay $0x2  }
0x238: {  	v62 =	vmul.f32 v62, v61;
	_ =	sdelay $0x1  }
0x239: {  	[tilespmem:v63+s9+$0x0] =	vst.idx.add.f32.msk $0xffff, v62  }
0x23a: {  	v62 =	vld [tilespmem:s17+$0x400];
	_ =	sdelay $0x1  }
0x23b: {  	v63 =	vor.u32 v16, v59;
	_ =	sdelay $0x2  }
0x23c: {  	v62 =	vmul.f32 v62, v61;
	_ =	sdelay $0x1  }
0x23d: {  	[tilespmem:v63+s9+$0x0] =	vst.idx.add.f32.msk $0xffff, v62  }
0x23e: {  	v62 =	vld [tilespmem:s17+$0x410];
	_ =	sdelay $0x1  }
0x23f: {  	v63 =	vor.u32 v17, v59;
	_ =	sdelay $0x2  }
0x240: {  	v62 =	vmul.f32 v62, v61;
	_ =	sdelay $0x1  }
0x241: {  	[tilespmem:v63+s9+$0x0] =	vst.idx.add.f32.msk $0xffff, v62  }
0x242: {  	v62 =	vld [tilespmem:s17+$0x420];
	_ =	sdelay $0x1  }
0x243: {  	v63 =	vor.u32 v18, v59;
	_ =	sdelay $0x2  }
0x244: {  	v62 =	vmul.f32 v62, v61;
	_ =	sdelay $0x1  }
0x245: {  	[tilespmem:v63+s9+$0x0] =	vst.idx.add.f32.msk $0xffff, v62  }
0x246: {  	s18 =	sadd.s32 $0x1, s4;
	v62 =	vld [tilespmem:s17+$0x430]  }
0x247: {  	v63 =	vmov s18  }
0x248: {  	v60 =	vshll.u32 v60, $0x6;
	v2 =	vor.u32 v19, v59;
	v63 =	vand.u32 $0xFFFFFFFD, v63  }
0x249: {  	v1 =	vor.u32 v0, v60;
	v63 =	vbroadcast v63, $0x0;
	_ =	sdelay $0x1  }
0x24a: {  	v62 =	vmul.f32 v62, v61  }
0x24b: {  	v61 =	vmul.f32 v61, v58  }
0x24c: {  	[tilespmem:v2+s9+$0x0] =	vst.idx.add.f32.msk $0xffff, v62  }
0x24d: {  	[tilespmem:v1+s10+$0x0] =	vst.idx.add.f32.msk $0xffff, v61  }
0x24e: {  	v1 =	vld.idx.msk [tilespmem:v63+s7+$0x0], $0xffff  }
0x24f: {  	v2 =	vld [tilespmem:s17+$0x440];
	_ =	sdelay $0x1  }
0x250: {  	v61 =	vor.u32 v20, v59;
	_ =	sdelay $0x2  }
0x251: {  	v2 =	vmul.f32 v2, v1;
	_ =	sdelay $0x1  }
0x252: {  	[tilespmem:v61+s9+$0x0] =	vst.idx.add.f32.msk $0xffff, v2  }
0x253: {  	v2 =	vld [tilespmem:s17+$0x450];
	_ =	sdelay $0x1  }
0x254: {  	v61 =	vor.u32 v21, v59;
	_ =	sdelay $0x2  }
0x255: {  	v2 =	vmul.f32 v2, v1;
	_ =	sdelay $0x1  }
0x256: {  	[tilespmem:v61+s9+$0x0] =	vst.idx.add.f32.msk $0xffff, v2  }
0x257: {  	v2 =	vld [tilespmem:s17+$0x460];
	_ =	sdelay $0x1  }
0x258: {  	v61 =	vor.u32 v22, v59;
	_ =	sdelay $0x2  }
0x259: {  	v2 =	vmul.f32 v2, v1;
	_ =	sdelay $0x1  }
0x25a: {  	[tilespmem:v61+s9+$0x0] =	vst.idx.add.f32.msk $0xffff, v2  }
0x25b: {  	v2 =	vld [tilespmem:s17+$0x470];
	_ =	sdelay $0x1  }
0x25c: {  	v61 =	vor.u32 v23, v59;
	_ =	sdelay $0x2  }
0x25d: {  	v2 =	vmul.f32 v2, v1;
	_ =	sdelay $0x1  }
0x25e: {  	[tilespmem:v61+s9+$0x0] =	vst.idx.add.f32.msk $0xffff, v2  }
0x25f: {  	v61 =	vadd.s32 v24, v59;
	v2 =	vld [tilespmem:s16+$0x16F00]  }
0x260: {  	v61 =	vand.u32 $0xFFFFFF00, v61  }
0x261: {  	v61 =	vor.u32 v0, v61;
	_ =	sdelay $0x2  }
0x262: {  	v2 =	vmul.f32 v2, v1;
	_ =	sdelay $0x1  }
0x263: {  	s18 =	sadd.s32 $0x16F00, s16;
	[tilespmem:v61+s9+$0x0] =	vst.idx.add.f32.msk $0xffff, v2  }
0x264: {  	v61 =	vadd.s32 v25, v59;
	v2 =	vld [tilespmem:s18+$0x10]  }
0x265: {  	v61 =	vand.u32 $0xFFFFFF00, v61  }
0x266: {  	v61 =	vor.u32 v9, v61;
	_ =	sdelay $0x2  }
0x267: {  	v2 =	vmul.f32 v2, v1;
	_ =	sdelay $0x1  }
0x268: {  	[tilespmem:v61+s9+$0x0] =	vst.idx.add.f32.msk $0xffff, v2  }
0x269: {  	v61 =	vadd.s32 v26, v59;
	v2 =	vld [tilespmem:s18+$0x20]  }
0x26a: {  	v61 =	vand.u32 $0xFFFFFF00, v61  }
0x26b: {  	v61 =	vor.u32 v10, v61;
	_ =	sdelay $0x2  }
0x26c: {  	v2 =	vmul.f32 v2, v1;
	_ =	sdelay $0x1  }
0x26d: {  	[tilespmem:v61+s9+$0x0] =	vst.idx.add.f32.msk $0xffff, v2  }
0x26e: {  	v61 =	vadd.s32 v27, v59;
	v2 =	vld [tilespmem:s18+$0x30]  }
0x26f: {  	v61 =	vand.u32 $0xFFFFFF00, v61  }
0x270: {  	v61 =	vor.u32 v11, v61;
	_ =	sdelay $0x2  }
0x271: {  	v2 =	vmul.f32 v2, v1;
	_ =	sdelay $0x1  }
0x272: {  	[tilespmem:v61+s9+$0x0] =	vst.idx.add.f32.msk $0xffff, v2  }
0x273: {  	v61 =	vadd.s32 v28, v59;
	v2 =	vld [tilespmem:s18+$0x40]  }
0x274: {  	v61 =	vand.u32 $0xFFFFFF00, v61  }
0x275: {  	v61 =	vor.u32 v12, v61;
	_ =	sdelay $0x2  }
0x276: {  	v2 =	vmul.f32 v2, v1;
	_ =	sdelay $0x1  }
0x277: {  	[tilespmem:v61+s9+$0x0] =	vst.idx.add.f32.msk $0xffff, v2  }
0x278: {  	v61 =	vadd.s32 v29, v59;
	v2 =	vld [tilespmem:s18+$0x50]  }
0x279: {  	v61 =	vand.u32 $0xFFFFFF00, v61  }
0x27a: {  	v61 =	vor.u32 v13, v61;
	_ =	sdelay $0x2  }
0x27b: {  	v2 =	vmul.f32 v2, v1;
	_ =	sdelay $0x1  }
0x27c: {  	[tilespmem:v61+s9+$0x0] =	vst.idx.add.f32.msk $0xffff, v2  }
0x27d: {  	v61 =	vadd.s32 v30, v59;
	v2 =	vld [tilespmem:s18+$0x60]  }
0x27e: {  	v61 =	vand.u32 $0xFFFFFF00, v61  }
0x27f: {  	v61 =	vor.u32 v14, v61;
	_ =	sdelay $0x2  }
0x280: {  	v2 =	vmul.f32 v2, v1;
	_ =	sdelay $0x1  }
0x281: {  	[tilespmem:v61+s9+$0x0] =	vst.idx.add.f32.msk $0xffff, v2  }
0x282: {  	v61 =	vadd.s32 v31, v59;
	v2 =	vld [tilespmem:s18+$0x70];
	s18 =	sadd.s32 $0x2, s4  }
0x283: {  	v61 =	vand.u32 $0xFFFFFF00, v61;
	v62 =	vmov s18  }
0x284: {  	v61 =	vor.u32 v15, v61;
	v62 =	vand.u32 $0xFFFFFFFE, v62  }
0x285: {  	v63 =	vor.u32 v9, v60;
	v62 =	vbroadcast v62, $0x0;
	_ =	sdelay $0x1  }
0x286: {  	v2 =	vmul.f32 v2, v1  }
0x287: {  	v1 =	vmul.f32 v1, v58  }
0x288: {  	[tilespmem:v61+s9+$0x0] =	vst.idx.add.f32.msk $0xffff, v2  }
0x289: {  	[tilespmem:v63+s10+$0x0] =	vst.idx.add.f32.msk $0xffff, v1  }
0x28a: {  	v1 =	vld.idx.msk [tilespmem:v62+s7+$0x0], $0xffff  }
0x28b: {  	v61 =	vadd.s32 v32, v59;
	v2 =	vld [tilespmem:s16+$0x17300]  }
0x28c: {  	v61 =	vand.u32 $0xFFFFFF80, v61  }
0x28d: {  	v61 =	vor.u32 v0, v61;
	_ =	sdelay $0x2  }
0x28e: {  	v2 =	vmul.f32 v2, v1;
	_ =	sdelay $0x1  }
0x28f: {  	s18 =	sadd.s32 $0x17300, s16;
	[tilespmem:v61+s9+$0x0] =	vst.idx.add.f32.msk $0xffff, v2  }
0x290: {  	v61 =	vadd.s32 v33, v59;
	v2 =	vld [tilespmem:s18+$0x10]  }
0x291: {  	v61 =	vand.u32 $0xFFFFFF80, v61  }
0x292: {  	v61 =	vor.u32 v9, v61;
	_ =	sdelay $0x2  }
0x293: {  	v2 =	vmul.f32 v2, v1;
	_ =	sdelay $0x1  }
0x294: {  	[tilespmem:v61+s9+$0x0] =	vst.idx.add.f32.msk $0xffff, v2  }
0x295: {  	v61 =	vadd.s32 v34, v59;
	v2 =	vld [tilespmem:s18+$0x20]  }
0x296: {  	v61 =	vand.u32 $0xFFFFFF80, v61  }
0x297: {  	v61 =	vor.u32 v10, v61;
	_ =	sdelay $0x2  }
0x298: {  	v2 =	vmul.f32 v2, v1;
	_ =	sdelay $0x1  }
0x299: {  	[tilespmem:v61+s9+$0x0] =	vst.idx.add.f32.msk $0xffff, v2  }
0x29a: {  	v61 =	vadd.s32 v35, v59;
	v2 =	vld [tilespmem:s18+$0x30]  }
0x29b: {  	v61 =	vand.u32 $0xFFFFFF80, v61  }
0x29c: {  	v61 =	vor.u32 v11, v61;
	_ =	sdelay $0x2  }
0x29d: {  	v2 =	vmul.f32 v2, v1;
	_ =	sdelay $0x1  }
0x29e: {  	[tilespmem:v61+s9+$0x0] =	vst.idx.add.f32.msk $0xffff, v2  }
0x29f: {  	v61 =	vadd.s32 v36, v59;
	v2 =	vld [tilespmem:s18+$0x40]  }
0x2a0: {  	v61 =	vand.u32 $0xFFFFFF80, v61  }
0x2a1: {  	v61 =	vor.u32 v12, v61;
	_ =	sdelay $0x2  }
0x2a2: {  	v2 =	vmul.f32 v2, v1;
	_ =	sdelay $0x1  }
0x2a3: {  	[tilespmem:v61+s9+$0x0] =	vst.idx.add.f32.msk $0xffff, v2  }
0x2a4: {  	v61 =	vadd.s32 v37, v59;
	v2 =	vld [tilespmem:s18+$0x50]  }
0x2a5: {  	v61 =	vand.u32 $0xFFFFFF80, v61  }
0x2a6: {  	v61 =	vor.u32 v13, v61;
	_ =	sdelay $0x2  }
0x2a7: {  	v2 =	vmul.f32 v2, v1;
	_ =	sdelay $0x1  }
0x2a8: {  	[tilespmem:v61+s9+$0x0] =	vst.idx.add.f32.msk $0xffff, v2  }
0x2a9: {  	v61 =	vadd.s32 v38, v59;
	v2 =	vld [tilespmem:s18+$0x60]  }
0x2aa: {  	v61 =	vand.u32 $0xFFFFFF80, v61  }
0x2ab: {  	v61 =	vor.u32 v14, v61;
	_ =	sdelay $0x2  }
0x2ac: {  	v2 =	vmul.f32 v2, v1;
	_ =	sdelay $0x1  }
0x2ad: {  	[tilespmem:v61+s9+$0x0] =	vst.idx.add.f32.msk $0xffff, v2  }
0x2ae: {  	v61 =	vadd.s32 v39, v59;
	v2 =	vld [tilespmem:s18+$0x70]  }
0x2af: {  	v61 =	vand.u32 $0xFFFFFF80, v61  }
0x2b0: {  	v61 =	vor.u32 v15, v61;
	_ =	sdelay $0x2  }
0x2b1: {  	v2 =	vmul.f32 v2, v1;
	_ =	sdelay $0x1  }
0x2b2: {  	[tilespmem:v61+s9+$0x0] =	vst.idx.add.f32.msk $0xffff, v2  }
0x2b3: {  	v61 =	vadd.s32 v40, v59;
	v2 =	vld [tilespmem:s16+$0x17700]  }
0x2b4: {  	v61 =	vand.u32 $0xFFFFFF00, v61  }
0x2b5: {  	v61 =	vor.u32 v0, v61;
	_ =	sdelay $0x2  }
0x2b6: {  	v2 =	vmul.f32 v2, v1;
	_ =	sdelay $0x1  }
0x2b7: {  	s17 =	sadd.s32 $0x17700, s16;
	[tilespmem:v61+s9+$0x0] =	vst.idx.add.f32.msk $0xffff, v2  }
0x2b8: {  	v61 =	vadd.s32 v41, v59;
	v2 =	vld [tilespmem:s17+$0x10]  }
0x2b9: {  	v61 =	vand.u32 $0xFFFFFF00, v61  }
0x2ba: {  	v61 =	vor.u32 v9, v61;
	_ =	sdelay $0x2  }
0x2bb: {  	v2 =	vmul.f32 v2, v1;
	_ =	sdelay $0x1  }
0x2bc: {  	[tilespmem:v61+s9+$0x0] =	vst.idx.add.f32.msk $0xffff, v2  }
0x2bd: {  	v61 =	vadd.s32 v42, v59;
	v2 =	vld [tilespmem:s17+$0x20]  }
0x2be: {  	v61 =	vand.u32 $0xFFFFFF00, v61  }
0x2bf: {  	v61 =	vor.u32 v10, v61;
	_ =	sdelay $0x2  }
0x2c0: {  	v2 =	vmul.f32 v2, v1;
	_ =	sdelay $0x1  }
0x2c1: {  	[tilespmem:v61+s9+$0x0] =	vst.idx.add.f32.msk $0xffff, v2  }
0x2c2: {  	v61 =	vadd.s32 v43, v59;
	v2 =	vld [tilespmem:s17+$0x30]  }
0x2c3: {  	v61 =	vand.u32 $0xFFFFFF00, v61  }
0x2c4: {  	v61 =	vor.u32 v11, v61  }
0x2c5: {  	v62 =	vor.u32 v10, v60;
	s18 =	sadd.s32 $0x3, s4  }
0x2c6: {  	v63 =	vmov s18  }
0x2c7: {  	v2 =	vmul.f32 v2, v1  }
0x2c8: {  	v1 =	vmul.f32 v1, v58  }
0x2c9: {  	[tilespmem:v61+s9+$0x0] =	vst.idx.add.f32.msk $0xffff, v2  }
0x2ca: {  	[tilespmem:v62+s10+$0x0] =	vst.idx.add.f32.msk $0xffff, v1  }
0x2cb: {  	v1 =	vld.idx.msk [tilespmem:v63+s7+$0x0], $0xffff  }
0x2cc: {  	v61 =	vadd.s32 v44, v59;
	v2 =	vld [tilespmem:s17+$0x40]  }
0x2cd: {  	v61 =	vand.u32 $0xFFFFFF00, v61  }
0x2ce: {  	v61 =	vor.u32 v12, v61;
	_ =	sdelay $0x2  }
0x2cf: {  	v2 =	vmul.f32 v2, v1;
	_ =	sdelay $0x1  }
0x2d0: {  	[tilespmem:v61+s9+$0x0] =	vst.idx.add.f32.msk $0xffff, v2  }
0x2d1: {  	v61 =	vadd.s32 v45, v59;
	v2 =	vld [tilespmem:s17+$0x50]  }
0x2d2: {  	v61 =	vand.u32 $0xFFFFFF00, v61  }
0x2d3: {  	v61 =	vor.u32 v13, v61;
	_ =	sdelay $0x2  }
0x2d4: {  	v2 =	vmul.f32 v2, v1;
	_ =	sdelay $0x1  }
0x2d5: {  	[tilespmem:v61+s9+$0x0] =	vst.idx.add.f32.msk $0xffff, v2  }
0x2d6: {  	v61 =	vadd.s32 v46, v59;
	v2 =	vld [tilespmem:s17+$0x60]  }
0x2d7: {  	v61 =	vand.u32 $0xFFFFFF00, v61  }
0x2d8: {  	v61 =	vor.u32 v14, v61;
	_ =	sdelay $0x2  }
0x2d9: {  	v2 =	vmul.f32 v2, v1;
	_ =	sdelay $0x1  }
0x2da: {  	[tilespmem:v61+s9+$0x0] =	vst.idx.add.f32.msk $0xffff, v2  }
0x2db: {  	v61 =	vadd.s32 v47, v59;
	v2 =	vld [tilespmem:s17+$0x70]  }
0x2dc: {  	v61 =	vand.u32 $0xFFFFFF00, v61  }
0x2dd: {  	v61 =	vor.u32 v15, v61;
	_ =	sdelay $0x2  }
0x2de: {  	v2 =	vmul.f32 v2, v1;
	_ =	sdelay $0x1  }
0x2df: {  	[tilespmem:v61+s9+$0x0] =	vst.idx.add.f32.msk $0xffff, v2  }
0x2e0: {  	v61 =	vadd.s32 v48, v59;
	v2 =	vld [tilespmem:s16+$0x17B00]  }
0x2e1: {  	v61 =	vand.u32 $0xFFFFFF80, v61  }
0x2e2: {  	v61 =	vor.u32 v0, v61;
	_ =	sdelay $0x2  }
0x2e3: {  	v2 =	vmul.f32 v2, v1;
	_ =	sdelay $0x1  }
0x2e4: {  	s16 =	sadd.s32 $0x17B00, s16;
	[tilespmem:v61+s9+$0x0] =	vst.idx.add.f32.msk $0xffff, v2  }
0x2e5: {  	v61 =	vadd.s32 v49, v59;
	v2 =	vld [tilespmem:s16+$0x10]  }
0x2e6: {  	v61 =	vand.u32 $0xFFFFFF80, v61  }
0x2e7: {  	v61 =	vor.u32 v9, v61;
	_ =	sdelay $0x2  }
0x2e8: {  	v2 =	vmul.f32 v2, v1;
	_ =	sdelay $0x1  }
0x2e9: {  	[tilespmem:v61+s9+$0x0] =	vst.idx.add.f32.msk $0xffff, v2  }
0x2ea: {  	v61 =	vadd.s32 v50, v59;
	v2 =	vld [tilespmem:s16+$0x20]  }
0x2eb: {  	v61 =	vand.u32 $0xFFFFFF80, v61  }
0x2ec: {  	v61 =	vor.u32 v10, v61;
	_ =	sdelay $0x2  }
0x2ed: {  	v2 =	vmul.f32 v2, v1;
	_ =	sdelay $0x1  }
0x2ee: {  	[tilespmem:v61+s9+$0x0] =	vst.idx.add.f32.msk $0xffff, v2  }
0x2ef: {  	v61 =	vadd.s32 v51, v59;
	v2 =	vld [tilespmem:s16+$0x30]  }
0x2f0: {  	v61 =	vand.u32 $0xFFFFFF80, v61  }
0x2f1: {  	v61 =	vor.u32 v11, v61;
	_ =	sdelay $0x2  }
0x2f2: {  	v2 =	vmul.f32 v2, v1;
	_ =	sdelay $0x1  }
0x2f3: {  	[tilespmem:v61+s9+$0x0] =	vst.idx.add.f32.msk $0xffff, v2  }
0x2f4: {  	v61 =	vadd.s32 v52, v59;
	v2 =	vld [tilespmem:s16+$0x40]  }
0x2f5: {  	v61 =	vand.u32 $0xFFFFFF80, v61  }
0x2f6: {  	v61 =	vor.u32 v12, v61;
	_ =	sdelay $0x2  }
0x2f7: {  	v2 =	vmul.f32 v2, v1;
	_ =	sdelay $0x1  }
0x2f8: {  	[tilespmem:v61+s9+$0x0] =	vst.idx.add.f32.msk $0xffff, v2  }
0x2f9: {  	v61 =	vadd.s32 v53, v59;
	v2 =	vld [tilespmem:s16+$0x50]  }
0x2fa: {  	v61 =	vand.u32 $0xFFFFFF80, v61  }
0x2fb: {  	v61 =	vor.u32 v13, v61;
	_ =	sdelay $0x2  }
0x2fc: {  	v2 =	vmul.f32 v2, v1;
	_ =	sdelay $0x1  }
0x2fd: {  	[tilespmem:v61+s9+$0x0] =	vst.idx.add.f32.msk $0xffff, v2  }
0x2fe: {  	v61 =	vadd.s32 v54, v59;
	v2 =	vld [tilespmem:s16+$0x60]  }
0x2ff: {  	v61 =	vand.u32 $0xFFFFFF80, v61  }
0x300: {  	v61 =	vor.u32 v14, v61;
	_ =	sdelay $0x2  }
0x301: {  	v2 =	vmul.f32 v2, v1;
	_ =	sdelay $0x1  }
0x302: {  	[tilespmem:v61+s9+$0x0] =	vst.idx.add.f32.msk $0xffff, v2  }
0x303: {  	v59 =	vadd.s32 v55, v59;
	v2 =	vld [tilespmem:s16+$0x70]  }
0x304: {  	v59 =	vand.u32 $0xFFFFFF80, v59  }
0x305: {  	v59 =	vor.u32 v15, v59  }
0x306: {  	p0 =	sne.s32 s15, $0xF;
	v60 =	vor.u32 v11, v60  }
.Ltmp14:
0x307: {  	_ = 	snop;
	(pc) =	sbr.rel @p0 .LBB2_19-.Ltmp14, $4  }
0x308: {  	v2 =	vmul.f32 v2, v1  }
0x309: {  	v1 =	vmul.f32 v1, v58  }
0x30a: {  	s15 =	sadd.s32 $0x1, s15;
	[tilespmem:v59+s9+$0x0] =	vst.idx.add.f32.msk $0xffff, v2  }
0x30b: {  	s14 =	sadd.s32 $0x80, s14;
	s3 =	sadd.s32 $0x10, s3;
	s4 =	sadd.s32 $0x4, s4;
	[tilespmem:v60+s10+$0x0] =	vst.idx.add.f32.msk $0xffff, v1  }
0x30c: {  	s31 =	sadd.s32 $0x1, s31  }
0x30d: {  	p0 =	sne.s32 s31, s11  }
.Ltmp15:
0x30e: {  	_ = 	snop;
	(pc) =	sbr.rel @p0 .LBB2_18-.Ltmp15, $2  }
0x30f: {  	_ =	sdelay $0x2  }
0x310: {  	s30 =	sadd.s32 $0x10, s30  }
.LBB2_21:
0x311: {  	s3 =	simm.s32 $0x2  }
0x312: {  	_ =	swait.ge [sflag:s3], $0x7D0  }
0x313: {  	[sflag:s3] =	ssyncset.done $0x0  }
0x314: {  	[sflag:s3] =	ssyncadd.s32 $0xFFFFF830  }
0x315: {  	s0 =	rddreg [dreg:$0xf];
	_ =	swait.ge [sflag:s3], $0x7D0  }
0x316: {  	p0 =	seq.s32 s0, $0x4F;
	s0 =	rddreg [dreg:$0x10]  }
0x317: {  	[sflag:s3] =	ssyncset.done $0x0;
	s0 =	sshrl.u32 @!p0 s0, $0x3  }
0x318: {  	[sflag:s3] =	ssyncadd.s32 $0xFFFFF830;
	s3 =	rddreg [dreg:$0x3];
	s0 =	sadd.s32 @!p0 $0x1F4, s0  }
0x319: {  	s4 =	simm.s32 @!p0 $0x0;
	s3 =	sadd.s32 @!p0 s3, s0  }
0x31a: {  	[tilespmem:s4], [sflag:$0x1] =	stream.linear.gather @!p0 [hbm4b:s3+s4], $0x7D0, $0x38;
	[tilespmem:$0x19900] =	vst v63  }
0x31b: {  	s3 =	rddreg [dreg:$0x4]  }
0x31c: {  	s31 =	simm.s32 $0x0;
	s0 =	sadd.s32 @!p0 s3, s0;
	s3 =	simm.s32 @!p0 $0x1000  }
0x31d: {  	[tilespmem:s3], [sflag:$0x1] =	stream.linear.gather @!p0 [hbm4b:s0+s4], $0x7D0, $0x38;
	[tilespmem:$0x19900] =	vst v63  }
0x31e: {  	v1 =	vld [tilespmem:s31+$0x800];
	_ =	sdelay $0x4  }
0x31f: {  	s4 =	rddreg [dreg:$0xd];
	v1 =	vsub.s32 v1, v56  }
0x320: {  	s0 =	simm.s32 $0x0;
	v2 =	vor.u32 s4, v0;
	vm1 =	vlt.u32 v1, $0x50  }
0x321: {  	[tilespmem:s0+$0x2000] =	vst.msk vm1, v2;
	v2 =	vmpcnt.ones.xlane vm1;
	_ =	sdelay $0x1  }
0x322: {  	(v2sf) =	vpush v2, $0x0  }
0x323: {  	[tilespmem:s0+$0x2800] =	vst.msk vm1, v1  }
0x324: {  	v1 =	vld [tilespmem:s31+$0x1800];
	_ =	sdelay $0x4  }
0x325: {  	s11 =	simm.s32 $0x80;
	s3 =	simm.s32 $0x10;
	[tilespmem:s0+$0x3000] =	vst.msk vm1, v1  }
.LBB2_22:
0x326: {  	p0 =	sne.s32 s11, $0x1F00;
	v1 =	vld [tilespmem:s3+$0x800];
	_ =	sdelay $0x4  }
0x327: {  	v1 =	vsub.s32 v1, v56  }
0x328: {  	vm1 =	vlt.u32 v1, $0x50  }
0x329: {  	s4 =	sadd.s32 $0x10, s4;
	v2 =	vmpcnt.ones.xlane vm1;
	s14 =	spop (v2sf)  }
0x32a: {  	v57 =	vor.u32 s4, v0;
	s0 =	sadd.s32 s0, s14  }
0x32b: {  	[tilespmem:s0+$0x2000] =	vst.msk vm1, v57;
	(v2sf) =	vpush v2, $0x0  }
0x32c: {  	[tilespmem:s0+$0x2800] =	vst.msk vm1, v1  }
0x32d: {  	v1 =	vld [tilespmem:s3+$0x1800]  }
.Ltmp16:
0x32e: {  	(pc) =	sbr.rel @p0 .LBB2_22-.Ltmp16, $2  }
0x32f: {  	_ =	sdelay $0x2  }
0x330: {  	s3 =	sshra.s32 s11, $0x2;
	s11 =	sadd.s32 $0x40, s11;
	[tilespmem:s0+$0x3000] =	vst.msk vm1, v1  }
0x331: {  	v1 =	vld [tilespmem:s3+$0x800];
	_ =	sdelay $0x4  }
0x332: {  	v1 =	vsub.s32 v1, v56  }
0x333: {  	vm1 =	vlt.u32 v1, $0x50  }
0x334: {  	v2 =	vmpcnt.ones.xlane vm1;
	_ =	sdelay $0x1  }
0x335: {  	(v2sf) =	vpush v2, $0x0;
	_ =	sdelay $0xd  }
0x336: {  	s4 =	sadd.s32 $0x10, s4;
	s11 =	spop (v2sf)  }
0x337: {  	s16 =	sadd.s32 s0, s11;
	v2 =	vor.u32 s4, v0;
	s17 =	spop (v2sf)  }
0x338: {  	[tilespmem:s16+$0x2000] =	vst.msk vm1, v2;
	s0 =	sadd.s32 s16, s17  }
0x339: {  	[tilespmem:s16+$0x2800] =	vst.msk vm1, v1;
	s18 =	sadd.s32 $0xF, s0  }
0x33a: {  	v1 =	vld [tilespmem:s3+$0x1800];
	s30 =	sand.u32 $0xF, s18  }
0x33b: {  	s31 =	sshra.s32 s18, $0x1F;
	p1 =	slt.s32 s18, $0x1;
	p0 =	sne.s32 s30, $0x0  }
0x33c: {  	s3 =	sshrl.u32 s31, $0x1C;
	p0 =	por !p1, !p0  }
0x33d: {  	s11 =	simm.s32 $0x1;
	s3 =	sadd.s32 s3, s18;
	p0 =	por !p0, !p0  }
0x33e: {  	s3 =	sshra.s32 s3, $0x4;
	s11 =	simm.s32 @!p0 $0x0  }
0x33f: {  	[tilespmem:s16+$0x3000] =	vst.msk vm1, v1;
	v1 =	vld [tilespmem:$0x1FFF0];
	s11 =	ssub.s32 s3, s11  }
0x340: {  	p0 =	slt.s32 s11, $0x1  }
.Ltmp17:
0x341: {  	_ = 	snop;
	(pc) =	sbr.rel @p0 .LBB2_28-.Ltmp17, $3  }
0x342: {  	_ =	sdelay $0x1  }
0x343: {  	[tilespmem:s0+$0x3000] =	vst v1;
	v1 =	vimm.s32 $0x0  }
0x344: {  	[tilespmem:s0+$0x2000] =	vst v1  }
0x345: {  	v57 =	vmov s0;
	s0 =	simm.s32 $0x0;
	s30 =	simm.s32 $0x0;
	s31 =	simm.s32 $0x0  }
.LBB2_25:
0x346: {  	s3 =	sshll.u32 s31, $0x4  }
0x347: {  	v61 =	vor.u32 s3, v4;
	_ =	sdelay $0x4  }
0x348: {  	v1 =	vld.idx.msk [tilespmem:v61+s5+$0x0], $0xffff;
	_ =	sdelay $0x1  }
0x349: {  	s15 =	sor.u32 $0x4, s3  }
0x34a: {  	v60 =	vor.u32 s15, v4;
	_ =	sdelay $0x1  }
0x34b: {  	v1 =	vshll.u32 v1, $0x2  }
0x34c: {  	v1 =	vor.u32 v5, v1  }
0x34d: {  	[tilespmem:$0x16580] =	vst v1  }
0x34e: {  	v1 =	vld.idx.msk [tilespmem:v60+s5+$0x0], $0xffff;
	_ =	sdelay $0x1  }
0x34f: {  	s14 =	sor.u32 $0x8, s3  }
0x350: {  	v59 =	vor.u32 s14, v4;
	_ =	sdelay $0x1  }
0x351: {  	v1 =	vshll.u32 v1, $0x2  }
0x352: {  	v1 =	vor.u32 v5, v1  }
0x353: {  	[tilespmem:$0x16590] =	vst v1  }
0x354: {  	v1 =	vld.idx.msk [tilespmem:v59+s5+$0x0], $0xffff;
	_ =	sdelay $0x1  }
0x355: {  	s4 =	sor.u32 $0xC, s3  }
0x356: {  	v58 =	vor.u32 s4, v4;
	_ =	sdelay $0x1  }
0x357: {  	v1 =	vshll.u32 v1, $0x2  }
0x358: {  	v1 =	vor.u32 v5, v1  }
0x359: {  	[tilespmem:$0x165A0] =	vst v1  }
0x35a: {  	v1 =	vld.idx.msk [tilespmem:v58+s5+$0x0], $0xffff;
	_ =	sdelay $0x2  }
0x35b: {  	v2 =	vmov s3;
	_ =	sdelay $0x1  }
0x35c: {  	v1 =	vshll.u32 v1, $0x2  }
0x35d: {  	v1 =	vor.u32 v5, v1  }
0x35e: {  	[tilespmem:$0x165B0] =	vst v1  }
0x35f: {  	s16 =	sor.u32 $0x1, s3;
	v1 =	vld.idx.msk [tilespmem:v2+s5+$0x0], $0xffff  }
0x360: {  	v2 =	vmov s16  }
0x361: {  	v2 =	vbroadcast v2, $0x0;
	_ =	sdelay $0x2  }
0x362: {  	v1 =	vshll.u32 v1, $0x4  }
0x363: {  	v1 =	vor.u32 v0, v1  }
0x364: {  	[tilespmem:$0x19700] =	vst v1  }
0x365: {  	s17 =	sor.u32 $0x2, s3;
	v1 =	vld.idx.msk [tilespmem:v2+s5+$0x0], $0xffff  }
0x366: {  	v2 =	vmov s17  }
0x367: {  	v2 =	vbroadcast v2, $0x0;
	_ =	sdelay $0x2  }
0x368: {  	v1 =	vshll.u32 v1, $0x4  }
0x369: {  	v1 =	vor.u32 v0, v1  }
0x36a: {  	[tilespmem:$0x19710] =	vst v1  }
0x36b: {  	s18 =	sor.u32 $0x3, s3;
	v1 =	vld.idx.msk [tilespmem:v2+s5+$0x0], $0xffff  }
0x36c: {  	v2 =	vmov s18  }
0x36d: {  	v2 =	vbroadcast v2, $0x0;
	_ =	sdelay $0x2  }
0x36e: {  	v1 =	vshll.u32 v1, $0x4  }
0x36f: {  	v1 =	vor.u32 v0, v1  }
0x370: {  	[tilespmem:$0x19720] =	vst v1  }
0x371: {  	v1 =	vld.idx.msk [tilespmem:v2+s5+$0x0], $0xffff;
	_ =	sdelay $0x2  }
0x372: {  	v2 =	vmov s15;
	_ =	sdelay $0x1  }
0x373: {  	v1 =	vshll.u32 v1, $0x4  }
0x374: {  	v1 =	vor.u32 v0, v1  }
0x375: {  	[tilespmem:$0x19730] =	vst v1  }
0x376: {  	s17 =	sor.u32 $0x5, s3;
	v1 =	vld.idx.msk [tilespmem:v2+s5+$0x0], $0xffff  }
0x377: {  	v2 =	vmov s17  }
0x378: {  	v2 =	vbroadcast v2, $0x0;
	_ =	sdelay $0x2  }
0x379: {  	v1 =	vshll.u32 v1, $0x4  }
0x37a: {  	v1 =	vor.u32 v0, v1  }
0x37b: {  	[tilespmem:$0x19740] =	vst v1  }
0x37c: {  	s18 =	sor.u32 $0x6, s3;
	v1 =	vld.idx.msk [tilespmem:v2+s5+$0x0], $0xffff  }
0x37d: {  	v2 =	vmov s18  }
0x37e: {  	v2 =	vbroadcast v2, $0x0;
	_ =	sdelay $0x2  }
0x37f: {  	v1 =	vshll.u32 v1, $0x4  }
0x380: {  	v1 =	vor.u32 v0, v1  }
0x381: {  	[tilespmem:$0x19750] =	vst v1  }
0x382: {  	s16 =	sor.u32 $0x7, s3;
	v1 =	vld.idx.msk [tilespmem:v2+s5+$0x0], $0xffff  }
0x383: {  	v2 =	vmov s16  }
0x384: {  	v2 =	vbroadcast v2, $0x0;
	_ =	sdelay $0x2  }
0x385: {  	v1 =	vshll.u32 v1, $0x4  }
0x386: {  	v1 =	vor.u32 v0, v1  }
0x387: {  	[tilespmem:$0x19760] =	vst v1  }
0x388: {  	v1 =	vld.idx.msk [tilespmem:v2+s5+$0x0], $0xffff;
	_ =	sdelay $0x2  }
0x389: {  	v2 =	vmov s14;
	_ =	sdelay $0x1  }
0x38a: {  	v1 =	vshll.u32 v1, $0x4  }
0x38b: {  	v1 =	vor.u32 v0, v1  }
0x38c: {  	[tilespmem:$0x19770] =	vst v1  }
0x38d: {  	s17 =	sor.u32 $0x9, s3;
	v1 =	vld.idx.msk [tilespmem:v2+s5+$0x0], $0xffff  }
0x38e: {  	v2 =	vmov s17  }
0x38f: {  	v2 =	vbroadcast v2, $0x0;
	_ =	sdelay $0x2  }
0x390: {  	v1 =	vshll.u32 v1, $0x4  }
0x391: {  	v1 =	vor.u32 v0, v1  }
0x392: {  	[tilespmem:$0x19780] =	vst v1  }
0x393: {  	s18 =	sor.u32 $0xA, s3;
	v1 =	vld.idx.msk [tilespmem:v2+s5+$0x0], $0xffff  }
0x394: {  	v2 =	vmov s18  }
0x395: {  	v2 =	vbroadcast v2, $0x0;
	_ =	sdelay $0x2  }
0x396: {  	v1 =	vshll.u32 v1, $0x4  }
0x397: {  	v1 =	vor.u32 v0, v1  }
0x398: {  	[tilespmem:$0x19790] =	vst v1  }
0x399: {  	s15 =	sor.u32 $0xB, s3;
	v1 =	vld.idx.msk [tilespmem:v2+s5+$0x0], $0xffff  }
0x39a: {  	v2 =	vmov s15  }
0x39b: {  	v2 =	vbroadcast v2, $0x0;
	_ =	sdelay $0x2  }
0x39c: {  	v1 =	vshll.u32 v1, $0x4  }
0x39d: {  	v1 =	vor.u32 v0, v1  }
0x39e: {  	[tilespmem:$0x197A0] =	vst v1  }
0x39f: {  	v1 =	vld.idx.msk [tilespmem:v2+s5+$0x0], $0xffff;
	_ =	sdelay $0x2  }
0x3a0: {  	v2 =	vmov s4;
	_ =	sdelay $0x1  }
0x3a1: {  	v1 =	vshll.u32 v1, $0x4  }
0x3a2: {  	v1 =	vor.u32 v0, v1  }
0x3a3: {  	[tilespmem:$0x197B0] =	vst v1  }
0x3a4: {  	s16 =	sor.u32 $0xD, s3;
	v1 =	vld.idx.msk [tilespmem:v2+s5+$0x0], $0xffff  }
0x3a5: {  	v2 =	vmov s16  }
0x3a6: {  	v2 =	vbroadcast v2, $0x0;
	_ =	sdelay $0x2  }
0x3a7: {  	v1 =	vshll.u32 v1, $0x4  }
0x3a8: {  	v1 =	vor.u32 v0, v1  }
0x3a9: {  	[tilespmem:$0x197C0] =	vst v1  }
0x3aa: {  	s17 =	sor.u32 $0xE, s3;
	v1 =	vld.idx.msk [tilespmem:v2+s5+$0x0], $0xffff  }
0x3ab: {  	v2 =	vmov s17  }
0x3ac: {  	v2 =	vbroadcast v2, $0x0;
	_ =	sdelay $0x2  }
0x3ad: {  	v1 =	vshll.u32 v1, $0x4  }
0x3ae: {  	v1 =	vor.u32 v0, v1  }
0x3af: {  	[tilespmem:$0x197D0] =	vst v1  }
0x3b0: {  	v1 =	vld.idx.msk [tilespmem:v2+s5+$0x0], $0xffff;
	_ =	sdelay $0x1  }
0x3b1: {  	s18 =	sshllo.u32 s31, $0x4  }
0x3b2: {  	v2 =	vmov s18;
	_ =	sdelay $0x1  }
0x3b3: {  	v1 =	vshll.u32 v1, $0x4  }
0x3b4: {  	v1 =	vor.u32 v0, v1  }
0x3b5: {  	[tilespmem:$0x197E0] =	vst v1  }
0x3b6: {  	v1 =	vld.idx.msk [tilespmem:v2+s5+$0x0], $0xffff;
	_ =	sdelay $0x4  }
0x3b7: {  	v1 =	vshll.u32 v1, $0x4  }
0x3b8: {  	v1 =	vor.u32 v0, v1  }
0x3b9: {  	[tilespmem:$0x197F0] =	vst v1  }
0x3ba: {  	v1 =	vld [tilespmem:s3+$0x3000];
	_ =	sdelay $0x4  }
0x3bb: {  	v2 =	vshrl.u32 v1, $0x3  }
0x3bc: {  	v2 =	vmul.u32 $0x30, v2  }
0x3bd: {  	v1 =	vand.u32 $0x7, v1  }
0x3be: {  	v1 =	vor.u32 v1, v2  }
0x3bf: {  	v2 =	vperm.xlane v1, v6;
	_ =	sdelay $0x1  }
0x3c0: {  	v2 =	vadd.s32 v7, v2;
	_ =	sdelay $0x3  }
0x3c1: {  	s14 =	simm.s32 $0x16700;
	v1 =	vperm.xlane v1, v8  }
0x3c2: {  	[tilespmem:s14], [sflag:$0x3] =	stream.indirect_vreg.gather [hbm4b:s1+s0], $0x80, v2, vm0, $0xb8;
	[tilespmem:$0x19900] =	vst v63  }
0x3c3: {  	s15 =	simm.s32 $0x16F00;
	v1 =	vadd.s32 v7, v1  }
0x3c4: {  	[tilespmem:s15], [sflag:$0x3] =	stream.indirect_vreg.gather [hbm4b:s12+s0], $0x80, v2, vm0, $0xb8;
	[tilespmem:$0x19900] =	vst v63  }
0x3c5: {  	s16 =	simm.s32 $0x17700  }
0x3c6: {  	[tilespmem:s16], [sflag:$0x3] =	stream.indirect_vreg.gather [hbm4b:s13+s0], $0x80, v2, vm0, $0xb8;
	[tilespmem:$0x19900] =	vst v63  }
0x3c7: {  	s17 =	simm.s32 $0x17F00  }
0x3c8: {  	[tilespmem:s17], [sflag:$0x3] =	stream.indirect_vreg.gather [hbm4b:s1+s0], $0x80, v1, vm0, $0xb8;
	[tilespmem:$0x19900] =	vst v63  }
0x3c9: {  	s18 =	simm.s32 $0x18700  }
0x3ca: {  	[tilespmem:s18], [sflag:$0x3] =	stream.indirect_vreg.gather [hbm4b:s12+s0], $0x80, v1, vm0, $0xb8;
	[tilespmem:$0x19900] =	vst v63  }
0x3cb: {  	_ = 	snop  }
0x3cc: {  	[tilespmem:s19], [sflag:$0x3] =	stream.indirect_vreg.gather [hbm4b:s13+s0], $0x80, v1, vm0, $0xb8;
	[tilespmem:$0x19900] =	vst v63  }
0x3cd: {  	s3 =	simm.s32 $0x19800  }
0x3ce: {  	[tilespmem:s3], [sflag:$0x4] =	stream.indirect.gather [hbm4b:s8+s20], $0x1, s21, s20, $0xb8;
	[tilespmem:$0x19900] =	vst v63  }
0x3cf: {  	_ = 	snop  }
0x3d0: {  	[tilespmem:s24], [sflag:$0x5] =	stream.indirect.gather [hbm4b:s6+s22], $0x1, s23, s22, $0xb8;
	[tilespmem:$0x19900] =	vst v63  }
0x3d1: {  	_ =	swait.ge [sflag:s28], $0x3000  }
0x3d2: {  	[sflag:s28] =	ssyncset.done $0x0  }
0x3d3: {  	[sflag:s28] =	ssyncadd.s32 $0xFFFFD000  }
0x3d4: {  	_ =	swait.ge [sflag:s25], $0x100  }
0x3d5: {  	[sflag:s25] =	ssyncset.done $0x0  }
0x3d6: {  	[sflag:s25] =	ssyncadd.s32 $0xFFFFFF00  }
0x3d7: {  	_ =	swait.ge [sflag:s26], $0x40  }
0x3d8: {  	[sflag:s26] =	ssyncset.done $0x0  }
0x3d9: {  	[sflag:s26] =	ssyncadd.s32 $0xFFFFFFC0  }
0x3da: {  	v1 =	vld.idx.msk [tilespmem:v61+s29+$0x0], $0xffff;
	_ =	sdelay $0x4  }
0x3db: {  	v1 =	vshll.u32 v1, $0x2  }
0x3dc: {  	v1 =	vor.u32 v5, v1;
	_ =	sdelay $0x4  }
0x3dd: {  	v1 =	vld.idx.msk [tilespmem:v1+s2+$0x0], $0xffff;
	_ =	sdelay $0x4  }
0x3de: {  	v1 =	vadd.f32 $1.000000020e-16, v1;
	_ =	sdelay $0x1  }
0x3df: {  	(erf) = vrcp.f32 v1;
	_ =	sdelay $0x4  }
0x3e0: {  	v1 =	vld [tilespmem:$0x16600];
	_ =	sdelay $0x3  }
0x3e1: {  	v2 =	vpop (erf)  }
0x3e2: {  	v1 =	vmul.f32 v2, v1  }
0x3e3: {  	vm1 =	vlt.s32 v61, v57  }
0x3e4: {  	v1 =	vnsel vm1, $0x0, v1  }
0x3e5: {  	[tilespmem:$0x16680] =	vst v1  }
0x3e6: {  	v1 =	vld.idx.msk [tilespmem:v60+s29+$0x0], $0xffff;
	_ =	sdelay $0x4  }
0x3e7: {  	v1 =	vshll.u32 v1, $0x2  }
0x3e8: {  	v1 =	vor.u32 v5, v1;
	_ =	sdelay $0x4  }
0x3e9: {  	v1 =	vld.idx.msk [tilespmem:v1+s2+$0x0], $0xffff;
	_ =	sdelay $0x4  }
0x3ea: {  	v1 =	vadd.f32 $1.000000020e-16, v1;
	_ =	sdelay $0x1  }
0x3eb: {  	(erf) = vrcp.f32 v1;
	_ =	sdelay $0x4  }
0x3ec: {  	v1 =	vld [tilespmem:$0x16610];
	_ =	sdelay $0x3  }
0x3ed: {  	v2 =	vpop (erf)  }
0x3ee: {  	v1 =	vmul.f32 v2, v1  }
0x3ef: {  	vm1 =	vlt.s32 v60, v57  }
0x3f0: {  	v1 =	vnsel vm1, $0x0, v1  }
0x3f1: {  	[tilespmem:$0x16690] =	vst v1  }
0x3f2: {  	v1 =	vld.idx.msk [tilespmem:v59+s29+$0x0], $0xffff;
	_ =	sdelay $0x4  }
0x3f3: {  	v1 =	vshll.u32 v1, $0x2  }
0x3f4: {  	v1 =	vor.u32 v5, v1;
	_ =	sdelay $0x4  }
0x3f5: {  	v1 =	vld.idx.msk [tilespmem:v1+s2+$0x0], $0xffff;
	_ =	sdelay $0x4  }
0x3f6: {  	v1 =	vadd.f32 $1.000000020e-16, v1;
	_ =	sdelay $0x1  }
0x3f7: {  	(erf) = vrcp.f32 v1;
	_ =	sdelay $0x4  }
0x3f8: {  	v1 =	vld [tilespmem:$0x16620];
	_ =	sdelay $0x3  }
0x3f9: {  	v2 =	vpop (erf)  }
0x3fa: {  	v1 =	vmul.f32 v2, v1  }
0x3fb: {  	vm1 =	vlt.s32 v59, v57  }
0x3fc: {  	v1 =	vnsel vm1, $0x0, v1  }
0x3fd: {  	[tilespmem:$0x166A0] =	vst v1  }
0x3fe: {  	v1 =	vld.idx.msk [tilespmem:v58+s29+$0x0], $0xffff;
	_ =	sdelay $0x4  }
0x3ff: {  	v1 =	vshll.u32 v1, $0x2  }
0x400: {  	v1 =	vor.u32 v5, v1;
	_ =	sdelay $0x4  }
0x401: {  	v1 =	vld.idx.msk [tilespmem:v1+s2+$0x0], $0xffff;
	_ =	sdelay $0x4  }
0x402: {  	v1 =	vadd.f32 $1.000000020e-16, v1;
	_ =	sdelay $0x1  }
0x403: {  	(erf) = vrcp.f32 v1;
	_ =	sdelay $0x4  }
0x404: {  	v1 =	vld [tilespmem:$0x16630];
	_ =	sdelay $0x3  }
0x405: {  	v2 =	vpop (erf)  }
0x406: {  	v1 =	vmul.f32 v2, v1  }
0x407: {  	vm1 =	vlt.s32 v58, v57  }
0x408: {  	v1 =	vnsel vm1, $0x0, v1  }
0x409: {  	s4 =	simm.s32 $0x0;
	s14 =	simm.s32 $0x0;
	s15 =	simm.s32 $0x0;
	[tilespmem:$0x166B0] =	vst v1  }
.LBB2_26:
0x40a: {  	s16 =	sadd.s32 s15, s30  }
0x40b: {  	v1 =	vmov s16;
	_ =	sdelay $0x1  }
0x40c: {  	v2 =	vmov s4  }
0x40d: {  	v2 =	vand.u32 $0xFFFFFFFC, v2  }
0x40e: {  	s17 =	sshrl.u32 s15, $0x3;
	v2 =	vbroadcast v2, $0x0  }
0x40f: {  	s16 =	smul.u32 $0x6000, s17;
	v1 =	vld.idx.msk [tilespmem:v1+s29+$0x0], $0xffff;
	_ =	sdelay $0x1  }
0x410: {  	s17 =	sand.u32 $0x380, s14;
	s16 =	sshra.s32 s16, $0x2  }
0x411: {  	s16 =	sor.u32 s17, s16  }
0x412: {  	v58 =	vld [tilespmem:s16+$0x16700]  }
0x413: {  	v2 =	vld.idx.msk [tilespmem:v2+s7+$0x0], $0xffff;
	v59 =	vmul.u32 $0x300, v1;
	_ =	sdelay $0x1  }
0x414: {  	v60 =	vor.u32 v0, v59;
	_ =	sdelay $0x2  }
0x415: {  	v61 =	vmul.f32 v58, v2  }
0x416: {  	v58 =	vld [tilespmem:s3+$0x0]  }
0x417: {  	s17 =	sadd.s32 $0x16700, s16;
	[tilespmem:v60+s9+$0x0] =	vst.idx.add.f32.msk $0xffff, v61  }
0x418: {  	v60 =	vld [tilespmem:s17+$0x10];
	_ =	sdelay $0x1  }
0x419: {  	v61 =	vor.u32 v9, v59;
	_ =	sdelay $0x2  }
0x41a: {  	v60 =	vmul.f32 v60, v2;
	_ =	sdelay $0x1  }
0x41b: {  	[tilespmem:v61+s9+$0x0] =	vst.idx.add.f32.msk $0xffff, v60  }
0x41c: {  	v60 =	vld [tilespmem:s17+$0x20];
	_ =	sdelay $0x1  }
0x41d: {  	v61 =	vor.u32 v10, v59;
	_ =	sdelay $0x2  }
0x41e: {  	v60 =	vmul.f32 v60, v2;
	_ =	sdelay $0x1  }
0x41f: {  	[tilespmem:v61+s9+$0x0] =	vst.idx.add.f32.msk $0xffff, v60  }
0x420: {  	v60 =	vld [tilespmem:s17+$0x30];
	_ =	sdelay $0x1  }
0x421: {  	v61 =	vor.u32 v11, v59;
	_ =	sdelay $0x2  }
0x422: {  	v60 =	vmul.f32 v60, v2;
	_ =	sdelay $0x1  }
0x423: {  	[tilespmem:v61+s9+$0x0] =	vst.idx.add.f32.msk $0xffff, v60  }
0x424: {  	v60 =	vld [tilespmem:s17+$0x40];
	_ =	sdelay $0x1  }
0x425: {  	v61 =	vor.u32 v12, v59;
	_ =	sdelay $0x2  }
0x426: {  	v60 =	vmul.f32 v60, v2;
	_ =	sdelay $0x1  }
0x427: {  	[tilespmem:v61+s9+$0x0] =	vst.idx.add.f32.msk $0xffff, v60  }
0x428: {  	v60 =	vld [tilespmem:s17+$0x50];
	_ =	sdelay $0x1  }
0x429: {  	v61 =	vor.u32 v13, v59;
	_ =	sdelay $0x2  }
0x42a: {  	v60 =	vmul.f32 v60, v2;
	_ =	sdelay $0x1  }
0x42b: {  	[tilespmem:v61+s9+$0x0] =	vst.idx.add.f32.msk $0xffff, v60  }
0x42c: {  	v60 =	vld [tilespmem:s17+$0x60];
	_ =	sdelay $0x1  }
0x42d: {  	v61 =	vor.u32 v14, v59;
	_ =	sdelay $0x2  }
0x42e: {  	v60 =	vmul.f32 v60, v2;
	_ =	sdelay $0x1  }
0x42f: {  	[tilespmem:v61+s9+$0x0] =	vst.idx.add.f32.msk $0xffff, v60  }
0x430: {  	v60 =	vld [tilespmem:s17+$0x70];
	_ =	sdelay $0x1  }
0x431: {  	v61 =	vor.u32 v15, v59;
	_ =	sdelay $0x2  }
0x432: {  	v60 =	vmul.f32 v60, v2;
	_ =	sdelay $0x1  }
0x433: {  	[tilespmem:v61+s9+$0x0] =	vst.idx.add.f32.msk $0xffff, v60  }
0x434: {  	v60 =	vld [tilespmem:s17+$0x400];
	_ =	sdelay $0x1  }
0x435: {  	v61 =	vor.u32 v16, v59;
	_ =	sdelay $0x2  }
0x436: {  	v60 =	vmul.f32 v60, v2;
	_ =	sdelay $0x1  }
0x437: {  	[tilespmem:v61+s9+$0x0] =	vst.idx.add.f32.msk $0xffff, v60  }
0x438: {  	v60 =	vld [tilespmem:s17+$0x410];
	_ =	sdelay $0x1  }
0x439: {  	v61 =	vor.u32 v17, v59;
	_ =	sdelay $0x2  }
0x43a: {  	v60 =	vmul.f32 v60, v2;
	_ =	sdelay $0x1  }
0x43b: {  	[tilespmem:v61+s9+$0x0] =	vst.idx.add.f32.msk $0xffff, v60  }
0x43c: {  	v60 =	vld [tilespmem:s17+$0x420];
	_ =	sdelay $0x1  }
0x43d: {  	v61 =	vor.u32 v18, v59;
	_ =	sdelay $0x2  }
0x43e: {  	v60 =	vmul.f32 v60, v2;
	_ =	sdelay $0x1  }
0x43f: {  	[tilespmem:v61+s9+$0x0] =	vst.idx.add.f32.msk $0xffff, v60  }
0x440: {  	s18 =	sadd.s32 $0x1, s4;
	v61 =	vld [tilespmem:s17+$0x430]  }
0x441: {  	v62 =	vmov s18  }
0x442: {  	v62 =	vand.u32 $0xFFFFFFFD, v62;
	v60 =	vshll.u32 v1, $0x6;
	v1 =	vor.u32 v19, v59  }
0x443: {  	v62 =	vbroadcast v62, $0x0;
	v63 =	vor.u32 v0, v60;
	_ =	sdelay $0x1  }
0x444: {  	v61 =	vmul.f32 v61, v2  }
0x445: {  	v2 =	vmul.f32 v2, v58  }
0x446: {  	[tilespmem:v1+s9+$0x0] =	vst.idx.add.f32.msk $0xffff, v61  }
0x447: {  	[tilespmem:v63+s10+$0x0] =	vst.idx.add.f32.msk $0xffff, v2  }
0x448: {  	v1 =	vld.idx.msk [tilespmem:v62+s7+$0x0], $0xffff  }
0x449: {  	v2 =	vld [tilespmem:s17+$0x440];
	_ =	sdelay $0x1  }
0x44a: {  	v61 =	vor.u32 v20, v59;
	_ =	sdelay $0x2  }
0x44b: {  	v2 =	vmul.f32 v2, v1;
	_ =	sdelay $0x1  }
0x44c: {  	[tilespmem:v61+s9+$0x0] =	vst.idx.add.f32.msk $0xffff, v2  }
0x44d: {  	v2 =	vld [tilespmem:s17+$0x450];
	_ =	sdelay $0x1  }
0x44e: {  	v61 =	vor.u32 v21, v59;
	_ =	sdelay $0x2  }
0x44f: {  	v2 =	vmul.f32 v2, v1;
	_ =	sdelay $0x1  }
0x450: {  	[tilespmem:v61+s9+$0x0] =	vst.idx.add.f32.msk $0xffff, v2  }
0x451: {  	v2 =	vld [tilespmem:s17+$0x460];
	_ =	sdelay $0x1  }
0x452: {  	v61 =	vor.u32 v22, v59;
	_ =	sdelay $0x2  }
0x453: {  	v2 =	vmul.f32 v2, v1;
	_ =	sdelay $0x1  }
0x454: {  	[tilespmem:v61+s9+$0x0] =	vst.idx.add.f32.msk $0xffff, v2  }
0x455: {  	v2 =	vld [tilespmem:s17+$0x470];
	_ =	sdelay $0x1  }
0x456: {  	v61 =	vor.u32 v23, v59;
	_ =	sdelay $0x2  }
0x457: {  	v2 =	vmul.f32 v2, v1;
	_ =	sdelay $0x1  }
0x458: {  	[tilespmem:v61+s9+$0x0] =	vst.idx.add.f32.msk $0xffff, v2  }
0x459: {  	v61 =	vadd.s32 v24, v59;
	v2 =	vld [tilespmem:s16+$0x16F00]  }
0x45a: {  	v61 =	vand.u32 $0xFFFFFF00, v61  }
0x45b: {  	v61 =	vor.u32 v0, v61;
	_ =	sdelay $0x2  }
0x45c: {  	v2 =	vmul.f32 v2, v1;
	_ =	sdelay $0x1  }
0x45d: {  	s18 =	sadd.s32 $0x16F00, s16;
	[tilespmem:v61+s9+$0x0] =	vst.idx.add.f32.msk $0xffff, v2  }
0x45e: {  	v61 =	vadd.s32 v25, v59;
	v2 =	vld [tilespmem:s18+$0x10]  }
0x45f: {  	v61 =	vand.u32 $0xFFFFFF00, v61  }
0x460: {  	v61 =	vor.u32 v9, v61;
	_ =	sdelay $0x2  }
0x461: {  	v2 =	vmul.f32 v2, v1;
	_ =	sdelay $0x1  }
0x462: {  	[tilespmem:v61+s9+$0x0] =	vst.idx.add.f32.msk $0xffff, v2  }
0x463: {  	v61 =	vadd.s32 v26, v59;
	v2 =	vld [tilespmem:s18+$0x20]  }
0x464: {  	v61 =	vand.u32 $0xFFFFFF00, v61  }
0x465: {  	v61 =	vor.u32 v10, v61;
	_ =	sdelay $0x2  }
0x466: {  	v2 =	vmul.f32 v2, v1;
	_ =	sdelay $0x1  }
0x467: {  	[tilespmem:v61+s9+$0x0] =	vst.idx.add.f32.msk $0xffff, v2  }
0x468: {  	v61 =	vadd.s32 v27, v59;
	v2 =	vld [tilespmem:s18+$0x30]  }
0x469: {  	v61 =	vand.u32 $0xFFFFFF00, v61  }
0x46a: {  	v61 =	vor.u32 v11, v61;
	_ =	sdelay $0x2  }
0x46b: {  	v2 =	vmul.f32 v2, v1;
	_ =	sdelay $0x1  }
0x46c: {  	[tilespmem:v61+s9+$0x0] =	vst.idx.add.f32.msk $0xffff, v2  }
0x46d: {  	v61 =	vadd.s32 v28, v59;
	v2 =	vld [tilespmem:s18+$0x40]  }
0x46e: {  	v61 =	vand.u32 $0xFFFFFF00, v61  }
0x46f: {  	v61 =	vor.u32 v12, v61;
	_ =	sdelay $0x2  }
0x470: {  	v2 =	vmul.f32 v2, v1;
	_ =	sdelay $0x1  }
0x471: {  	[tilespmem:v61+s9+$0x0] =	vst.idx.add.f32.msk $0xffff, v2  }
0x472: {  	v61 =	vadd.s32 v29, v59;
	v2 =	vld [tilespmem:s18+$0x50]  }
0x473: {  	v61 =	vand.u32 $0xFFFFFF00, v61  }
0x474: {  	v61 =	vor.u32 v13, v61;
	_ =	sdelay $0x2  }
0x475: {  	v2 =	vmul.f32 v2, v1;
	_ =	sdelay $0x1  }
0x476: {  	[tilespmem:v61+s9+$0x0] =	vst.idx.add.f32.msk $0xffff, v2  }
0x477: {  	v61 =	vadd.s32 v30, v59;
	v2 =	vld [tilespmem:s18+$0x60]  }
0x478: {  	v61 =	vand.u32 $0xFFFFFF00, v61  }
0x479: {  	v61 =	vor.u32 v14, v61;
	_ =	sdelay $0x2  }
0x47a: {  	v2 =	vmul.f32 v2, v1;
	_ =	sdelay $0x1  }
0x47b: {  	[tilespmem:v61+s9+$0x0] =	vst.idx.add.f32.msk $0xffff, v2  }
0x47c: {  	v61 =	vadd.s32 v31, v59;
	v2 =	vld [tilespmem:s18+$0x70];
	s18 =	sadd.s32 $0x2, s4  }
0x47d: {  	v61 =	vand.u32 $0xFFFFFF00, v61;
	v62 =	vmov s18  }
0x47e: {  	v61 =	vor.u32 v15, v61;
	v62 =	vand.u32 $0xFFFFFFFE, v62  }
0x47f: {  	v63 =	vor.u32 v9, v60;
	v62 =	vbroadcast v62, $0x0;
	_ =	sdelay $0x1  }
0x480: {  	v2 =	vmul.f32 v2, v1  }
0x481: {  	v1 =	vmul.f32 v1, v58  }
0x482: {  	[tilespmem:v61+s9+$0x0] =	vst.idx.add.f32.msk $0xffff, v2  }
0x483: {  	[tilespmem:v63+s10+$0x0] =	vst.idx.add.f32.msk $0xffff, v1  }
0x484: {  	v1 =	vld.idx.msk [tilespmem:v62+s7+$0x0], $0xffff  }
0x485: {  	v61 =	vadd.s32 v32, v59;
	v2 =	vld [tilespmem:s16+$0x17300]  }
0x486: {  	v61 =	vand.u32 $0xFFFFFF80, v61  }
0x487: {  	v61 =	vor.u32 v0, v61;
	_ =	sdelay $0x2  }
0x488: {  	v2 =	vmul.f32 v2, v1;
	_ =	sdelay $0x1  }
0x489: {  	s18 =	sadd.s32 $0x17300, s16;
	[tilespmem:v61+s9+$0x0] =	vst.idx.add.f32.msk $0xffff, v2  }
0x48a: {  	v61 =	vadd.s32 v33, v59;
	v2 =	vld [tilespmem:s18+$0x10]  }
0x48b: {  	v61 =	vand.u32 $0xFFFFFF80, v61  }
0x48c: {  	v61 =	vor.u32 v9, v61;
	_ =	sdelay $0x2  }
0x48d: {  	v2 =	vmul.f32 v2, v1;
	_ =	sdelay $0x1  }
0x48e: {  	[tilespmem:v61+s9+$0x0] =	vst.idx.add.f32.msk $0xffff, v2  }
0x48f: {  	v61 =	vadd.s32 v34, v59;
	v2 =	vld [tilespmem:s18+$0x20]  }
0x490: {  	v61 =	vand.u32 $0xFFFFFF80, v61  }
0x491: {  	v61 =	vor.u32 v10, v61;
	_ =	sdelay $0x2  }
0x492: {  	v2 =	vmul.f32 v2, v1;
	_ =	sdelay $0x1  }
0x493: {  	[tilespmem:v61+s9+$0x0] =	vst.idx.add.f32.msk $0xffff, v2  }
0x494: {  	v61 =	vadd.s32 v35, v59;
	v2 =	vld [tilespmem:s18+$0x30]  }
0x495: {  	v61 =	vand.u32 $0xFFFFFF80, v61  }
0x496: {  	v61 =	vor.u32 v11, v61;
	_ =	sdelay $0x2  }
0x497: {  	v2 =	vmul.f32 v2, v1;
	_ =	sdelay $0x1  }
0x498: {  	[tilespmem:v61+s9+$0x0] =	vst.idx.add.f32.msk $0xffff, v2  }
0x499: {  	v61 =	vadd.s32 v36, v59;
	v2 =	vld [tilespmem:s18+$0x40]  }
0x49a: {  	v61 =	vand.u32 $0xFFFFFF80, v61  }
0x49b: {  	v61 =	vor.u32 v12, v61;
	_ =	sdelay $0x2  }
0x49c: {  	v2 =	vmul.f32 v2, v1;
	_ =	sdelay $0x1  }
0x49d: {  	[tilespmem:v61+s9+$0x0] =	vst.idx.add.f32.msk $0xffff, v2  }
0x49e: {  	v61 =	vadd.s32 v37, v59;
	v2 =	vld [tilespmem:s18+$0x50]  }
0x49f: {  	v61 =	vand.u32 $0xFFFFFF80, v61  }
0x4a0: {  	v61 =	vor.u32 v13, v61;
	_ =	sdelay $0x2  }
0x4a1: {  	v2 =	vmul.f32 v2, v1;
	_ =	sdelay $0x1  }
0x4a2: {  	[tilespmem:v61+s9+$0x0] =	vst.idx.add.f32.msk $0xffff, v2  }
0x4a3: {  	v61 =	vadd.s32 v38, v59;
	v2 =	vld [tilespmem:s18+$0x60]  }
0x4a4: {  	v61 =	vand.u32 $0xFFFFFF80, v61  }
0x4a5: {  	v61 =	vor.u32 v14, v61;
	_ =	sdelay $0x2  }
0x4a6: {  	v2 =	vmul.f32 v2, v1;
	_ =	sdelay $0x1  }
0x4a7: {  	[tilespmem:v61+s9+$0x0] =	vst.idx.add.f32.msk $0xffff, v2  }
0x4a8: {  	v61 =	vadd.s32 v39, v59;
	v2 =	vld [tilespmem:s18+$0x70]  }
0x4a9: {  	v61 =	vand.u32 $0xFFFFFF80, v61  }
0x4aa: {  	v61 =	vor.u32 v15, v61;
	_ =	sdelay $0x2  }
0x4ab: {  	v2 =	vmul.f32 v2, v1;
	_ =	sdelay $0x1  }
0x4ac: {  	[tilespmem:v61+s9+$0x0] =	vst.idx.add.f32.msk $0xffff, v2  }
0x4ad: {  	v61 =	vadd.s32 v40, v59;
	v2 =	vld [tilespmem:s16+$0x17700]  }
0x4ae: {  	v61 =	vand.u32 $0xFFFFFF00, v61  }
0x4af: {  	v61 =	vor.u32 v0, v61;
	_ =	sdelay $0x2  }
0x4b0: {  	v2 =	vmul.f32 v2, v1;
	_ =	sdelay $0x1  }
0x4b1: {  	s17 =	sadd.s32 $0x17700, s16;
	[tilespmem:v61+s9+$0x0] =	vst.idx.add.f32.msk $0xffff, v2  }
0x4b2: {  	v61 =	vadd.s32 v41, v59;
	v2 =	vld [tilespmem:s17+$0x10]  }
0x4b3: {  	v61 =	vand.u32 $0xFFFFFF00, v61  }
0x4b4: {  	v61 =	vor.u32 v9, v61;
	_ =	sdelay $0x2  }
0x4b5: {  	v2 =	vmul.f32 v2, v1;
	_ =	sdelay $0x1  }
0x4b6: {  	[tilespmem:v61+s9+$0x0] =	vst.idx.add.f32.msk $0xffff, v2  }
0x4b7: {  	v61 =	vadd.s32 v42, v59;
	v2 =	vld [tilespmem:s17+$0x20]  }
0x4b8: {  	v61 =	vand.u32 $0xFFFFFF00, v61  }
0x4b9: {  	v61 =	vor.u32 v10, v61;
	_ =	sdelay $0x2  }
0x4ba: {  	v2 =	vmul.f32 v2, v1;
	_ =	sdelay $0x1  }
0x4bb: {  	[tilespmem:v61+s9+$0x0] =	vst.idx.add.f32.msk $0xffff, v2  }
0x4bc: {  	v61 =	vadd.s32 v43, v59;
	v2 =	vld [tilespmem:s17+$0x30]  }
0x4bd: {  	v61 =	vand.u32 $0xFFFFFF00, v61  }
0x4be: {  	v61 =	vor.u32 v11, v61  }
0x4bf: {  	v62 =	vor.u32 v10, v60;
	s18 =	sadd.s32 $0x3, s4  }
0x4c0: {  	v63 =	vmov s18  }
0x4c1: {  	v2 =	vmul.f32 v2, v1  }
0x4c2: {  	v1 =	vmul.f32 v1, v58  }
0x4c3: {  	[tilespmem:v61+s9+$0x0] =	vst.idx.add.f32.msk $0xffff, v2  }
0x4c4: {  	[tilespmem:v62+s10+$0x0] =	vst.idx.add.f32.msk $0xffff, v1  }
0x4c5: {  	v1 =	vld.idx.msk [tilespmem:v63+s7+$0x0], $0xffff  }
0x4c6: {  	v61 =	vadd.s32 v44, v59;
	v2 =	vld [tilespmem:s17+$0x40]  }
0x4c7: {  	v61 =	vand.u32 $0xFFFFFF00, v61  }
0x4c8: {  	v61 =	vor.u32 v12, v61;
	_ =	sdelay $0x2  }
0x4c9: {  	v2 =	vmul.f32 v2, v1;
	_ =	sdelay $0x1  }
0x4ca: {  	[tilespmem:v61+s9+$0x0] =	vst.idx.add.f32.msk $0xffff, v2  }
0x4cb: {  	v61 =	vadd.s32 v45, v59;
	v2 =	vld [tilespmem:s17+$0x50]  }
0x4cc: {  	v61 =	vand.u32 $0xFFFFFF00, v61  }
0x4cd: {  	v61 =	vor.u32 v13, v61;
	_ =	sdelay $0x2  }
0x4ce: {  	v2 =	vmul.f32 v2, v1;
	_ =	sdelay $0x1  }
0x4cf: {  	[tilespmem:v61+s9+$0x0] =	vst.idx.add.f32.msk $0xffff, v2  }
0x4d0: {  	v61 =	vadd.s32 v46, v59;
	v2 =	vld [tilespmem:s17+$0x60]  }
0x4d1: {  	v61 =	vand.u32 $0xFFFFFF00, v61  }
0x4d2: {  	v61 =	vor.u32 v14, v61;
	_ =	sdelay $0x2  }
0x4d3: {  	v2 =	vmul.f32 v2, v1;
	_ =	sdelay $0x1  }
0x4d4: {  	[tilespmem:v61+s9+$0x0] =	vst.idx.add.f32.msk $0xffff, v2  }
0x4d5: {  	v61 =	vadd.s32 v47, v59;
	v2 =	vld [tilespmem:s17+$0x70]  }
0x4d6: {  	v61 =	vand.u32 $0xFFFFFF00, v61  }
0x4d7: {  	v61 =	vor.u32 v15, v61;
	_ =	sdelay $0x2  }
0x4d8: {  	v2 =	vmul.f32 v2, v1;
	_ =	sdelay $0x1  }
0x4d9: {  	[tilespmem:v61+s9+$0x0] =	vst.idx.add.f32.msk $0xffff, v2  }
0x4da: {  	v61 =	vadd.s32 v48, v59;
	v2 =	vld [tilespmem:s16+$0x17B00]  }
0x4db: {  	v61 =	vand.u32 $0xFFFFFF80, v61  }
0x4dc: {  	v61 =	vor.u32 v0, v61;
	_ =	sdelay $0x2  }
0x4dd: {  	v2 =	vmul.f32 v2, v1;
	_ =	sdelay $0x1  }
0x4de: {  	s16 =	sadd.s32 $0x17B00, s16;
	[tilespmem:v61+s9+$0x0] =	vst.idx.add.f32.msk $0xffff, v2  }
0x4df: {  	v61 =	vadd.s32 v49, v59;
	v2 =	vld [tilespmem:s16+$0x10]  }
0x4e0: {  	v61 =	vand.u32 $0xFFFFFF80, v61  }
0x4e1: {  	v61 =	vor.u32 v9, v61;
	_ =	sdelay $0x2  }
0x4e2: {  	v2 =	vmul.f32 v2, v1;
	_ =	sdelay $0x1  }
0x4e3: {  	[tilespmem:v61+s9+$0x0] =	vst.idx.add.f32.msk $0xffff, v2  }
0x4e4: {  	v61 =	vadd.s32 v50, v59;
	v2 =	vld [tilespmem:s16+$0x20]  }
0x4e5: {  	v61 =	vand.u32 $0xFFFFFF80, v61  }
0x4e6: {  	v61 =	vor.u32 v10, v61;
	_ =	sdelay $0x2  }
0x4e7: {  	v2 =	vmul.f32 v2, v1;
	_ =	sdelay $0x1  }
0x4e8: {  	[tilespmem:v61+s9+$0x0] =	vst.idx.add.f32.msk $0xffff, v2  }
0x4e9: {  	v61 =	vadd.s32 v51, v59;
	v2 =	vld [tilespmem:s16+$0x30]  }
0x4ea: {  	v61 =	vand.u32 $0xFFFFFF80, v61  }
0x4eb: {  	v61 =	vor.u32 v11, v61;
	_ =	sdelay $0x2  }
0x4ec: {  	v2 =	vmul.f32 v2, v1;
	_ =	sdelay $0x1  }
0x4ed: {  	[tilespmem:v61+s9+$0x0] =	vst.idx.add.f32.msk $0xffff, v2  }
0x4ee: {  	v61 =	vadd.s32 v52, v59;
	v2 =	vld [tilespmem:s16+$0x40]  }
0x4ef: {  	v61 =	vand.u32 $0xFFFFFF80, v61  }
0x4f0: {  	v61 =	vor.u32 v12, v61;
	_ =	sdelay $0x2  }
0x4f1: {  	v2 =	vmul.f32 v2, v1;
	_ =	sdelay $0x1  }
0x4f2: {  	[tilespmem:v61+s9+$0x0] =	vst.idx.add.f32.msk $0xffff, v2  }
0x4f3: {  	v61 =	vadd.s32 v53, v59;
	v2 =	vld [tilespmem:s16+$0x50]  }
0x4f4: {  	v61 =	vand.u32 $0xFFFFFF80, v61  }
0x4f5: {  	v61 =	vor.u32 v13, v61;
	_ =	sdelay $0x2  }
0x4f6: {  	v2 =	vmul.f32 v2, v1;
	_ =	sdelay $0x1  }
0x4f7: {  	[tilespmem:v61+s9+$0x0] =	vst.idx.add.f32.msk $0xffff, v2  }
0x4f8: {  	v61 =	vadd.s32 v54, v59;
	v2 =	vld [tilespmem:s16+$0x60]  }
0x4f9: {  	v61 =	vand.u32 $0xFFFFFF80, v61  }
0x4fa: {  	v61 =	vor.u32 v14, v61;
	_ =	sdelay $0x2  }
0x4fb: {  	v2 =	vmul.f32 v2, v1;
	_ =	sdelay $0x1  }
0x4fc: {  	[tilespmem:v61+s9+$0x0] =	vst.idx.add.f32.msk $0xffff, v2  }
0x4fd: {  	v59 =	vadd.s32 v55, v59;
	v2 =	vld [tilespmem:s16+$0x70]  }
0x4fe: {  	v59 =	vand.u32 $0xFFFFFF80, v59  }
0x4ff: {  	v59 =	vor.u32 v15, v59  }
0x500: {  	p0 =	sne.s32 s15, $0xF;
	v60 =	vor.u32 v11, v60  }
.Ltmp18:
0x501: {  	_ = 	snop;
	(pc) =	sbr.rel @p0 .LBB2_26-.Ltmp18, $4  }
0x502: {  	v2 =	vmul.f32 v2, v1  }
0x503: {  	v1 =	vmul.f32 v1, v58  }
0x504: {  	s15 =	sadd.s32 $0x1, s15;
	[tilespmem:v59+s9+$0x0] =	vst.idx.add.f32.msk $0xffff, v2  }
0x505: {  	s14 =	sadd.s32 $0x80, s14;
	s3 =	sadd.s32 $0x10, s3;
	s4 =	sadd.s32 $0x4, s4;
	[tilespmem:v60+s10+$0x0] =	vst.idx.add.f32.msk $0xffff, v1  }
0x506: {  	s31 =	sadd.s32 $0x1, s31  }
0x507: {  	p0 =	sne.s32 s31, s11  }
.Ltmp19:
0x508: {  	_ = 	snop;
	(pc) =	sbr.rel @p0 .LBB2_25-.Ltmp19, $4  }
.Ltmp20:
0x509: {  	_ = 	snop;
	(pc) =	sbr.rel @!p0 .LBB2_28-.Ltmp20, $4  }
0x50a: {  	_ = 	snop  }
0x50b: {  	_ = 	snop  }
0x50c: {  	s30 =	sadd.s32 $0x10, s30  }
0x50d: {  	_ = 	snop  }
.LBB2_32:
0x50e: {  	_ =	sfence.sel $0x180000  }
0x50f: {  	[bflag:$0x0] =	sbarrier.arrive $0xFFFF  }
0x510: {  	_ =	strace $0x9000004A  }
0x511: {  	s0 =	stileid.u32;
	[bflag:$0x2] =	sbarrier.arrive $0xFFFF  }
0x512: {  	p0 =	sne.s32 s0, $0x0;
	s0 =	rddreg [dreg:$0x2]  }
0x513: {  	s0 =	sadd.s32 @!p0 $0x100000, s0  }
0x514: {  	[sflag:s0] =	ssyncadd.tile.s32 @!p0 $0x1;
	_ =	shalt  }
.Lfunc_end2:
_tile_overlayer_lowered:
.L_overlay_start_2:
0x515: {  	(tag) =	ssettag $0x2  }
0x516: {  	s0 =	rddreg [dreg:$0x0];
	s2 =	stileid.u32  }
0x517: {  	s1 =	rddreg [dreg:$0x1];
	p0 =	sne.s32 s2, $0x0  }
0x518: {  	s3 =	rddreg [dreg:$0x2];
	[bflag:$0x3] =	sbarrier.arrive $0xFFFF;
	s2 =	simm.s32 @!p0 $0x1C06  }
0x519: {  	[timem:s3], [sflag:s2] =	dma.local @!p0 [hbm:s0], s1  }
0x51a: {  	s0 =	simm.s32 @!p0 $0x6  }
0x51b: {  	_ =	swait.ge @!p0 [sflag:s0], s1  }
0x51c: {  	s1 =	ssub.s32 @!p0 $0x0, s1;
	[sflag:s0] =	ssyncset.done @!p0 $0x0  }
0x51d: {  	[sflag:s0] =	ssyncadd.s32 @!p0 s1  }
0x51e: {  	[bflag:$0x3] =	sbarrier.arrive $0xFFFF  }
0x51f: {  	_ =	shalt  }

// kernel: kernel.7.cloned.1.call-start
scs
__scs_entry_jumppad:
0x0: {  	(pc) =	sbr.rel $0x88, $3  }
0x1: {  	(tag) =	ssettag $0x0;
	lr =	simm.s32 $0x1  }
0x2: {  	[smem:$0x3F99] =	sst lr;
	_ =	strace $0xD0000000  }
0x3: {  	_ = 	snop  }
0x4: {  	_ = 	snop  }
0x5: {  	_ = 	snop  }
0x6: {  	_ = 	snop  }
0x7: {  	_ = 	snop  }
__scs_overlays_trampoline_lowered:
0x8: {  	[smem:$0x3FA8] =	sst s0  }
0x9: {  	[smem:$0x3FA9] =	sst s1  }
0xa: {  	[smem:$0x3FAA] =	sst s2  }
0xb: {  	[smem:$0x3FAB] =	sst s3  }
0xc: {  	[smem:$0x3FAC] =	sst s4  }
0xd: {  	[smem:$0x3FAD] =	sst s5  }
0xe: {  	[smem:$0x3FAE] =	sst s6  }
0xf: {  	[smem:$0x3FAF] =	sst s7  }
0x10: {  	[smem:$0x3FB0] =	sst s8  }
0x11: {  	[smem:$0x3FB1] =	sst s9;
	s0 =	simm.s32 @!p0 $0x0  }
0x12: {  	s1 =	sld [smem:$0x3F97];
	s0 =	simm.s32 @p0 $0x1  }
0x13: {  	[smem:$0x3FB2] =	sst s0;
	s0 =	simm.s32 @!p1 $0x0  }
0x14: {  	s2 =	sld [smem:$0x3F96];
	s0 =	simm.s32 @p1 $0x1  }
0x15: {  	[smem:$0x3FB3] =	sst s0;
	s0 =	simm.s32 @!p2 $0x0  }
0x16: {  	s3 =	sld [smem:$0x3FDB];
	s0 =	simm.s32 @p2 $0x1  }
0x17: {  	s4 =	simm.s32 $0x1BF5;
	[smem:$0x3FB5] =	sst s0  }
0x18: {  	s0 =	sld [smem:$0x3F98];
	_ =	swait.ge [sflag:s4], $0x0  }
0x19: {  	s7 =	sld [smem:$0x3F99]  }
0x1a: {  	s8 =	sadd.s32 $0xFFFFE003, lr  }
0x1b: {  	s9 =	sadd.s32 $0xFFFFFEF7, lr;
	s5 =	simm.s32 $0xFFFFFFFF;
	p2 =	slt.u32 s8, $0xFFFFF086  }
0x1c: {  	p1 =	slt.u32 s9, $0xF7A;
	s5 =	simm.s32 @!p2 $0x0  }
0x1d: {  	s5 =	simm.s32 @p1 $0x1;
	p0 =	seq.s32 s7, s2  }
0x1e: {  	s7 =	smul.u32 @!p0 $0xF7A, s2;
	p2 =	seq.s32 @!p0 s5, $0x0  }
0x1f: {  	s9 =	smul.u32 $0xF7A, s1;
	s8 =	simm.s32 @!p0 $0x1BF5;
	p2 =	por !p2, p0  }
0x20: {  	[sflag:s8] =	ssyncset.s32 @!p0 $0xFFFFF086;
	s6 =	sadd.s32 @!p0 s3, s7;
	s7 =	simm.s32 @!p0 $0x108  }
0x21: {  	s3 =	sadd.s32 s3, s9;
	s6 =	sadd.s32 @!p0 $0x88, s6;
	s7 =	simm.s32 @p2 $0x1082  }
0x22: {  	[simem:s7], [sflag:s8] =	dma.local @!p0 [hbm:s6], $0xF7A  }
0x23: {  	s9 =	sor.u32 $0xD0000000, s2;
	s6 =	simm.s32 $0x108;
	_ =	swait.ge @!p0 [sflag:s8], $0x0  }
0x24: {  	s3 =	sadd.s32 $0x88, s3;
	s6 =	simm.s32 @!p1 $0x1082;
	[sflag:s4] =	ssyncset.s32 $0xFFFFF086  }
0x25: {  	[simem:s6], [sflag:s4] =	dma.local [hbm:s3], $0xF7A  }
0x26: {  	[smem:$0x3F99] =	sst s1;
	(tag) =	ssettag s2;
	_ =	strace s9  }
0x27: {  	s1 =	sld [smem:$0x3FA9]  }
0x28: {  	s2 =	sld [smem:$0x3FAA]  }
0x29: {  	s4 =	sld [smem:$0x3FAC]  }
0x2a: {  	p0 =	seq.s32 s5, $0x0;
	s5 =	sld [smem:$0x3FAD]  }
0x2b: {  	s6 =	sld [smem:$0x3FAE]  }
0x2c: {  	s7 =	sld [smem:$0x3FAF]  }
0x2d: {  	s3 =	simm.s32 $0x108;
	s8 =	sld [smem:$0x3FB0]  }
0x2e: {  	s3 =	simm.s32 @!p0 $0x1082;
	s9 =	sld [smem:$0x3FB1]  }
0x2f: {  	lr =	sadd.s32 s0, s3;
	s0 =	sld [smem:$0x3FA8]  }
0x30: {  	s3 =	sld [smem:$0x3FAB]  }
0x31: {  	[smem:$0x3FB4] =	sst s10  }
0x32: {  	s10 =	sld [smem:$0x3FB2];
	_ =	sdelay $0x3  }
0x33: {  	p0 =	seq.s32 s10, $0x1;
	s10 =	sld [smem:$0x3FB4];
	_ =	sdelay $0x3  }
0x34: {  	[smem:$0x3FB4] =	sst s10  }
0x35: {  	s10 =	sld [smem:$0x3FB3];
	_ =	sdelay $0x3  }
0x36: {  	p1 =	seq.s32 s10, $0x1;
	s10 =	sld [smem:$0x3FB4];
	_ =	sdelay $0x3  }
0x37: {  	[smem:$0x3FB4] =	sst s10  }
0x38: {  	s10 =	sld [smem:$0x3FB5]  }
0x39: {  	_ = 	snop;
	(pc) =	sbr.ind lr, $3  }
0x3a: {  	_ = 	snop  }
0x3b: {  	_ = 	snop  }
0x3c: {  	p2 =	seq.s32 s10, $0x1;
	s10 =	sld [smem:$0x3FB4]  }
0x3d: {  	_ =	shalt  }
0x3e: {  	_ =	shalt  }
0x3f: {  	_ =	shalt  }
0x40: {  	_ =	shalt  }
0x41: {  	_ =	shalt  }
0x42: {  	_ =	shalt  }
0x43: {  	_ =	shalt  }
0x44: {  	_ =	shalt  }
0x45: {  	_ =	shalt  }
0x46: {  	_ =	shalt  }
0x47: {  	_ =	shalt  }
0x48: {  	_ =	shalt  }
0x49: {  	_ =	shalt  }
0x4a: {  	_ =	shalt  }
0x4b: {  	_ =	shalt  }
0x4c: {  	_ =	shalt  }
0x4d: {  	_ =	shalt  }
0x4e: {  	_ =	shalt  }
0x4f: {  	_ =	shalt  }
0x50: {  	_ =	shalt  }
0x51: {  	_ =	shalt  }
0x52: {  	_ =	shalt  }
0x53: {  	_ =	shalt  }
0x54: {  	_ =	shalt  }
0x55: {  	_ =	shalt  }
0x56: {  	_ =	shalt  }
0x57: {  	_ =	shalt  }
0x58: {  	_ =	shalt  }
0x59: {  	_ =	shalt  }
0x5a: {  	_ =	shalt  }
0x5b: {  	_ =	shalt  }
0x5c: {  	_ =	shalt  }
0x5d: {  	_ =	shalt  }
0x5e: {  	_ =	shalt  }
0x5f: {  	_ =	shalt  }
0x60: {  	_ =	shalt  }
0x61: {  	_ =	shalt  }
0x62: {  	_ =	shalt  }
0x63: {  	_ =	shalt  }
0x64: {  	_ =	shalt  }
0x65: {  	_ =	shalt  }
0x66: {  	_ =	shalt  }
0x67: {  	_ =	shalt  }
0x68: {  	_ =	shalt  }
0x69: {  	_ =	shalt  }
0x6a: {  	_ =	shalt  }
0x6b: {  	_ =	shalt  }
0x6c: {  	_ =	shalt  }
0x6d: {  	_ =	shalt  }
0x6e: {  	_ =	shalt  }
0x6f: {  	_ =	shalt  }
0x70: {  	_ =	shalt  }
0x71: {  	_ =	shalt  }
0x72: {  	_ =	shalt  }
0x73: {  	_ =	shalt  }
0x74: {  	_ =	shalt  }
0x75: {  	_ =	shalt  }
0x76: {  	_ =	shalt  }
0x77: {  	_ =	shalt  }
0x78: {  	_ =	shalt  }
0x79: {  	_ =	shalt  }
0x7a: {  	_ =	shalt  }
0x7b: {  	_ =	shalt  }
0x7c: {  	_ =	shalt  }
0x7d: {  	_ =	shalt  }
0x7e: {  	_ =	shalt  }
0x7f: {  	_ =	shalt  }
0x80: {  	_ =	shalt  }
0x81: {  	_ =	shalt  }
0x82: {  	_ =	shalt  }
0x83: {  	_ =	shalt  }
0x84: {  	_ =	shalt  }
0x85: {  	_ =	shalt  }
0x86: {  	_ =	shalt  }
0x87: {  	_ =	shalt  }
.Lfunc_end0:
.L_simem_size_0:
called_computation_lowered:
.L_overlay_start_0:
0x88: {  	s2 =	sld [smem:$0x3FD9]  }
0x89: {  	s3 =	sld [smem:$0x3FFE];
	_ =	sdelay $0x1  }
0x8a: {  	s1 =	srdreg.scid  }
0x8b: {  	s0 =	sand.u32 $0x1, s1  }
0x8c: {  	s16 =	sshll.u32 s0, $0xA;
	s2 =	sadd.s32 s3, s2  }
0x8d: {  	s2 =	sadd.s32 s2, s16  }
0x8e: {  	[smem:$0x3FC0] =	sst s2  }
0x8f: {  	_ = 	snop  }
0x90: {  	(tm) =	ssettm $0x1  }
0x91: {  	s17 =	sld [smem:$0x3FFB];
	_ =	sdelay $0x3  }
0x92: {  	_ =	strace s17  }
0x93: {  	s2 =	sld [smem:$0x3FFC];
	_ =	sdelay $0x3  }
0x94: {  	_ =	strace s2  }
0x95: {  	s2 =	sld [smem:$0x3FFD];
	_ =	sdelay $0x3  }
0x96: {  	_ =	strace s2  }
0x97: {  	_ =	strace $0x8FFFFFFF  }
0x98: {  	s18 =	sld [smem:$0x3FDB];
	_ =	sdelay $0x1  }
0x99: {  	s19 =	simm.s32 $_scs_section_size  }
0x9a: {  	s4 =	simm.s32 $_size__tile_overlayer_lowered;
	s5 =	simm.s32 $_tile_overlayer_lowered  }
0x9b: {  	s22 =	simm.s32 $0x1BFF;
	s21 =	sshll.u32 s5, $0x1;
	s2 =	sadd.s32 s19, s18  }
0x9c: {  	s6 =	simm.s32 $0x0;
	s20 =	sshll.u32 s4, $0x1;
	s4 =	sadd.s32 s21, s2  }
0x9d: {  	[timem:s6], [sflag:s22] =	dma.local [hbm:s4], s20  }
0x9e: {  	_ =	swait.ge [sflag:s22], s20  }
0x9f: {  	s3 =	ssub.s32 $0x0, s20;
	[sflag:s22] =	ssyncset.done $0x0  }
0xa0: {  	[sflag:s22] =	ssyncadd.s32 s3;
	_ =	sdelay $0x1  }
0xa1: {  	s23 =	simm.s32 $0x1B8B  }
0xa2: {  	_ =	swait.ge [sflag:s23], $0x1  }
0xa3: {  	[sflag:s23] =	ssyncset.done $0x0  }
0xa4: {  	s25 =	simm.s32 $0x1B8E;
	s24 =	sld [smem:$0x3FFE];
	[sflag:s23] =	ssyncadd.s32 $0xFFFFFFFF  }
0xa5: {  	s26 =	simm.s32 $execute0_lowered;
	[smem:$0x3FD2] =	sst s25  }
0xa6: {  	s4 =	sshll.u32 s26, $0x1;
	_ =	strace $0x80000046;
	[dreg:$0x1] =	wrdreg $0xFFFFFFFF  }
0xa7: {  	s28 =	simm.s32 $_size_execute0_lowered;
	s2 =	sadd.s32 s2, s4;
	[dreg:$0x0] =	wrdreg $0x0  }
0xa8: {  	s4 =	sshll.u32 s28, $0x1;
	[dreg:$0x2] =	wrdreg s2  }
0xa9: {  	[dreg:$0x3] =	wrdreg s4  }
0xaa: {  	[dreg:$0x4] =	wrdreg $0xC0  }
0xab: {  	_ =	task [dreg:s6], $0x5FFFF  }
0xac: {  	[dreg:$0x1] =	wrdreg $0xFFFFFFFF  }
0xad: {  	[dreg:$0x0] =	wrdreg $0x60  }
0xae: {  	[dreg:$0x2] =	wrdreg s24  }
0xaf: {  	[dreg:$0x3] =	wrdreg $0x9  }
0xb0: {  	_ =	task.clear_ibuf [dreg:s6], $0x4FFFF;
	_ =	strace $0x90000046  }
0xb1: {  	s29 =	simm.s32 $0x9;
	_ =	strace $0x80000048  }
0xb2: {  	_ =	swait.ge [sflag:s29], $0x1  }
0xb3: {  	[sflag:s29] =	ssyncadd.s32 $0xFFFFFFFF  }
0xb4: {  	_ =	strace $0x90000048  }
0xb5: {  	_ =	sfence  }
0xb6: {  	s30 =	sld [smem:$0x0];
	_ =	sdelay $0x2  }
0xb7: {  	s31 =	sshll.u32 s1, $0xD;
	s1 =	sshrl.u32 s1, $0x2  }
0xb8: {  	s3 =	sand.u32 $0x4000, s31;
	s1 =	sadd.s32 s1, s30  }
0xb9: {  	s0 =	sor.u32 s3, s0;
	s1 =	sshll.u32 s1, $0x11  }
0xba: {  	s0 =	sor.u32 s1, s0  }
0xbb: {  	s0 =	sadd.s32 $0x8F2B, s0  }
0xbc: {  	[sflag:s0] =	ssyncadd.remote.s32 $0x1  }
0xbd: {  	_ =	sfence.sel $0xFFFF  }
0xbe: {  	[dreg:$0x0] =	wrdreg $0xFFFFFFFF;
	(pc) =	sbr.abs _section_cstart, $3  }
0xbf: {  	[dreg:$0x1] =	wrdreg $0xFFFFFFFF  }
0xc0: {  	_ =	task.clear_ibuf [dreg:s6], $0x2FFFF;
	_ =	strace $0x9FFFFFFF  }
0xc1: {  	(tm) =	ssettm $0x7FFFFFFF  }
tec
execute0_lowered:
.L_overlay_start_1:
0x0: {  	(tag) =	ssettag $0x1  }
0x1: {  	s9 =	rddreg [dreg:$0x0]  }
0x2: {  	s0 =	rddreg [dreg:$0x1]  }
0x3: {  	s2 =	simm.s32 $0x0;
	s3 =	srdreg.scid;
	s1 =	stileid.u32  }
0x4: {  	s13 =	simm.s32 $0x1F80;
	s14 =	simm.s32 $0x3F00;
	s15 =	simm.s32 $0x1F40  }
0x5: {  	s16 =	simm.s32 $0x5E80;
	s17 =	simm.s32 $0x7E00;
	s18 =	simm.s32 $0x1  }
0x6: {  	s19 =	simm.s32 $0x2;
	s20 =	simm.s32 $0xBD00;
	s21 =	simm.s32 $0x9D80  }
0x7: {  	s22 =	simm.s32 $0x0;
	s8 =	sand.u32 $0x1, s3;
	s31 =	sshll.u32 s1, $0x1  }
0x8: {  	s3 =	sadd.s32 $0x4F9600, s9;
	s5 =	sadd.s32 $0x520800, s9;
	s4 =	sor.u32 s8, s31  }
0x9: {  	[smem:$0x7FF] =	sst s2;
	s6 =	sadd.s32 $0xA2A200, s9;
	s4 =	smul.u32 $0x9C40, s4  }
0xa: {  	s7 =	sadd.s32 $0x548200, s9;
	_ =	strace $0x80000047;
	s11 =	ssub.s32 $0x2, s8  }
0xb: {  	s8 =	sadd.s32 $0x549600, s9;
	s12 =	sshrl.u32 s11, $0x1;
	s10 =	sshrl.u32 s4, $0x3  }
0xc: {  	s11 =	ssub.s32 s11, s12;
	s12 =	simm.s32 $0x3;
	s10 =	sadd.s32 s10, s9  }
0xd: {  	v0 =	vimm.f32 $0.0e+00;
	s11 =	smax.u32 s11, $0x1;
	s9 =	sadd.s32 $0x54AA00, s9;
	s10 =	sadd.s32 $0x571C00, s10  }
.LBB2_1:
0xe: {  	s23 =	simm.s32 $0x40;
	s24 =	simm.s32 $0x0  }
.LBB2_2:
0xf: {  	p0 =	sne.s32 s23, $0x270C0;
	[tilespmem:s24+$0xBD00] =	vst v0;
	s24 =	smov.u32 s23;
	s23 =	sadd.s32 $0x40, s23  }
.Ltmp0:
0x10: {  	(pc) =	sbr.rel @p0 .LBB2_2-.Ltmp0, $2  }
0x11: {  	_ =	sdelay $0x2  }
0x12: {  	s24 =	sshra.s32 s24, $0x2  }
0x13: {  	[tilespmem:s24+$0xBD00] =	vst v0;
	s23 =	simm.s32 $0x0;
	s24 =	simm.s32 $0x0  }
.LBB2_4:
0x14: {  	s25 =	smul.u32 $0x1F40, s24;
	_ =	sdelay $0x1  }
0x15: {  	s25 =	sadd.s32 s4, s25  }
0x16: {  	s25 =	sshrl.u32 s25, $0x3  }
0x17: {  	s26 =	sadd.s32 s3, s25  }
0x18: {  	[tilespmem:s23], [sflag:$0x3] =	stream.linear.gather [hbm4b:s26+s23], $0x1F40, $0x38;
	[tilespmem:$0x15980] =	vst v63  }
0x19: {  	_ =	swait.ge [sflag:s12], $0x1F40  }
0x1a: {  	[sflag:s12] =	ssyncset.done $0x0  }
0x1b: {  	s30 =	sadd.s32 s5, s25;
	[sflag:s12] =	ssyncadd.s32 $0xFFFFE0C0  }
0x1c: {  	[tilespmem:s13], [sflag:$0x3] =	stream.linear.gather [hbm4b:s30+s23], $0x1F40, $0x38;
	[tilespmem:$0x15980] =	vst v63  }
0x1d: {  	_ =	swait.ge [sflag:s12], $0x1F40  }
0x1e: {  	[sflag:s12] =	ssyncset.done $0x0  }
0x1f: {  	s31 =	sadd.s32 s6, s25;
	[sflag:s12] =	ssyncadd.s32 $0xFFFFE0C0  }
0x20: {  	[tilespmem:s14], [sflag:$0x3] =	stream.linear.gather [hbm4b:s31+s23], $0x1F40, $0x38;
	[tilespmem:$0x15980] =	vst v63  }
0x21: {  	_ =	swait.ge [sflag:s12], $0x1F40  }
0x22: {  	[sflag:s12] =	ssyncset.done $0x0  }
0x23: {  	[sflag:s12] =	ssyncadd.s32 $0xFFFFE0C0  }
0x24: {  	[tilespmem:s16], [sflag:$0x1] =	stream.indirect.gather [hbm4b:s7+s15], $0x1, s23, s15, $0xb8;
	[tilespmem:$0x15980] =	vst v63  }
0x25: {  	_ = 	snop  }
0x26: {  	[tilespmem:s17], [sflag:$0x2] =	stream.indirect.gather [hbm4b:s8+s15], $0x1, s13, s15, $0xb8;
	[tilespmem:$0x15980] =	vst v63  }
0x27: {  	_ =	swait.ge [sflag:s18], $0x1F40  }
0x28: {  	[sflag:s18] =	ssyncset.done $0x0  }
0x29: {  	[sflag:s18] =	ssyncadd.s32 $0xFFFFE0C0  }
0x2a: {  	_ =	swait.ge [sflag:s19], $0x1F40  }
0x2b: {  	[sflag:s19] =	ssyncset.done $0x0  }
0x2c: {  	s26 =	simm.s32 $0x0;
	[sflag:s19] =	ssyncadd.s32 $0xFFFFE0C0  }
0x2d: {  	v1 =	vld [tilespmem:s26+$0x7E00]  }
0x2e: {  	s28 =	simm.s32 $0x40;
	v2 =	vld [tilespmem:s26+$0x5E80]  }
.LBB2_5:
0x2f: {  	p0 =	sne.s32 s28, $0x7CC0  }
0x30: {  	v3 =	vld [tilespmem:s26+$0x3F00];
	_ =	sdelay $0x2  }
0x31: {  	v1 =	vadd.f32 v1, v2;
	_ =	sdelay $0x1  }
0x32: {  	v1 =	vadd.f32 v3, v1;
	_ =	sdelay $0x1  }
0x33: {  	v2 =	vmul.f32 $2.000000030e-01, v1;
	_ =	sdelay $0x1  }
0x34: {  	v1 =	vmax.f32 v1, v2  }
0x35: {  	v1 =	vmul.f32 $1.442695020e+00, v1;
	_ =	sdelay $0x1  }
0x36: {  	(erf) = vpow2.f32 v1;
	_ =	sdelay $0x2  }
0x37: {  	v1 =	vld [tilespmem:s26+$0x1F80];
	_ =	sdelay $0x5  }
.Ltmp1:
0x38: {  	v2 =	vpop (erf);
	(pc) =	sbr.rel @p0 .LBB2_5-.Ltmp1, $4  }
0x39: {  	[tilespmem:s26+$0x9D80] =	vst v2  }
0x3a: {  	s26 =	sshra.s32 s28, $0x2;
	[tilespmem:v1+s20+$0x0] =	vst.idx.add.f32.msk $0xffff, v2  }
0x3b: {  	v1 =	vld [tilespmem:s26+$0x7E00]  }
0x3c: {  	s28 =	sadd.s32 $0x40, s28;
	v2 =	vld [tilespmem:s26+$0x5E80]  }
0x3d: {  	_ = 	snop  }
0x3e: {  	v3 =	vld [tilespmem:s26+$0x3F00];
	_ =	sdelay $0x2  }
0x3f: {  	v1 =	vadd.f32 v1, v2;
	_ =	sdelay $0x1  }
0x40: {  	v1 =	vadd.f32 v3, v1;
	_ =	sdelay $0x1  }
0x41: {  	v2 =	vmul.f32 $2.000000030e-01, v1;
	_ =	sdelay $0x1  }
0x42: {  	v1 =	vmax.f32 v1, v2  }
0x43: {  	v1 =	vmul.f32 $1.442695020e+00, v1;
	_ =	sdelay $0x1  }
0x44: {  	(erf) = vpow2.f32 v1;
	_ =	sdelay $0x2  }
0x45: {  	v1 =	vld [tilespmem:s26+$0x1F80];
	_ =	sdelay $0x5  }
0x46: {  	s24 =	sadd.s32 $0x1, s24;
	v2 =	vpop (erf)  }
0x47: {  	p0 =	sne.s32 s24, $0x5;
	[tilespmem:s26+$0x9D80] =	vst v2  }
.Ltmp2:
0x48: {  	s25 =	sadd.s32 s9, s25;
	[tilespmem:v1+s20+$0x0] =	vst.idx.add.f32.msk $0xffff, v2;
	(pc) =	sbr.rel @p0 .LBB2_4-.Ltmp2, $4  }
0x49: {  	[hbm4b:s25+s2] =	stream.linear.scatter [tilespmem:s21], [sflag:$0x3], $0x1F40, $0x38;
	[tilespmem:$0x15980] =	vst v63  }
0x4a: {  	_ =	swait.ge [sflag:s12], $0x1F40  }
0x4b: {  	[sflag:s12] =	ssyncset.done $0x0  }
0x4c: {  	[sflag:s12] =	ssyncadd.s32 $0xFFFFE0C0  }
0x4d: {  	s22 =	sadd.s32 $0x1, s22  }
0x4e: {  	p0 =	sne.s32 s22, s11  }
.Ltmp3:
0x4f: {  	_ = 	snop;
	(pc) =	sbr.rel @p0 .LBB2_1-.Ltmp3, $4  }
0x50: {  	[hbm4b:s10+s2] =	stream.linear.scatter [tilespmem:s20], [sflag:$0x3], $0x9C40, $0x38;
	[tilespmem:$0x15980] =	vst v63  }
0x51: {  	_ =	swait.ge [sflag:s12], $0x9C40  }
0x52: {  	[sflag:s12] =	ssyncset.done $0x0  }
0x53: {  	[sflag:s12] =	ssyncadd.s32 $0xFFFF63C0  }
0x54: {  	_ =	sfence.sel $0x180000  }
0x55: {  	[bflag:$0x0] =	sbarrier.arrive $0xFFFF  }
0x56: {  	p0 =	sne.s32 s1, $0x0;
	_ =	strace $0x90000047  }
0x57: {  	s0 =	sadd.s32 @!p0 $0x100000, s0;
	[bflag:$0x2] =	sbarrier.arrive $0xFFFF  }
0x58: {  	[sflag:s0] =	ssyncadd.tile.s32 @!p0 $0x1;
	_ =	shalt  }
.Lfunc_end2:
_tile_overlayer_lowered:
.L_overlay_start_2:
0x59: {  	(tag) =	ssettag $0x2  }
0x5a: {  	s0 =	rddreg [dreg:$0x0];
	s2 =	stileid.u32  }
0x5b: {  	s1 =	rddreg [dreg:$0x1];
	p0 =	sne.s32 s2, $0x0  }
0x5c: {  	s3 =	rddreg [dreg:$0x2];
	[bflag:$0x3] =	sbarrier.arrive $0xFFFF;
	s2 =	simm.s32 @!p0 $0x1C03  }
0x5d: {  	[timem:s3], [sflag:s2] =	dma.local @!p0 [hbm:s0], s1  }
0x5e: {  	s0 =	simm.s32 @!p0 $0x3  }
0x5f: {  	_ =	swait.ge @!p0 [sflag:s0], s1  }
0x60: {  	s1 =	ssub.s32 @!p0 $0x0, s1;
	[sflag:s0] =	ssyncset.done @!p0 $0x0  }
0x61: {  	[sflag:s0] =	ssyncadd.s32 @!p0 s1  }
0x62: {  	[bflag:$0x3] =	sbarrier.arrive $0xFFFF  }
0x63: {  	_ =	shalt  }

</sc_bundles>
